<compile_context>
chip_gen: v7x
topology: tpu7x:2x2x1
jax: 0.10.2.dev20260603
libtpu: 0.0.44.dev20260713+nightly
codegen_flags: <defaults>
</compile_context>

<pallas_src>
import functools

import jax
import jax.numpy as jnp
from jax import lax
from jax.experimental import pallas as pl
from jax.experimental.pallas import tpu as pltpu
from jax.experimental.pallas import tpu_sc as plsc

VOCAB = 1000000
EMB = 32
HID = 128
OUT = 16
BATCH = 16384

NC = 2
NS = 16
NW = NC * NS
B_PER_W = BATCH // NW
K = 16
LAG = 8


def _sc_gather_body(emb_hbm, idx_hbm, out_hbm, idx_v, idx_s, rows_v, sem):
    c = lax.axis_index("c")
    s = lax.axis_index("s")
    wid = s * NC + c
    base = wid * B_PER_W
    pltpu.sync_copy(idx_hbm.at[pl.ds(base, B_PER_W)], idx_v)

    @plsc.parallel_loop(0, B_PER_W // K, 1, unroll=1)
    def _(i):
        off = i * K
        vec = idx_v[pl.ds(off, K)]
        for k in range(K):
            r = jnp.sum(jnp.where(lax.iota(jnp.int32, K) == k, vec, 0))
            idx_s[off + k] = r

    def fire(off):
        for k in range(K):
            pltpu.async_copy(
                emb_hbm.at[pl.ds(idx_s[off + k], 1), :],
                rows_v.at[pl.ds(off + k, 1), :],
                sem,
            )

    def drain(off):
        pltpu.make_async_copy(
            emb_hbm.at[pl.ds(0, K)], rows_v.at[pl.ds(off, K)], sem
        ).wait()

    ngrp = B_PER_W // K
    for g in range(LAG):
        fire(g * K)

    def grp(i, carry):
        fire((i + LAG) * K)
        drain(i * K)
        return carry

    lax.fori_loop(0, ngrp - LAG, grp, 0)
    for g in range(ngrp - LAG, ngrp):
        drain(g * K)
    pltpu.sync_copy(rows_v, out_hbm.at[pl.ds(base, B_PER_W)])


@jax.jit
def _sc_gather(emb, idx):
    mesh = plsc.VectorSubcoreMesh(core_axis_name="c", subcore_axis_name="s")
    k = functools.partial(
        pl.kernel,
        mesh=mesh,
        out_type=jax.ShapeDtypeStruct((BATCH, EMB), jnp.float32),
        scratch_types=[
            pltpu.VMEM((B_PER_W,), jnp.int32),
            pltpu.SMEM((B_PER_W,), jnp.int32),
            pltpu.VMEM((B_PER_W, EMB), jnp.float32),
            pltpu.SemaphoreType.DMA,
        ],
        compiler_params=pltpu.CompilerParams(needs_layout_passes=False),
    )(_sc_gather_body)
    return k(emb, idx)


def _mlp_body(h_ref, w1_ref, b1_ref, w2_ref, b2_ref, w3_ref, b3_ref, o_ref):
    h = h_ref[...]
    z = jnp.dot(h, w1_ref[...], preferred_element_type=jnp.float32)
    z = jnp.maximum(z + b1_ref[...], 0.0)
    z = jnp.dot(z, w2_ref[...], preferred_element_type=jnp.float32)
    z = jnp.maximum(z + b2_ref[...], 0.0)
    z = jnp.dot(z, w3_ref[...], preferred_element_type=jnp.float32)
    o_ref[...] = z + b3_ref[...]


BLK = 8192


@jax.jit
def _tc_mlp(h, W1, b1, W2, b2, W3, b3):
    grid = (BATCH // BLK,)
    full = lambda shape: pl.BlockSpec(shape, lambda i: (0, 0))
    return pl.pallas_call(
        _mlp_body,
        grid=grid,
        in_specs=[
            pl.BlockSpec((BLK, EMB), lambda i: (i, 0)),
            full((EMB, HID)),
            full((1, HID)),
            full((HID, HID)),
            full((1, HID)),
            full((HID, OUT)),
            full((1, OUT)),
        ],
        out_specs=pl.BlockSpec((BLK, OUT), lambda i: (i, 0)),
        out_shape=jax.ShapeDtypeStruct((BATCH, OUT), jnp.float32),
    )(h, W1, b1, W2, b2, W3, b3)


def kernel(x, emb, W1, b1, W2, b2, W3, b3):
    rows = _sc_gather(emb, x.astype(jnp.int32))
    return _tc_mlp(
        rows,
        W1,
        b1.reshape(1, HID),
        W2,
        b2.reshape(1, HID),
        W3,
        b3.reshape(1, OUT),
    )

# --- scband reference (transcript-rebuilt; emitter-appended) ---
"""Pipeline reference for scband-single-embedding-with-mlp-80461917323896 (READ-ONLY COPY).

The authoritative reference and input builder live on the scoring server;
editing this copy changes nothing except your own understanding.
"""

import jax, jax.numpy as jnp
import numpy as np

VOCAB = 1000000
EMB = 32
HID = 128
OUT = 16
BATCH = 16384

def setup_inputs(seed: int = 0) -> dict:
    key = jax.random.key(seed)
    ks = jax.random.split(key, 8)
    x = jax.random.randint(ks[0], (BATCH,), 0, VOCAB, dtype=jnp.int64) if jax.config.jax_enable_x64 else jax.random.randint(ks[0], (BATCH,), 0, VOCAB).astype(jnp.int32)
    emb = jax.random.normal(ks[1], (VOCAB, EMB), dtype=jnp.float32)
    # PyTorch nn.Linear stores weight as [out, in]; we store transposed [in, out] for x @ W
    W1 = jax.random.normal(ks[2], (EMB, HID), dtype=jnp.float32) * (1.0 / np.sqrt(EMB))
    b1 = jnp.zeros((HID,), dtype=jnp.float32)
    W2 = jax.random.normal(ks[3], (HID, HID), dtype=jnp.float32) * (1.0 / np.sqrt(HID))
    b2 = jnp.zeros((HID,), dtype=jnp.float32)
    W3 = jax.random.normal(ks[4], (HID, OUT), dtype=jnp.float32) * (1.0 / np.sqrt(HID))
    b3 = jnp.zeros((OUT,), dtype=jnp.float32)
    return {"x": x, "emb": emb, "W1": W1, "b1": b1, "W2": W2, "b2": b2, "W3": W3, "b3": b3}

def reference(x, emb, W1, b1, W2, b2, W3, b3):
    # embedding lookup
    h = jnp.take(emb, x, axis=0)
    # dropout (p=0.0) and noise (0.0) are identity at inference
    # MLP: Linear -> ReLU -> Dropout -> [Linear -> ReLU -> Dropout] -> Linear
    h = jax.nn.relu(h @ W1 + b1)
    h = jax.nn.relu(h @ W2 + b2)
    out = h @ W3 + b3
    return out

if __name__ == "__main__":
    import jax
    _d = setup_inputs()
    print(jax.jit(kernel)(*tuple(_d.values())))

</pallas_src>

<mosaic_0001>
#map = affine_map<(d0, d1) -> (0, 0)>
#map1 = affine_map<(d0, d1) -> (0)>
module attributes {stable_mosaic.version = 14 : i64} {
  func.func @_sc_gather_body(%arg0: i32, %arg1: i32, %arg2: memref<1000000x32xf32, #tpu.memory_space<hbm>>, %arg3: memref<16384xi32, #tpu.memory_space<hbm>>, %arg4: memref<16384x32xf32, #tpu.memory_space<hbm>>, %arg5: memref<512xi32, #tpu.memory_space<vmem>>, %arg6: memref<512xi32, #tpu.memory_space<smem>>, %arg7: memref<512x32xf32, #tpu.memory_space<vmem>>, %arg8: memref<!tpu.dma_semaphore, #tpu.memory_space<semaphore_mem>>) attributes {dimension_semantics = [#tpu.dimension_semantics<core_parallel>, #tpu.dimension_semantics<subcore_parallel>], iteration_bounds = array<i64: 2, 16>, scalar_prefetch = 0 : i64, scratch_operands = 4 : i64, tpu.core_type = #tpu.core_type<sc_vector_subcore>, window_params = [{transform_indices = #map}, {transform_indices = #map1}, {transform_indices = #map}]} {
    %mul3A = arith.constant 2 : i32
    %mul3A_0 = arith.muli %arg1, %mul3A : i32
    %add3A = arith.addi %mul3A_0, %arg0 : i32
    %mul3A_1 = arith.constant 512 : i32
    %mul3A_2 = arith.muli %add3A, %mul3A_1 : i32
    "tpu.region"() ({
      %run_scoped3A = tpu.sem_alloc : memref<!tpu.dma_semaphore, #tpu.memory_space<semaphore_mem>>
      %dma_start3A_1767 = tpu.memref_slice %arg3[%mul3A_2] : memref<16384xi32, #tpu.memory_space<hbm>> -> memref<512xi32, #tpu.memory_space<hbm>>
      %dma_start3A_1768 = tpu.memref_slice %arg3[%mul3A_2] : memref<16384xi32, #tpu.memory_space<hbm>> -> memref<512xi32, #tpu.memory_space<hbm>>
      tpu.enqueue_dma source(%dma_start3A_1768 : memref<512xi32, #tpu.memory_space<hbm>>) target(%arg5 : memref<512xi32, #tpu.memory_space<vmem>>) target_semaphore(%run_scoped3A : memref<!tpu.dma_semaphore, #tpu.memory_space<semaphore_mem>>)
      %dma_wait3A_1769 = tpu.memref_slice %arg3[%mul3A_2] : memref<16384xi32, #tpu.memory_space<hbm>> -> memref<512xi32, #tpu.memory_space<hbm>>
      %dma_wait3A_1770 = tpu.memref_slice %arg3[%mul3A_2] : memref<16384xi32, #tpu.memory_space<hbm>> -> memref<512xi32, #tpu.memory_space<hbm>>
      tpu.wait_dma2 semaphore(%run_scoped3A : memref<!tpu.dma_semaphore, #tpu.memory_space<semaphore_mem>>) src(%dma_wait3A_1770 : memref<512xi32, #tpu.memory_space<hbm>>) dst(%arg5 : memref<512xi32, #tpu.memory_space<vmem>>)
      tpu.yield
    }) : () -> ()
    %parallel_loop3A = arith.constant 0 : i32
    %parallel_loop3A_3 = arith.constant 32 : i32
    %parallel_loop3A_4 = arith.constant 1 : i32
    scf.for %parallel_loop3A_1767 = %parallel_loop3A to %parallel_loop3A_3 step %parallel_loop3A_4  : i32 {
      %parallel_loop3A_1768 = arith.constant 16 : i32
      %parallel_loop3A_1769 = arith.muli %parallel_loop3A_1767, %parallel_loop3A_1768 : i32
      %parallel_loop3A_1770 = arith.index_cast %parallel_loop3A_1769 : i32 to index
      %parallel_loop3A_1771 = tpu.vector_load %arg5[%parallel_loop3A_1770] {strides = array<i32>} : memref<512xi32, #tpu.memory_space<vmem>>, vector<16xi32>,
      %parallel_loop3A_1772 = tpu.iota {dimensions = array<i32: 0>} : vector<16xi32>
      %parallel_loop3A_1773 = arith.constant 0 : i32
      %parallel_loop3A_1774 = vector.broadcast %parallel_loop3A_1773 : i32 to vector<16xi32>
      %parallel_loop3A_1775 = arith.cmpi eq, %parallel_loop3A_1772, %parallel_loop3A_1774 : vector<16xi32>
      %parallel_loop3A_1776 = arith.constant 0 : i32
      %parallel_loop3A_1777 = vector.broadcast %parallel_loop3A_1776 : i32 to vector<16xi32>
      %parallel_loop3A_1778 = arith.select %parallel_loop3A_1775, %parallel_loop3A_1771, %parallel_loop3A_1777 : vector<16xi1>, vector<16xi32>
      %parallel_loop3A_1779 = arith.constant true
      %parallel_loop3A_1780 = vector.broadcast %parallel_loop3A_1779 : i1 to vector<16xi1>
      %parallel_loop3A_1781 = tpu.scan <sum>, %parallel_loop3A_1778 masked %parallel_loop3A_1780 : vector<16xi32>, vector<16xi1> -> vector<16xi32>
      %parallel_loop3A_1782 = vector.extract %parallel_loop3A_1781[15] : i32 from vector<16xi32>
      %parallel_loop3A_1783 = arith.constant 0 : i32
      %parallel_loop3A_1784 = arith.addi %parallel_loop3A_1769, %parallel_loop3A_1783 : i32
      %parallel_loop3A_1785 = arith.index_cast %parallel_loop3A_1784 : i32 to index
      %parallel_loop3A_1786 = memref.load %arg6[%parallel_loop3A_1785] : memref<512xi32, #tpu.memory_space<smem>>
      memref.store %parallel_loop3A_1782, %arg6[%parallel_loop3A_1785] : memref<512xi32, #tpu.memory_space<smem>>
      %parallel_loop3A_1787 = tpu.iota {dimensions = array<i32: 0>} : vector<16xi32>
      %parallel_loop3A_1788 = arith.constant 1 : i32
      %parallel_loop3A_1789 = vector.broadcast %parallel_loop3A_1788 : i32 to vector<16xi32>
      %parallel_loop3A_1790 = arith.cmpi eq, %parallel_loop3A_1787, %parallel_loop3A_1789 : vector<16xi32>
      %parallel_loop3A_1791 = arith.constant 0 : i32
      %parallel_loop3A_1792 = vector.broadcast %parallel_loop3A_1791 : i32 to vector<16xi32>
      %parallel_loop3A_1793 = arith.select %parallel_loop3A_1790, %parallel_loop3A_1771, %parallel_loop3A_1792 : vector<16xi1>, vector<16xi32>
      %parallel_loop3A_1794 = arith.constant true
      %parallel_loop3A_1795 = vector.broadcast %parallel_loop3A_1794 : i1 to vector<16xi1>
      %parallel_loop3A_1796 = tpu.scan <sum>, %parallel_loop3A_1793 masked %parallel_loop3A_1795 : vector<16xi32>, vector<16xi1> -> vector<16xi32>
      %parallel_loop3A_1797 = vector.extract %parallel_loop3A_1796[15] : i32 from vector<16xi32>
      %parallel_loop3A_1798 = arith.constant 1 : i32
      %parallel_loop3A_1799 = arith.addi %parallel_loop3A_1769, %parallel_loop3A_1798 : i32
      %parallel_loop3A_1800 = arith.index_cast %parallel_loop3A_1799 : i32 to index
      %parallel_loop3A_1801 = memref.load %arg6[%parallel_loop3A_1800] : memref<512xi32, #tpu.memory_space<smem>>
      memref.store %parallel_loop3A_1797, %arg6[%parallel_loop3A_1800] : memref<512xi32, #tpu.memory_space<smem>>
      %parallel_loop3A_1802 = tpu.iota {dimensions = array<i32: 0>} : vector<16xi32>
      %parallel_loop3A_1803 = arith.constant 2 : i32
      %parallel_loop3A_1804 = vector.broadcast %parallel_loop3A_1803 : i32 to vector<16xi32>
      %parallel_loop3A_1805 = arith.cmpi eq, %parallel_loop3A_1802, %parallel_loop3A_1804 : vector<16xi32>
      %parallel_loop3A_1806 = arith.constant 0 : i32
      %parallel_loop3A_1807 = vector.broadcast %parallel_loop3A_1806 : i32 to vector<16xi32>
      %parallel_loop3A_1808 = arith.select %parallel_loop3A_1805, %parallel_loop3A_1771, %parallel_loop3A_1807 : vector<16xi1>, vector<16xi32>
      %parallel_loop3A_1809 = arith.constant true
      %parallel_loop3A_1810 = vector.broadcast %parallel_loop3A_1809 : i1 to vector<16xi1>
      %parallel_loop3A_1811 = tpu.scan <sum>, %parallel_loop3A_1808 masked %parallel_loop3A_1810 : vector<16xi32>, vector<16xi1> -> vector<16xi32>
      %parallel_loop3A_1812 = vector.extract %parallel_loop3A_1811[15] : i32 from vector<16xi32>
      %parallel_loop3A_1813 = arith.constant 2 : i32
      %parallel_loop3A_1814 = arith.addi %parallel_loop3A_1769, %parallel_loop3A_1813 : i32
      %parallel_loop3A_1815 = arith.index_cast %parallel_loop3A_1814 : i32 to index
      %parallel_loop3A_1816 = memref.load %arg6[%parallel_loop3A_1815] : memref<512xi32, #tpu.memory_space<smem>>
      memref.store %parallel_loop3A_1812, %arg6[%parallel_loop3A_1815] : memref<512xi32, #tpu.memory_space<smem>>
      %parallel_loop3A_1817 = tpu.iota {dimensions = array<i32: 0>} : vector<16xi32>
      %parallel_loop3A_1818 = arith.constant 3 : i32
      %parallel_loop3A_1819 = vector.broadcast %parallel_loop3A_1818 : i32 to vector<16xi32>
      %parallel_loop3A_1820 = arith.cmpi eq, %parallel_loop3A_1817, %parallel_loop3A_1819 : vector<16xi32>
      %parallel_loop3A_1821 = arith.constant 0 : i32
      %parallel_loop3A_1822 = vector.broadcast %parallel_loop3A_1821 : i32 to vector<16xi32>
      %parallel_loop3A_1823 = arith.select %parallel_loop3A_1820, %parallel_loop3A_1771, %parallel_loop3A_1822 : vector<16xi1>, vector<16xi32>
      %parallel_loop3A_1824 = arith.constant true
      %parallel_loop3A_1825 = vector.broadcast %parallel_loop3A_1824 : i1 to vector<16xi1>
      %parallel_loop3A_1826 = tpu.scan <sum>, %parallel_loop3A_1823 masked %parallel_loop3A_1825 : vector<16xi32>, vector<16xi1> -> vector<16xi32>
      %parallel_loop3A_1827 = vector.extract %parallel_loop3A_1826[15] : i32 from vector<16xi32>
      %parallel_loop3A_1828 = arith.constant 3 : i32
      %parallel_loop3A_1829 = arith.addi %parallel_loop3A_1769, %parallel_loop3A_1828 : i32
      %parallel_loop3A_1830 = arith.index_cast %parallel_loop3A_1829 : i32 to index
      %parallel_loop3A_1831 = memref.load %arg6[%parallel_loop3A_1830] : memref<512xi32, #tpu.memory_space<smem>>
      memref.store %parallel_loop3A_1827, %arg6[%parallel_loop3A_1830] : memref<512xi32, #tpu.memory_space<smem>>
      %parallel_loop3A_1832 = tpu.iota {dimensions = array<i32: 0>} : vector<16xi32>
      %parallel_loop3A_1833 = arith.constant 4 : i32
      %parallel_loop3A_1834 = vector.broadcast %parallel_loop3A_1833 : i32 to vector<16xi32>
      %parallel_loop3A_1835 = arith.cmpi eq, %parallel_loop3A_1832, %parallel_loop3A_1834 : vector<16xi32>
      %parallel_loop3A_1836 = arith.constant 0 : i32
      %parallel_loop3A_1837 = vector.broadcast %parallel_loop3A_1836 : i32 to vector<16xi32>
      %parallel_loop3A_1838 = arith.select %parallel_loop3A_1835, %parallel_loop3A_1771, %parallel_loop3A_1837 : vector<16xi1>, vector<16xi32>
      %parallel_loop3A_1839 = arith.constant true
      %parallel_loop3A_1840 = vector.broadcast %parallel_loop3A_1839 : i1 to vector<16xi1>
      %parallel_loop3A_1841 = tpu.scan <sum>, %parallel_loop3A_1838 masked %parallel_loop3A_1840 : vector<16xi32>, vector<16xi1> -> vector<16xi32>
      %parallel_loop3A_1842 = vector.extract %parallel_loop3A_1841[15] : i32 from vector<16xi32>
      %parallel_loop3A_1843 = arith.constant 4 : i32
      %parallel_loop3A_1844 = arith.addi %parallel_loop3A_1769, %parallel_loop3A_1843 : i32
      %parallel_loop3A_1845 = arith.index_cast %parallel_loop3A_1844 : i32 to index
      %parallel_loop3A_1846 = memref.load %arg6[%parallel_loop3A_1845] : memref<512xi32, #tpu.memory_space<smem>>
      memref.store %parallel_loop3A_1842, %arg6[%parallel_loop3A_1845] : memref<512xi32, #tpu.memory_space<smem>>
      %parallel_loop3A_1847 = tpu.iota {dimensions = array<i32: 0>} : vector<16xi32>
      %parallel_loop3A_1848 = arith.constant 5 : i32
      %parallel_loop3A_1849 = vector.broadcast %parallel_loop3A_1848 : i32 to vector<16xi32>
      %parallel_loop3A_1850 = arith.cmpi eq, %parallel_loop3A_1847, %parallel_loop3A_1849 : vector<16xi32>
      %parallel_loop3A_1851 = arith.constant 0 : i32
      %parallel_loop3A_1852 = vector.broadcast %parallel_loop3A_1851 : i32 to vector<16xi32>
      %parallel_loop3A_1853 = arith.select %parallel_loop3A_1850, %parallel_loop3A_1771, %parallel_loop3A_1852 : vector<16xi1>, vector<16xi32>
      %parallel_loop3A_1854 = arith.constant true
      %parallel_loop3A_1855 = vector.broadcast %parallel_loop3A_1854 : i1 to vector<16xi1>
      %parallel_loop3A_1856 = tpu.scan <sum>, %parallel_loop3A_1853 masked %parallel_loop3A_1855 : vector<16xi32>, vector<16xi1> -> vector<16xi32>
      %parallel_loop3A_1857 = vector.extract %parallel_loop3A_1856[15] : i32 from vector<16xi32>
      %parallel_loop3A_1858 = arith.constant 5 : i32
      %parallel_loop3A_1859 = arith.addi %parallel_loop3A_1769, %parallel_loop3A_1858 : i32
      %parallel_loop3A_1860 = arith.index_cast %parallel_loop3A_1859 : i32 to index
      %parallel_loop3A_1861 = memref.load %arg6[%parallel_loop3A_1860] : memref<512xi32, #tpu.memory_space<smem>>
      memref.store %parallel_loop3A_1857, %arg6[%parallel_loop3A_1860] : memref<512xi32, #tpu.memory_space<smem>>
      %parallel_loop3A_1862 = tpu.iota {dimensions = array<i32: 0>} : vector<16xi32>
      %parallel_loop3A_1863 = arith.constant 6 : i32
      %parallel_loop3A_1864 = vector.broadcast %parallel_loop3A_1863 : i32 to vector<16xi32>
      %parallel_loop3A_1865 = arith.cmpi eq, %parallel_loop3A_1862, %parallel_loop3A_1864 : vector<16xi32>
      %parallel_loop3A_1866 = arith.constant 0 : i32
      %parallel_loop3A_1867 = vector.broadcast %parallel_loop3A_1866 : i32 to vector<16xi32>
      %parallel_loop3A_1868 = arith.select %parallel_loop3A_1865, %parallel_loop3A_1771, %parallel_loop3A_1867 : vector<16xi1>, vector<16xi32>
      %parallel_loop3A_1869 = arith.constant true
      %parallel_loop3A_1870 = vector.broadcast %parallel_loop3A_1869 : i1 to vector<16xi1>
      %parallel_loop3A_1871 = tpu.scan <sum>, %parallel_loop3A_1868 masked %parallel_loop3A_1870 : vector<16xi32>, vector<16xi1> -> vector<16xi32>
      %parallel_loop3A_1872 = vector.extract %parallel_loop3A_1871[15] : i32 from vector<16xi32>
      %parallel_loop3A_1873 = arith.constant 6 : i32
      %parallel_loop3A_1874 = arith.addi %parallel_loop3A_1769, %parallel_loop3A_1873 : i32
      %parallel_loop3A_1875 = arith.index_cast %parallel_loop3A_1874 : i32 to index
      %parallel_loop3A_1876 = memref.load %arg6[%parallel_loop3A_1875] : memref<512xi32, #tpu.memory_space<smem>>
      memref.store %parallel_loop3A_1872, %arg6[%parallel_loop3A_1875] : memref<512xi32, #tpu.memory_space<smem>>
      %parallel_loop3A_1877 = tpu.iota {dimensions = array<i32: 0>} : vector<16xi32>
      %parallel_loop3A_1878 = arith.constant 7 : i32
      %parallel_loop3A_1879 = vector.broadcast %parallel_loop3A_1878 : i32 to vector<16xi32>
      %parallel_loop3A_1880 = arith.cmpi eq, %parallel_loop3A_1877, %parallel_loop3A_1879 : vector<16xi32>
      %parallel_loop3A_1881 = arith.constant 0 : i32
      %parallel_loop3A_1882 = vector.broadcast %parallel_loop3A_1881 : i32 to vector<16xi32>
      %parallel_loop3A_1883 = arith.select %parallel_loop3A_1880, %parallel_loop3A_1771, %parallel_loop3A_1882 : vector<16xi1>, vector<16xi32>
      %parallel_loop3A_1884 = arith.constant true
      %parallel_loop3A_1885 = vector.broadcast %parallel_loop3A_1884 : i1 to vector<16xi1>
      %parallel_loop3A_1886 = tpu.scan <sum>, %parallel_loop3A_1883 masked %parallel_loop3A_1885 : vector<16xi32>, vector<16xi1> -> vector<16xi32>
      %parallel_loop3A_1887 = vector.extract %parallel_loop3A_1886[15] : i32 from vector<16xi32>
      %parallel_loop3A_1888 = arith.constant 7 : i32
      %parallel_loop3A_1889 = arith.addi %parallel_loop3A_1769, %parallel_loop3A_1888 : i32
      %parallel_loop3A_1890 = arith.index_cast %parallel_loop3A_1889 : i32 to index
      %parallel_loop3A_1891 = memref.load %arg6[%parallel_loop3A_1890] : memref<512xi32, #tpu.memory_space<smem>>
      memref.store %parallel_loop3A_1887, %arg6[%parallel_loop3A_1890] : memref<512xi32, #tpu.memory_space<smem>>
      %parallel_loop3A_1892 = tpu.iota {dimensions = array<i32: 0>} : vector<16xi32>
      %parallel_loop3A_1893 = arith.constant 8 : i32
      %parallel_loop3A_1894 = vector.broadcast %parallel_loop3A_1893 : i32 to vector<16xi32>
      %parallel_loop3A_1895 = arith.cmpi eq, %parallel_loop3A_1892, %parallel_loop3A_1894 : vector<16xi32>
      %parallel_loop3A_1896 = arith.constant 0 : i32
      %parallel_loop3A_1897 = vector.broadcast %parallel_loop3A_1896 : i32 to vector<16xi32>
      %parallel_loop3A_1898 = arith.select %parallel_loop3A_1895, %parallel_loop3A_1771, %parallel_loop3A_1897 : vector<16xi1>, vector<16xi32>
      %parallel_loop3A_1899 = arith.constant true
      %parallel_loop3A_1900 = vector.broadcast %parallel_loop3A_1899 : i1 to vector<16xi1>
      %parallel_loop3A_1901 = tpu.scan <sum>, %parallel_loop3A_1898 masked %parallel_loop3A_1900 : vector<16xi32>, vector<16xi1> -> vector<16xi32>
      %parallel_loop3A_1902 = vector.extract %parallel_loop3A_1901[15] : i32 from vector<16xi32>
      %parallel_loop3A_1903 = arith.constant 8 : i32
      %parallel_loop3A_1904 = arith.addi %parallel_loop3A_1769, %parallel_loop3A_1903 : i32
      %parallel_loop3A_1905 = arith.index_cast %parallel_loop3A_1904 : i32 to index
      %parallel_loop3A_1906 = memref.load %arg6[%parallel_loop3A_1905] : memref<512xi32, #tpu.memory_space<smem>>
      memref.store %parallel_loop3A_1902, %arg6[%parallel_loop3A_1905] : memref<512xi32, #tpu.memory_space<smem>>
      %parallel_loop3A_1907 = tpu.iota {dimensions = array<i32: 0>} : vector<16xi32>
      %parallel_loop3A_1908 = arith.constant 9 : i32
      %parallel_loop3A_1909 = vector.broadcast %parallel_loop3A_1908 : i32 to vector<16xi32>
      %parallel_loop3A_1910 = arith.cmpi eq, %parallel_loop3A_1907, %parallel_loop3A_1909 : vector<16xi32>
      %parallel_loop3A_1911 = arith.constant 0 : i32
      %parallel_loop3A_1912 = vector.broadcast %parallel_loop3A_1911 : i32 to vector<16xi32>
      %parallel_loop3A_1913 = arith.select %parallel_loop3A_1910, %parallel_loop3A_1771, %parallel_loop3A_1912 : vector<16xi1>, vector<16xi32>
      %parallel_loop3A_1914 = arith.constant true
      %parallel_loop3A_1915 = vector.broadcast %parallel_loop3A_1914 : i1 to vector<16xi1>
      %parallel_loop3A_1916 = tpu.scan <sum>, %parallel_loop3A_1913 masked %parallel_loop3A_1915 : vector<16xi32>, vector<16xi1> -> vector<16xi32>
      %parallel_loop3A_1917 = vector.extract %parallel_loop3A_1916[15] : i32 from vector<16xi32>
      %parallel_loop3A_1918 = arith.constant 9 : i32
      %parallel_loop3A_1919 = arith.addi %parallel_loop3A_1769, %parallel_loop3A_1918 : i32
      %parallel_loop3A_1920 = arith.index_cast %parallel_loop3A_1919 : i32 to index
      %parallel_loop3A_1921 = memref.load %arg6[%parallel_loop3A_1920] : memref<512xi32, #tpu.memory_space<smem>>
      memref.store %parallel_loop3A_1917, %arg6[%parallel_loop3A_1920] : memref<512xi32, #tpu.memory_space<smem>>
      %parallel_loop3A_1922 = tpu.iota {dimensions = array<i32: 0>} : vector<16xi32>
      %parallel_loop3A_1923 = arith.constant 10 : i32
      %parallel_loop3A_1924 = vector.broadcast %parallel_loop3A_1923 : i32 to vector<16xi32>
      %parallel_loop3A_1925 = arith.cmpi eq, %parallel_loop3A_1922, %parallel_loop3A_1924 : vector<16xi32>
      %parallel_loop3A_1926 = arith.constant 0 : i32
      %parallel_loop3A_1927 = vector.broadcast %parallel_loop3A_1926 : i32 to vector<16xi32>
      %parallel_loop3A_1928 = arith.select %parallel_loop3A_1925, %parallel_loop3A_1771, %parallel_loop3A_1927 : vector<16xi1>, vector<16xi32>
      %parallel_loop3A_1929 = arith.constant true
      %parallel_loop3A_1930 = vector.broadcast %parallel_loop3A_1929 : i1 to vector<16xi1>
      %parallel_loop3A_1931 = tpu.scan <sum>, %parallel_loop3A_1928 masked %parallel_loop3A_1930 : vector<16xi32>, vector<16xi1> -> vector<16xi32>
      %parallel_loop3A_1932 = vector.extract %parallel_loop3A_1931[15] : i32 from vector<16xi32>
      %parallel_loop3A_1933 = arith.constant 10 : i32
      %parallel_loop3A_1934 = arith.addi %parallel_loop3A_1769, %parallel_loop3A_1933 : i32
      %parallel_loop3A_1935 = arith.index_cast %parallel_loop3A_1934 : i32 to index
      %parallel_loop3A_1936 = memref.load %arg6[%parallel_loop3A_1935] : memref<512xi32, #tpu.memory_space<smem>>
      memref.store %parallel_loop3A_1932, %arg6[%parallel_loop3A_1935] : memref<512xi32, #tpu.memory_space<smem>>
      %parallel_loop3A_1937 = tpu.iota {dimensions = array<i32: 0>} : vector<16xi32>
      %parallel_loop3A_1938 = arith.constant 11 : i32
      %parallel_loop3A_1939 = vector.broadcast %parallel_loop3A_1938 : i32 to vector<16xi32>
      %parallel_loop3A_1940 = arith.cmpi eq, %parallel_loop3A_1937, %parallel_loop3A_1939 : vector<16xi32>
      %parallel_loop3A_1941 = arith.constant 0 : i32
      %parallel_loop3A_1942 = vector.broadcast %parallel_loop3A_1941 : i32 to vector<16xi32>
      %parallel_loop3A_1943 = arith.select %parallel_loop3A_1940, %parallel_loop3A_1771, %parallel_loop3A_1942 : vector<16xi1>, vector<16xi32>
      %parallel_loop3A_1944 = arith.constant true
      %parallel_loop3A_1945 = vector.broadcast %parallel_loop3A_1944 : i1 to vector<16xi1>
      %parallel_loop3A_1946 = tpu.scan <sum>, %parallel_loop3A_1943 masked %parallel_loop3A_1945 : vector<16xi32>, vector<16xi1> -> vector<16xi32>
      %parallel_loop3A_1947 = vector.extract %parallel_loop3A_1946[15] : i32 from vector<16xi32>
      %parallel_loop3A_1948 = arith.constant 11 : i32
      %parallel_loop3A_1949 = arith.addi %parallel_loop3A_1769, %parallel_loop3A_1948 : i32
      %parallel_loop3A_1950 = arith.index_cast %parallel_loop3A_1949 : i32 to index
      %parallel_loop3A_1951 = memref.load %arg6[%parallel_loop3A_1950] : memref<512xi32, #tpu.memory_space<smem>>
      memref.store %parallel_loop3A_1947, %arg6[%parallel_loop3A_1950] : memref<512xi32, #tpu.memory_space<smem>>
      %parallel_loop3A_1952 = tpu.iota {dimensions = array<i32: 0>} : vector<16xi32>
      %parallel_loop3A_1953 = arith.constant 12 : i32
      %parallel_loop3A_1954 = vector.broadcast %parallel_loop3A_1953 : i32 to vector<16xi32>
      %parallel_loop3A_1955 = arith.cmpi eq, %parallel_loop3A_1952, %parallel_loop3A_1954 : vector<16xi32>
      %parallel_loop3A_1956 = arith.constant 0 : i32
      %parallel_loop3A_1957 = vector.broadcast %parallel_loop3A_1956 : i32 to vector<16xi32>
      %parallel_loop3A_1958 = arith.select %parallel_loop3A_1955, %parallel_loop3A_1771, %parallel_loop3A_1957 : vector<16xi1>, vector<16xi32>
      %parallel_loop3A_1959 = arith.constant true
      %parallel_loop3A_1960 = vector.broadcast %parallel_loop3A_1959 : i1 to vector<16xi1>
      %parallel_loop3A_1961 = tpu.scan <sum>, %parallel_loop3A_1958 masked %parallel_loop3A_1960 : vector<16xi32>, vector<16xi1> -> vector<16xi32>
      %parallel_loop3A_1962 = vector.extract %parallel_loop3A_1961[15] : i32 from vector<16xi32>
      %parallel_loop3A_1963 = arith.constant 12 : i32
      %parallel_loop3A_1964 = arith.addi %parallel_loop3A_1769, %parallel_loop3A_1963 : i32
      %parallel_loop3A_1965 = arith.index_cast %parallel_loop3A_1964 : i32 to index
      %parallel_loop3A_1966 = memref.load %arg6[%parallel_loop3A_1965] : memref<512xi32, #tpu.memory_space<smem>>
      memref.store %parallel_loop3A_1962, %arg6[%parallel_loop3A_1965] : memref<512xi32, #tpu.memory_space<smem>>
      %parallel_loop3A_1967 = tpu.iota {dimensions = array<i32: 0>} : vector<16xi32>
      %parallel_loop3A_1968 = arith.constant 13 : i32
      %parallel_loop3A_1969 = vector.broadcast %parallel_loop3A_1968 : i32 to vector<16xi32>
      %parallel_loop3A_1970 = arith.cmpi eq, %parallel_loop3A_1967, %parallel_loop3A_1969 : vector<16xi32>
      %parallel_loop3A_1971 = arith.constant 0 : i32
      %parallel_loop3A_1972 = vector.broadcast %parallel_loop3A_1971 : i32 to vector<16xi32>
      %parallel_loop3A_1973 = arith.select %parallel_loop3A_1970, %parallel_loop3A_1771, %parallel_loop3A_1972 : vector<16xi1>, vector<16xi32>
      %parallel_loop3A_1974 = arith.constant true
      %parallel_loop3A_1975 = vector.broadcast %parallel_loop3A_1974 : i1 to vector<16xi1>
      %parallel_loop3A_1976 = tpu.scan <sum>, %parallel_loop3A_1973 masked %parallel_loop3A_1975 : vector<16xi32>, vector<16xi1> -> vector<16xi32>
      %parallel_loop3A_1977 = vector.extract %parallel_loop3A_1976[15] : i32 from vector<16xi32>
      %parallel_loop3A_1978 = arith.constant 13 : i32
      %parallel_loop3A_1979 = arith.addi %parallel_loop3A_1769, %parallel_loop3A_1978 : i32
      %parallel_loop3A_1980 = arith.index_cast %parallel_loop3A_1979 : i32 to index
      %parallel_loop3A_1981 = memref.load %arg6[%parallel_loop3A_1980] : memref<512xi32, #tpu.memory_space<smem>>
      memref.store %parallel_loop3A_1977, %arg6[%parallel_loop3A_1980] : memref<512xi32, #tpu.memory_space<smem>>
      %parallel_loop3A_1982 = tpu.iota {dimensions = array<i32: 0>} : vector<16xi32>
      %parallel_loop3A_1983 = arith.constant 14 : i32
      %parallel_loop3A_1984 = vector.broadcast %parallel_loop3A_1983 : i32 to vector<16xi32>
      %parallel_loop3A_1985 = arith.cmpi eq, %parallel_loop3A_1982, %parallel_loop3A_1984 : vector<16xi32>
      %parallel_loop3A_1986 = arith.constant 0 : i32
      %parallel_loop3A_1987 = vector.broadcast %parallel_loop3A_1986 : i32 to vector<16xi32>
      %parallel_loop3A_1988 = arith.select %parallel_loop3A_1985, %parallel_loop3A_1771, %parallel_loop3A_1987 : vector<16xi1>, vector<16xi32>
      %parallel_loop3A_1989 = arith.constant true
      %parallel_loop3A_1990 = vector.broadcast %parallel_loop3A_1989 : i1 to vector<16xi1>
      %parallel_loop3A_1991 = tpu.scan <sum>, %parallel_loop3A_1988 masked %parallel_loop3A_1990 : vector<16xi32>, vector<16xi1> -> vector<16xi32>
      %parallel_loop3A_1992 = vector.extract %parallel_loop3A_1991[15] : i32 from vector<16xi32>
      %parallel_loop3A_1993 = arith.constant 14 : i32
      %parallel_loop3A_1994 = arith.addi %parallel_loop3A_1769, %parallel_loop3A_1993 : i32
      %parallel_loop3A_1995 = arith.index_cast %parallel_loop3A_1994 : i32 to index
      %parallel_loop3A_1996 = memref.load %arg6[%parallel_loop3A_1995] : memref<512xi32, #tpu.memory_space<smem>>
      memref.store %parallel_loop3A_1992, %arg6[%parallel_loop3A_1995] : memref<512xi32, #tpu.memory_space<smem>>
      %parallel_loop3A_1997 = tpu.iota {dimensions = array<i32: 0>} : vector<16xi32>
      %parallel_loop3A_1998 = arith.constant 15 : i32
      %parallel_loop3A_1999 = vector.broadcast %parallel_loop3A_1998 : i32 to vector<16xi32>
      %parallel_loop3A_2000 = arith.cmpi eq, %parallel_loop3A_1997, %parallel_loop3A_1999 : vector<16xi32>
      %parallel_loop3A_2001 = arith.constant 0 : i32
      %parallel_loop3A_2002 = vector.broadcast %parallel_loop3A_2001 : i32 to vector<16xi32>
      %parallel_loop3A_2003 = arith.select %parallel_loop3A_2000, %parallel_loop3A_1771, %parallel_loop3A_2002 : vector<16xi1>, vector<16xi32>
      %parallel_loop3A_2004 = arith.constant true
      %parallel_loop3A_2005 = vector.broadcast %parallel_loop3A_2004 : i1 to vector<16xi1>
      %parallel_loop3A_2006 = tpu.scan <sum>, %parallel_loop3A_2003 masked %parallel_loop3A_2005 : vector<16xi32>, vector<16xi1> -> vector<16xi32>
      %parallel_loop3A_2007 = vector.extract %parallel_loop3A_2006[15] : i32 from vector<16xi32>
      %parallel_loop3A_2008 = arith.constant 15 : i32
      %parallel_loop3A_2009 = arith.addi %parallel_loop3A_1769, %parallel_loop3A_2008 : i32
      %parallel_loop3A_2010 = arith.index_cast %parallel_loop3A_2009 : i32 to index
      %parallel_loop3A_2011 = memref.load %arg6[%parallel_loop3A_2010] : memref<512xi32, #tpu.memory_space<smem>>
      memref.store %parallel_loop3A_2007, %arg6[%parallel_loop3A_2010] : memref<512xi32, #tpu.memory_space<smem>>
    } {sc.loop_unroll_factor = 1 : i64, sc.parallel_access}
    %get3A = arith.constant 0 : i32
    %get3A_5 = arith.index_cast %get3A : i32 to index
    %get3A_6 = memref.load %arg6[%get3A_5] : memref<512xi32, #tpu.memory_space<smem>>
    %dma_start3A = arith.constant 0 : i32
    %dma_start3A_7 = arith.constant 0 : i32
    %dma_start3A_8 = tpu.memref_slice %arg7[%dma_start3A, %dma_start3A_7] : memref<512x32xf32, #tpu.memory_space<vmem>> -> memref<1x32xf32, #tpu.memory_space<vmem>>
    %dma_start3A_9 = arith.constant 0 : i32
    %dma_start3A_10 = tpu.memref_slice %arg2[%get3A_6, %dma_start3A_9] : memref<1000000x32xf32, #tpu.memory_space<hbm>> -> memref<1x32xf32, #tpu.memory_space<hbm>>
    %dma_start3A_11 = arith.constant 0 : i32
    %dma_start3A_12 = arith.constant 0 : i32
    %dma_start3A_13 = tpu.memref_slice %arg7[%dma_start3A_11, %dma_start3A_12] : memref<512x32xf32, #tpu.memory_space<vmem>> -> memref<1x32xf32, #tpu.memory_space<vmem>>
    %dma_start3A_14 = arith.constant 0 : i32
    %dma_start3A_15 = tpu.memref_slice %arg2[%get3A_6, %dma_start3A_14] : memref<1000000x32xf32, #tpu.memory_space<hbm>> -> memref<1x32xf32, #tpu.memory_space<hbm>>
    tpu.enqueue_dma source(%dma_start3A_15 : memref<1x32xf32, #tpu.memory_space<hbm>>) target(%dma_start3A_13 : memref<1x32xf32, #tpu.memory_space<vmem>>) target_semaphore(%arg8 : memref<!tpu.dma_semaphore, #tpu.memory_space<semaphore_mem>>)
    %get3A_16 = arith.constant 1 : i32
    %get3A_17 = arith.index_cast %get3A_16 : i32 to index
    %get3A_18 = memref.load %arg6[%get3A_17] : memref<512xi32, #tpu.memory_space<smem>>
    %dma_start3A_19 = arith.constant 1 : i32
    %dma_start3A_20 = arith.constant 0 : i32
    %dma_start3A_21 = tpu.memref_slice %arg7[%dma_start3A_19, %dma_start3A_20] : memref<512x32xf32, #tpu.memory_space<vmem>> -> memref<1x32xf32, #tpu.memory_space<vmem>>
    %dma_start3A_22 = arith.constant 0 : i32
    %dma_start3A_23 = tpu.memref_slice %arg2[%get3A_18, %dma_start3A_22] : memref<1000000x32xf32, #tpu.memory_space<hbm>> -> memref<1x32xf32, #tpu.memory_space<hbm>>
    %dma_start3A_24 = arith.constant 1 : i32
    %dma_start3A_25 = arith.constant 0 : i32
    %dma_start3A_26 = tpu.memref_slice %arg7[%dma_start3A_24, %dma_start3A_25] : memref<512x32xf32, #tpu.memory_space<vmem>> -> memref<1x32xf32, #tpu.memory_space<vmem>>
    %dma_start3A_27 = arith.constant 0 : i32
    %dma_start3A_28 = tpu.memref_slice %arg2[%get3A_18, %dma_start3A_27] : memref<1000000x32xf32, #tpu.memory_space<hbm>> -> memref<1x32xf32, #tpu.memory_space<hbm>>
    tpu.enqueue_dma source(%dma_start3A_28 : memref<1x32xf32, #tpu.memory_space<hbm>>) target(%dma_start3A_26 : memref<1x32xf32, #tpu.memory_space<vmem>>) target_semaphore(%arg8 : memref<!tpu.dma_semaphore, #tpu.memory_space<semaphore_mem>>)
    %get3A_29 = arith.constant 2 : i32
    %get3A_30 = arith.index_cast %get3A_29 : i32 to index
    %get3A_31 = memref.load %arg6[%get3A_30] : memref<512xi32, #tpu.memory_space<smem>>
    %dma_start3A_32 = arith.constant 2 : i32
    %dma_start3A_33 = arith.constant 0 : i32
    %dma_start3A_34 = tpu.memref_slice %arg7[%dma_start3A_32, %dma_start3A_33] : memref<512x32xf32, #tpu.memory_space<vmem>> -> memref<1x32xf32, #tpu.memory_space<vmem>>
    %dma_start3A_35 = arith.constant 0 : i32
    %dma_start3A_36 = tpu.memref_slice %arg2[%get3A_31, %dma_start3A_35] : memref<1000000x32xf32, #tpu.memory_space<hbm>> -> memref<1x32xf32, #tpu.memory_space<hbm>>
    %dma_start3A_37 = arith.constant 2 : i32
    %dma_start3A_38 = arith.constant 0 : i32
    %dma_start3A_39 = tpu.memref_slice %arg7[%dma_start3A_37, %dma_start3A_38] : memref<512x32xf32, #tpu.memory_space<vmem>> -> memref<1x32xf32, #tpu.memory_space<vmem>>
    %dma_start3A_40 = arith.constant 0 : i32
    %dma_start3A_41 = tpu.memref_slice %arg2[%get3A_31, %dma_start3A_40] : memref<1000000x32xf32, #tpu.memory_space<hbm>> -> memref<1x32xf32, #tpu.memory_space<hbm>>
    tpu.enqueue_dma source(%dma_start3A_41 : memref<1x32xf32, #tpu.memory_space<hbm>>) target(%dma_start3A_39 : memref<1x32xf32, #tpu.memory_space<vmem>>) target_semaphore(%arg8 : memref<!tpu.dma_semaphore, #tpu.memory_space<semaphore_mem>>)
    %get3A_42 = arith.constant 3 : i32
    %get3A_43 = arith.index_cast %get3A_42 : i32 to index
    %get3A_44 = memref.load %arg6[%get3A_43] : memref<512xi32, #tpu.memory_space<smem>>
    %dma_start3A_45 = arith.constant 3 : i32
    %dma_start3A_46 = arith.constant 0 : i32
    %dma_start3A_47 = tpu.memref_slice %arg7[%dma_start3A_45, %dma_start3A_46] : memref<512x32xf32, #tpu.memory_space<vmem>> -> memref<1x32xf32, #tpu.memory_space<vmem>>
    %dma_start3A_48 = arith.constant 0 : i32
    %dma_start3A_49 = tpu.memref_slice %arg2[%get3A_44, %dma_start3A_48] : memref<1000000x32xf32, #tpu.memory_space<hbm>> -> memref<1x32xf32, #tpu.memory_space<hbm>>
    %dma_start3A_50 = arith.constant 3 : i32
    %dma_start3A_51 = arith.constant 0 : i32
    %dma_start3A_52 = tpu.memref_slice %arg7[%dma_start3A_50, %dma_start3A_51] : memref<512x32xf32, #tpu.memory_space<vmem>> -> memref<1x32xf32, #tpu.memory_space<vmem>>
    %dma_start3A_53 = arith.constant 0 : i32
    %dma_start3A_54 = tpu.memref_slice %arg2[%get3A_44, %dma_start3A_53] : memref<1000000x32xf32, #tpu.memory_space<hbm>> -> memref<1x32xf32, #tpu.memory_space<hbm>>
    tpu.enqueue_dma source(%dma_start3A_54 : memref<1x32xf32, #tpu.memory_space<hbm>>) target(%dma_start3A_52 : memref<1x32xf32, #tpu.memory_space<vmem>>) target_semaphore(%arg8 : memref<!tpu.dma_semaphore, #tpu.memory_space<semaphore_mem>>)
    %get3A_55 = arith.constant 4 : i32
    %get3A_56 = arith.index_cast %get3A_55 : i32 to index
    %get3A_57 = memref.load %arg6[%get3A_56] : memref<512xi32, #tpu.memory_space<smem>>
    %dma_start3A_58 = arith.constant 4 : i32
    %dma_start3A_59 = arith.constant 0 : i32
    %dma_start3A_60 = tpu.memref_slice %arg7[%dma_start3A_58, %dma_start3A_59] : memref<512x32xf32, #tpu.memory_space<vmem>> -> memref<1x32xf32, #tpu.memory_space<vmem>>
    %dma_start3A_61 = arith.constant 0 : i32
    %dma_start3A_62 = tpu.memref_slice %arg2[%get3A_57, %dma_start3A_61] : memref<1000000x32xf32, #tpu.memory_space<hbm>> -> memref<1x32xf32, #tpu.memory_space<hbm>>
    %dma_start3A_63 = arith.constant 4 : i32
    %dma_start3A_64 = arith.constant 0 : i32
    %dma_start3A_65 = tpu.memref_slice %arg7[%dma_start3A_63, %dma_start3A_64] : memref<512x32xf32, #tpu.memory_space<vmem>> -> memref<1x32xf32, #tpu.memory_space<vmem>>
    %dma_start3A_66 = arith.constant 0 : i32
    %dma_start3A_67 = tpu.memref_slice %arg2[%get3A_57, %dma_start3A_66] : memref<1000000x32xf32, #tpu.memory_space<hbm>> -> memref<1x32xf32, #tpu.memory_space<hbm>>
    tpu.enqueue_dma source(%dma_start3A_67 : memref<1x32xf32, #tpu.memory_space<hbm>>) target(%dma_start3A_65 : memref<1x32xf32, #tpu.memory_space<vmem>>) target_semaphore(%arg8 : memref<!tpu.dma_semaphore, #tpu.memory_space<semaphore_mem>>)
    %get3A_68 = arith.constant 5 : i32
    %get3A_69 = arith.index_cast %get3A_68 : i32 to index
    %get3A_70 = memref.load %arg6[%get3A_69] : memref<512xi32, #tpu.memory_space<smem>>
    %dma_start3A_71 = arith.constant 5 : i32
    %dma_start3A_72 = arith.constant 0 : i32
    %dma_start3A_73 = tpu.memref_slice %arg7[%dma_start3A_71, %dma_start3A_72] : memref<512x32xf32, #tpu.memory_space<vmem>> -> memref<1x32xf32, #tpu.memory_space<vmem>>
    %dma_start3A_74 = arith.constant 0 : i32
    %dma_start3A_75 = tpu.memref_slice %arg2[%get3A_70, %dma_start3A_74] : memref<1000000x32xf32, #tpu.memory_space<hbm>> -> memref<1x32xf32, #tpu.memory_space<hbm>>
    %dma_start3A_76 = arith.constant 5 : i32
    %dma_start3A_77 = arith.constant 0 : i32
    %dma_start3A_78 = tpu.memref_slice %arg7[%dma_start3A_76, %dma_start3A_77] : memref<512x32xf32, #tpu.memory_space<vmem>> -> memref<1x32xf32, #tpu.memory_space<vmem>>
    %dma_start3A_79 = arith.constant 0 : i32
    %dma_start3A_80 = tpu.memref_slice %arg2[%get3A_70, %dma_start3A_79] : memref<1000000x32xf32, #tpu.memory_space<hbm>> -> memref<1x32xf32, #tpu.memory_space<hbm>>
    tpu.enqueue_dma source(%dma_start3A_80 : memref<1x32xf32, #tpu.memory_space<hbm>>) target(%dma_start3A_78 : memref<1x32xf32, #tpu.memory_space<vmem>>) target_semaphore(%arg8 : memref<!tpu.dma_semaphore, #tpu.memory_space<semaphore_mem>>)
    %get3A_81 = arith.constant 6 : i32
    %get3A_82 = arith.index_cast %get3A_81 : i32 to index
    %get3A_83 = memref.load %arg6[%get3A_82] : memref<512xi32, #tpu.memory_space<smem>>
    %dma_start3A_84 = arith.constant 6 : i32
    %dma_start3A_85 = arith.constant 0 : i32
    %dma_start3A_86 = tpu.memref_slice %arg7[%dma_start3A_84, %dma_start3A_85] : memref<512x32xf32, #tpu.memory_space<vmem>> -> memref<1x32xf32, #tpu.memory_space<vmem>>
    %dma_start3A_87 = arith.constant 0 : i32
    %dma_start3A_88 = tpu.memref_slice %arg2[%get3A_83, %dma_start3A_87] : memref<1000000x32xf32, #tpu.memory_space<hbm>> -> memref<1x32xf32, #tpu.memory_space<hbm>>
    %dma_start3A_89 = arith.constant 6 : i32
    %dma_start3A_90 = arith.constant 0 : i32
    %dma_start3A_91 = tpu.memref_slice %arg7[%dma_start3A_89, %dma_start3A_90] : memref<512x32xf32, #tpu.memory_space<vmem>> -> memref<1x32xf32, #tpu.memory_space<vmem>>
    %dma_start3A_92 = arith.constant 0 : i32
    %dma_start3A_93 = tpu.memref_slice %arg2[%get3A_83, %dma_start3A_92] : memref<1000000x32xf32, #tpu.memory_space<hbm>> -> memref<1x32xf32, #tpu.memory_space<hbm>>
    tpu.enqueue_dma source(%dma_start3A_93 : memref<1x32xf32, #tpu.memory_space<hbm>>) target(%dma_start3A_91 : memref<1x32xf32, #tpu.memory_space<vmem>>) target_semaphore(%arg8 : memref<!tpu.dma_semaphore, #tpu.memory_space<semaphore_mem>>)
    %get3A_94 = arith.constant 7 : i32
    %get3A_95 = arith.index_cast %get3A_94 : i32 to index
    %get3A_96 = memref.load %arg6[%get3A_95] : memref<512xi32, #tpu.memory_space<smem>>
    %dma_start3A_97 = arith.constant 7 : i32
    %dma_start3A_98 = arith.constant 0 : i32
    %dma_start3A_99 = tpu.memref_slice %arg7[%dma_start3A_97, %dma_start3A_98] : memref<512x32xf32, #tpu.memory_space<vmem>> -> memref<1x32xf32, #tpu.memory_space<vmem>>
    %dma_start3A_100 = arith.constant 0 : i32
    %dma_start3A_101 = tpu.memref_slice %arg2[%get3A_96, %dma_start3A_100] : memref<1000000x32xf32, #tpu.memory_space<hbm>> -> memref<1x32xf32, #tpu.memory_space<hbm>>
    %dma_start3A_102 = arith.constant 7 : i32
    %dma_start3A_103 = arith.constant 0 : i32
    %dma_start3A_104 = tpu.memref_slice %arg7[%dma_start3A_102, %dma_start3A_103] : memref<512x32xf32, #tpu.memory_space<vmem>> -> memref<1x32xf32, #tpu.memory_space<vmem>>
    %dma_start3A_105 = arith.constant 0 : i32
    %dma_start3A_106 = tpu.memref_slice %arg2[%get3A_96, %dma_start3A_105] : memref<1000000x32xf32, #tpu.memory_space<hbm>> -> memref<1x32xf32, #tpu.memory_space<hbm>>
    tpu.enqueue_dma source(%dma_start3A_106 : memref<1x32xf32, #tpu.memory_space<hbm>>) target(%dma_start3A_104 : memref<1x32xf32, #tpu.memory_space<vmem>>) target_semaphore(%arg8 : memref<!tpu.dma_semaphore, #tpu.memory_space<semaphore_mem>>)
    %get3A_107 = arith.constant 8 : i32
    %get3A_108 = arith.index_cast %get3A_107 : i32 to index
    %get3A_109 = memref.load %arg6[%get3A_108] : memref<512xi32, #tpu.memory_space<smem>>
    %dma_start3A_110 = arith.constant 8 : i32
    %dma_start3A_111 = arith.constant 0 : i32
    %dma_start3A_112 = tpu.memref_slice %arg7[%dma_start3A_110, %dma_start3A_111] : memref<512x32xf32, #tpu.memory_space<vmem>> -> memref<1x32xf32, #tpu.memory_space<vmem>>
    %dma_start3A_113 = arith.constant 0 : i32
    %dma_start3A_114 = tpu.memref_slice %arg2[%get3A_109, %dma_start3A_113] : memref<1000000x32xf32, #tpu.memory_space<hbm>> -> memref<1x32xf32, #tpu.memory_space<hbm>>
    %dma_start3A_115 = arith.constant 8 : i32
    %dma_start3A_116 = arith.constant 0 : i32
    %dma_start3A_117 = tpu.memref_slice %arg7[%dma_start3A_115, %dma_start3A_116] : memref<512x32xf32, #tpu.memory_space<vmem>> -> memref<1x32xf32, #tpu.memory_space<vmem>>
    %dma_start3A_118 = arith.constant 0 : i32
    %dma_start3A_119 = tpu.memref_slice %arg2[%get3A_109, %dma_start3A_118] : memref<1000000x32xf32, #tpu.memory_space<hbm>> -> memref<1x32xf32, #tpu.memory_space<hbm>>
    tpu.enqueue_dma source(%dma_start3A_119 : memref<1x32xf32, #tpu.memory_space<hbm>>) target(%dma_start3A_117 : memref<1x32xf32, #tpu.memory_space<vmem>>) target_semaphore(%arg8 : memref<!tpu.dma_semaphore, #tpu.memory_space<semaphore_mem>>)
    %get3A_120 = arith.constant 9 : i32
    %get3A_121 = arith.index_cast %get3A_120 : i32 to index
    %get3A_122 = memref.load %arg6[%get3A_121] : memref<512xi32, #tpu.memory_space<smem>>
    %dma_start3A_123 = arith.constant 9 : i32
    %dma_start3A_124 = arith.constant 0 : i32
    %dma_start3A_125 = tpu.memref_slice %arg7[%dma_start3A_123, %dma_start3A_124] : memref<512x32xf32, #tpu.memory_space<vmem>> -> memref<1x32xf32, #tpu.memory_space<vmem>>
    %dma_start3A_126 = arith.constant 0 : i32
    %dma_start3A_127 = tpu.memref_slice %arg2[%get3A_122, %dma_start3A_126] : memref<1000000x32xf32, #tpu.memory_space<hbm>> -> memref<1x32xf32, #tpu.memory_space<hbm>>
    %dma_start3A_128 = arith.constant 9 : i32
    %dma_start3A_129 = arith.constant 0 : i32
    %dma_start3A_130 = tpu.memref_slice %arg7[%dma_start3A_128, %dma_start3A_129] : memref<512x32xf32, #tpu.memory_space<vmem>> -> memref<1x32xf32, #tpu.memory_space<vmem>>
    %dma_start3A_131 = arith.constant 0 : i32
    %dma_start3A_132 = tpu.memref_slice %arg2[%get3A_122, %dma_start3A_131] : memref<1000000x32xf32, #tpu.memory_space<hbm>> -> memref<1x32xf32, #tpu.memory_space<hbm>>
    tpu.enqueue_dma source(%dma_start3A_132 : memref<1x32xf32, #tpu.memory_space<hbm>>) target(%dma_start3A_130 : memref<1x32xf32, #tpu.memory_space<vmem>>) target_semaphore(%arg8 : memref<!tpu.dma_semaphore, #tpu.memory_space<semaphore_mem>>)
    %get3A_133 = arith.constant 10 : i32
    %get3A_134 = arith.index_cast %get3A_133 : i32 to index
    %get3A_135 = memref.load %arg6[%get3A_134] : memref<512xi32, #tpu.memory_space<smem>>
    %dma_start3A_136 = arith.constant 10 : i32
    %dma_start3A_137 = arith.constant 0 : i32
    %dma_start3A_138 = tpu.memref_slice %arg7[%dma_start3A_136, %dma_start3A_137] : memref<512x32xf32, #tpu.memory_space<vmem>> -> memref<1x32xf32, #tpu.memory_space<vmem>>
    %dma_start3A_139 = arith.constant 0 : i32
    %dma_start3A_140 = tpu.memref_slice %arg2[%get3A_135, %dma_start3A_139] : memref<1000000x32xf32, #tpu.memory_space<hbm>> -> memref<1x32xf32, #tpu.memory_space<hbm>>
    %dma_start3A_141 = arith.constant 10 : i32
    %dma_start3A_142 = arith.constant 0 : i32
    %dma_start3A_143 = tpu.memref_slice %arg7[%dma_start3A_141, %dma_start3A_142] : memref<512x32xf32, #tpu.memory_space<vmem>> -> memref<1x32xf32, #tpu.memory_space<vmem>>
    %dma_start3A_144 = arith.constant 0 : i32
    %dma_start3A_145 = tpu.memref_slice %arg2[%get3A_135, %dma_start3A_144] : memref<1000000x32xf32, #tpu.memory_space<hbm>> -> memref<1x32xf32, #tpu.memory_space<hbm>>
    tpu.enqueue_dma source(%dma_start3A_145 : memref<1x32xf32, #tpu.memory_space<hbm>>) target(%dma_start3A_143 : memref<1x32xf32, #tpu.memory_space<vmem>>) target_semaphore(%arg8 : memref<!tpu.dma_semaphore, #tpu.memory_space<semaphore_mem>>)
    %get3A_146 = arith.constant 11 : i32
    %get3A_147 = arith.index_cast %get3A_146 : i32 to index
    %get3A_148 = memref.load %arg6[%get3A_147] : memref<512xi32, #tpu.memory_space<smem>>
    %dma_start3A_149 = arith.constant 11 : i32
    %dma_start3A_150 = arith.constant 0 : i32
    %dma_start3A_151 = tpu.memref_slice %arg7[%dma_start3A_149, %dma_start3A_150] : memref<512x32xf32, #tpu.memory_space<vmem>> -> memref<1x32xf32, #tpu.memory_space<vmem>>
    %dma_start3A_152 = arith.constant 0 : i32
    %dma_start3A_153 = tpu.memref_slice %arg2[%get3A_148, %dma_start3A_152] : memref<1000000x32xf32, #tpu.memory_space<hbm>> -> memref<1x32xf32, #tpu.memory_space<hbm>>
    %dma_start3A_154 = arith.constant 11 : i32
    %dma_start3A_155 = arith.constant 0 : i32
    %dma_start3A_156 = tpu.memref_slice %arg7[%dma_start3A_154, %dma_start3A_155] : memref<512x32xf32, #tpu.memory_space<vmem>> -> memref<1x32xf32, #tpu.memory_space<vmem>>
    %dma_start3A_157 = arith.constant 0 : i32
    %dma_start3A_158 = tpu.memref_slice %arg2[%get3A_148, %dma_start3A_157] : memref<1000000x32xf32, #tpu.memory_space<hbm>> -> memref<1x32xf32, #tpu.memory_space<hbm>>
    tpu.enqueue_dma source(%dma_start3A_158 : memref<1x32xf32, #tpu.memory_space<hbm>>) target(%dma_start3A_156 : memref<1x32xf32, #tpu.memory_space<vmem>>) target_semaphore(%arg8 : memref<!tpu.dma_semaphore, #tpu.memory_space<semaphore_mem>>)
    %get3A_159 = arith.constant 12 : i32
    %get3A_160 = arith.index_cast %get3A_159 : i32 to index
    %get3A_161 = memref.load %arg6[%get3A_160] : memref<512xi32, #tpu.memory_space<smem>>
    %dma_start3A_162 = arith.constant 12 : i32
    %dma_start3A_163 = arith.constant 0 : i32
    %dma_start3A_164 = tpu.memref_slice %arg7[%dma_start3A_162, %dma_start3A_163] : memref<512x32xf32, #tpu.memory_space<vmem>> -> memref<1x32xf32, #tpu.memory_space<vmem>>
    %dma_start3A_165 = arith.constant 0 : i32
    %dma_start3A_166 = tpu.memref_slice %arg2[%get3A_161, %dma_start3A_165] : memref<1000000x32xf32, #tpu.memory_space<hbm>> -> memref<1x32xf32, #tpu.memory_space<hbm>>
    %dma_start3A_167 = arith.constant 12 : i32
    %dma_start3A_168 = arith.constant 0 : i32
    %dma_start3A_169 = tpu.memref_slice %arg7[%dma_start3A_167, %dma_start3A_168] : memref<512x32xf32, #tpu.memory_space<vmem>> -> memref<1x32xf32, #tpu.memory_space<vmem>>
    %dma_start3A_170 = arith.constant 0 : i32
    %dma_start3A_171 = tpu.memref_slice %arg2[%get3A_161, %dma_start3A_170] : memref<1000000x32xf32, #tpu.memory_space<hbm>> -> memref<1x32xf32, #tpu.memory_space<hbm>>
    tpu.enqueue_dma source(%dma_start3A_171 : memref<1x32xf32, #tpu.memory_space<hbm>>) target(%dma_start3A_169 : memref<1x32xf32, #tpu.memory_space<vmem>>) target_semaphore(%arg8 : memref<!tpu.dma_semaphore, #tpu.memory_space<semaphore_mem>>)
    %get3A_172 = arith.constant 13 : i32
    %get3A_173 = arith.index_cast %get3A_172 : i32 to index
    %get3A_174 = memref.load %arg6[%get3A_173] : memref<512xi32, #tpu.memory_space<smem>>
    %dma_start3A_175 = arith.constant 13 : i32
    %dma_start3A_176 = arith.constant 0 : i32
    %dma_start3A_177 = tpu.memref_slice %arg7[%dma_start3A_175, %dma_start3A_176] : memref<512x32xf32, #tpu.memory_space<vmem>> -> memref<1x32xf32, #tpu.memory_space<vmem>>
    %dma_start3A_178 = arith.constant 0 : i32
    %dma_start3A_179 = tpu.memref_slice %arg2[%get3A_174, %dma_start3A_178] : memref<1000000x32xf32, #tpu.memory_space<hbm>> -> memref<1x32xf32, #tpu.memory_space<hbm>>
    %dma_start3A_180 = arith.constant 13 : i32
    %dma_start3A_181 = arith.constant 0 : i32
    %dma_start3A_182 = tpu.memref_slice %arg7[%dma_start3A_180, %dma_start3A_181] : memref<512x32xf32, #tpu.memory_space<vmem>> -> memref<1x32xf32, #tpu.memory_space<vmem>>
    %dma_start3A_183 = arith.constant 0 : i32
    %dma_start3A_184 = tpu.memref_slice %arg2[%get3A_174, %dma_start3A_183] : memref<1000000x32xf32, #tpu.memory_space<hbm>> -> memref<1x32xf32, #tpu.memory_space<hbm>>
    tpu.enqueue_dma source(%dma_start3A_184 : memref<1x32xf32, #tpu.memory_space<hbm>>) target(%dma_start3A_182 : memref<1x32xf32, #tpu.memory_space<vmem>>) target_semaphore(%arg8 : memref<!tpu.dma_semaphore, #tpu.memory_space<semaphore_mem>>)
    %get3A_185 = arith.constant 14 : i32
    %get3A_186 = arith.index_cast %get3A_185 : i32 to index
    %get3A_187 = memref.load %arg6[%get3A_186] : memref<512xi32, #tpu.memory_space<smem>>
    %dma_start3A_188 = arith.constant 14 : i32
    %dma_start3A_189 = arith.constant 0 : i32
    %dma_start3A_190 = tpu.memref_slice %arg7[%dma_start3A_188, %dma_start3A_189] : memref<512x32xf32, #tpu.memory_space<vmem>> -> memref<1x32xf32, #tpu.memory_space<vmem>>
    %dma_start3A_191 = arith.constant 0 : i32
    %dma_start3A_192 = tpu.memref_slice %arg2[%get3A_187, %dma_start3A_191] : memref<1000000x32xf32, #tpu.memory_space<hbm>> -> memref<1x32xf32, #tpu.memory_space<hbm>>
    %dma_start3A_193 = arith.constant 14 : i32
    %dma_start3A_194 = arith.constant 0 : i32
    %dma_start3A_195 = tpu.memref_slice %arg7[%dma_start3A_193, %dma_start3A_194] : memref<512x32xf32, #tpu.memory_space<vmem>> -> memref<1x32xf32, #tpu.memory_space<vmem>>
    %dma_start3A_196 = arith.constant 0 : i32
    %dma_start3A_197 = tpu.memref_slice %arg2[%get3A_187, %dma_start3A_196] : memref<1000000x32xf32, #tpu.memory_space<hbm>> -> memref<1x32xf32, #tpu.memory_space<hbm>>
    tpu.enqueue_dma source(%dma_start3A_197 : memref<1x32xf32, #tpu.memory_space<hbm>>) target(%dma_start3A_195 : memref<1x32xf32, #tpu.memory_space<vmem>>) target_semaphore(%arg8 : memref<!tpu.dma_semaphore, #tpu.memory_space<semaphore_mem>>)
    %get3A_198 = arith.constant 15 : i32
    %get3A_199 = arith.index_cast %get3A_198 : i32 to index
    %get3A_200 = memref.load %arg6[%get3A_199] : memref<512xi32, #tpu.memory_space<smem>>
    %dma_start3A_201 = arith.constant 15 : i32
    %dma_start3A_202 = arith.constant 0 : i32
    %dma_start3A_203 = tpu.memref_slice %arg7[%dma_start3A_201, %dma_start3A_202] : memref<512x32xf32, #tpu.memory_space<vmem>> -> memref<1x32xf32, #tpu.memory_space<vmem>>
    %dma_start3A_204 = arith.constant 0 : i32
    %dma_start3A_205 = tpu.memref_slice %arg2[%get3A_200, %dma_start3A_204] : memref<1000000x32xf32, #tpu.memory_space<hbm>> -> memref<1x32xf32, #tpu.memory_space<hbm>>
    %dma_start3A_206 = arith.constant 15 : i32
    %dma_start3A_207 = arith.constant 0 : i32
    %dma_start3A_208 = tpu.memref_slice %arg7[%dma_start3A_206, %dma_start3A_207] : memref<512x32xf32, #tpu.memory_space<vmem>> -> memref<1x32xf32, #tpu.memory_space<vmem>>
    %dma_start3A_209 = arith.constant 0 : i32
    %dma_start3A_210 = tpu.memref_slice %arg2[%get3A_200, %dma_start3A_209] : memref<1000000x32xf32, #tpu.memory_space<hbm>> -> memref<1x32xf32, #tpu.memory_space<hbm>>
    tpu.enqueue_dma source(%dma_start3A_210 : memref<1x32xf32, #tpu.memory_space<hbm>>) target(%dma_start3A_208 : memref<1x32xf32, #tpu.memory_space<vmem>>) target_semaphore(%arg8 : memref<!tpu.dma_semaphore, #tpu.memory_space<semaphore_mem>>)
    %get3A_211 = arith.constant 16 : i32
    %get3A_212 = arith.index_cast %get3A_211 : i32 to index
    %get3A_213 = memref.load %arg6[%get3A_212] : memref<512xi32, #tpu.memory_space<smem>>
    %dma_start3A_214 = arith.constant 16 : i32
    %dma_start3A_215 = arith.constant 0 : i32
    %dma_start3A_216 = tpu.memref_slice %arg7[%dma_start3A_214, %dma_start3A_215] : memref<512x32xf32, #tpu.memory_space<vmem>> -> memref<1x32xf32, #tpu.memory_space<vmem>>
    %dma_start3A_217 = arith.constant 0 : i32
    %dma_start3A_218 = tpu.memref_slice %arg2[%get3A_213, %dma_start3A_217] : memref<1000000x32xf32, #tpu.memory_space<hbm>> -> memref<1x32xf32, #tpu.memory_space<hbm>>
    %dma_start3A_219 = arith.constant 16 : i32
    %dma_start3A_220 = arith.constant 0 : i32
    %dma_start3A_221 = tpu.memref_slice %arg7[%dma_start3A_219, %dma_start3A_220] : memref<512x32xf32, #tpu.memory_space<vmem>> -> memref<1x32xf32, #tpu.memory_space<vmem>>
    %dma_start3A_222 = arith.constant 0 : i32
    %dma_start3A_223 = tpu.memref_slice %arg2[%get3A_213, %dma_start3A_222] : memref<1000000x32xf32, #tpu.memory_space<hbm>> -> memref<1x32xf32, #tpu.memory_space<hbm>>
    tpu.enqueue_dma source(%dma_start3A_223 : memref<1x32xf32, #tpu.memory_space<hbm>>) target(%dma_start3A_221 : memref<1x32xf32, #tpu.memory_space<vmem>>) target_semaphore(%arg8 : memref<!tpu.dma_semaphore, #tpu.memory_space<semaphore_mem>>)
    %get3A_224 = arith.constant 17 : i32
    %get3A_225 = arith.index_cast %get3A_224 : i32 to index
    %get3A_226 = memref.load %arg6[%get3A_225] : memref<512xi32, #tpu.memory_space<smem>>
    %dma_start3A_227 = arith.constant 17 : i32
    %dma_start3A_228 = arith.constant 0 : i32
    %dma_start3A_229 = tpu.memref_slice %arg7[%dma_start3A_227, %dma_start3A_228] : memref<512x32xf32, #tpu.memory_space<vmem>> -> memref<1x32xf32, #tpu.memory_space<vmem>>
    %dma_start3A_230 = arith.constant 0 : i32
    %dma_start3A_231 = tpu.memref_slice %arg2[%get3A_226, %dma_start3A_230] : memref<1000000x32xf32, #tpu.memory_space<hbm>> -> memref<1x32xf32, #tpu.memory_space<hbm>>
    %dma_start3A_232 = arith.constant 17 : i32
    %dma_start3A_233 = arith.constant 0 : i32
    %dma_start3A_234 = tpu.memref_slice %arg7[%dma_start3A_232, %dma_start3A_233] : memref<512x32xf32, #tpu.memory_space<vmem>> -> memref<1x32xf32, #tpu.memory_space<vmem>>
    %dma_start3A_235 = arith.constant 0 : i32
    %dma_start3A_236 = tpu.memref_slice %arg2[%get3A_226, %dma_start3A_235] : memref<1000000x32xf32, #tpu.memory_space<hbm>> -> memref<1x32xf32, #tpu.memory_space<hbm>>
    tpu.enqueue_dma source(%dma_start3A_236 : memref<1x32xf32, #tpu.memory_space<hbm>>) target(%dma_start3A_234 : memref<1x32xf32, #tpu.memory_space<vmem>>) target_semaphore(%arg8 : memref<!tpu.dma_semaphore, #tpu.memory_space<semaphore_mem>>)
    %get3A_237 = arith.constant 18 : i32
    %get3A_238 = arith.index_cast %get3A_237 : i32 to index
    %get3A_239 = memref.load %arg6[%get3A_238] : memref<512xi32, #tpu.memory_space<smem>>
    %dma_start3A_240 = arith.constant 18 : i32
    %dma_start3A_241 = arith.constant 0 : i32
    %dma_start3A_242 = tpu.memref_slice %arg7[%dma_start3A_240, %dma_start3A_241] : memref<512x32xf32, #tpu.memory_space<vmem>> -> memref<1x32xf32, #tpu.memory_space<vmem>>
    %dma_start3A_243 = arith.constant 0 : i32
    %dma_start3A_244 = tpu.memref_slice %arg2[%get3A_239, %dma_start3A_243] : memref<1000000x32xf32, #tpu.memory_space<hbm>> -> memref<1x32xf32, #tpu.memory_space<hbm>>
    %dma_start3A_245 = arith.constant 18 : i32
    %dma_start3A_246 = arith.constant 0 : i32
    %dma_start3A_247 = tpu.memref_slice %arg7[%dma_start3A_245, %dma_start3A_246] : memref<512x32xf32, #tpu.memory_space<vmem>> -> memref<1x32xf32, #tpu.memory_space<vmem>>
    %dma_start3A_248 = arith.constant 0 : i32
    %dma_start3A_249 = tpu.memref_slice %arg2[%get3A_239, %dma_start3A_248] : memref<1000000x32xf32, #tpu.memory_space<hbm>> -> memref<1x32xf32, #tpu.memory_space<hbm>>
    tpu.enqueue_dma source(%dma_start3A_249 : memref<1x32xf32, #tpu.memory_space<hbm>>) target(%dma_start3A_247 : memref<1x32xf32, #tpu.memory_space<vmem>>) target_semaphore(%arg8 : memref<!tpu.dma_semaphore, #tpu.memory_space<semaphore_mem>>)
    %get3A_250 = arith.constant 19 : i32
    %get3A_251 = arith.index_cast %get3A_250 : i32 to index
    %get3A_252 = memref.load %arg6[%get3A_251] : memref<512xi32, #tpu.memory_space<smem>>
    %dma_start3A_253 = arith.constant 19 : i32
    %dma_start3A_254 = arith.constant 0 : i32
    %dma_start3A_255 = tpu.memref_slice %arg7[%dma_start3A_253, %dma_start3A_254] : memref<512x32xf32, #tpu.memory_space<vmem>> -> memref<1x32xf32, #tpu.memory_space<vmem>>
    %dma_start3A_256 = arith.constant 0 : i32
    %dma_start3A_257 = tpu.memref_slice %arg2[%get3A_252, %dma_start3A_256] : memref<1000000x32xf32, #tpu.memory_space<hbm>> -> memref<1x32xf32, #tpu.memory_space<hbm>>
    %dma_start3A_258 = arith.constant 19 : i32
    %dma_start3A_259 = arith.constant 0 : i32
    %dma_start3A_260 = tpu.memref_slice %arg7[%dma_start3A_258, %dma_start3A_259] : memref<512x32xf32, #tpu.memory_space<vmem>> -> memref<1x32xf32, #tpu.memory_space<vmem>>
    %dma_start3A_261 = arith.constant 0 : i32
    %dma_start3A_262 = tpu.memref_slice %arg2[%get3A_252, %dma_start3A_261] : memref<1000000x32xf32, #tpu.memory_space<hbm>> -> memref<1x32xf32, #tpu.memory_space<hbm>>
    tpu.enqueue_dma source(%dma_start3A_262 : memref<1x32xf32, #tpu.memory_space<hbm>>) target(%dma_start3A_260 : memref<1x32xf32, #tpu.memory_space<vmem>>) target_semaphore(%arg8 : memref<!tpu.dma_semaphore, #tpu.memory_space<semaphore_mem>>)
    %get3A_263 = arith.constant 20 : i32
    %get3A_264 = arith.index_cast %get3A_263 : i32 to index
    %get3A_265 = memref.load %arg6[%get3A_264] : memref<512xi32, #tpu.memory_space<smem>>
    %dma_start3A_266 = arith.constant 20 : i32
    %dma_start3A_267 = arith.constant 0 : i32
    %dma_start3A_268 = tpu.memref_slice %arg7[%dma_start3A_266, %dma_start3A_267] : memref<512x32xf32, #tpu.memory_space<vmem>> -> memref<1x32xf32, #tpu.memory_space<vmem>>
    %dma_start3A_269 = arith.constant 0 : i32
    %dma_start3A_270 = tpu.memref_slice %arg2[%get3A_265, %dma_start3A_269] : memref<1000000x32xf32, #tpu.memory_space<hbm>> -> memref<1x32xf32, #tpu.memory_space<hbm>>
    %dma_start3A_271 = arith.constant 20 : i32
    %dma_start3A_272 = arith.constant 0 : i32
    %dma_start3A_273 = tpu.memref_slice %arg7[%dma_start3A_271, %dma_start3A_272] : memref<512x32xf32, #tpu.memory_space<vmem>> -> memref<1x32xf32, #tpu.memory_space<vmem>>
    %dma_start3A_274 = arith.constant 0 : i32
    %dma_start3A_275 = tpu.memref_slice %arg2[%get3A_265, %dma_start3A_274] : memref<1000000x32xf32, #tpu.memory_space<hbm>> -> memref<1x32xf32, #tpu.memory_space<hbm>>
    tpu.enqueue_dma source(%dma_start3A_275 : memref<1x32xf32, #tpu.memory_space<hbm>>) target(%dma_start3A_273 : memref<1x32xf32, #tpu.memory_space<vmem>>) target_semaphore(%arg8 : memref<!tpu.dma_semaphore, #tpu.memory_space<semaphore_mem>>)
    %get3A_276 = arith.constant 21 : i32
    %get3A_277 = arith.index_cast %get3A_276 : i32 to index
    %get3A_278 = memref.load %arg6[%get3A_277] : memref<512xi32, #tpu.memory_space<smem>>
    %dma_start3A_279 = arith.constant 21 : i32
    %dma_start3A_280 = arith.constant 0 : i32
    %dma_start3A_281 = tpu.memref_slice %arg7[%dma_start3A_279, %dma_start3A_280] : memref<512x32xf32, #tpu.memory_space<vmem>> -> memref<1x32xf32, #tpu.memory_space<vmem>>
    %dma_start3A_282 = arith.constant 0 : i32
    %dma_start3A_283 = tpu.memref_slice %arg2[%get3A_278, %dma_start3A_282] : memref<1000000x32xf32, #tpu.memory_space<hbm>> -> memref<1x32xf32, #tpu.memory_space<hbm>>
    %dma_start3A_284 = arith.constant 21 : i32
    %dma_start3A_285 = arith.constant 0 : i32
    %dma_start3A_286 = tpu.memref_slice %arg7[%dma_start3A_284, %dma_start3A_285] : memref<512x32xf32, #tpu.memory_space<vmem>> -> memref<1x32xf32, #tpu.memory_space<vmem>>
    %dma_start3A_287 = arith.constant 0 : i32
    %dma_start3A_288 = tpu.memref_slice %arg2[%get3A_278, %dma_start3A_287] : memref<1000000x32xf32, #tpu.memory_space<hbm>> -> memref<1x32xf32, #tpu.memory_space<hbm>>
    tpu.enqueue_dma source(%dma_start3A_288 : memref<1x32xf32, #tpu.memory_space<hbm>>) target(%dma_start3A_286 : memref<1x32xf32, #tpu.memory_space<vmem>>) target_semaphore(%arg8 : memref<!tpu.dma_semaphore, #tpu.memory_space<semaphore_mem>>)
    %get3A_289 = arith.constant 22 : i32
    %get3A_290 = arith.index_cast %get3A_289 : i32 to index
    %get3A_291 = memref.load %arg6[%get3A_290] : memref<512xi32, #tpu.memory_space<smem>>
    %dma_start3A_292 = arith.constant 22 : i32
    %dma_start3A_293 = arith.constant 0 : i32
    %dma_start3A_294 = tpu.memref_slice %arg7[%dma_start3A_292, %dma_start3A_293] : memref<512x32xf32, #tpu.memory_space<vmem>> -> memref<1x32xf32, #tpu.memory_space<vmem>>
    %dma_start3A_295 = arith.constant 0 : i32
    %dma_start3A_296 = tpu.memref_slice %arg2[%get3A_291, %dma_start3A_295] : memref<1000000x32xf32, #tpu.memory_space<hbm>> -> memref<1x32xf32, #tpu.memory_space<hbm>>
    %dma_start3A_297 = arith.constant 22 : i32
    %dma_start3A_298 = arith.constant 0 : i32
    %dma_start3A_299 = tpu.memref_slice %arg7[%dma_start3A_297, %dma_start3A_298] : memref<512x32xf32, #tpu.memory_space<vmem>> -> memref<1x32xf32, #tpu.memory_space<vmem>>
    %dma_start3A_300 = arith.constant 0 : i32
    %dma_start3A_301 = tpu.memref_slice %arg2[%get3A_291, %dma_start3A_300] : memref<1000000x32xf32, #tpu.memory_space<hbm>> -> memref<1x32xf32, #tpu.memory_space<hbm>>
    tpu.enqueue_dma source(%dma_start3A_301 : memref<1x32xf32, #tpu.memory_space<hbm>>) target(%dma_start3A_299 : memref<1x32xf32, #tpu.memory_space<vmem>>) target_semaphore(%arg8 : memref<!tpu.dma_semaphore, #tpu.memory_space<semaphore_mem>>)
    %get3A_302 = arith.constant 23 : i32
    %get3A_303 = arith.index_cast %get3A_302 : i32 to index
    %get3A_304 = memref.load %arg6[%get3A_303] : memref<512xi32, #tpu.memory_space<smem>>
    %dma_start3A_305 = arith.constant 23 : i32
    %dma_start3A_306 = arith.constant 0 : i32
    %dma_start3A_307 = tpu.memref_slice %arg7[%dma_start3A_305, %dma_start3A_306] : memref<512x32xf32, #tpu.memory_space<vmem>> -> memref<1x32xf32, #tpu.memory_space<vmem>>
    %dma_start3A_308 = arith.constant 0 : i32
    %dma_start3A_309 = tpu.memref_slice %arg2[%get3A_304, %dma_start3A_308] : memref<1000000x32xf32, #tpu.memory_space<hbm>> -> memref<1x32xf32, #tpu.memory_space<hbm>>
    %dma_start3A_310 = arith.constant 23 : i32
    %dma_start3A_311 = arith.constant 0 : i32
    %dma_start3A_312 = tpu.memref_slice %arg7[%dma_start3A_310, %dma_start3A_311] : memref<512x32xf32, #tpu.memory_space<vmem>> -> memref<1x32xf32, #tpu.memory_space<vmem>>
    %dma_start3A_313 = arith.constant 0 : i32
    %dma_start3A_314 = tpu.memref_slice %arg2[%get3A_304, %dma_start3A_313] : memref<1000000x32xf32, #tpu.memory_space<hbm>> -> memref<1x32xf32, #tpu.memory_space<hbm>>
    tpu.enqueue_dma source(%dma_start3A_314 : memref<1x32xf32, #tpu.memory_space<hbm>>) target(%dma_start3A_312 : memref<1x32xf32, #tpu.memory_space<vmem>>) target_semaphore(%arg8 : memref<!tpu.dma_semaphore, #tpu.memory_space<semaphore_mem>>)
    %get3A_315 = arith.constant 24 : i32
    %get3A_316 = arith.index_cast %get3A_315 : i32 to index
    %get3A_317 = memref.load %arg6[%get3A_316] : memref<512xi32, #tpu.memory_space<smem>>
    %dma_start3A_318 = arith.constant 24 : i32
    %dma_start3A_319 = arith.constant 0 : i32
    %dma_start3A_320 = tpu.memref_slice %arg7[%dma_start3A_318, %dma_start3A_319] : memref<512x32xf32, #tpu.memory_space<vmem>> -> memref<1x32xf32, #tpu.memory_space<vmem>>
    %dma_start3A_321 = arith.constant 0 : i32
    %dma_start3A_322 = tpu.memref_slice %arg2[%get3A_317, %dma_start3A_321] : memref<1000000x32xf32, #tpu.memory_space<hbm>> -> memref<1x32xf32, #tpu.memory_space<hbm>>
    %dma_start3A_323 = arith.constant 24 : i32
    %dma_start3A_324 = arith.constant 0 : i32
    %dma_start3A_325 = tpu.memref_slice %arg7[%dma_start3A_323, %dma_start3A_324] : memref<512x32xf32, #tpu.memory_space<vmem>> -> memref<1x32xf32, #tpu.memory_space<vmem>>
    %dma_start3A_326 = arith.constant 0 : i32
    %dma_start3A_327 = tpu.memref_slice %arg2[%get3A_317, %dma_start3A_326] : memref<1000000x32xf32, #tpu.memory_space<hbm>> -> memref<1x32xf32, #tpu.memory_space<hbm>>
    tpu.enqueue_dma source(%dma_start3A_327 : memref<1x32xf32, #tpu.memory_space<hbm>>) target(%dma_start3A_325 : memref<1x32xf32, #tpu.memory_space<vmem>>) target_semaphore(%arg8 : memref<!tpu.dma_semaphore, #tpu.memory_space<semaphore_mem>>)
    %get3A_328 = arith.constant 25 : i32
    %get3A_329 = arith.index_cast %get3A_328 : i32 to index
    %get3A_330 = memref.load %arg6[%get3A_329] : memref<512xi32, #tpu.memory_space<smem>>
    %dma_start3A_331 = arith.constant 25 : i32
    %dma_start3A_332 = arith.constant 0 : i32
    %dma_start3A_333 = tpu.memref_slice %arg7[%dma_start3A_331, %dma_start3A_332] : memref<512x32xf32, #tpu.memory_space<vmem>> -> memref<1x32xf32, #tpu.memory_space<vmem>>
    %dma_start3A_334 = arith.constant 0 : i32
    %dma_start3A_335 = tpu.memref_slice %arg2[%get3A_330, %dma_start3A_334] : memref<1000000x32xf32, #tpu.memory_space<hbm>> -> memref<1x32xf32, #tpu.memory_space<hbm>>
    %dma_start3A_336 = arith.constant 25 : i32
    %dma_start3A_337 = arith.constant 0 : i32
    %dma_start3A_338 = tpu.memref_slice %arg7[%dma_start3A_336, %dma_start3A_337] : memref<512x32xf32, #tpu.memory_space<vmem>> -> memref<1x32xf32, #tpu.memory_space<vmem>>
    %dma_start3A_339 = arith.constant 0 : i32
    %dma_start3A_340 = tpu.memref_slice %arg2[%get3A_330, %dma_start3A_339] : memref<1000000x32xf32, #tpu.memory_space<hbm>> -> memref<1x32xf32, #tpu.memory_space<hbm>>
    tpu.enqueue_dma source(%dma_start3A_340 : memref<1x32xf32, #tpu.memory_space<hbm>>) target(%dma_start3A_338 : memref<1x32xf32, #tpu.memory_space<vmem>>) target_semaphore(%arg8 : memref<!tpu.dma_semaphore, #tpu.memory_space<semaphore_mem>>)
    %get3A_341 = arith.constant 26 : i32
    %get3A_342 = arith.index_cast %get3A_341 : i32 to index
    %get3A_343 = memref.load %arg6[%get3A_342] : memref<512xi32, #tpu.memory_space<smem>>
    %dma_start3A_344 = arith.constant 26 : i32
    %dma_start3A_345 = arith.constant 0 : i32
    %dma_start3A_346 = tpu.memref_slice %arg7[%dma_start3A_344, %dma_start3A_345] : memref<512x32xf32, #tpu.memory_space<vmem>> -> memref<1x32xf32, #tpu.memory_space<vmem>>
    %dma_start3A_347 = arith.constant 0 : i32
    %dma_start3A_348 = tpu.memref_slice %arg2[%get3A_343, %dma_start3A_347] : memref<1000000x32xf32, #tpu.memory_space<hbm>> -> memref<1x32xf32, #tpu.memory_space<hbm>>
    %dma_start3A_349 = arith.constant 26 : i32
    %dma_start3A_350 = arith.constant 0 : i32
    %dma_start3A_351 = tpu.memref_slice %arg7[%dma_start3A_349, %dma_start3A_350] : memref<512x32xf32, #tpu.memory_space<vmem>> -> memref<1x32xf32, #tpu.memory_space<vmem>>
    %dma_start3A_352 = arith.constant 0 : i32
    %dma_start3A_353 = tpu.memref_slice %arg2[%get3A_343, %dma_start3A_352] : memref<1000000x32xf32, #tpu.memory_space<hbm>> -> memref<1x32xf32, #tpu.memory_space<hbm>>
    tpu.enqueue_dma source(%dma_start3A_353 : memref<1x32xf32, #tpu.memory_space<hbm>>) target(%dma_start3A_351 : memref<1x32xf32, #tpu.memory_space<vmem>>) target_semaphore(%arg8 : memref<!tpu.dma_semaphore, #tpu.memory_space<semaphore_mem>>)
    %get3A_354 = arith.constant 27 : i32
    %get3A_355 = arith.index_cast %get3A_354 : i32 to index
    %get3A_356 = memref.load %arg6[%get3A_355] : memref<512xi32, #tpu.memory_space<smem>>
    %dma_start3A_357 = arith.constant 27 : i32
    %dma_start3A_358 = arith.constant 0 : i32
    %dma_start3A_359 = tpu.memref_slice %arg7[%dma_start3A_357, %dma_start3A_358] : memref<512x32xf32, #tpu.memory_space<vmem>> -> memref<1x32xf32, #tpu.memory_space<vmem>>
    %dma_start3A_360 = arith.constant 0 : i32
    %dma_start3A_361 = tpu.memref_slice %arg2[%get3A_356, %dma_start3A_360] : memref<1000000x32xf32, #tpu.memory_space<hbm>> -> memref<1x32xf32, #tpu.memory_space<hbm>>
    %dma_start3A_362 = arith.constant 27 : i32
    %dma_start3A_363 = arith.constant 0 : i32
    %dma_start3A_364 = tpu.memref_slice %arg7[%dma_start3A_362, %dma_start3A_363] : memref<512x32xf32, #tpu.memory_space<vmem>> -> memref<1x32xf32, #tpu.memory_space<vmem>>
    %dma_start3A_365 = arith.constant 0 : i32
    %dma_start3A_366 = tpu.memref_slice %arg2[%get3A_356, %dma_start3A_365] : memref<1000000x32xf32, #tpu.memory_space<hbm>> -> memref<1x32xf32, #tpu.memory_space<hbm>>
    tpu.enqueue_dma source(%dma_start3A_366 : memref<1x32xf32, #tpu.memory_space<hbm>>) target(%dma_start3A_364 : memref<1x32xf32, #tpu.memory_space<vmem>>) target_semaphore(%arg8 : memref<!tpu.dma_semaphore, #tpu.memory_space<semaphore_mem>>)
    %get3A_367 = arith.constant 28 : i32
    %get3A_368 = arith.index_cast %get3A_367 : i32 to index
    %get3A_369 = memref.load %arg6[%get3A_368] : memref<512xi32, #tpu.memory_space<smem>>
    %dma_start3A_370 = arith.constant 28 : i32
    %dma_start3A_371 = arith.constant 0 : i32
    %dma_start3A_372 = tpu.memref_slice %arg7[%dma_start3A_370, %dma_start3A_371] : memref<512x32xf32, #tpu.memory_space<vmem>> -> memref<1x32xf32, #tpu.memory_space<vmem>>
    %dma_start3A_373 = arith.constant 0 : i32
    %dma_start3A_374 = tpu.memref_slice %arg2[%get3A_369, %dma_start3A_373] : memref<1000000x32xf32, #tpu.memory_space<hbm>> -> memref<1x32xf32, #tpu.memory_space<hbm>>
    %dma_start3A_375 = arith.constant 28 : i32
    %dma_start3A_376 = arith.constant 0 : i32
    %dma_start3A_377 = tpu.memref_slice %arg7[%dma_start3A_375, %dma_start3A_376] : memref<512x32xf32, #tpu.memory_space<vmem>> -> memref<1x32xf32, #tpu.memory_space<vmem>>
    %dma_start3A_378 = arith.constant 0 : i32
    %dma_start3A_379 = tpu.memref_slice %arg2[%get3A_369, %dma_start3A_378] : memref<1000000x32xf32, #tpu.memory_space<hbm>> -> memref<1x32xf32, #tpu.memory_space<hbm>>
    tpu.enqueue_dma source(%dma_start3A_379 : memref<1x32xf32, #tpu.memory_space<hbm>>) target(%dma_start3A_377 : memref<1x32xf32, #tpu.memory_space<vmem>>) target_semaphore(%arg8 : memref<!tpu.dma_semaphore, #tpu.memory_space<semaphore_mem>>)
    %get3A_380 = arith.constant 29 : i32
    %get3A_381 = arith.index_cast %get3A_380 : i32 to index
    %get3A_382 = memref.load %arg6[%get3A_381] : memref<512xi32, #tpu.memory_space<smem>>
    %dma_start3A_383 = arith.constant 29 : i32
    %dma_start3A_384 = arith.constant 0 : i32
    %dma_start3A_385 = tpu.memref_slice %arg7[%dma_start3A_383, %dma_start3A_384] : memref<512x32xf32, #tpu.memory_space<vmem>> -> memref<1x32xf32, #tpu.memory_space<vmem>>
    %dma_start3A_386 = arith.constant 0 : i32
    %dma_start3A_387 = tpu.memref_slice %arg2[%get3A_382, %dma_start3A_386] : memref<1000000x32xf32, #tpu.memory_space<hbm>> -> memref<1x32xf32, #tpu.memory_space<hbm>>
    %dma_start3A_388 = arith.constant 29 : i32
    %dma_start3A_389 = arith.constant 0 : i32
    %dma_start3A_390 = tpu.memref_slice %arg7[%dma_start3A_388, %dma_start3A_389] : memref<512x32xf32, #tpu.memory_space<vmem>> -> memref<1x32xf32, #tpu.memory_space<vmem>>
    %dma_start3A_391 = arith.constant 0 : i32
    %dma_start3A_392 = tpu.memref_slice %arg2[%get3A_382, %dma_start3A_391] : memref<1000000x32xf32, #tpu.memory_space<hbm>> -> memref<1x32xf32, #tpu.memory_space<hbm>>
    tpu.enqueue_dma source(%dma_start3A_392 : memref<1x32xf32, #tpu.memory_space<hbm>>) target(%dma_start3A_390 : memref<1x32xf32, #tpu.memory_space<vmem>>) target_semaphore(%arg8 : memref<!tpu.dma_semaphore, #tpu.memory_space<semaphore_mem>>)
    %get3A_393 = arith.constant 30 : i32
    %get3A_394 = arith.index_cast %get3A_393 : i32 to index
    %get3A_395 = memref.load %arg6[%get3A_394] : memref<512xi32, #tpu.memory_space<smem>>
    %dma_start3A_396 = arith.constant 30 : i32
    %dma_start3A_397 = arith.constant 0 : i32
    %dma_start3A_398 = tpu.memref_slice %arg7[%dma_start3A_396, %dma_start3A_397] : memref<512x32xf32, #tpu.memory_space<vmem>> -> memref<1x32xf32, #tpu.memory_space<vmem>>
    %dma_start3A_399 = arith.constant 0 : i32
    %dma_start3A_400 = tpu.memref_slice %arg2[%get3A_395, %dma_start3A_399] : memref<1000000x32xf32, #tpu.memory_space<hbm>> -> memref<1x32xf32, #tpu.memory_space<hbm>>
    %dma_start3A_401 = arith.constant 30 : i32
    %dma_start3A_402 = arith.constant 0 : i32
    %dma_start3A_403 = tpu.memref_slice %arg7[%dma_start3A_401, %dma_start3A_402] : memref<512x32xf32, #tpu.memory_space<vmem>> -> memref<1x32xf32, #tpu.memory_space<vmem>>
    %dma_start3A_404 = arith.constant 0 : i32
    %dma_start3A_405 = tpu.memref_slice %arg2[%get3A_395, %dma_start3A_404] : memref<1000000x32xf32, #tpu.memory_space<hbm>> -> memref<1x32xf32, #tpu.memory_space<hbm>>
    tpu.enqueue_dma source(%dma_start3A_405 : memref<1x32xf32, #tpu.memory_space<hbm>>) target(%dma_start3A_403 : memref<1x32xf32, #tpu.memory_space<vmem>>) target_semaphore(%arg8 : memref<!tpu.dma_semaphore, #tpu.memory_space<semaphore_mem>>)
    %get3A_406 = arith.constant 31 : i32
    %get3A_407 = arith.index_cast %get3A_406 : i32 to index
    %get3A_408 = memref.load %arg6[%get3A_407] : memref<512xi32, #tpu.memory_space<smem>>
    %dma_start3A_409 = arith.constant 31 : i32
    %dma_start3A_410 = arith.constant 0 : i32
    %dma_start3A_411 = tpu.memref_slice %arg7[%dma_start3A_409, %dma_start3A_410] : memref<512x32xf32, #tpu.memory_space<vmem>> -> memref<1x32xf32, #tpu.memory_space<vmem>>
    %dma_start3A_412 = arith.constant 0 : i32
    %dma_start3A_413 = tpu.memref_slice %arg2[%get3A_408, %dma_start3A_412] : memref<1000000x32xf32, #tpu.memory_space<hbm>> -> memref<1x32xf32, #tpu.memory_space<hbm>>
    %dma_start3A_414 = arith.constant 31 : i32
    %dma_start3A_415 = arith.constant 0 : i32
    %dma_start3A_416 = tpu.memref_slice %arg7[%dma_start3A_414, %dma_start3A_415] : memref<512x32xf32, #tpu.memory_space<vmem>> -> memref<1x32xf32, #tpu.memory_space<vmem>>
    %dma_start3A_417 = arith.constant 0 : i32
    %dma_start3A_418 = tpu.memref_slice %arg2[%get3A_408, %dma_start3A_417] : memref<1000000x32xf32, #tpu.memory_space<hbm>> -> memref<1x32xf32, #tpu.memory_space<hbm>>
    tpu.enqueue_dma source(%dma_start3A_418 : memref<1x32xf32, #tpu.memory_space<hbm>>) target(%dma_start3A_416 : memref<1x32xf32, #tpu.memory_space<vmem>>) target_semaphore(%arg8 : memref<!tpu.dma_semaphore, #tpu.memory_space<semaphore_mem>>)
    %get3A_419 = arith.constant 32 : i32
    %get3A_420 = arith.index_cast %get3A_419 : i32 to index
    %get3A_421 = memref.load %arg6[%get3A_420] : memref<512xi32, #tpu.memory_space<smem>>
    %dma_start3A_422 = arith.constant 32 : i32
    %dma_start3A_423 = arith.constant 0 : i32
    %dma_start3A_424 = tpu.memref_slice %arg7[%dma_start3A_422, %dma_start3A_423] : memref<512x32xf32, #tpu.memory_space<vmem>> -> memref<1x32xf32, #tpu.memory_space<vmem>>
    %dma_start3A_425 = arith.constant 0 : i32
    %dma_start3A_426 = tpu.memref_slice %arg2[%get3A_421, %dma_start3A_425] : memref<1000000x32xf32, #tpu.memory_space<hbm>> -> memref<1x32xf32, #tpu.memory_space<hbm>>
    %dma_start3A_427 = arith.constant 32 : i32
    %dma_start3A_428 = arith.constant 0 : i32
    %dma_start3A_429 = tpu.memref_slice %arg7[%dma_start3A_427, %dma_start3A_428] : memref<512x32xf32, #tpu.memory_space<vmem>> -> memref<1x32xf32, #tpu.memory_space<vmem>>
    %dma_start3A_430 = arith.constant 0 : i32
    %dma_start3A_431 = tpu.memref_slice %arg2[%get3A_421, %dma_start3A_430] : memref<1000000x32xf32, #tpu.memory_space<hbm>> -> memref<1x32xf32, #tpu.memory_space<hbm>>
    tpu.enqueue_dma source(%dma_start3A_431 : memref<1x32xf32, #tpu.memory_space<hbm>>) target(%dma_start3A_429 : memref<1x32xf32, #tpu.memory_space<vmem>>) target_semaphore(%arg8 : memref<!tpu.dma_semaphore, #tpu.memory_space<semaphore_mem>>)
    %get3A_432 = arith.constant 33 : i32
    %get3A_433 = arith.index_cast %get3A_432 : i32 to index
    %get3A_434 = memref.load %arg6[%get3A_433] : memref<512xi32, #tpu.memory_space<smem>>
    %dma_start3A_435 = arith.constant 33 : i32
    %dma_start3A_436 = arith.constant 0 : i32
    %dma_start3A_437 = tpu.memref_slice %arg7[%dma_start3A_435, %dma_start3A_436] : memref<512x32xf32, #tpu.memory_space<vmem>> -> memref<1x32xf32, #tpu.memory_space<vmem>>
    %dma_start3A_438 = arith.constant 0 : i32
    %dma_start3A_439 = tpu.memref_slice %arg2[%get3A_434, %dma_start3A_438] : memref<1000000x32xf32, #tpu.memory_space<hbm>> -> memref<1x32xf32, #tpu.memory_space<hbm>>
    %dma_start3A_440 = arith.constant 33 : i32
    %dma_start3A_441 = arith.constant 0 : i32
    %dma_start3A_442 = tpu.memref_slice %arg7[%dma_start3A_440, %dma_start3A_441] : memref<512x32xf32, #tpu.memory_space<vmem>> -> memref<1x32xf32, #tpu.memory_space<vmem>>
    %dma_start3A_443 = arith.constant 0 : i32
    %dma_start3A_444 = tpu.memref_slice %arg2[%get3A_434, %dma_start3A_443] : memref<1000000x32xf32, #tpu.memory_space<hbm>> -> memref<1x32xf32, #tpu.memory_space<hbm>>
    tpu.enqueue_dma source(%dma_start3A_444 : memref<1x32xf32, #tpu.memory_space<hbm>>) target(%dma_start3A_442 : memref<1x32xf32, #tpu.memory_space<vmem>>) target_semaphore(%arg8 : memref<!tpu.dma_semaphore, #tpu.memory_space<semaphore_mem>>)
    %get3A_445 = arith.constant 34 : i32
    %get3A_446 = arith.index_cast %get3A_445 : i32 to index
    %get3A_447 = memref.load %arg6[%get3A_446] : memref<512xi32, #tpu.memory_space<smem>>
    %dma_start3A_448 = arith.constant 34 : i32
    %dma_start3A_449 = arith.constant 0 : i32
    %dma_start3A_450 = tpu.memref_slice %arg7[%dma_start3A_448, %dma_start3A_449] : memref<512x32xf32, #tpu.memory_space<vmem>> -> memref<1x32xf32, #tpu.memory_space<vmem>>
    %dma_start3A_451 = arith.constant 0 : i32
    %dma_start3A_452 = tpu.memref_slice %arg2[%get3A_447, %dma_start3A_451] : memref<1000000x32xf32, #tpu.memory_space<hbm>> -> memref<1x32xf32, #tpu.memory_space<hbm>>
    %dma_start3A_453 = arith.constant 34 : i32
    %dma_start3A_454 = arith.constant 0 : i32
    %dma_start3A_455 = tpu.memref_slice %arg7[%dma_start3A_453, %dma_start3A_454] : memref<512x32xf32, #tpu.memory_space<vmem>> -> memref<1x32xf32, #tpu.memory_space<vmem>>
    %dma_start3A_456 = arith.constant 0 : i32
    %dma_start3A_457 = tpu.memref_slice %arg2[%get3A_447, %dma_start3A_456] : memref<1000000x32xf32, #tpu.memory_space<hbm>> -> memref<1x32xf32, #tpu.memory_space<hbm>>
    tpu.enqueue_dma source(%dma_start3A_457 : memref<1x32xf32, #tpu.memory_space<hbm>>) target(%dma_start3A_455 : memref<1x32xf32, #tpu.memory_space<vmem>>) target_semaphore(%arg8 : memref<!tpu.dma_semaphore, #tpu.memory_space<semaphore_mem>>)
    %get3A_458 = arith.constant 35 : i32
    %get3A_459 = arith.index_cast %get3A_458 : i32 to index
    %get3A_460 = memref.load %arg6[%get3A_459] : memref<512xi32, #tpu.memory_space<smem>>
    %dma_start3A_461 = arith.constant 35 : i32
    %dma_start3A_462 = arith.constant 0 : i32
    %dma_start3A_463 = tpu.memref_slice %arg7[%dma_start3A_461, %dma_start3A_462] : memref<512x32xf32, #tpu.memory_space<vmem>> -> memref<1x32xf32, #tpu.memory_space<vmem>>
    %dma_start3A_464 = arith.constant 0 : i32
    %dma_start3A_465 = tpu.memref_slice %arg2[%get3A_460, %dma_start3A_464] : memref<1000000x32xf32, #tpu.memory_space<hbm>> -> memref<1x32xf32, #tpu.memory_space<hbm>>
    %dma_start3A_466 = arith.constant 35 : i32
    %dma_start3A_467 = arith.constant 0 : i32
    %dma_start3A_468 = tpu.memref_slice %arg7[%dma_start3A_466, %dma_start3A_467] : memref<512x32xf32, #tpu.memory_space<vmem>> -> memref<1x32xf32, #tpu.memory_space<vmem>>
    %dma_start3A_469 = arith.constant 0 : i32
    %dma_start3A_470 = tpu.memref_slice %arg2[%get3A_460, %dma_start3A_469] : memref<1000000x32xf32, #tpu.memory_space<hbm>> -> memref<1x32xf32, #tpu.memory_space<hbm>>
    tpu.enqueue_dma source(%dma_start3A_470 : memref<1x32xf32, #tpu.memory_space<hbm>>) target(%dma_start3A_468 : memref<1x32xf32, #tpu.memory_space<vmem>>) target_semaphore(%arg8 : memref<!tpu.dma_semaphore, #tpu.memory_space<semaphore_mem>>)
    %get3A_471 = arith.constant 36 : i32
    %get3A_472 = arith.index_cast %get3A_471 : i32 to index
    %get3A_473 = memref.load %arg6[%get3A_472] : memref<512xi32, #tpu.memory_space<smem>>
    %dma_start3A_474 = arith.constant 36 : i32
    %dma_start3A_475 = arith.constant 0 : i32
    %dma_start3A_476 = tpu.memref_slice %arg7[%dma_start3A_474, %dma_start3A_475] : memref<512x32xf32, #tpu.memory_space<vmem>> -> memref<1x32xf32, #tpu.memory_space<vmem>>
    %dma_start3A_477 = arith.constant 0 : i32
    %dma_start3A_478 = tpu.memref_slice %arg2[%get3A_473, %dma_start3A_477] : memref<1000000x32xf32, #tpu.memory_space<hbm>> -> memref<1x32xf32, #tpu.memory_space<hbm>>
    %dma_start3A_479 = arith.constant 36 : i32
    %dma_start3A_480 = arith.constant 0 : i32
    %dma_start3A_481 = tpu.memref_slice %arg7[%dma_start3A_479, %dma_start3A_480] : memref<512x32xf32, #tpu.memory_space<vmem>> -> memref<1x32xf32, #tpu.memory_space<vmem>>
    %dma_start3A_482 = arith.constant 0 : i32
    %dma_start3A_483 = tpu.memref_slice %arg2[%get3A_473, %dma_start3A_482] : memref<1000000x32xf32, #tpu.memory_space<hbm>> -> memref<1x32xf32, #tpu.memory_space<hbm>>
    tpu.enqueue_dma source(%dma_start3A_483 : memref<1x32xf32, #tpu.memory_space<hbm>>) target(%dma_start3A_481 : memref<1x32xf32, #tpu.memory_space<vmem>>) target_semaphore(%arg8 : memref<!tpu.dma_semaphore, #tpu.memory_space<semaphore_mem>>)
    %get3A_484 = arith.constant 37 : i32
    %get3A_485 = arith.index_cast %get3A_484 : i32 to index
    %get3A_486 = memref.load %arg6[%get3A_485] : memref<512xi32, #tpu.memory_space<smem>>
    %dma_start3A_487 = arith.constant 37 : i32
    %dma_start3A_488 = arith.constant 0 : i32
    %dma_start3A_489 = tpu.memref_slice %arg7[%dma_start3A_487, %dma_start3A_488] : memref<512x32xf32, #tpu.memory_space<vmem>> -> memref<1x32xf32, #tpu.memory_space<vmem>>
    %dma_start3A_490 = arith.constant 0 : i32
    %dma_start3A_491 = tpu.memref_slice %arg2[%get3A_486, %dma_start3A_490] : memref<1000000x32xf32, #tpu.memory_space<hbm>> -> memref<1x32xf32, #tpu.memory_space<hbm>>
    %dma_start3A_492 = arith.constant 37 : i32
    %dma_start3A_493 = arith.constant 0 : i32
    %dma_start3A_494 = tpu.memref_slice %arg7[%dma_start3A_492, %dma_start3A_493] : memref<512x32xf32, #tpu.memory_space<vmem>> -> memref<1x32xf32, #tpu.memory_space<vmem>>
    %dma_start3A_495 = arith.constant 0 : i32
    %dma_start3A_496 = tpu.memref_slice %arg2[%get3A_486, %dma_start3A_495] : memref<1000000x32xf32, #tpu.memory_space<hbm>> -> memref<1x32xf32, #tpu.memory_space<hbm>>
    tpu.enqueue_dma source(%dma_start3A_496 : memref<1x32xf32, #tpu.memory_space<hbm>>) target(%dma_start3A_494 : memref<1x32xf32, #tpu.memory_space<vmem>>) target_semaphore(%arg8 : memref<!tpu.dma_semaphore, #tpu.memory_space<semaphore_mem>>)
    %get3A_497 = arith.constant 38 : i32
    %get3A_498 = arith.index_cast %get3A_497 : i32 to index
    %get3A_499 = memref.load %arg6[%get3A_498] : memref<512xi32, #tpu.memory_space<smem>>
    %dma_start3A_500 = arith.constant 38 : i32
    %dma_start3A_501 = arith.constant 0 : i32
    %dma_start3A_502 = tpu.memref_slice %arg7[%dma_start3A_500, %dma_start3A_501] : memref<512x32xf32, #tpu.memory_space<vmem>> -> memref<1x32xf32, #tpu.memory_space<vmem>>
    %dma_start3A_503 = arith.constant 0 : i32
    %dma_start3A_504 = tpu.memref_slice %arg2[%get3A_499, %dma_start3A_503] : memref<1000000x32xf32, #tpu.memory_space<hbm>> -> memref<1x32xf32, #tpu.memory_space<hbm>>
    %dma_start3A_505 = arith.constant 38 : i32
    %dma_start3A_506 = arith.constant 0 : i32
    %dma_start3A_507 = tpu.memref_slice %arg7[%dma_start3A_505, %dma_start3A_506] : memref<512x32xf32, #tpu.memory_space<vmem>> -> memref<1x32xf32, #tpu.memory_space<vmem>>
    %dma_start3A_508 = arith.constant 0 : i32
    %dma_start3A_509 = tpu.memref_slice %arg2[%get3A_499, %dma_start3A_508] : memref<1000000x32xf32, #tpu.memory_space<hbm>> -> memref<1x32xf32, #tpu.memory_space<hbm>>
    tpu.enqueue_dma source(%dma_start3A_509 : memref<1x32xf32, #tpu.memory_space<hbm>>) target(%dma_start3A_507 : memref<1x32xf32, #tpu.memory_space<vmem>>) target_semaphore(%arg8 : memref<!tpu.dma_semaphore, #tpu.memory_space<semaphore_mem>>)
    %get3A_510 = arith.constant 39 : i32
    %get3A_511 = arith.index_cast %get3A_510 : i32 to index
    %get3A_512 = memref.load %arg6[%get3A_511] : memref<512xi32, #tpu.memory_space<smem>>
    %dma_start3A_513 = arith.constant 39 : i32
    %dma_start3A_514 = arith.constant 0 : i32
    %dma_start3A_515 = tpu.memref_slice %arg7[%dma_start3A_513, %dma_start3A_514] : memref<512x32xf32, #tpu.memory_space<vmem>> -> memref<1x32xf32, #tpu.memory_space<vmem>>
    %dma_start3A_516 = arith.constant 0 : i32
    %dma_start3A_517 = tpu.memref_slice %arg2[%get3A_512, %dma_start3A_516] : memref<1000000x32xf32, #tpu.memory_space<hbm>> -> memref<1x32xf32, #tpu.memory_space<hbm>>
    %dma_start3A_518 = arith.constant 39 : i32
    %dma_start3A_519 = arith.constant 0 : i32
    %dma_start3A_520 = tpu.memref_slice %arg7[%dma_start3A_518, %dma_start3A_519] : memref<512x32xf32, #tpu.memory_space<vmem>> -> memref<1x32xf32, #tpu.memory_space<vmem>>
    %dma_start3A_521 = arith.constant 0 : i32
    %dma_start3A_522 = tpu.memref_slice %arg2[%get3A_512, %dma_start3A_521] : memref<1000000x32xf32, #tpu.memory_space<hbm>> -> memref<1x32xf32, #tpu.memory_space<hbm>>
    tpu.enqueue_dma source(%dma_start3A_522 : memref<1x32xf32, #tpu.memory_space<hbm>>) target(%dma_start3A_520 : memref<1x32xf32, #tpu.memory_space<vmem>>) target_semaphore(%arg8 : memref<!tpu.dma_semaphore, #tpu.memory_space<semaphore_mem>>)
    %get3A_523 = arith.constant 40 : i32
    %get3A_524 = arith.index_cast %get3A_523 : i32 to index
    %get3A_525 = memref.load %arg6[%get3A_524] : memref<512xi32, #tpu.memory_space<smem>>
    %dma_start3A_526 = arith.constant 40 : i32
    %dma_start3A_527 = arith.constant 0 : i32
    %dma_start3A_528 = tpu.memref_slice %arg7[%dma_start3A_526, %dma_start3A_527] : memref<512x32xf32, #tpu.memory_space<vmem>> -> memref<1x32xf32, #tpu.memory_space<vmem>>
    %dma_start3A_529 = arith.constant 0 : i32
    %dma_start3A_530 = tpu.memref_slice %arg2[%get3A_525, %dma_start3A_529] : memref<1000000x32xf32, #tpu.memory_space<hbm>> -> memref<1x32xf32, #tpu.memory_space<hbm>>
    %dma_start3A_531 = arith.constant 40 : i32
    %dma_start3A_532 = arith.constant 0 : i32
    %dma_start3A_533 = tpu.memref_slice %arg7[%dma_start3A_531, %dma_start3A_532] : memref<512x32xf32, #tpu.memory_space<vmem>> -> memref<1x32xf32, #tpu.memory_space<vmem>>
    %dma_start3A_534 = arith.constant 0 : i32
    %dma_start3A_535 = tpu.memref_slice %arg2[%get3A_525, %dma_start3A_534] : memref<1000000x32xf32, #tpu.memory_space<hbm>> -> memref<1x32xf32, #tpu.memory_space<hbm>>
    tpu.enqueue_dma source(%dma_start3A_535 : memref<1x32xf32, #tpu.memory_space<hbm>>) target(%dma_start3A_533 : memref<1x32xf32, #tpu.memory_space<vmem>>) target_semaphore(%arg8 : memref<!tpu.dma_semaphore, #tpu.memory_space<semaphore_mem>>)
    %get3A_536 = arith.constant 41 : i32
    %get3A_537 = arith.index_cast %get3A_536 : i32 to index
    %get3A_538 = memref.load %arg6[%get3A_537] : memref<512xi32, #tpu.memory_space<smem>>
    %dma_start3A_539 = arith.constant 41 : i32
    %dma_start3A_540 = arith.constant 0 : i32
    %dma_start3A_541 = tpu.memref_slice %arg7[%dma_start3A_539, %dma_start3A_540] : memref<512x32xf32, #tpu.memory_space<vmem>> -> memref<1x32xf32, #tpu.memory_space<vmem>>
    %dma_start3A_542 = arith.constant 0 : i32
    %dma_start3A_543 = tpu.memref_slice %arg2[%get3A_538, %dma_start3A_542] : memref<1000000x32xf32, #tpu.memory_space<hbm>> -> memref<1x32xf32, #tpu.memory_space<hbm>>
    %dma_start3A_544 = arith.constant 41 : i32
    %dma_start3A_545 = arith.constant 0 : i32
    %dma_start3A_546 = tpu.memref_slice %arg7[%dma_start3A_544, %dma_start3A_545] : memref<512x32xf32, #tpu.memory_space<vmem>> -> memref<1x32xf32, #tpu.memory_space<vmem>>
    %dma_start3A_547 = arith.constant 0 : i32
    %dma_start3A_548 = tpu.memref_slice %arg2[%get3A_538, %dma_start3A_547] : memref<1000000x32xf32, #tpu.memory_space<hbm>> -> memref<1x32xf32, #tpu.memory_space<hbm>>
    tpu.enqueue_dma source(%dma_start3A_548 : memref<1x32xf32, #tpu.memory_space<hbm>>) target(%dma_start3A_546 : memref<1x32xf32, #tpu.memory_space<vmem>>) target_semaphore(%arg8 : memref<!tpu.dma_semaphore, #tpu.memory_space<semaphore_mem>>)
    %get3A_549 = arith.constant 42 : i32
    %get3A_550 = arith.index_cast %get3A_549 : i32 to index
    %get3A_551 = memref.load %arg6[%get3A_550] : memref<512xi32, #tpu.memory_space<smem>>
    %dma_start3A_552 = arith.constant 42 : i32
    %dma_start3A_553 = arith.constant 0 : i32
    %dma_start3A_554 = tpu.memref_slice %arg7[%dma_start3A_552, %dma_start3A_553] : memref<512x32xf32, #tpu.memory_space<vmem>> -> memref<1x32xf32, #tpu.memory_space<vmem>>
    %dma_start3A_555 = arith.constant 0 : i32
    %dma_start3A_556 = tpu.memref_slice %arg2[%get3A_551, %dma_start3A_555] : memref<1000000x32xf32, #tpu.memory_space<hbm>> -> memref<1x32xf32, #tpu.memory_space<hbm>>
    %dma_start3A_557 = arith.constant 42 : i32
    %dma_start3A_558 = arith.constant 0 : i32
    %dma_start3A_559 = tpu.memref_slice %arg7[%dma_start3A_557, %dma_start3A_558] : memref<512x32xf32, #tpu.memory_space<vmem>> -> memref<1x32xf32, #tpu.memory_space<vmem>>
    %dma_start3A_560 = arith.constant 0 : i32
    %dma_start3A_561 = tpu.memref_slice %arg2[%get3A_551, %dma_start3A_560] : memref<1000000x32xf32, #tpu.memory_space<hbm>> -> memref<1x32xf32, #tpu.memory_space<hbm>>
    tpu.enqueue_dma source(%dma_start3A_561 : memref<1x32xf32, #tpu.memory_space<hbm>>) target(%dma_start3A_559 : memref<1x32xf32, #tpu.memory_space<vmem>>) target_semaphore(%arg8 : memref<!tpu.dma_semaphore, #tpu.memory_space<semaphore_mem>>)
    %get3A_562 = arith.constant 43 : i32
    %get3A_563 = arith.index_cast %get3A_562 : i32 to index
    %get3A_564 = memref.load %arg6[%get3A_563] : memref<512xi32, #tpu.memory_space<smem>>
    %dma_start3A_565 = arith.constant 43 : i32
    %dma_start3A_566 = arith.constant 0 : i32
    %dma_start3A_567 = tpu.memref_slice %arg7[%dma_start3A_565, %dma_start3A_566] : memref<512x32xf32, #tpu.memory_space<vmem>> -> memref<1x32xf32, #tpu.memory_space<vmem>>
    %dma_start3A_568 = arith.constant 0 : i32
    %dma_start3A_569 = tpu.memref_slice %arg2[%get3A_564, %dma_start3A_568] : memref<1000000x32xf32, #tpu.memory_space<hbm>> -> memref<1x32xf32, #tpu.memory_space<hbm>>
    %dma_start3A_570 = arith.constant 43 : i32
    %dma_start3A_571 = arith.constant 0 : i32
    %dma_start3A_572 = tpu.memref_slice %arg7[%dma_start3A_570, %dma_start3A_571] : memref<512x32xf32, #tpu.memory_space<vmem>> -> memref<1x32xf32, #tpu.memory_space<vmem>>
    %dma_start3A_573 = arith.constant 0 : i32
    %dma_start3A_574 = tpu.memref_slice %arg2[%get3A_564, %dma_start3A_573] : memref<1000000x32xf32, #tpu.memory_space<hbm>> -> memref<1x32xf32, #tpu.memory_space<hbm>>
    tpu.enqueue_dma source(%dma_start3A_574 : memref<1x32xf32, #tpu.memory_space<hbm>>) target(%dma_start3A_572 : memref<1x32xf32, #tpu.memory_space<vmem>>) target_semaphore(%arg8 : memref<!tpu.dma_semaphore, #tpu.memory_space<semaphore_mem>>)
    %get3A_575 = arith.constant 44 : i32
    %get3A_576 = arith.index_cast %get3A_575 : i32 to index
    %get3A_577 = memref.load %arg6[%get3A_576] : memref<512xi32, #tpu.memory_space<smem>>
    %dma_start3A_578 = arith.constant 44 : i32
    %dma_start3A_579 = arith.constant 0 : i32
    %dma_start3A_580 = tpu.memref_slice %arg7[%dma_start3A_578, %dma_start3A_579] : memref<512x32xf32, #tpu.memory_space<vmem>> -> memref<1x32xf32, #tpu.memory_space<vmem>>
    %dma_start3A_581 = arith.constant 0 : i32
    %dma_start3A_582 = tpu.memref_slice %arg2[%get3A_577, %dma_start3A_581] : memref<1000000x32xf32, #tpu.memory_space<hbm>> -> memref<1x32xf32, #tpu.memory_space<hbm>>
    %dma_start3A_583 = arith.constant 44 : i32
    %dma_start3A_584 = arith.constant 0 : i32
    %dma_start3A_585 = tpu.memref_slice %arg7[%dma_start3A_583, %dma_start3A_584] : memref<512x32xf32, #tpu.memory_space<vmem>> -> memref<1x32xf32, #tpu.memory_space<vmem>>
    %dma_start3A_586 = arith.constant 0 : i32
    %dma_start3A_587 = tpu.memref_slice %arg2[%get3A_577, %dma_start3A_586] : memref<1000000x32xf32, #tpu.memory_space<hbm>> -> memref<1x32xf32, #tpu.memory_space<hbm>>
    tpu.enqueue_dma source(%dma_start3A_587 : memref<1x32xf32, #tpu.memory_space<hbm>>) target(%dma_start3A_585 : memref<1x32xf32, #tpu.memory_space<vmem>>) target_semaphore(%arg8 : memref<!tpu.dma_semaphore, #tpu.memory_space<semaphore_mem>>)
    %get3A_588 = arith.constant 45 : i32
    %get3A_589 = arith.index_cast %get3A_588 : i32 to index
    %get3A_590 = memref.load %arg6[%get3A_589] : memref<512xi32, #tpu.memory_space<smem>>
    %dma_start3A_591 = arith.constant 45 : i32
    %dma_start3A_592 = arith.constant 0 : i32
    %dma_start3A_593 = tpu.memref_slice %arg7[%dma_start3A_591, %dma_start3A_592] : memref<512x32xf32, #tpu.memory_space<vmem>> -> memref<1x32xf32, #tpu.memory_space<vmem>>
    %dma_start3A_594 = arith.constant 0 : i32
    %dma_start3A_595 = tpu.memref_slice %arg2[%get3A_590, %dma_start3A_594] : memref<1000000x32xf32, #tpu.memory_space<hbm>> -> memref<1x32xf32, #tpu.memory_space<hbm>>
    %dma_start3A_596 = arith.constant 45 : i32
    %dma_start3A_597 = arith.constant 0 : i32
    %dma_start3A_598 = tpu.memref_slice %arg7[%dma_start3A_596, %dma_start3A_597] : memref<512x32xf32, #tpu.memory_space<vmem>> -> memref<1x32xf32, #tpu.memory_space<vmem>>
    %dma_start3A_599 = arith.constant 0 : i32
    %dma_start3A_600 = tpu.memref_slice %arg2[%get3A_590, %dma_start3A_599] : memref<1000000x32xf32, #tpu.memory_space<hbm>> -> memref<1x32xf32, #tpu.memory_space<hbm>>
    tpu.enqueue_dma source(%dma_start3A_600 : memref<1x32xf32, #tpu.memory_space<hbm>>) target(%dma_start3A_598 : memref<1x32xf32, #tpu.memory_space<vmem>>) target_semaphore(%arg8 : memref<!tpu.dma_semaphore, #tpu.memory_space<semaphore_mem>>)
    %get3A_601 = arith.constant 46 : i32
    %get3A_602 = arith.index_cast %get3A_601 : i32 to index
    %get3A_603 = memref.load %arg6[%get3A_602] : memref<512xi32, #tpu.memory_space<smem>>
    %dma_start3A_604 = arith.constant 46 : i32
    %dma_start3A_605 = arith.constant 0 : i32
    %dma_start3A_606 = tpu.memref_slice %arg7[%dma_start3A_604, %dma_start3A_605] : memref<512x32xf32, #tpu.memory_space<vmem>> -> memref<1x32xf32, #tpu.memory_space<vmem>>
    %dma_start3A_607 = arith.constant 0 : i32
    %dma_start3A_608 = tpu.memref_slice %arg2[%get3A_603, %dma_start3A_607] : memref<1000000x32xf32, #tpu.memory_space<hbm>> -> memref<1x32xf32, #tpu.memory_space<hbm>>
    %dma_start3A_609 = arith.constant 46 : i32
    %dma_start3A_610 = arith.constant 0 : i32
    %dma_start3A_611 = tpu.memref_slice %arg7[%dma_start3A_609, %dma_start3A_610] : memref<512x32xf32, #tpu.memory_space<vmem>> -> memref<1x32xf32, #tpu.memory_space<vmem>>
    %dma_start3A_612 = arith.constant 0 : i32
    %dma_start3A_613 = tpu.memref_slice %arg2[%get3A_603, %dma_start3A_612] : memref<1000000x32xf32, #tpu.memory_space<hbm>> -> memref<1x32xf32, #tpu.memory_space<hbm>>
    tpu.enqueue_dma source(%dma_start3A_613 : memref<1x32xf32, #tpu.memory_space<hbm>>) target(%dma_start3A_611 : memref<1x32xf32, #tpu.memory_space<vmem>>) target_semaphore(%arg8 : memref<!tpu.dma_semaphore, #tpu.memory_space<semaphore_mem>>)
    %get3A_614 = arith.constant 47 : i32
    %get3A_615 = arith.index_cast %get3A_614 : i32 to index
    %get3A_616 = memref.load %arg6[%get3A_615] : memref<512xi32, #tpu.memory_space<smem>>
    %dma_start3A_617 = arith.constant 47 : i32
    %dma_start3A_618 = arith.constant 0 : i32
    %dma_start3A_619 = tpu.memref_slice %arg7[%dma_start3A_617, %dma_start3A_618] : memref<512x32xf32, #tpu.memory_space<vmem>> -> memref<1x32xf32, #tpu.memory_space<vmem>>
    %dma_start3A_620 = arith.constant 0 : i32
    %dma_start3A_621 = tpu.memref_slice %arg2[%get3A_616, %dma_start3A_620] : memref<1000000x32xf32, #tpu.memory_space<hbm>> -> memref<1x32xf32, #tpu.memory_space<hbm>>
    %dma_start3A_622 = arith.constant 47 : i32
    %dma_start3A_623 = arith.constant 0 : i32
    %dma_start3A_624 = tpu.memref_slice %arg7[%dma_start3A_622, %dma_start3A_623] : memref<512x32xf32, #tpu.memory_space<vmem>> -> memref<1x32xf32, #tpu.memory_space<vmem>>
    %dma_start3A_625 = arith.constant 0 : i32
    %dma_start3A_626 = tpu.memref_slice %arg2[%get3A_616, %dma_start3A_625] : memref<1000000x32xf32, #tpu.memory_space<hbm>> -> memref<1x32xf32, #tpu.memory_space<hbm>>
    tpu.enqueue_dma source(%dma_start3A_626 : memref<1x32xf32, #tpu.memory_space<hbm>>) target(%dma_start3A_624 : memref<1x32xf32, #tpu.memory_space<vmem>>) target_semaphore(%arg8 : memref<!tpu.dma_semaphore, #tpu.memory_space<semaphore_mem>>)
    %get3A_627 = arith.constant 48 : i32
    %get3A_628 = arith.index_cast %get3A_627 : i32 to index
    %get3A_629 = memref.load %arg6[%get3A_628] : memref<512xi32, #tpu.memory_space<smem>>
    %dma_start3A_630 = arith.constant 48 : i32
    %dma_start3A_631 = arith.constant 0 : i32
    %dma_start3A_632 = tpu.memref_slice %arg7[%dma_start3A_630, %dma_start3A_631] : memref<512x32xf32, #tpu.memory_space<vmem>> -> memref<1x32xf32, #tpu.memory_space<vmem>>
    %dma_start3A_633 = arith.constant 0 : i32
    %dma_start3A_634 = tpu.memref_slice %arg2[%get3A_629, %dma_start3A_633] : memref<1000000x32xf32, #tpu.memory_space<hbm>> -> memref<1x32xf32, #tpu.memory_space<hbm>>
    %dma_start3A_635 = arith.constant 48 : i32
    %dma_start3A_636 = arith.constant 0 : i32
    %dma_start3A_637 = tpu.memref_slice %arg7[%dma_start3A_635, %dma_start3A_636] : memref<512x32xf32, #tpu.memory_space<vmem>> -> memref<1x32xf32, #tpu.memory_space<vmem>>
    %dma_start3A_638 = arith.constant 0 : i32
    %dma_start3A_639 = tpu.memref_slice %arg2[%get3A_629, %dma_start3A_638] : memref<1000000x32xf32, #tpu.memory_space<hbm>> -> memref<1x32xf32, #tpu.memory_space<hbm>>
    tpu.enqueue_dma source(%dma_start3A_639 : memref<1x32xf32, #tpu.memory_space<hbm>>) target(%dma_start3A_637 : memref<1x32xf32, #tpu.memory_space<vmem>>) target_semaphore(%arg8 : memref<!tpu.dma_semaphore, #tpu.memory_space<semaphore_mem>>)
    %get3A_640 = arith.constant 49 : i32
    %get3A_641 = arith.index_cast %get3A_640 : i32 to index
    %get3A_642 = memref.load %arg6[%get3A_641] : memref<512xi32, #tpu.memory_space<smem>>
    %dma_start3A_643 = arith.constant 49 : i32
    %dma_start3A_644 = arith.constant 0 : i32
    %dma_start3A_645 = tpu.memref_slice %arg7[%dma_start3A_643, %dma_start3A_644] : memref<512x32xf32, #tpu.memory_space<vmem>> -> memref<1x32xf32, #tpu.memory_space<vmem>>
    %dma_start3A_646 = arith.constant 0 : i32
    %dma_start3A_647 = tpu.memref_slice %arg2[%get3A_642, %dma_start3A_646] : memref<1000000x32xf32, #tpu.memory_space<hbm>> -> memref<1x32xf32, #tpu.memory_space<hbm>>
    %dma_start3A_648 = arith.constant 49 : i32
    %dma_start3A_649 = arith.constant 0 : i32
    %dma_start3A_650 = tpu.memref_slice %arg7[%dma_start3A_648, %dma_start3A_649] : memref<512x32xf32, #tpu.memory_space<vmem>> -> memref<1x32xf32, #tpu.memory_space<vmem>>
    %dma_start3A_651 = arith.constant 0 : i32
    %dma_start3A_652 = tpu.memref_slice %arg2[%get3A_642, %dma_start3A_651] : memref<1000000x32xf32, #tpu.memory_space<hbm>> -> memref<1x32xf32, #tpu.memory_space<hbm>>
    tpu.enqueue_dma source(%dma_start3A_652 : memref<1x32xf32, #tpu.memory_space<hbm>>) target(%dma_start3A_650 : memref<1x32xf32, #tpu.memory_space<vmem>>) target_semaphore(%arg8 : memref<!tpu.dma_semaphore, #tpu.memory_space<semaphore_mem>>)
    %get3A_653 = arith.constant 50 : i32
    %get3A_654 = arith.index_cast %get3A_653 : i32 to index
    %get3A_655 = memref.load %arg6[%get3A_654] : memref<512xi32, #tpu.memory_space<smem>>
    %dma_start3A_656 = arith.constant 50 : i32
    %dma_start3A_657 = arith.constant 0 : i32
    %dma_start3A_658 = tpu.memref_slice %arg7[%dma_start3A_656, %dma_start3A_657] : memref<512x32xf32, #tpu.memory_space<vmem>> -> memref<1x32xf32, #tpu.memory_space<vmem>>
    %dma_start3A_659 = arith.constant 0 : i32
    %dma_start3A_660 = tpu.memref_slice %arg2[%get3A_655, %dma_start3A_659] : memref<1000000x32xf32, #tpu.memory_space<hbm>> -> memref<1x32xf32, #tpu.memory_space<hbm>>
    %dma_start3A_661 = arith.constant 50 : i32
    %dma_start3A_662 = arith.constant 0 : i32
    %dma_start3A_663 = tpu.memref_slice %arg7[%dma_start3A_661, %dma_start3A_662] : memref<512x32xf32, #tpu.memory_space<vmem>> -> memref<1x32xf32, #tpu.memory_space<vmem>>
    %dma_start3A_664 = arith.constant 0 : i32
    %dma_start3A_665 = tpu.memref_slice %arg2[%get3A_655, %dma_start3A_664] : memref<1000000x32xf32, #tpu.memory_space<hbm>> -> memref<1x32xf32, #tpu.memory_space<hbm>>
    tpu.enqueue_dma source(%dma_start3A_665 : memref<1x32xf32, #tpu.memory_space<hbm>>) target(%dma_start3A_663 : memref<1x32xf32, #tpu.memory_space<vmem>>) target_semaphore(%arg8 : memref<!tpu.dma_semaphore, #tpu.memory_space<semaphore_mem>>)
    %get3A_666 = arith.constant 51 : i32
    %get3A_667 = arith.index_cast %get3A_666 : i32 to index
    %get3A_668 = memref.load %arg6[%get3A_667] : memref<512xi32, #tpu.memory_space<smem>>
    %dma_start3A_669 = arith.constant 51 : i32
    %dma_start3A_670 = arith.constant 0 : i32
    %dma_start3A_671 = tpu.memref_slice %arg7[%dma_start3A_669, %dma_start3A_670] : memref<512x32xf32, #tpu.memory_space<vmem>> -> memref<1x32xf32, #tpu.memory_space<vmem>>
    %dma_start3A_672 = arith.constant 0 : i32
    %dma_start3A_673 = tpu.memref_slice %arg2[%get3A_668, %dma_start3A_672] : memref<1000000x32xf32, #tpu.memory_space<hbm>> -> memref<1x32xf32, #tpu.memory_space<hbm>>
    %dma_start3A_674 = arith.constant 51 : i32
    %dma_start3A_675 = arith.constant 0 : i32
    %dma_start3A_676 = tpu.memref_slice %arg7[%dma_start3A_674, %dma_start3A_675] : memref<512x32xf32, #tpu.memory_space<vmem>> -> memref<1x32xf32, #tpu.memory_space<vmem>>
    %dma_start3A_677 = arith.constant 0 : i32
    %dma_start3A_678 = tpu.memref_slice %arg2[%get3A_668, %dma_start3A_677] : memref<1000000x32xf32, #tpu.memory_space<hbm>> -> memref<1x32xf32, #tpu.memory_space<hbm>>
    tpu.enqueue_dma source(%dma_start3A_678 : memref<1x32xf32, #tpu.memory_space<hbm>>) target(%dma_start3A_676 : memref<1x32xf32, #tpu.memory_space<vmem>>) target_semaphore(%arg8 : memref<!tpu.dma_semaphore, #tpu.memory_space<semaphore_mem>>)
    %get3A_679 = arith.constant 52 : i32
    %get3A_680 = arith.index_cast %get3A_679 : i32 to index
    %get3A_681 = memref.load %arg6[%get3A_680] : memref<512xi32, #tpu.memory_space<smem>>
    %dma_start3A_682 = arith.constant 52 : i32
    %dma_start3A_683 = arith.constant 0 : i32
    %dma_start3A_684 = tpu.memref_slice %arg7[%dma_start3A_682, %dma_start3A_683] : memref<512x32xf32, #tpu.memory_space<vmem>> -> memref<1x32xf32, #tpu.memory_space<vmem>>
    %dma_start3A_685 = arith.constant 0 : i32
    %dma_start3A_686 = tpu.memref_slice %arg2[%get3A_681, %dma_start3A_685] : memref<1000000x32xf32, #tpu.memory_space<hbm>> -> memref<1x32xf32, #tpu.memory_space<hbm>>
    %dma_start3A_687 = arith.constant 52 : i32
    %dma_start3A_688 = arith.constant 0 : i32
    %dma_start3A_689 = tpu.memref_slice %arg7[%dma_start3A_687, %dma_start3A_688] : memref<512x32xf32, #tpu.memory_space<vmem>> -> memref<1x32xf32, #tpu.memory_space<vmem>>
    %dma_start3A_690 = arith.constant 0 : i32
    %dma_start3A_691 = tpu.memref_slice %arg2[%get3A_681, %dma_start3A_690] : memref<1000000x32xf32, #tpu.memory_space<hbm>> -> memref<1x32xf32, #tpu.memory_space<hbm>>
    tpu.enqueue_dma source(%dma_start3A_691 : memref<1x32xf32, #tpu.memory_space<hbm>>) target(%dma_start3A_689 : memref<1x32xf32, #tpu.memory_space<vmem>>) target_semaphore(%arg8 : memref<!tpu.dma_semaphore, #tpu.memory_space<semaphore_mem>>)
    %get3A_692 = arith.constant 53 : i32
    %get3A_693 = arith.index_cast %get3A_692 : i32 to index
    %get3A_694 = memref.load %arg6[%get3A_693] : memref<512xi32, #tpu.memory_space<smem>>
    %dma_start3A_695 = arith.constant 53 : i32
    %dma_start3A_696 = arith.constant 0 : i32
    %dma_start3A_697 = tpu.memref_slice %arg7[%dma_start3A_695, %dma_start3A_696] : memref<512x32xf32, #tpu.memory_space<vmem>> -> memref<1x32xf32, #tpu.memory_space<vmem>>
    %dma_start3A_698 = arith.constant 0 : i32
    %dma_start3A_699 = tpu.memref_slice %arg2[%get3A_694, %dma_start3A_698] : memref<1000000x32xf32, #tpu.memory_space<hbm>> -> memref<1x32xf32, #tpu.memory_space<hbm>>
    %dma_start3A_700 = arith.constant 53 : i32
    %dma_start3A_701 = arith.constant 0 : i32
    %dma_start3A_702 = tpu.memref_slice %arg7[%dma_start3A_700, %dma_start3A_701] : memref<512x32xf32, #tpu.memory_space<vmem>> -> memref<1x32xf32, #tpu.memory_space<vmem>>
    %dma_start3A_703 = arith.constant 0 : i32
    %dma_start3A_704 = tpu.memref_slice %arg2[%get3A_694, %dma_start3A_703] : memref<1000000x32xf32, #tpu.memory_space<hbm>> -> memref<1x32xf32, #tpu.memory_space<hbm>>
    tpu.enqueue_dma source(%dma_start3A_704 : memref<1x32xf32, #tpu.memory_space<hbm>>) target(%dma_start3A_702 : memref<1x32xf32, #tpu.memory_space<vmem>>) target_semaphore(%arg8 : memref<!tpu.dma_semaphore, #tpu.memory_space<semaphore_mem>>)
    %get3A_705 = arith.constant 54 : i32
    %get3A_706 = arith.index_cast %get3A_705 : i32 to index
    %get3A_707 = memref.load %arg6[%get3A_706] : memref<512xi32, #tpu.memory_space<smem>>
    %dma_start3A_708 = arith.constant 54 : i32
    %dma_start3A_709 = arith.constant 0 : i32
    %dma_start3A_710 = tpu.memref_slice %arg7[%dma_start3A_708, %dma_start3A_709] : memref<512x32xf32, #tpu.memory_space<vmem>> -> memref<1x32xf32, #tpu.memory_space<vmem>>
    %dma_start3A_711 = arith.constant 0 : i32
    %dma_start3A_712 = tpu.memref_slice %arg2[%get3A_707, %dma_start3A_711] : memref<1000000x32xf32, #tpu.memory_space<hbm>> -> memref<1x32xf32, #tpu.memory_space<hbm>>
    %dma_start3A_713 = arith.constant 54 : i32
    %dma_start3A_714 = arith.constant 0 : i32
    %dma_start3A_715 = tpu.memref_slice %arg7[%dma_start3A_713, %dma_start3A_714] : memref<512x32xf32, #tpu.memory_space<vmem>> -> memref<1x32xf32, #tpu.memory_space<vmem>>
    %dma_start3A_716 = arith.constant 0 : i32
    %dma_start3A_717 = tpu.memref_slice %arg2[%get3A_707, %dma_start3A_716] : memref<1000000x32xf32, #tpu.memory_space<hbm>> -> memref<1x32xf32, #tpu.memory_space<hbm>>
    tpu.enqueue_dma source(%dma_start3A_717 : memref<1x32xf32, #tpu.memory_space<hbm>>) target(%dma_start3A_715 : memref<1x32xf32, #tpu.memory_space<vmem>>) target_semaphore(%arg8 : memref<!tpu.dma_semaphore, #tpu.memory_space<semaphore_mem>>)
    %get3A_718 = arith.constant 55 : i32
    %get3A_719 = arith.index_cast %get3A_718 : i32 to index
    %get3A_720 = memref.load %arg6[%get3A_719] : memref<512xi32, #tpu.memory_space<smem>>
    %dma_start3A_721 = arith.constant 55 : i32
    %dma_start3A_722 = arith.constant 0 : i32
    %dma_start3A_723 = tpu.memref_slice %arg7[%dma_start3A_721, %dma_start3A_722] : memref<512x32xf32, #tpu.memory_space<vmem>> -> memref<1x32xf32, #tpu.memory_space<vmem>>
    %dma_start3A_724 = arith.constant 0 : i32
    %dma_start3A_725 = tpu.memref_slice %arg2[%get3A_720, %dma_start3A_724] : memref<1000000x32xf32, #tpu.memory_space<hbm>> -> memref<1x32xf32, #tpu.memory_space<hbm>>
    %dma_start3A_726 = arith.constant 55 : i32
    %dma_start3A_727 = arith.constant 0 : i32
    %dma_start3A_728 = tpu.memref_slice %arg7[%dma_start3A_726, %dma_start3A_727] : memref<512x32xf32, #tpu.memory_space<vmem>> -> memref<1x32xf32, #tpu.memory_space<vmem>>
    %dma_start3A_729 = arith.constant 0 : i32
    %dma_start3A_730 = tpu.memref_slice %arg2[%get3A_720, %dma_start3A_729] : memref<1000000x32xf32, #tpu.memory_space<hbm>> -> memref<1x32xf32, #tpu.memory_space<hbm>>
    tpu.enqueue_dma source(%dma_start3A_730 : memref<1x32xf32, #tpu.memory_space<hbm>>) target(%dma_start3A_728 : memref<1x32xf32, #tpu.memory_space<vmem>>) target_semaphore(%arg8 : memref<!tpu.dma_semaphore, #tpu.memory_space<semaphore_mem>>)
    %get3A_731 = arith.constant 56 : i32
    %get3A_732 = arith.index_cast %get3A_731 : i32 to index
    %get3A_733 = memref.load %arg6[%get3A_732] : memref<512xi32, #tpu.memory_space<smem>>
    %dma_start3A_734 = arith.constant 56 : i32
    %dma_start3A_735 = arith.constant 0 : i32
    %dma_start3A_736 = tpu.memref_slice %arg7[%dma_start3A_734, %dma_start3A_735] : memref<512x32xf32, #tpu.memory_space<vmem>> -> memref<1x32xf32, #tpu.memory_space<vmem>>
    %dma_start3A_737 = arith.constant 0 : i32
    %dma_start3A_738 = tpu.memref_slice %arg2[%get3A_733, %dma_start3A_737] : memref<1000000x32xf32, #tpu.memory_space<hbm>> -> memref<1x32xf32, #tpu.memory_space<hbm>>
    %dma_start3A_739 = arith.constant 56 : i32
    %dma_start3A_740 = arith.constant 0 : i32
    %dma_start3A_741 = tpu.memref_slice %arg7[%dma_start3A_739, %dma_start3A_740] : memref<512x32xf32, #tpu.memory_space<vmem>> -> memref<1x32xf32, #tpu.memory_space<vmem>>
    %dma_start3A_742 = arith.constant 0 : i32
    %dma_start3A_743 = tpu.memref_slice %arg2[%get3A_733, %dma_start3A_742] : memref<1000000x32xf32, #tpu.memory_space<hbm>> -> memref<1x32xf32, #tpu.memory_space<hbm>>
    tpu.enqueue_dma source(%dma_start3A_743 : memref<1x32xf32, #tpu.memory_space<hbm>>) target(%dma_start3A_741 : memref<1x32xf32, #tpu.memory_space<vmem>>) target_semaphore(%arg8 : memref<!tpu.dma_semaphore, #tpu.memory_space<semaphore_mem>>)
    %get3A_744 = arith.constant 57 : i32
    %get3A_745 = arith.index_cast %get3A_744 : i32 to index
    %get3A_746 = memref.load %arg6[%get3A_745] : memref<512xi32, #tpu.memory_space<smem>>
    %dma_start3A_747 = arith.constant 57 : i32
    %dma_start3A_748 = arith.constant 0 : i32
    %dma_start3A_749 = tpu.memref_slice %arg7[%dma_start3A_747, %dma_start3A_748] : memref<512x32xf32, #tpu.memory_space<vmem>> -> memref<1x32xf32, #tpu.memory_space<vmem>>
    %dma_start3A_750 = arith.constant 0 : i32
    %dma_start3A_751 = tpu.memref_slice %arg2[%get3A_746, %dma_start3A_750] : memref<1000000x32xf32, #tpu.memory_space<hbm>> -> memref<1x32xf32, #tpu.memory_space<hbm>>
    %dma_start3A_752 = arith.constant 57 : i32
    %dma_start3A_753 = arith.constant 0 : i32
    %dma_start3A_754 = tpu.memref_slice %arg7[%dma_start3A_752, %dma_start3A_753] : memref<512x32xf32, #tpu.memory_space<vmem>> -> memref<1x32xf32, #tpu.memory_space<vmem>>
    %dma_start3A_755 = arith.constant 0 : i32
    %dma_start3A_756 = tpu.memref_slice %arg2[%get3A_746, %dma_start3A_755] : memref<1000000x32xf32, #tpu.memory_space<hbm>> -> memref<1x32xf32, #tpu.memory_space<hbm>>
    tpu.enqueue_dma source(%dma_start3A_756 : memref<1x32xf32, #tpu.memory_space<hbm>>) target(%dma_start3A_754 : memref<1x32xf32, #tpu.memory_space<vmem>>) target_semaphore(%arg8 : memref<!tpu.dma_semaphore, #tpu.memory_space<semaphore_mem>>)
    %get3A_757 = arith.constant 58 : i32
    %get3A_758 = arith.index_cast %get3A_757 : i32 to index
    %get3A_759 = memref.load %arg6[%get3A_758] : memref<512xi32, #tpu.memory_space<smem>>
    %dma_start3A_760 = arith.constant 58 : i32
    %dma_start3A_761 = arith.constant 0 : i32
    %dma_start3A_762 = tpu.memref_slice %arg7[%dma_start3A_760, %dma_start3A_761] : memref<512x32xf32, #tpu.memory_space<vmem>> -> memref<1x32xf32, #tpu.memory_space<vmem>>
    %dma_start3A_763 = arith.constant 0 : i32
    %dma_start3A_764 = tpu.memref_slice %arg2[%get3A_759, %dma_start3A_763] : memref<1000000x32xf32, #tpu.memory_space<hbm>> -> memref<1x32xf32, #tpu.memory_space<hbm>>
    %dma_start3A_765 = arith.constant 58 : i32
    %dma_start3A_766 = arith.constant 0 : i32
    %dma_start3A_767 = tpu.memref_slice %arg7[%dma_start3A_765, %dma_start3A_766] : memref<512x32xf32, #tpu.memory_space<vmem>> -> memref<1x32xf32, #tpu.memory_space<vmem>>
    %dma_start3A_768 = arith.constant 0 : i32
    %dma_start3A_769 = tpu.memref_slice %arg2[%get3A_759, %dma_start3A_768] : memref<1000000x32xf32, #tpu.memory_space<hbm>> -> memref<1x32xf32, #tpu.memory_space<hbm>>
    tpu.enqueue_dma source(%dma_start3A_769 : memref<1x32xf32, #tpu.memory_space<hbm>>) target(%dma_start3A_767 : memref<1x32xf32, #tpu.memory_space<vmem>>) target_semaphore(%arg8 : memref<!tpu.dma_semaphore, #tpu.memory_space<semaphore_mem>>)
    %get3A_770 = arith.constant 59 : i32
    %get3A_771 = arith.index_cast %get3A_770 : i32 to index
    %get3A_772 = memref.load %arg6[%get3A_771] : memref<512xi32, #tpu.memory_space<smem>>
    %dma_start3A_773 = arith.constant 59 : i32
    %dma_start3A_774 = arith.constant 0 : i32
    %dma_start3A_775 = tpu.memref_slice %arg7[%dma_start3A_773, %dma_start3A_774] : memref<512x32xf32, #tpu.memory_space<vmem>> -> memref<1x32xf32, #tpu.memory_space<vmem>>
    %dma_start3A_776 = arith.constant 0 : i32
    %dma_start3A_777 = tpu.memref_slice %arg2[%get3A_772, %dma_start3A_776] : memref<1000000x32xf32, #tpu.memory_space<hbm>> -> memref<1x32xf32, #tpu.memory_space<hbm>>
    %dma_start3A_778 = arith.constant 59 : i32
    %dma_start3A_779 = arith.constant 0 : i32
    %dma_start3A_780 = tpu.memref_slice %arg7[%dma_start3A_778, %dma_start3A_779] : memref<512x32xf32, #tpu.memory_space<vmem>> -> memref<1x32xf32, #tpu.memory_space<vmem>>
    %dma_start3A_781 = arith.constant 0 : i32
    %dma_start3A_782 = tpu.memref_slice %arg2[%get3A_772, %dma_start3A_781] : memref<1000000x32xf32, #tpu.memory_space<hbm>> -> memref<1x32xf32, #tpu.memory_space<hbm>>
    tpu.enqueue_dma source(%dma_start3A_782 : memref<1x32xf32, #tpu.memory_space<hbm>>) target(%dma_start3A_780 : memref<1x32xf32, #tpu.memory_space<vmem>>) target_semaphore(%arg8 : memref<!tpu.dma_semaphore, #tpu.memory_space<semaphore_mem>>)
    %get3A_783 = arith.constant 60 : i32
    %get3A_784 = arith.index_cast %get3A_783 : i32 to index
    %get3A_785 = memref.load %arg6[%get3A_784] : memref<512xi32, #tpu.memory_space<smem>>
    %dma_start3A_786 = arith.constant 60 : i32
    %dma_start3A_787 = arith.constant 0 : i32
    %dma_start3A_788 = tpu.memref_slice %arg7[%dma_start3A_786, %dma_start3A_787] : memref<512x32xf32, #tpu.memory_space<vmem>> -> memref<1x32xf32, #tpu.memory_space<vmem>>
    %dma_start3A_789 = arith.constant 0 : i32
    %dma_start3A_790 = tpu.memref_slice %arg2[%get3A_785, %dma_start3A_789] : memref<1000000x32xf32, #tpu.memory_space<hbm>> -> memref<1x32xf32, #tpu.memory_space<hbm>>
    %dma_start3A_791 = arith.constant 60 : i32
    %dma_start3A_792 = arith.constant 0 : i32
    %dma_start3A_793 = tpu.memref_slice %arg7[%dma_start3A_791, %dma_start3A_792] : memref<512x32xf32, #tpu.memory_space<vmem>> -> memref<1x32xf32, #tpu.memory_space<vmem>>
    %dma_start3A_794 = arith.constant 0 : i32
    %dma_start3A_795 = tpu.memref_slice %arg2[%get3A_785, %dma_start3A_794] : memref<1000000x32xf32, #tpu.memory_space<hbm>> -> memref<1x32xf32, #tpu.memory_space<hbm>>
    tpu.enqueue_dma source(%dma_start3A_795 : memref<1x32xf32, #tpu.memory_space<hbm>>) target(%dma_start3A_793 : memref<1x32xf32, #tpu.memory_space<vmem>>) target_semaphore(%arg8 : memref<!tpu.dma_semaphore, #tpu.memory_space<semaphore_mem>>)
    %get3A_796 = arith.constant 61 : i32
    %get3A_797 = arith.index_cast %get3A_796 : i32 to index
    %get3A_798 = memref.load %arg6[%get3A_797] : memref<512xi32, #tpu.memory_space<smem>>
    %dma_start3A_799 = arith.constant 61 : i32
    %dma_start3A_800 = arith.constant 0 : i32
    %dma_start3A_801 = tpu.memref_slice %arg7[%dma_start3A_799, %dma_start3A_800] : memref<512x32xf32, #tpu.memory_space<vmem>> -> memref<1x32xf32, #tpu.memory_space<vmem>>
    %dma_start3A_802 = arith.constant 0 : i32
    %dma_start3A_803 = tpu.memref_slice %arg2[%get3A_798, %dma_start3A_802] : memref<1000000x32xf32, #tpu.memory_space<hbm>> -> memref<1x32xf32, #tpu.memory_space<hbm>>
    %dma_start3A_804 = arith.constant 61 : i32
    %dma_start3A_805 = arith.constant 0 : i32
    %dma_start3A_806 = tpu.memref_slice %arg7[%dma_start3A_804, %dma_start3A_805] : memref<512x32xf32, #tpu.memory_space<vmem>> -> memref<1x32xf32, #tpu.memory_space<vmem>>
    %dma_start3A_807 = arith.constant 0 : i32
    %dma_start3A_808 = tpu.memref_slice %arg2[%get3A_798, %dma_start3A_807] : memref<1000000x32xf32, #tpu.memory_space<hbm>> -> memref<1x32xf32, #tpu.memory_space<hbm>>
    tpu.enqueue_dma source(%dma_start3A_808 : memref<1x32xf32, #tpu.memory_space<hbm>>) target(%dma_start3A_806 : memref<1x32xf32, #tpu.memory_space<vmem>>) target_semaphore(%arg8 : memref<!tpu.dma_semaphore, #tpu.memory_space<semaphore_mem>>)
    %get3A_809 = arith.constant 62 : i32
    %get3A_810 = arith.index_cast %get3A_809 : i32 to index
    %get3A_811 = memref.load %arg6[%get3A_810] : memref<512xi32, #tpu.memory_space<smem>>
    %dma_start3A_812 = arith.constant 62 : i32
    %dma_start3A_813 = arith.constant 0 : i32
    %dma_start3A_814 = tpu.memref_slice %arg7[%dma_start3A_812, %dma_start3A_813] : memref<512x32xf32, #tpu.memory_space<vmem>> -> memref<1x32xf32, #tpu.memory_space<vmem>>
    %dma_start3A_815 = arith.constant 0 : i32
    %dma_start3A_816 = tpu.memref_slice %arg2[%get3A_811, %dma_start3A_815] : memref<1000000x32xf32, #tpu.memory_space<hbm>> -> memref<1x32xf32, #tpu.memory_space<hbm>>
    %dma_start3A_817 = arith.constant 62 : i32
    %dma_start3A_818 = arith.constant 0 : i32
    %dma_start3A_819 = tpu.memref_slice %arg7[%dma_start3A_817, %dma_start3A_818] : memref<512x32xf32, #tpu.memory_space<vmem>> -> memref<1x32xf32, #tpu.memory_space<vmem>>
    %dma_start3A_820 = arith.constant 0 : i32
    %dma_start3A_821 = tpu.memref_slice %arg2[%get3A_811, %dma_start3A_820] : memref<1000000x32xf32, #tpu.memory_space<hbm>> -> memref<1x32xf32, #tpu.memory_space<hbm>>
    tpu.enqueue_dma source(%dma_start3A_821 : memref<1x32xf32, #tpu.memory_space<hbm>>) target(%dma_start3A_819 : memref<1x32xf32, #tpu.memory_space<vmem>>) target_semaphore(%arg8 : memref<!tpu.dma_semaphore, #tpu.memory_space<semaphore_mem>>)
    %get3A_822 = arith.constant 63 : i32
    %get3A_823 = arith.index_cast %get3A_822 : i32 to index
    %get3A_824 = memref.load %arg6[%get3A_823] : memref<512xi32, #tpu.memory_space<smem>>
    %dma_start3A_825 = arith.constant 63 : i32
    %dma_start3A_826 = arith.constant 0 : i32
    %dma_start3A_827 = tpu.memref_slice %arg7[%dma_start3A_825, %dma_start3A_826] : memref<512x32xf32, #tpu.memory_space<vmem>> -> memref<1x32xf32, #tpu.memory_space<vmem>>
    %dma_start3A_828 = arith.constant 0 : i32
    %dma_start3A_829 = tpu.memref_slice %arg2[%get3A_824, %dma_start3A_828] : memref<1000000x32xf32, #tpu.memory_space<hbm>> -> memref<1x32xf32, #tpu.memory_space<hbm>>
    %dma_start3A_830 = arith.constant 63 : i32
    %dma_start3A_831 = arith.constant 0 : i32
    %dma_start3A_832 = tpu.memref_slice %arg7[%dma_start3A_830, %dma_start3A_831] : memref<512x32xf32, #tpu.memory_space<vmem>> -> memref<1x32xf32, #tpu.memory_space<vmem>>
    %dma_start3A_833 = arith.constant 0 : i32
    %dma_start3A_834 = tpu.memref_slice %arg2[%get3A_824, %dma_start3A_833] : memref<1000000x32xf32, #tpu.memory_space<hbm>> -> memref<1x32xf32, #tpu.memory_space<hbm>>
    tpu.enqueue_dma source(%dma_start3A_834 : memref<1x32xf32, #tpu.memory_space<hbm>>) target(%dma_start3A_832 : memref<1x32xf32, #tpu.memory_space<vmem>>) target_semaphore(%arg8 : memref<!tpu.dma_semaphore, #tpu.memory_space<semaphore_mem>>)
    %get3A_835 = arith.constant 64 : i32
    %get3A_836 = arith.index_cast %get3A_835 : i32 to index
    %get3A_837 = memref.load %arg6[%get3A_836] : memref<512xi32, #tpu.memory_space<smem>>
    %dma_start3A_838 = arith.constant 64 : i32
    %dma_start3A_839 = arith.constant 0 : i32
    %dma_start3A_840 = tpu.memref_slice %arg7[%dma_start3A_838, %dma_start3A_839] : memref<512x32xf32, #tpu.memory_space<vmem>> -> memref<1x32xf32, #tpu.memory_space<vmem>>
    %dma_start3A_841 = arith.constant 0 : i32
    %dma_start3A_842 = tpu.memref_slice %arg2[%get3A_837, %dma_start3A_841] : memref<1000000x32xf32, #tpu.memory_space<hbm>> -> memref<1x32xf32, #tpu.memory_space<hbm>>
    %dma_start3A_843 = arith.constant 64 : i32
    %dma_start3A_844 = arith.constant 0 : i32
    %dma_start3A_845 = tpu.memref_slice %arg7[%dma_start3A_843, %dma_start3A_844] : memref<512x32xf32, #tpu.memory_space<vmem>> -> memref<1x32xf32, #tpu.memory_space<vmem>>
    %dma_start3A_846 = arith.constant 0 : i32
    %dma_start3A_847 = tpu.memref_slice %arg2[%get3A_837, %dma_start3A_846] : memref<1000000x32xf32, #tpu.memory_space<hbm>> -> memref<1x32xf32, #tpu.memory_space<hbm>>
    tpu.enqueue_dma source(%dma_start3A_847 : memref<1x32xf32, #tpu.memory_space<hbm>>) target(%dma_start3A_845 : memref<1x32xf32, #tpu.memory_space<vmem>>) target_semaphore(%arg8 : memref<!tpu.dma_semaphore, #tpu.memory_space<semaphore_mem>>)
    %get3A_848 = arith.constant 65 : i32
    %get3A_849 = arith.index_cast %get3A_848 : i32 to index
    %get3A_850 = memref.load %arg6[%get3A_849] : memref<512xi32, #tpu.memory_space<smem>>
    %dma_start3A_851 = arith.constant 65 : i32
    %dma_start3A_852 = arith.constant 0 : i32
    %dma_start3A_853 = tpu.memref_slice %arg7[%dma_start3A_851, %dma_start3A_852] : memref<512x32xf32, #tpu.memory_space<vmem>> -> memref<1x32xf32, #tpu.memory_space<vmem>>
    %dma_start3A_854 = arith.constant 0 : i32
    %dma_start3A_855 = tpu.memref_slice %arg2[%get3A_850, %dma_start3A_854] : memref<1000000x32xf32, #tpu.memory_space<hbm>> -> memref<1x32xf32, #tpu.memory_space<hbm>>
    %dma_start3A_856 = arith.constant 65 : i32
    %dma_start3A_857 = arith.constant 0 : i32
    %dma_start3A_858 = tpu.memref_slice %arg7[%dma_start3A_856, %dma_start3A_857] : memref<512x32xf32, #tpu.memory_space<vmem>> -> memref<1x32xf32, #tpu.memory_space<vmem>>
    %dma_start3A_859 = arith.constant 0 : i32
    %dma_start3A_860 = tpu.memref_slice %arg2[%get3A_850, %dma_start3A_859] : memref<1000000x32xf32, #tpu.memory_space<hbm>> -> memref<1x32xf32, #tpu.memory_space<hbm>>
    tpu.enqueue_dma source(%dma_start3A_860 : memref<1x32xf32, #tpu.memory_space<hbm>>) target(%dma_start3A_858 : memref<1x32xf32, #tpu.memory_space<vmem>>) target_semaphore(%arg8 : memref<!tpu.dma_semaphore, #tpu.memory_space<semaphore_mem>>)
    %get3A_861 = arith.constant 66 : i32
    %get3A_862 = arith.index_cast %get3A_861 : i32 to index
    %get3A_863 = memref.load %arg6[%get3A_862] : memref<512xi32, #tpu.memory_space<smem>>
    %dma_start3A_864 = arith.constant 66 : i32
    %dma_start3A_865 = arith.constant 0 : i32
    %dma_start3A_866 = tpu.memref_slice %arg7[%dma_start3A_864, %dma_start3A_865] : memref<512x32xf32, #tpu.memory_space<vmem>> -> memref<1x32xf32, #tpu.memory_space<vmem>>
    %dma_start3A_867 = arith.constant 0 : i32
    %dma_start3A_868 = tpu.memref_slice %arg2[%get3A_863, %dma_start3A_867] : memref<1000000x32xf32, #tpu.memory_space<hbm>> -> memref<1x32xf32, #tpu.memory_space<hbm>>
    %dma_start3A_869 = arith.constant 66 : i32
    %dma_start3A_870 = arith.constant 0 : i32
    %dma_start3A_871 = tpu.memref_slice %arg7[%dma_start3A_869, %dma_start3A_870] : memref<512x32xf32, #tpu.memory_space<vmem>> -> memref<1x32xf32, #tpu.memory_space<vmem>>
    %dma_start3A_872 = arith.constant 0 : i32
    %dma_start3A_873 = tpu.memref_slice %arg2[%get3A_863, %dma_start3A_872] : memref<1000000x32xf32, #tpu.memory_space<hbm>> -> memref<1x32xf32, #tpu.memory_space<hbm>>
    tpu.enqueue_dma source(%dma_start3A_873 : memref<1x32xf32, #tpu.memory_space<hbm>>) target(%dma_start3A_871 : memref<1x32xf32, #tpu.memory_space<vmem>>) target_semaphore(%arg8 : memref<!tpu.dma_semaphore, #tpu.memory_space<semaphore_mem>>)
    %get3A_874 = arith.constant 67 : i32
    %get3A_875 = arith.index_cast %get3A_874 : i32 to index
    %get3A_876 = memref.load %arg6[%get3A_875] : memref<512xi32, #tpu.memory_space<smem>>
    %dma_start3A_877 = arith.constant 67 : i32
    %dma_start3A_878 = arith.constant 0 : i32
    %dma_start3A_879 = tpu.memref_slice %arg7[%dma_start3A_877, %dma_start3A_878] : memref<512x32xf32, #tpu.memory_space<vmem>> -> memref<1x32xf32, #tpu.memory_space<vmem>>
    %dma_start3A_880 = arith.constant 0 : i32
    %dma_start3A_881 = tpu.memref_slice %arg2[%get3A_876, %dma_start3A_880] : memref<1000000x32xf32, #tpu.memory_space<hbm>> -> memref<1x32xf32, #tpu.memory_space<hbm>>
    %dma_start3A_882 = arith.constant 67 : i32
    %dma_start3A_883 = arith.constant 0 : i32
    %dma_start3A_884 = tpu.memref_slice %arg7[%dma_start3A_882, %dma_start3A_883] : memref<512x32xf32, #tpu.memory_space<vmem>> -> memref<1x32xf32, #tpu.memory_space<vmem>>
    %dma_start3A_885 = arith.constant 0 : i32
    %dma_start3A_886 = tpu.memref_slice %arg2[%get3A_876, %dma_start3A_885] : memref<1000000x32xf32, #tpu.memory_space<hbm>> -> memref<1x32xf32, #tpu.memory_space<hbm>>
    tpu.enqueue_dma source(%dma_start3A_886 : memref<1x32xf32, #tpu.memory_space<hbm>>) target(%dma_start3A_884 : memref<1x32xf32, #tpu.memory_space<vmem>>) target_semaphore(%arg8 : memref<!tpu.dma_semaphore, #tpu.memory_space<semaphore_mem>>)
    %get3A_887 = arith.constant 68 : i32
    %get3A_888 = arith.index_cast %get3A_887 : i32 to index
    %get3A_889 = memref.load %arg6[%get3A_888] : memref<512xi32, #tpu.memory_space<smem>>
    %dma_start3A_890 = arith.constant 68 : i32
    %dma_start3A_891 = arith.constant 0 : i32
    %dma_start3A_892 = tpu.memref_slice %arg7[%dma_start3A_890, %dma_start3A_891] : memref<512x32xf32, #tpu.memory_space<vmem>> -> memref<1x32xf32, #tpu.memory_space<vmem>>
    %dma_start3A_893 = arith.constant 0 : i32
    %dma_start3A_894 = tpu.memref_slice %arg2[%get3A_889, %dma_start3A_893] : memref<1000000x32xf32, #tpu.memory_space<hbm>> -> memref<1x32xf32, #tpu.memory_space<hbm>>
    %dma_start3A_895 = arith.constant 68 : i32
    %dma_start3A_896 = arith.constant 0 : i32
    %dma_start3A_897 = tpu.memref_slice %arg7[%dma_start3A_895, %dma_start3A_896] : memref<512x32xf32, #tpu.memory_space<vmem>> -> memref<1x32xf32, #tpu.memory_space<vmem>>
    %dma_start3A_898 = arith.constant 0 : i32
    %dma_start3A_899 = tpu.memref_slice %arg2[%get3A_889, %dma_start3A_898] : memref<1000000x32xf32, #tpu.memory_space<hbm>> -> memref<1x32xf32, #tpu.memory_space<hbm>>
    tpu.enqueue_dma source(%dma_start3A_899 : memref<1x32xf32, #tpu.memory_space<hbm>>) target(%dma_start3A_897 : memref<1x32xf32, #tpu.memory_space<vmem>>) target_semaphore(%arg8 : memref<!tpu.dma_semaphore, #tpu.memory_space<semaphore_mem>>)
    %get3A_900 = arith.constant 69 : i32
    %get3A_901 = arith.index_cast %get3A_900 : i32 to index
    %get3A_902 = memref.load %arg6[%get3A_901] : memref<512xi32, #tpu.memory_space<smem>>
    %dma_start3A_903 = arith.constant 69 : i32
    %dma_start3A_904 = arith.constant 0 : i32
    %dma_start3A_905 = tpu.memref_slice %arg7[%dma_start3A_903, %dma_start3A_904] : memref<512x32xf32, #tpu.memory_space<vmem>> -> memref<1x32xf32, #tpu.memory_space<vmem>>
    %dma_start3A_906 = arith.constant 0 : i32
    %dma_start3A_907 = tpu.memref_slice %arg2[%get3A_902, %dma_start3A_906] : memref<1000000x32xf32, #tpu.memory_space<hbm>> -> memref<1x32xf32, #tpu.memory_space<hbm>>
    %dma_start3A_908 = arith.constant 69 : i32
    %dma_start3A_909 = arith.constant 0 : i32
    %dma_start3A_910 = tpu.memref_slice %arg7[%dma_start3A_908, %dma_start3A_909] : memref<512x32xf32, #tpu.memory_space<vmem>> -> memref<1x32xf32, #tpu.memory_space<vmem>>
    %dma_start3A_911 = arith.constant 0 : i32
    %dma_start3A_912 = tpu.memref_slice %arg2[%get3A_902, %dma_start3A_911] : memref<1000000x32xf32, #tpu.memory_space<hbm>> -> memref<1x32xf32, #tpu.memory_space<hbm>>
    tpu.enqueue_dma source(%dma_start3A_912 : memref<1x32xf32, #tpu.memory_space<hbm>>) target(%dma_start3A_910 : memref<1x32xf32, #tpu.memory_space<vmem>>) target_semaphore(%arg8 : memref<!tpu.dma_semaphore, #tpu.memory_space<semaphore_mem>>)
    %get3A_913 = arith.constant 70 : i32
    %get3A_914 = arith.index_cast %get3A_913 : i32 to index
    %get3A_915 = memref.load %arg6[%get3A_914] : memref<512xi32, #tpu.memory_space<smem>>
    %dma_start3A_916 = arith.constant 70 : i32
    %dma_start3A_917 = arith.constant 0 : i32
    %dma_start3A_918 = tpu.memref_slice %arg7[%dma_start3A_916, %dma_start3A_917] : memref<512x32xf32, #tpu.memory_space<vmem>> -> memref<1x32xf32, #tpu.memory_space<vmem>>
    %dma_start3A_919 = arith.constant 0 : i32
    %dma_start3A_920 = tpu.memref_slice %arg2[%get3A_915, %dma_start3A_919] : memref<1000000x32xf32, #tpu.memory_space<hbm>> -> memref<1x32xf32, #tpu.memory_space<hbm>>
    %dma_start3A_921 = arith.constant 70 : i32
    %dma_start3A_922 = arith.constant 0 : i32
    %dma_start3A_923 = tpu.memref_slice %arg7[%dma_start3A_921, %dma_start3A_922] : memref<512x32xf32, #tpu.memory_space<vmem>> -> memref<1x32xf32, #tpu.memory_space<vmem>>
    %dma_start3A_924 = arith.constant 0 : i32
    %dma_start3A_925 = tpu.memref_slice %arg2[%get3A_915, %dma_start3A_924] : memref<1000000x32xf32, #tpu.memory_space<hbm>> -> memref<1x32xf32, #tpu.memory_space<hbm>>
    tpu.enqueue_dma source(%dma_start3A_925 : memref<1x32xf32, #tpu.memory_space<hbm>>) target(%dma_start3A_923 : memref<1x32xf32, #tpu.memory_space<vmem>>) target_semaphore(%arg8 : memref<!tpu.dma_semaphore, #tpu.memory_space<semaphore_mem>>)
    %get3A_926 = arith.constant 71 : i32
    %get3A_927 = arith.index_cast %get3A_926 : i32 to index
    %get3A_928 = memref.load %arg6[%get3A_927] : memref<512xi32, #tpu.memory_space<smem>>
    %dma_start3A_929 = arith.constant 71 : i32
    %dma_start3A_930 = arith.constant 0 : i32
    %dma_start3A_931 = tpu.memref_slice %arg7[%dma_start3A_929, %dma_start3A_930] : memref<512x32xf32, #tpu.memory_space<vmem>> -> memref<1x32xf32, #tpu.memory_space<vmem>>
    %dma_start3A_932 = arith.constant 0 : i32
    %dma_start3A_933 = tpu.memref_slice %arg2[%get3A_928, %dma_start3A_932] : memref<1000000x32xf32, #tpu.memory_space<hbm>> -> memref<1x32xf32, #tpu.memory_space<hbm>>
    %dma_start3A_934 = arith.constant 71 : i32
    %dma_start3A_935 = arith.constant 0 : i32
    %dma_start3A_936 = tpu.memref_slice %arg7[%dma_start3A_934, %dma_start3A_935] : memref<512x32xf32, #tpu.memory_space<vmem>> -> memref<1x32xf32, #tpu.memory_space<vmem>>
    %dma_start3A_937 = arith.constant 0 : i32
    %dma_start3A_938 = tpu.memref_slice %arg2[%get3A_928, %dma_start3A_937] : memref<1000000x32xf32, #tpu.memory_space<hbm>> -> memref<1x32xf32, #tpu.memory_space<hbm>>
    tpu.enqueue_dma source(%dma_start3A_938 : memref<1x32xf32, #tpu.memory_space<hbm>>) target(%dma_start3A_936 : memref<1x32xf32, #tpu.memory_space<vmem>>) target_semaphore(%arg8 : memref<!tpu.dma_semaphore, #tpu.memory_space<semaphore_mem>>)
    %get3A_939 = arith.constant 72 : i32
    %get3A_940 = arith.index_cast %get3A_939 : i32 to index
    %get3A_941 = memref.load %arg6[%get3A_940] : memref<512xi32, #tpu.memory_space<smem>>
    %dma_start3A_942 = arith.constant 72 : i32
    %dma_start3A_943 = arith.constant 0 : i32
    %dma_start3A_944 = tpu.memref_slice %arg7[%dma_start3A_942, %dma_start3A_943] : memref<512x32xf32, #tpu.memory_space<vmem>> -> memref<1x32xf32, #tpu.memory_space<vmem>>
    %dma_start3A_945 = arith.constant 0 : i32
    %dma_start3A_946 = tpu.memref_slice %arg2[%get3A_941, %dma_start3A_945] : memref<1000000x32xf32, #tpu.memory_space<hbm>> -> memref<1x32xf32, #tpu.memory_space<hbm>>
    %dma_start3A_947 = arith.constant 72 : i32
    %dma_start3A_948 = arith.constant 0 : i32
    %dma_start3A_949 = tpu.memref_slice %arg7[%dma_start3A_947, %dma_start3A_948] : memref<512x32xf32, #tpu.memory_space<vmem>> -> memref<1x32xf32, #tpu.memory_space<vmem>>
    %dma_start3A_950 = arith.constant 0 : i32
    %dma_start3A_951 = tpu.memref_slice %arg2[%get3A_941, %dma_start3A_950] : memref<1000000x32xf32, #tpu.memory_space<hbm>> -> memref<1x32xf32, #tpu.memory_space<hbm>>
    tpu.enqueue_dma source(%dma_start3A_951 : memref<1x32xf32, #tpu.memory_space<hbm>>) target(%dma_start3A_949 : memref<1x32xf32, #tpu.memory_space<vmem>>) target_semaphore(%arg8 : memref<!tpu.dma_semaphore, #tpu.memory_space<semaphore_mem>>)
    %get3A_952 = arith.constant 73 : i32
    %get3A_953 = arith.index_cast %get3A_952 : i32 to index
    %get3A_954 = memref.load %arg6[%get3A_953] : memref<512xi32, #tpu.memory_space<smem>>
    %dma_start3A_955 = arith.constant 73 : i32
    %dma_start3A_956 = arith.constant 0 : i32
    %dma_start3A_957 = tpu.memref_slice %arg7[%dma_start3A_955, %dma_start3A_956] : memref<512x32xf32, #tpu.memory_space<vmem>> -> memref<1x32xf32, #tpu.memory_space<vmem>>
    %dma_start3A_958 = arith.constant 0 : i32
    %dma_start3A_959 = tpu.memref_slice %arg2[%get3A_954, %dma_start3A_958] : memref<1000000x32xf32, #tpu.memory_space<hbm>> -> memref<1x32xf32, #tpu.memory_space<hbm>>
    %dma_start3A_960 = arith.constant 73 : i32
    %dma_start3A_961 = arith.constant 0 : i32
    %dma_start3A_962 = tpu.memref_slice %arg7[%dma_start3A_960, %dma_start3A_961] : memref<512x32xf32, #tpu.memory_space<vmem>> -> memref<1x32xf32, #tpu.memory_space<vmem>>
    %dma_start3A_963 = arith.constant 0 : i32
    %dma_start3A_964 = tpu.memref_slice %arg2[%get3A_954, %dma_start3A_963] : memref<1000000x32xf32, #tpu.memory_space<hbm>> -> memref<1x32xf32, #tpu.memory_space<hbm>>
    tpu.enqueue_dma source(%dma_start3A_964 : memref<1x32xf32, #tpu.memory_space<hbm>>) target(%dma_start3A_962 : memref<1x32xf32, #tpu.memory_space<vmem>>) target_semaphore(%arg8 : memref<!tpu.dma_semaphore, #tpu.memory_space<semaphore_mem>>)
    %get3A_965 = arith.constant 74 : i32
    %get3A_966 = arith.index_cast %get3A_965 : i32 to index
    %get3A_967 = memref.load %arg6[%get3A_966] : memref<512xi32, #tpu.memory_space<smem>>
    %dma_start3A_968 = arith.constant 74 : i32
    %dma_start3A_969 = arith.constant 0 : i32
    %dma_start3A_970 = tpu.memref_slice %arg7[%dma_start3A_968, %dma_start3A_969] : memref<512x32xf32, #tpu.memory_space<vmem>> -> memref<1x32xf32, #tpu.memory_space<vmem>>
    %dma_start3A_971 = arith.constant 0 : i32
    %dma_start3A_972 = tpu.memref_slice %arg2[%get3A_967, %dma_start3A_971] : memref<1000000x32xf32, #tpu.memory_space<hbm>> -> memref<1x32xf32, #tpu.memory_space<hbm>>
    %dma_start3A_973 = arith.constant 74 : i32
    %dma_start3A_974 = arith.constant 0 : i32
    %dma_start3A_975 = tpu.memref_slice %arg7[%dma_start3A_973, %dma_start3A_974] : memref<512x32xf32, #tpu.memory_space<vmem>> -> memref<1x32xf32, #tpu.memory_space<vmem>>
    %dma_start3A_976 = arith.constant 0 : i32
    %dma_start3A_977 = tpu.memref_slice %arg2[%get3A_967, %dma_start3A_976] : memref<1000000x32xf32, #tpu.memory_space<hbm>> -> memref<1x32xf32, #tpu.memory_space<hbm>>
    tpu.enqueue_dma source(%dma_start3A_977 : memref<1x32xf32, #tpu.memory_space<hbm>>) target(%dma_start3A_975 : memref<1x32xf32, #tpu.memory_space<vmem>>) target_semaphore(%arg8 : memref<!tpu.dma_semaphore, #tpu.memory_space<semaphore_mem>>)
    %get3A_978 = arith.constant 75 : i32
    %get3A_979 = arith.index_cast %get3A_978 : i32 to index
    %get3A_980 = memref.load %arg6[%get3A_979] : memref<512xi32, #tpu.memory_space<smem>>
    %dma_start3A_981 = arith.constant 75 : i32
    %dma_start3A_982 = arith.constant 0 : i32
    %dma_start3A_983 = tpu.memref_slice %arg7[%dma_start3A_981, %dma_start3A_982] : memref<512x32xf32, #tpu.memory_space<vmem>> -> memref<1x32xf32, #tpu.memory_space<vmem>>
    %dma_start3A_984 = arith.constant 0 : i32
    %dma_start3A_985 = tpu.memref_slice %arg2[%get3A_980, %dma_start3A_984] : memref<1000000x32xf32, #tpu.memory_space<hbm>> -> memref<1x32xf32, #tpu.memory_space<hbm>>
    %dma_start3A_986 = arith.constant 75 : i32
    %dma_start3A_987 = arith.constant 0 : i32
    %dma_start3A_988 = tpu.memref_slice %arg7[%dma_start3A_986, %dma_start3A_987] : memref<512x32xf32, #tpu.memory_space<vmem>> -> memref<1x32xf32, #tpu.memory_space<vmem>>
    %dma_start3A_989 = arith.constant 0 : i32
    %dma_start3A_990 = tpu.memref_slice %arg2[%get3A_980, %dma_start3A_989] : memref<1000000x32xf32, #tpu.memory_space<hbm>> -> memref<1x32xf32, #tpu.memory_space<hbm>>
    tpu.enqueue_dma source(%dma_start3A_990 : memref<1x32xf32, #tpu.memory_space<hbm>>) target(%dma_start3A_988 : memref<1x32xf32, #tpu.memory_space<vmem>>) target_semaphore(%arg8 : memref<!tpu.dma_semaphore, #tpu.memory_space<semaphore_mem>>)
    %get3A_991 = arith.constant 76 : i32
    %get3A_992 = arith.index_cast %get3A_991 : i32 to index
    %get3A_993 = memref.load %arg6[%get3A_992] : memref<512xi32, #tpu.memory_space<smem>>
    %dma_start3A_994 = arith.constant 76 : i32
    %dma_start3A_995 = arith.constant 0 : i32
    %dma_start3A_996 = tpu.memref_slice %arg7[%dma_start3A_994, %dma_start3A_995] : memref<512x32xf32, #tpu.memory_space<vmem>> -> memref<1x32xf32, #tpu.memory_space<vmem>>
    %dma_start3A_997 = arith.constant 0 : i32
    %dma_start3A_998 = tpu.memref_slice %arg2[%get3A_993, %dma_start3A_997] : memref<1000000x32xf32, #tpu.memory_space<hbm>> -> memref<1x32xf32, #tpu.memory_space<hbm>>
    %dma_start3A_999 = arith.constant 76 : i32
    %dma_start3A_1000 = arith.constant 0 : i32
    %dma_start3A_1001 = tpu.memref_slice %arg7[%dma_start3A_999, %dma_start3A_1000] : memref<512x32xf32, #tpu.memory_space<vmem>> -> memref<1x32xf32, #tpu.memory_space<vmem>>
    %dma_start3A_1002 = arith.constant 0 : i32
    %dma_start3A_1003 = tpu.memref_slice %arg2[%get3A_993, %dma_start3A_1002] : memref<1000000x32xf32, #tpu.memory_space<hbm>> -> memref<1x32xf32, #tpu.memory_space<hbm>>
    tpu.enqueue_dma source(%dma_start3A_1003 : memref<1x32xf32, #tpu.memory_space<hbm>>) target(%dma_start3A_1001 : memref<1x32xf32, #tpu.memory_space<vmem>>) target_semaphore(%arg8 : memref<!tpu.dma_semaphore, #tpu.memory_space<semaphore_mem>>)
    %get3A_1004 = arith.constant 77 : i32
    %get3A_1005 = arith.index_cast %get3A_1004 : i32 to index
    %get3A_1006 = memref.load %arg6[%get3A_1005] : memref<512xi32, #tpu.memory_space<smem>>
    %dma_start3A_1007 = arith.constant 77 : i32
    %dma_start3A_1008 = arith.constant 0 : i32
    %dma_start3A_1009 = tpu.memref_slice %arg7[%dma_start3A_1007, %dma_start3A_1008] : memref<512x32xf32, #tpu.memory_space<vmem>> -> memref<1x32xf32, #tpu.memory_space<vmem>>
    %dma_start3A_1010 = arith.constant 0 : i32
    %dma_start3A_1011 = tpu.memref_slice %arg2[%get3A_1006, %dma_start3A_1010] : memref<1000000x32xf32, #tpu.memory_space<hbm>> -> memref<1x32xf32, #tpu.memory_space<hbm>>
    %dma_start3A_1012 = arith.constant 77 : i32
    %dma_start3A_1013 = arith.constant 0 : i32
    %dma_start3A_1014 = tpu.memref_slice %arg7[%dma_start3A_1012, %dma_start3A_1013] : memref<512x32xf32, #tpu.memory_space<vmem>> -> memref<1x32xf32, #tpu.memory_space<vmem>>
    %dma_start3A_1015 = arith.constant 0 : i32
    %dma_start3A_1016 = tpu.memref_slice %arg2[%get3A_1006, %dma_start3A_1015] : memref<1000000x32xf32, #tpu.memory_space<hbm>> -> memref<1x32xf32, #tpu.memory_space<hbm>>
    tpu.enqueue_dma source(%dma_start3A_1016 : memref<1x32xf32, #tpu.memory_space<hbm>>) target(%dma_start3A_1014 : memref<1x32xf32, #tpu.memory_space<vmem>>) target_semaphore(%arg8 : memref<!tpu.dma_semaphore, #tpu.memory_space<semaphore_mem>>)
    %get3A_1017 = arith.constant 78 : i32
    %get3A_1018 = arith.index_cast %get3A_1017 : i32 to index
    %get3A_1019 = memref.load %arg6[%get3A_1018] : memref<512xi32, #tpu.memory_space<smem>>
    %dma_start3A_1020 = arith.constant 78 : i32
    %dma_start3A_1021 = arith.constant 0 : i32
    %dma_start3A_1022 = tpu.memref_slice %arg7[%dma_start3A_1020, %dma_start3A_1021] : memref<512x32xf32, #tpu.memory_space<vmem>> -> memref<1x32xf32, #tpu.memory_space<vmem>>
    %dma_start3A_1023 = arith.constant 0 : i32
    %dma_start3A_1024 = tpu.memref_slice %arg2[%get3A_1019, %dma_start3A_1023] : memref<1000000x32xf32, #tpu.memory_space<hbm>> -> memref<1x32xf32, #tpu.memory_space<hbm>>
    %dma_start3A_1025 = arith.constant 78 : i32
    %dma_start3A_1026 = arith.constant 0 : i32
    %dma_start3A_1027 = tpu.memref_slice %arg7[%dma_start3A_1025, %dma_start3A_1026] : memref<512x32xf32, #tpu.memory_space<vmem>> -> memref<1x32xf32, #tpu.memory_space<vmem>>
    %dma_start3A_1028 = arith.constant 0 : i32
    %dma_start3A_1029 = tpu.memref_slice %arg2[%get3A_1019, %dma_start3A_1028] : memref<1000000x32xf32, #tpu.memory_space<hbm>> -> memref<1x32xf32, #tpu.memory_space<hbm>>
    tpu.enqueue_dma source(%dma_start3A_1029 : memref<1x32xf32, #tpu.memory_space<hbm>>) target(%dma_start3A_1027 : memref<1x32xf32, #tpu.memory_space<vmem>>) target_semaphore(%arg8 : memref<!tpu.dma_semaphore, #tpu.memory_space<semaphore_mem>>)
    %get3A_1030 = arith.constant 79 : i32
    %get3A_1031 = arith.index_cast %get3A_1030 : i32 to index
    %get3A_1032 = memref.load %arg6[%get3A_1031] : memref<512xi32, #tpu.memory_space<smem>>
    %dma_start3A_1033 = arith.constant 79 : i32
    %dma_start3A_1034 = arith.constant 0 : i32
    %dma_start3A_1035 = tpu.memref_slice %arg7[%dma_start3A_1033, %dma_start3A_1034] : memref<512x32xf32, #tpu.memory_space<vmem>> -> memref<1x32xf32, #tpu.memory_space<vmem>>
    %dma_start3A_1036 = arith.constant 0 : i32
    %dma_start3A_1037 = tpu.memref_slice %arg2[%get3A_1032, %dma_start3A_1036] : memref<1000000x32xf32, #tpu.memory_space<hbm>> -> memref<1x32xf32, #tpu.memory_space<hbm>>
    %dma_start3A_1038 = arith.constant 79 : i32
    %dma_start3A_1039 = arith.constant 0 : i32
    %dma_start3A_1040 = tpu.memref_slice %arg7[%dma_start3A_1038, %dma_start3A_1039] : memref<512x32xf32, #tpu.memory_space<vmem>> -> memref<1x32xf32, #tpu.memory_space<vmem>>
    %dma_start3A_1041 = arith.constant 0 : i32
    %dma_start3A_1042 = tpu.memref_slice %arg2[%get3A_1032, %dma_start3A_1041] : memref<1000000x32xf32, #tpu.memory_space<hbm>> -> memref<1x32xf32, #tpu.memory_space<hbm>>
    tpu.enqueue_dma source(%dma_start3A_1042 : memref<1x32xf32, #tpu.memory_space<hbm>>) target(%dma_start3A_1040 : memref<1x32xf32, #tpu.memory_space<vmem>>) target_semaphore(%arg8 : memref<!tpu.dma_semaphore, #tpu.memory_space<semaphore_mem>>)
    %get3A_1043 = arith.constant 80 : i32
    %get3A_1044 = arith.index_cast %get3A_1043 : i32 to index
    %get3A_1045 = memref.load %arg6[%get3A_1044] : memref<512xi32, #tpu.memory_space<smem>>
    %dma_start3A_1046 = arith.constant 80 : i32
    %dma_start3A_1047 = arith.constant 0 : i32
    %dma_start3A_1048 = tpu.memref_slice %arg7[%dma_start3A_1046, %dma_start3A_1047] : memref<512x32xf32, #tpu.memory_space<vmem>> -> memref<1x32xf32, #tpu.memory_space<vmem>>
    %dma_start3A_1049 = arith.constant 0 : i32
    %dma_start3A_1050 = tpu.memref_slice %arg2[%get3A_1045, %dma_start3A_1049] : memref<1000000x32xf32, #tpu.memory_space<hbm>> -> memref<1x32xf32, #tpu.memory_space<hbm>>
    %dma_start3A_1051 = arith.constant 80 : i32
    %dma_start3A_1052 = arith.constant 0 : i32
    %dma_start3A_1053 = tpu.memref_slice %arg7[%dma_start3A_1051, %dma_start3A_1052] : memref<512x32xf32, #tpu.memory_space<vmem>> -> memref<1x32xf32, #tpu.memory_space<vmem>>
    %dma_start3A_1054 = arith.constant 0 : i32
    %dma_start3A_1055 = tpu.memref_slice %arg2[%get3A_1045, %dma_start3A_1054] : memref<1000000x32xf32, #tpu.memory_space<hbm>> -> memref<1x32xf32, #tpu.memory_space<hbm>>
    tpu.enqueue_dma source(%dma_start3A_1055 : memref<1x32xf32, #tpu.memory_space<hbm>>) target(%dma_start3A_1053 : memref<1x32xf32, #tpu.memory_space<vmem>>) target_semaphore(%arg8 : memref<!tpu.dma_semaphore, #tpu.memory_space<semaphore_mem>>)
    %get3A_1056 = arith.constant 81 : i32
    %get3A_1057 = arith.index_cast %get3A_1056 : i32 to index
    %get3A_1058 = memref.load %arg6[%get3A_1057] : memref<512xi32, #tpu.memory_space<smem>>
    %dma_start3A_1059 = arith.constant 81 : i32
    %dma_start3A_1060 = arith.constant 0 : i32
    %dma_start3A_1061 = tpu.memref_slice %arg7[%dma_start3A_1059, %dma_start3A_1060] : memref<512x32xf32, #tpu.memory_space<vmem>> -> memref<1x32xf32, #tpu.memory_space<vmem>>
    %dma_start3A_1062 = arith.constant 0 : i32
    %dma_start3A_1063 = tpu.memref_slice %arg2[%get3A_1058, %dma_start3A_1062] : memref<1000000x32xf32, #tpu.memory_space<hbm>> -> memref<1x32xf32, #tpu.memory_space<hbm>>
    %dma_start3A_1064 = arith.constant 81 : i32
    %dma_start3A_1065 = arith.constant 0 : i32
    %dma_start3A_1066 = tpu.memref_slice %arg7[%dma_start3A_1064, %dma_start3A_1065] : memref<512x32xf32, #tpu.memory_space<vmem>> -> memref<1x32xf32, #tpu.memory_space<vmem>>
    %dma_start3A_1067 = arith.constant 0 : i32
    %dma_start3A_1068 = tpu.memref_slice %arg2[%get3A_1058, %dma_start3A_1067] : memref<1000000x32xf32, #tpu.memory_space<hbm>> -> memref<1x32xf32, #tpu.memory_space<hbm>>
    tpu.enqueue_dma source(%dma_start3A_1068 : memref<1x32xf32, #tpu.memory_space<hbm>>) target(%dma_start3A_1066 : memref<1x32xf32, #tpu.memory_space<vmem>>) target_semaphore(%arg8 : memref<!tpu.dma_semaphore, #tpu.memory_space<semaphore_mem>>)
    %get3A_1069 = arith.constant 82 : i32
    %get3A_1070 = arith.index_cast %get3A_1069 : i32 to index
    %get3A_1071 = memref.load %arg6[%get3A_1070] : memref<512xi32, #tpu.memory_space<smem>>
    %dma_start3A_1072 = arith.constant 82 : i32
    %dma_start3A_1073 = arith.constant 0 : i32
    %dma_start3A_1074 = tpu.memref_slice %arg7[%dma_start3A_1072, %dma_start3A_1073] : memref<512x32xf32, #tpu.memory_space<vmem>> -> memref<1x32xf32, #tpu.memory_space<vmem>>
    %dma_start3A_1075 = arith.constant 0 : i32
    %dma_start3A_1076 = tpu.memref_slice %arg2[%get3A_1071, %dma_start3A_1075] : memref<1000000x32xf32, #tpu.memory_space<hbm>> -> memref<1x32xf32, #tpu.memory_space<hbm>>
    %dma_start3A_1077 = arith.constant 82 : i32
    %dma_start3A_1078 = arith.constant 0 : i32
    %dma_start3A_1079 = tpu.memref_slice %arg7[%dma_start3A_1077, %dma_start3A_1078] : memref<512x32xf32, #tpu.memory_space<vmem>> -> memref<1x32xf32, #tpu.memory_space<vmem>>
    %dma_start3A_1080 = arith.constant 0 : i32
    %dma_start3A_1081 = tpu.memref_slice %arg2[%get3A_1071, %dma_start3A_1080] : memref<1000000x32xf32, #tpu.memory_space<hbm>> -> memref<1x32xf32, #tpu.memory_space<hbm>>
    tpu.enqueue_dma source(%dma_start3A_1081 : memref<1x32xf32, #tpu.memory_space<hbm>>) target(%dma_start3A_1079 : memref<1x32xf32, #tpu.memory_space<vmem>>) target_semaphore(%arg8 : memref<!tpu.dma_semaphore, #tpu.memory_space<semaphore_mem>>)
    %get3A_1082 = arith.constant 83 : i32
    %get3A_1083 = arith.index_cast %get3A_1082 : i32 to index
    %get3A_1084 = memref.load %arg6[%get3A_1083] : memref<512xi32, #tpu.memory_space<smem>>
    %dma_start3A_1085 = arith.constant 83 : i32
    %dma_start3A_1086 = arith.constant 0 : i32
    %dma_start3A_1087 = tpu.memref_slice %arg7[%dma_start3A_1085, %dma_start3A_1086] : memref<512x32xf32, #tpu.memory_space<vmem>> -> memref<1x32xf32, #tpu.memory_space<vmem>>
    %dma_start3A_1088 = arith.constant 0 : i32
    %dma_start3A_1089 = tpu.memref_slice %arg2[%get3A_1084, %dma_start3A_1088] : memref<1000000x32xf32, #tpu.memory_space<hbm>> -> memref<1x32xf32, #tpu.memory_space<hbm>>
    %dma_start3A_1090 = arith.constant 83 : i32
    %dma_start3A_1091 = arith.constant 0 : i32
    %dma_start3A_1092 = tpu.memref_slice %arg7[%dma_start3A_1090, %dma_start3A_1091] : memref<512x32xf32, #tpu.memory_space<vmem>> -> memref<1x32xf32, #tpu.memory_space<vmem>>
    %dma_start3A_1093 = arith.constant 0 : i32
    %dma_start3A_1094 = tpu.memref_slice %arg2[%get3A_1084, %dma_start3A_1093] : memref<1000000x32xf32, #tpu.memory_space<hbm>> -> memref<1x32xf32, #tpu.memory_space<hbm>>
    tpu.enqueue_dma source(%dma_start3A_1094 : memref<1x32xf32, #tpu.memory_space<hbm>>) target(%dma_start3A_1092 : memref<1x32xf32, #tpu.memory_space<vmem>>) target_semaphore(%arg8 : memref<!tpu.dma_semaphore, #tpu.memory_space<semaphore_mem>>)
    %get3A_1095 = arith.constant 84 : i32
    %get3A_1096 = arith.index_cast %get3A_1095 : i32 to index
    %get3A_1097 = memref.load %arg6[%get3A_1096] : memref<512xi32, #tpu.memory_space<smem>>
    %dma_start3A_1098 = arith.constant 84 : i32
    %dma_start3A_1099 = arith.constant 0 : i32
    %dma_start3A_1100 = tpu.memref_slice %arg7[%dma_start3A_1098, %dma_start3A_1099] : memref<512x32xf32, #tpu.memory_space<vmem>> -> memref<1x32xf32, #tpu.memory_space<vmem>>
    %dma_start3A_1101 = arith.constant 0 : i32
    %dma_start3A_1102 = tpu.memref_slice %arg2[%get3A_1097, %dma_start3A_1101] : memref<1000000x32xf32, #tpu.memory_space<hbm>> -> memref<1x32xf32, #tpu.memory_space<hbm>>
    %dma_start3A_1103 = arith.constant 84 : i32
    %dma_start3A_1104 = arith.constant 0 : i32
    %dma_start3A_1105 = tpu.memref_slice %arg7[%dma_start3A_1103, %dma_start3A_1104] : memref<512x32xf32, #tpu.memory_space<vmem>> -> memref<1x32xf32, #tpu.memory_space<vmem>>
    %dma_start3A_1106 = arith.constant 0 : i32
    %dma_start3A_1107 = tpu.memref_slice %arg2[%get3A_1097, %dma_start3A_1106] : memref<1000000x32xf32, #tpu.memory_space<hbm>> -> memref<1x32xf32, #tpu.memory_space<hbm>>
    tpu.enqueue_dma source(%dma_start3A_1107 : memref<1x32xf32, #tpu.memory_space<hbm>>) target(%dma_start3A_1105 : memref<1x32xf32, #tpu.memory_space<vmem>>) target_semaphore(%arg8 : memref<!tpu.dma_semaphore, #tpu.memory_space<semaphore_mem>>)
    %get3A_1108 = arith.constant 85 : i32
    %get3A_1109 = arith.index_cast %get3A_1108 : i32 to index
    %get3A_1110 = memref.load %arg6[%get3A_1109] : memref<512xi32, #tpu.memory_space<smem>>
    %dma_start3A_1111 = arith.constant 85 : i32
    %dma_start3A_1112 = arith.constant 0 : i32
    %dma_start3A_1113 = tpu.memref_slice %arg7[%dma_start3A_1111, %dma_start3A_1112] : memref<512x32xf32, #tpu.memory_space<vmem>> -> memref<1x32xf32, #tpu.memory_space<vmem>>
    %dma_start3A_1114 = arith.constant 0 : i32
    %dma_start3A_1115 = tpu.memref_slice %arg2[%get3A_1110, %dma_start3A_1114] : memref<1000000x32xf32, #tpu.memory_space<hbm>> -> memref<1x32xf32, #tpu.memory_space<hbm>>
    %dma_start3A_1116 = arith.constant 85 : i32
    %dma_start3A_1117 = arith.constant 0 : i32
    %dma_start3A_1118 = tpu.memref_slice %arg7[%dma_start3A_1116, %dma_start3A_1117] : memref<512x32xf32, #tpu.memory_space<vmem>> -> memref<1x32xf32, #tpu.memory_space<vmem>>
    %dma_start3A_1119 = arith.constant 0 : i32
    %dma_start3A_1120 = tpu.memref_slice %arg2[%get3A_1110, %dma_start3A_1119] : memref<1000000x32xf32, #tpu.memory_space<hbm>> -> memref<1x32xf32, #tpu.memory_space<hbm>>
    tpu.enqueue_dma source(%dma_start3A_1120 : memref<1x32xf32, #tpu.memory_space<hbm>>) target(%dma_start3A_1118 : memref<1x32xf32, #tpu.memory_space<vmem>>) target_semaphore(%arg8 : memref<!tpu.dma_semaphore, #tpu.memory_space<semaphore_mem>>)
    %get3A_1121 = arith.constant 86 : i32
    %get3A_1122 = arith.index_cast %get3A_1121 : i32 to index
    %get3A_1123 = memref.load %arg6[%get3A_1122] : memref<512xi32, #tpu.memory_space<smem>>
    %dma_start3A_1124 = arith.constant 86 : i32
    %dma_start3A_1125 = arith.constant 0 : i32
    %dma_start3A_1126 = tpu.memref_slice %arg7[%dma_start3A_1124, %dma_start3A_1125] : memref<512x32xf32, #tpu.memory_space<vmem>> -> memref<1x32xf32, #tpu.memory_space<vmem>>
    %dma_start3A_1127 = arith.constant 0 : i32
    %dma_start3A_1128 = tpu.memref_slice %arg2[%get3A_1123, %dma_start3A_1127] : memref<1000000x32xf32, #tpu.memory_space<hbm>> -> memref<1x32xf32, #tpu.memory_space<hbm>>
    %dma_start3A_1129 = arith.constant 86 : i32
    %dma_start3A_1130 = arith.constant 0 : i32
    %dma_start3A_1131 = tpu.memref_slice %arg7[%dma_start3A_1129, %dma_start3A_1130] : memref<512x32xf32, #tpu.memory_space<vmem>> -> memref<1x32xf32, #tpu.memory_space<vmem>>
    %dma_start3A_1132 = arith.constant 0 : i32
    %dma_start3A_1133 = tpu.memref_slice %arg2[%get3A_1123, %dma_start3A_1132] : memref<1000000x32xf32, #tpu.memory_space<hbm>> -> memref<1x32xf32, #tpu.memory_space<hbm>>
    tpu.enqueue_dma source(%dma_start3A_1133 : memref<1x32xf32, #tpu.memory_space<hbm>>) target(%dma_start3A_1131 : memref<1x32xf32, #tpu.memory_space<vmem>>) target_semaphore(%arg8 : memref<!tpu.dma_semaphore, #tpu.memory_space<semaphore_mem>>)
    %get3A_1134 = arith.constant 87 : i32
    %get3A_1135 = arith.index_cast %get3A_1134 : i32 to index
    %get3A_1136 = memref.load %arg6[%get3A_1135] : memref<512xi32, #tpu.memory_space<smem>>
    %dma_start3A_1137 = arith.constant 87 : i32
    %dma_start3A_1138 = arith.constant 0 : i32
    %dma_start3A_1139 = tpu.memref_slice %arg7[%dma_start3A_1137, %dma_start3A_1138] : memref<512x32xf32, #tpu.memory_space<vmem>> -> memref<1x32xf32, #tpu.memory_space<vmem>>
    %dma_start3A_1140 = arith.constant 0 : i32
    %dma_start3A_1141 = tpu.memref_slice %arg2[%get3A_1136, %dma_start3A_1140] : memref<1000000x32xf32, #tpu.memory_space<hbm>> -> memref<1x32xf32, #tpu.memory_space<hbm>>
    %dma_start3A_1142 = arith.constant 87 : i32
    %dma_start3A_1143 = arith.constant 0 : i32
    %dma_start3A_1144 = tpu.memref_slice %arg7[%dma_start3A_1142, %dma_start3A_1143] : memref<512x32xf32, #tpu.memory_space<vmem>> -> memref<1x32xf32, #tpu.memory_space<vmem>>
    %dma_start3A_1145 = arith.constant 0 : i32
    %dma_start3A_1146 = tpu.memref_slice %arg2[%get3A_1136, %dma_start3A_1145] : memref<1000000x32xf32, #tpu.memory_space<hbm>> -> memref<1x32xf32, #tpu.memory_space<hbm>>
    tpu.enqueue_dma source(%dma_start3A_1146 : memref<1x32xf32, #tpu.memory_space<hbm>>) target(%dma_start3A_1144 : memref<1x32xf32, #tpu.memory_space<vmem>>) target_semaphore(%arg8 : memref<!tpu.dma_semaphore, #tpu.memory_space<semaphore_mem>>)
    %get3A_1147 = arith.constant 88 : i32
    %get3A_1148 = arith.index_cast %get3A_1147 : i32 to index
    %get3A_1149 = memref.load %arg6[%get3A_1148] : memref<512xi32, #tpu.memory_space<smem>>
    %dma_start3A_1150 = arith.constant 88 : i32
    %dma_start3A_1151 = arith.constant 0 : i32
    %dma_start3A_1152 = tpu.memref_slice %arg7[%dma_start3A_1150, %dma_start3A_1151] : memref<512x32xf32, #tpu.memory_space<vmem>> -> memref<1x32xf32, #tpu.memory_space<vmem>>
    %dma_start3A_1153 = arith.constant 0 : i32
    %dma_start3A_1154 = tpu.memref_slice %arg2[%get3A_1149, %dma_start3A_1153] : memref<1000000x32xf32, #tpu.memory_space<hbm>> -> memref<1x32xf32, #tpu.memory_space<hbm>>
    %dma_start3A_1155 = arith.constant 88 : i32
    %dma_start3A_1156 = arith.constant 0 : i32
    %dma_start3A_1157 = tpu.memref_slice %arg7[%dma_start3A_1155, %dma_start3A_1156] : memref<512x32xf32, #tpu.memory_space<vmem>> -> memref<1x32xf32, #tpu.memory_space<vmem>>
    %dma_start3A_1158 = arith.constant 0 : i32
    %dma_start3A_1159 = tpu.memref_slice %arg2[%get3A_1149, %dma_start3A_1158] : memref<1000000x32xf32, #tpu.memory_space<hbm>> -> memref<1x32xf32, #tpu.memory_space<hbm>>
    tpu.enqueue_dma source(%dma_start3A_1159 : memref<1x32xf32, #tpu.memory_space<hbm>>) target(%dma_start3A_1157 : memref<1x32xf32, #tpu.memory_space<vmem>>) target_semaphore(%arg8 : memref<!tpu.dma_semaphore, #tpu.memory_space<semaphore_mem>>)
    %get3A_1160 = arith.constant 89 : i32
    %get3A_1161 = arith.index_cast %get3A_1160 : i32 to index
    %get3A_1162 = memref.load %arg6[%get3A_1161] : memref<512xi32, #tpu.memory_space<smem>>
    %dma_start3A_1163 = arith.constant 89 : i32
    %dma_start3A_1164 = arith.constant 0 : i32
    %dma_start3A_1165 = tpu.memref_slice %arg7[%dma_start3A_1163, %dma_start3A_1164] : memref<512x32xf32, #tpu.memory_space<vmem>> -> memref<1x32xf32, #tpu.memory_space<vmem>>
    %dma_start3A_1166 = arith.constant 0 : i32
    %dma_start3A_1167 = tpu.memref_slice %arg2[%get3A_1162, %dma_start3A_1166] : memref<1000000x32xf32, #tpu.memory_space<hbm>> -> memref<1x32xf32, #tpu.memory_space<hbm>>
    %dma_start3A_1168 = arith.constant 89 : i32
    %dma_start3A_1169 = arith.constant 0 : i32
    %dma_start3A_1170 = tpu.memref_slice %arg7[%dma_start3A_1168, %dma_start3A_1169] : memref<512x32xf32, #tpu.memory_space<vmem>> -> memref<1x32xf32, #tpu.memory_space<vmem>>
    %dma_start3A_1171 = arith.constant 0 : i32
    %dma_start3A_1172 = tpu.memref_slice %arg2[%get3A_1162, %dma_start3A_1171] : memref<1000000x32xf32, #tpu.memory_space<hbm>> -> memref<1x32xf32, #tpu.memory_space<hbm>>
    tpu.enqueue_dma source(%dma_start3A_1172 : memref<1x32xf32, #tpu.memory_space<hbm>>) target(%dma_start3A_1170 : memref<1x32xf32, #tpu.memory_space<vmem>>) target_semaphore(%arg8 : memref<!tpu.dma_semaphore, #tpu.memory_space<semaphore_mem>>)
    %get3A_1173 = arith.constant 90 : i32
    %get3A_1174 = arith.index_cast %get3A_1173 : i32 to index
    %get3A_1175 = memref.load %arg6[%get3A_1174] : memref<512xi32, #tpu.memory_space<smem>>
    %dma_start3A_1176 = arith.constant 90 : i32
    %dma_start3A_1177 = arith.constant 0 : i32
    %dma_start3A_1178 = tpu.memref_slice %arg7[%dma_start3A_1176, %dma_start3A_1177] : memref<512x32xf32, #tpu.memory_space<vmem>> -> memref<1x32xf32, #tpu.memory_space<vmem>>
    %dma_start3A_1179 = arith.constant 0 : i32
    %dma_start3A_1180 = tpu.memref_slice %arg2[%get3A_1175, %dma_start3A_1179] : memref<1000000x32xf32, #tpu.memory_space<hbm>> -> memref<1x32xf32, #tpu.memory_space<hbm>>
    %dma_start3A_1181 = arith.constant 90 : i32
    %dma_start3A_1182 = arith.constant 0 : i32
    %dma_start3A_1183 = tpu.memref_slice %arg7[%dma_start3A_1181, %dma_start3A_1182] : memref<512x32xf32, #tpu.memory_space<vmem>> -> memref<1x32xf32, #tpu.memory_space<vmem>>
    %dma_start3A_1184 = arith.constant 0 : i32
    %dma_start3A_1185 = tpu.memref_slice %arg2[%get3A_1175, %dma_start3A_1184] : memref<1000000x32xf32, #tpu.memory_space<hbm>> -> memref<1x32xf32, #tpu.memory_space<hbm>>
    tpu.enqueue_dma source(%dma_start3A_1185 : memref<1x32xf32, #tpu.memory_space<hbm>>) target(%dma_start3A_1183 : memref<1x32xf32, #tpu.memory_space<vmem>>) target_semaphore(%arg8 : memref<!tpu.dma_semaphore, #tpu.memory_space<semaphore_mem>>)
    %get3A_1186 = arith.constant 91 : i32
    %get3A_1187 = arith.index_cast %get3A_1186 : i32 to index
    %get3A_1188 = memref.load %arg6[%get3A_1187] : memref<512xi32, #tpu.memory_space<smem>>
    %dma_start3A_1189 = arith.constant 91 : i32
    %dma_start3A_1190 = arith.constant 0 : i32
    %dma_start3A_1191 = tpu.memref_slice %arg7[%dma_start3A_1189, %dma_start3A_1190] : memref<512x32xf32, #tpu.memory_space<vmem>> -> memref<1x32xf32, #tpu.memory_space<vmem>>
    %dma_start3A_1192 = arith.constant 0 : i32
    %dma_start3A_1193 = tpu.memref_slice %arg2[%get3A_1188, %dma_start3A_1192] : memref<1000000x32xf32, #tpu.memory_space<hbm>> -> memref<1x32xf32, #tpu.memory_space<hbm>>
    %dma_start3A_1194 = arith.constant 91 : i32
    %dma_start3A_1195 = arith.constant 0 : i32
    %dma_start3A_1196 = tpu.memref_slice %arg7[%dma_start3A_1194, %dma_start3A_1195] : memref<512x32xf32, #tpu.memory_space<vmem>> -> memref<1x32xf32, #tpu.memory_space<vmem>>
    %dma_start3A_1197 = arith.constant 0 : i32
    %dma_start3A_1198 = tpu.memref_slice %arg2[%get3A_1188, %dma_start3A_1197] : memref<1000000x32xf32, #tpu.memory_space<hbm>> -> memref<1x32xf32, #tpu.memory_space<hbm>>
    tpu.enqueue_dma source(%dma_start3A_1198 : memref<1x32xf32, #tpu.memory_space<hbm>>) target(%dma_start3A_1196 : memref<1x32xf32, #tpu.memory_space<vmem>>) target_semaphore(%arg8 : memref<!tpu.dma_semaphore, #tpu.memory_space<semaphore_mem>>)
    %get3A_1199 = arith.constant 92 : i32
    %get3A_1200 = arith.index_cast %get3A_1199 : i32 to index
    %get3A_1201 = memref.load %arg6[%get3A_1200] : memref<512xi32, #tpu.memory_space<smem>>
    %dma_start3A_1202 = arith.constant 92 : i32
    %dma_start3A_1203 = arith.constant 0 : i32
    %dma_start3A_1204 = tpu.memref_slice %arg7[%dma_start3A_1202, %dma_start3A_1203] : memref<512x32xf32, #tpu.memory_space<vmem>> -> memref<1x32xf32, #tpu.memory_space<vmem>>
    %dma_start3A_1205 = arith.constant 0 : i32
    %dma_start3A_1206 = tpu.memref_slice %arg2[%get3A_1201, %dma_start3A_1205] : memref<1000000x32xf32, #tpu.memory_space<hbm>> -> memref<1x32xf32, #tpu.memory_space<hbm>>
    %dma_start3A_1207 = arith.constant 92 : i32
    %dma_start3A_1208 = arith.constant 0 : i32
    %dma_start3A_1209 = tpu.memref_slice %arg7[%dma_start3A_1207, %dma_start3A_1208] : memref<512x32xf32, #tpu.memory_space<vmem>> -> memref<1x32xf32, #tpu.memory_space<vmem>>
    %dma_start3A_1210 = arith.constant 0 : i32
    %dma_start3A_1211 = tpu.memref_slice %arg2[%get3A_1201, %dma_start3A_1210] : memref<1000000x32xf32, #tpu.memory_space<hbm>> -> memref<1x32xf32, #tpu.memory_space<hbm>>
    tpu.enqueue_dma source(%dma_start3A_1211 : memref<1x32xf32, #tpu.memory_space<hbm>>) target(%dma_start3A_1209 : memref<1x32xf32, #tpu.memory_space<vmem>>) target_semaphore(%arg8 : memref<!tpu.dma_semaphore, #tpu.memory_space<semaphore_mem>>)
    %get3A_1212 = arith.constant 93 : i32
    %get3A_1213 = arith.index_cast %get3A_1212 : i32 to index
    %get3A_1214 = memref.load %arg6[%get3A_1213] : memref<512xi32, #tpu.memory_space<smem>>
    %dma_start3A_1215 = arith.constant 93 : i32
    %dma_start3A_1216 = arith.constant 0 : i32
    %dma_start3A_1217 = tpu.memref_slice %arg7[%dma_start3A_1215, %dma_start3A_1216] : memref<512x32xf32, #tpu.memory_space<vmem>> -> memref<1x32xf32, #tpu.memory_space<vmem>>
    %dma_start3A_1218 = arith.constant 0 : i32
    %dma_start3A_1219 = tpu.memref_slice %arg2[%get3A_1214, %dma_start3A_1218] : memref<1000000x32xf32, #tpu.memory_space<hbm>> -> memref<1x32xf32, #tpu.memory_space<hbm>>
    %dma_start3A_1220 = arith.constant 93 : i32
    %dma_start3A_1221 = arith.constant 0 : i32
    %dma_start3A_1222 = tpu.memref_slice %arg7[%dma_start3A_1220, %dma_start3A_1221] : memref<512x32xf32, #tpu.memory_space<vmem>> -> memref<1x32xf32, #tpu.memory_space<vmem>>
    %dma_start3A_1223 = arith.constant 0 : i32
    %dma_start3A_1224 = tpu.memref_slice %arg2[%get3A_1214, %dma_start3A_1223] : memref<1000000x32xf32, #tpu.memory_space<hbm>> -> memref<1x32xf32, #tpu.memory_space<hbm>>
    tpu.enqueue_dma source(%dma_start3A_1224 : memref<1x32xf32, #tpu.memory_space<hbm>>) target(%dma_start3A_1222 : memref<1x32xf32, #tpu.memory_space<vmem>>) target_semaphore(%arg8 : memref<!tpu.dma_semaphore, #tpu.memory_space<semaphore_mem>>)
    %get3A_1225 = arith.constant 94 : i32
    %get3A_1226 = arith.index_cast %get3A_1225 : i32 to index
    %get3A_1227 = memref.load %arg6[%get3A_1226] : memref<512xi32, #tpu.memory_space<smem>>
    %dma_start3A_1228 = arith.constant 94 : i32
    %dma_start3A_1229 = arith.constant 0 : i32
    %dma_start3A_1230 = tpu.memref_slice %arg7[%dma_start3A_1228, %dma_start3A_1229] : memref<512x32xf32, #tpu.memory_space<vmem>> -> memref<1x32xf32, #tpu.memory_space<vmem>>
    %dma_start3A_1231 = arith.constant 0 : i32
    %dma_start3A_1232 = tpu.memref_slice %arg2[%get3A_1227, %dma_start3A_1231] : memref<1000000x32xf32, #tpu.memory_space<hbm>> -> memref<1x32xf32, #tpu.memory_space<hbm>>
    %dma_start3A_1233 = arith.constant 94 : i32
    %dma_start3A_1234 = arith.constant 0 : i32
    %dma_start3A_1235 = tpu.memref_slice %arg7[%dma_start3A_1233, %dma_start3A_1234] : memref<512x32xf32, #tpu.memory_space<vmem>> -> memref<1x32xf32, #tpu.memory_space<vmem>>
    %dma_start3A_1236 = arith.constant 0 : i32
    %dma_start3A_1237 = tpu.memref_slice %arg2[%get3A_1227, %dma_start3A_1236] : memref<1000000x32xf32, #tpu.memory_space<hbm>> -> memref<1x32xf32, #tpu.memory_space<hbm>>
    tpu.enqueue_dma source(%dma_start3A_1237 : memref<1x32xf32, #tpu.memory_space<hbm>>) target(%dma_start3A_1235 : memref<1x32xf32, #tpu.memory_space<vmem>>) target_semaphore(%arg8 : memref<!tpu.dma_semaphore, #tpu.memory_space<semaphore_mem>>)
    %get3A_1238 = arith.constant 95 : i32
    %get3A_1239 = arith.index_cast %get3A_1238 : i32 to index
    %get3A_1240 = memref.load %arg6[%get3A_1239] : memref<512xi32, #tpu.memory_space<smem>>
    %dma_start3A_1241 = arith.constant 95 : i32
    %dma_start3A_1242 = arith.constant 0 : i32
    %dma_start3A_1243 = tpu.memref_slice %arg7[%dma_start3A_1241, %dma_start3A_1242] : memref<512x32xf32, #tpu.memory_space<vmem>> -> memref<1x32xf32, #tpu.memory_space<vmem>>
    %dma_start3A_1244 = arith.constant 0 : i32
    %dma_start3A_1245 = tpu.memref_slice %arg2[%get3A_1240, %dma_start3A_1244] : memref<1000000x32xf32, #tpu.memory_space<hbm>> -> memref<1x32xf32, #tpu.memory_space<hbm>>
    %dma_start3A_1246 = arith.constant 95 : i32
    %dma_start3A_1247 = arith.constant 0 : i32
    %dma_start3A_1248 = tpu.memref_slice %arg7[%dma_start3A_1246, %dma_start3A_1247] : memref<512x32xf32, #tpu.memory_space<vmem>> -> memref<1x32xf32, #tpu.memory_space<vmem>>
    %dma_start3A_1249 = arith.constant 0 : i32
    %dma_start3A_1250 = tpu.memref_slice %arg2[%get3A_1240, %dma_start3A_1249] : memref<1000000x32xf32, #tpu.memory_space<hbm>> -> memref<1x32xf32, #tpu.memory_space<hbm>>
    tpu.enqueue_dma source(%dma_start3A_1250 : memref<1x32xf32, #tpu.memory_space<hbm>>) target(%dma_start3A_1248 : memref<1x32xf32, #tpu.memory_space<vmem>>) target_semaphore(%arg8 : memref<!tpu.dma_semaphore, #tpu.memory_space<semaphore_mem>>)
    %get3A_1251 = arith.constant 96 : i32
    %get3A_1252 = arith.index_cast %get3A_1251 : i32 to index
    %get3A_1253 = memref.load %arg6[%get3A_1252] : memref<512xi32, #tpu.memory_space<smem>>
    %dma_start3A_1254 = arith.constant 96 : i32
    %dma_start3A_1255 = arith.constant 0 : i32
    %dma_start3A_1256 = tpu.memref_slice %arg7[%dma_start3A_1254, %dma_start3A_1255] : memref<512x32xf32, #tpu.memory_space<vmem>> -> memref<1x32xf32, #tpu.memory_space<vmem>>
    %dma_start3A_1257 = arith.constant 0 : i32
    %dma_start3A_1258 = tpu.memref_slice %arg2[%get3A_1253, %dma_start3A_1257] : memref<1000000x32xf32, #tpu.memory_space<hbm>> -> memref<1x32xf32, #tpu.memory_space<hbm>>
    %dma_start3A_1259 = arith.constant 96 : i32
    %dma_start3A_1260 = arith.constant 0 : i32
    %dma_start3A_1261 = tpu.memref_slice %arg7[%dma_start3A_1259, %dma_start3A_1260] : memref<512x32xf32, #tpu.memory_space<vmem>> -> memref<1x32xf32, #tpu.memory_space<vmem>>
    %dma_start3A_1262 = arith.constant 0 : i32
    %dma_start3A_1263 = tpu.memref_slice %arg2[%get3A_1253, %dma_start3A_1262] : memref<1000000x32xf32, #tpu.memory_space<hbm>> -> memref<1x32xf32, #tpu.memory_space<hbm>>
    tpu.enqueue_dma source(%dma_start3A_1263 : memref<1x32xf32, #tpu.memory_space<hbm>>) target(%dma_start3A_1261 : memref<1x32xf32, #tpu.memory_space<vmem>>) target_semaphore(%arg8 : memref<!tpu.dma_semaphore, #tpu.memory_space<semaphore_mem>>)
    %get3A_1264 = arith.constant 97 : i32
    %get3A_1265 = arith.index_cast %get3A_1264 : i32 to index
    %get3A_1266 = memref.load %arg6[%get3A_1265] : memref<512xi32, #tpu.memory_space<smem>>
    %dma_start3A_1267 = arith.constant 97 : i32
    %dma_start3A_1268 = arith.constant 0 : i32
    %dma_start3A_1269 = tpu.memref_slice %arg7[%dma_start3A_1267, %dma_start3A_1268] : memref<512x32xf32, #tpu.memory_space<vmem>> -> memref<1x32xf32, #tpu.memory_space<vmem>>
    %dma_start3A_1270 = arith.constant 0 : i32
    %dma_start3A_1271 = tpu.memref_slice %arg2[%get3A_1266, %dma_start3A_1270] : memref<1000000x32xf32, #tpu.memory_space<hbm>> -> memref<1x32xf32, #tpu.memory_space<hbm>>
    %dma_start3A_1272 = arith.constant 97 : i32
    %dma_start3A_1273 = arith.constant 0 : i32
    %dma_start3A_1274 = tpu.memref_slice %arg7[%dma_start3A_1272, %dma_start3A_1273] : memref<512x32xf32, #tpu.memory_space<vmem>> -> memref<1x32xf32, #tpu.memory_space<vmem>>
    %dma_start3A_1275 = arith.constant 0 : i32
    %dma_start3A_1276 = tpu.memref_slice %arg2[%get3A_1266, %dma_start3A_1275] : memref<1000000x32xf32, #tpu.memory_space<hbm>> -> memref<1x32xf32, #tpu.memory_space<hbm>>
    tpu.enqueue_dma source(%dma_start3A_1276 : memref<1x32xf32, #tpu.memory_space<hbm>>) target(%dma_start3A_1274 : memref<1x32xf32, #tpu.memory_space<vmem>>) target_semaphore(%arg8 : memref<!tpu.dma_semaphore, #tpu.memory_space<semaphore_mem>>)
    %get3A_1277 = arith.constant 98 : i32
    %get3A_1278 = arith.index_cast %get3A_1277 : i32 to index
    %get3A_1279 = memref.load %arg6[%get3A_1278] : memref<512xi32, #tpu.memory_space<smem>>
    %dma_start3A_1280 = arith.constant 98 : i32
    %dma_start3A_1281 = arith.constant 0 : i32
    %dma_start3A_1282 = tpu.memref_slice %arg7[%dma_start3A_1280, %dma_start3A_1281] : memref<512x32xf32, #tpu.memory_space<vmem>> -> memref<1x32xf32, #tpu.memory_space<vmem>>
    %dma_start3A_1283 = arith.constant 0 : i32
    %dma_start3A_1284 = tpu.memref_slice %arg2[%get3A_1279, %dma_start3A_1283] : memref<1000000x32xf32, #tpu.memory_space<hbm>> -> memref<1x32xf32, #tpu.memory_space<hbm>>
    %dma_start3A_1285 = arith.constant 98 : i32
    %dma_start3A_1286 = arith.constant 0 : i32
    %dma_start3A_1287 = tpu.memref_slice %arg7[%dma_start3A_1285, %dma_start3A_1286] : memref<512x32xf32, #tpu.memory_space<vmem>> -> memref<1x32xf32, #tpu.memory_space<vmem>>
    %dma_start3A_1288 = arith.constant 0 : i32
    %dma_start3A_1289 = tpu.memref_slice %arg2[%get3A_1279, %dma_start3A_1288] : memref<1000000x32xf32, #tpu.memory_space<hbm>> -> memref<1x32xf32, #tpu.memory_space<hbm>>
    tpu.enqueue_dma source(%dma_start3A_1289 : memref<1x32xf32, #tpu.memory_space<hbm>>) target(%dma_start3A_1287 : memref<1x32xf32, #tpu.memory_space<vmem>>) target_semaphore(%arg8 : memref<!tpu.dma_semaphore, #tpu.memory_space<semaphore_mem>>)
    %get3A_1290 = arith.constant 99 : i32
    %get3A_1291 = arith.index_cast %get3A_1290 : i32 to index
    %get3A_1292 = memref.load %arg6[%get3A_1291] : memref<512xi32, #tpu.memory_space<smem>>
    %dma_start3A_1293 = arith.constant 99 : i32
    %dma_start3A_1294 = arith.constant 0 : i32
    %dma_start3A_1295 = tpu.memref_slice %arg7[%dma_start3A_1293, %dma_start3A_1294] : memref<512x32xf32, #tpu.memory_space<vmem>> -> memref<1x32xf32, #tpu.memory_space<vmem>>
    %dma_start3A_1296 = arith.constant 0 : i32
    %dma_start3A_1297 = tpu.memref_slice %arg2[%get3A_1292, %dma_start3A_1296] : memref<1000000x32xf32, #tpu.memory_space<hbm>> -> memref<1x32xf32, #tpu.memory_space<hbm>>
    %dma_start3A_1298 = arith.constant 99 : i32
    %dma_start3A_1299 = arith.constant 0 : i32
    %dma_start3A_1300 = tpu.memref_slice %arg7[%dma_start3A_1298, %dma_start3A_1299] : memref<512x32xf32, #tpu.memory_space<vmem>> -> memref<1x32xf32, #tpu.memory_space<vmem>>
    %dma_start3A_1301 = arith.constant 0 : i32
    %dma_start3A_1302 = tpu.memref_slice %arg2[%get3A_1292, %dma_start3A_1301] : memref<1000000x32xf32, #tpu.memory_space<hbm>> -> memref<1x32xf32, #tpu.memory_space<hbm>>
    tpu.enqueue_dma source(%dma_start3A_1302 : memref<1x32xf32, #tpu.memory_space<hbm>>) target(%dma_start3A_1300 : memref<1x32xf32, #tpu.memory_space<vmem>>) target_semaphore(%arg8 : memref<!tpu.dma_semaphore, #tpu.memory_space<semaphore_mem>>)
    %get3A_1303 = arith.constant 100 : i32
    %get3A_1304 = arith.index_cast %get3A_1303 : i32 to index
    %get3A_1305 = memref.load %arg6[%get3A_1304] : memref<512xi32, #tpu.memory_space<smem>>
    %dma_start3A_1306 = arith.constant 100 : i32
    %dma_start3A_1307 = arith.constant 0 : i32
    %dma_start3A_1308 = tpu.memref_slice %arg7[%dma_start3A_1306, %dma_start3A_1307] : memref<512x32xf32, #tpu.memory_space<vmem>> -> memref<1x32xf32, #tpu.memory_space<vmem>>
    %dma_start3A_1309 = arith.constant 0 : i32
    %dma_start3A_1310 = tpu.memref_slice %arg2[%get3A_1305, %dma_start3A_1309] : memref<1000000x32xf32, #tpu.memory_space<hbm>> -> memref<1x32xf32, #tpu.memory_space<hbm>>
    %dma_start3A_1311 = arith.constant 100 : i32
    %dma_start3A_1312 = arith.constant 0 : i32
    %dma_start3A_1313 = tpu.memref_slice %arg7[%dma_start3A_1311, %dma_start3A_1312] : memref<512x32xf32, #tpu.memory_space<vmem>> -> memref<1x32xf32, #tpu.memory_space<vmem>>
    %dma_start3A_1314 = arith.constant 0 : i32
    %dma_start3A_1315 = tpu.memref_slice %arg2[%get3A_1305, %dma_start3A_1314] : memref<1000000x32xf32, #tpu.memory_space<hbm>> -> memref<1x32xf32, #tpu.memory_space<hbm>>
    tpu.enqueue_dma source(%dma_start3A_1315 : memref<1x32xf32, #tpu.memory_space<hbm>>) target(%dma_start3A_1313 : memref<1x32xf32, #tpu.memory_space<vmem>>) target_semaphore(%arg8 : memref<!tpu.dma_semaphore, #tpu.memory_space<semaphore_mem>>)
    %get3A_1316 = arith.constant 101 : i32
    %get3A_1317 = arith.index_cast %get3A_1316 : i32 to index
    %get3A_1318 = memref.load %arg6[%get3A_1317] : memref<512xi32, #tpu.memory_space<smem>>
    %dma_start3A_1319 = arith.constant 101 : i32
    %dma_start3A_1320 = arith.constant 0 : i32
    %dma_start3A_1321 = tpu.memref_slice %arg7[%dma_start3A_1319, %dma_start3A_1320] : memref<512x32xf32, #tpu.memory_space<vmem>> -> memref<1x32xf32, #tpu.memory_space<vmem>>
    %dma_start3A_1322 = arith.constant 0 : i32
    %dma_start3A_1323 = tpu.memref_slice %arg2[%get3A_1318, %dma_start3A_1322] : memref<1000000x32xf32, #tpu.memory_space<hbm>> -> memref<1x32xf32, #tpu.memory_space<hbm>>
    %dma_start3A_1324 = arith.constant 101 : i32
    %dma_start3A_1325 = arith.constant 0 : i32
    %dma_start3A_1326 = tpu.memref_slice %arg7[%dma_start3A_1324, %dma_start3A_1325] : memref<512x32xf32, #tpu.memory_space<vmem>> -> memref<1x32xf32, #tpu.memory_space<vmem>>
    %dma_start3A_1327 = arith.constant 0 : i32
    %dma_start3A_1328 = tpu.memref_slice %arg2[%get3A_1318, %dma_start3A_1327] : memref<1000000x32xf32, #tpu.memory_space<hbm>> -> memref<1x32xf32, #tpu.memory_space<hbm>>
    tpu.enqueue_dma source(%dma_start3A_1328 : memref<1x32xf32, #tpu.memory_space<hbm>>) target(%dma_start3A_1326 : memref<1x32xf32, #tpu.memory_space<vmem>>) target_semaphore(%arg8 : memref<!tpu.dma_semaphore, #tpu.memory_space<semaphore_mem>>)
    %get3A_1329 = arith.constant 102 : i32
    %get3A_1330 = arith.index_cast %get3A_1329 : i32 to index
    %get3A_1331 = memref.load %arg6[%get3A_1330] : memref<512xi32, #tpu.memory_space<smem>>
    %dma_start3A_1332 = arith.constant 102 : i32
    %dma_start3A_1333 = arith.constant 0 : i32
    %dma_start3A_1334 = tpu.memref_slice %arg7[%dma_start3A_1332, %dma_start3A_1333] : memref<512x32xf32, #tpu.memory_space<vmem>> -> memref<1x32xf32, #tpu.memory_space<vmem>>
    %dma_start3A_1335 = arith.constant 0 : i32
    %dma_start3A_1336 = tpu.memref_slice %arg2[%get3A_1331, %dma_start3A_1335] : memref<1000000x32xf32, #tpu.memory_space<hbm>> -> memref<1x32xf32, #tpu.memory_space<hbm>>
    %dma_start3A_1337 = arith.constant 102 : i32
    %dma_start3A_1338 = arith.constant 0 : i32
    %dma_start3A_1339 = tpu.memref_slice %arg7[%dma_start3A_1337, %dma_start3A_1338] : memref<512x32xf32, #tpu.memory_space<vmem>> -> memref<1x32xf32, #tpu.memory_space<vmem>>
    %dma_start3A_1340 = arith.constant 0 : i32
    %dma_start3A_1341 = tpu.memref_slice %arg2[%get3A_1331, %dma_start3A_1340] : memref<1000000x32xf32, #tpu.memory_space<hbm>> -> memref<1x32xf32, #tpu.memory_space<hbm>>
    tpu.enqueue_dma source(%dma_start3A_1341 : memref<1x32xf32, #tpu.memory_space<hbm>>) target(%dma_start3A_1339 : memref<1x32xf32, #tpu.memory_space<vmem>>) target_semaphore(%arg8 : memref<!tpu.dma_semaphore, #tpu.memory_space<semaphore_mem>>)
    %get3A_1342 = arith.constant 103 : i32
    %get3A_1343 = arith.index_cast %get3A_1342 : i32 to index
    %get3A_1344 = memref.load %arg6[%get3A_1343] : memref<512xi32, #tpu.memory_space<smem>>
    %dma_start3A_1345 = arith.constant 103 : i32
    %dma_start3A_1346 = arith.constant 0 : i32
    %dma_start3A_1347 = tpu.memref_slice %arg7[%dma_start3A_1345, %dma_start3A_1346] : memref<512x32xf32, #tpu.memory_space<vmem>> -> memref<1x32xf32, #tpu.memory_space<vmem>>
    %dma_start3A_1348 = arith.constant 0 : i32
    %dma_start3A_1349 = tpu.memref_slice %arg2[%get3A_1344, %dma_start3A_1348] : memref<1000000x32xf32, #tpu.memory_space<hbm>> -> memref<1x32xf32, #tpu.memory_space<hbm>>
    %dma_start3A_1350 = arith.constant 103 : i32
    %dma_start3A_1351 = arith.constant 0 : i32
    %dma_start3A_1352 = tpu.memref_slice %arg7[%dma_start3A_1350, %dma_start3A_1351] : memref<512x32xf32, #tpu.memory_space<vmem>> -> memref<1x32xf32, #tpu.memory_space<vmem>>
    %dma_start3A_1353 = arith.constant 0 : i32
    %dma_start3A_1354 = tpu.memref_slice %arg2[%get3A_1344, %dma_start3A_1353] : memref<1000000x32xf32, #tpu.memory_space<hbm>> -> memref<1x32xf32, #tpu.memory_space<hbm>>
    tpu.enqueue_dma source(%dma_start3A_1354 : memref<1x32xf32, #tpu.memory_space<hbm>>) target(%dma_start3A_1352 : memref<1x32xf32, #tpu.memory_space<vmem>>) target_semaphore(%arg8 : memref<!tpu.dma_semaphore, #tpu.memory_space<semaphore_mem>>)
    %get3A_1355 = arith.constant 104 : i32
    %get3A_1356 = arith.index_cast %get3A_1355 : i32 to index
    %get3A_1357 = memref.load %arg6[%get3A_1356] : memref<512xi32, #tpu.memory_space<smem>>
    %dma_start3A_1358 = arith.constant 104 : i32
    %dma_start3A_1359 = arith.constant 0 : i32
    %dma_start3A_1360 = tpu.memref_slice %arg7[%dma_start3A_1358, %dma_start3A_1359] : memref<512x32xf32, #tpu.memory_space<vmem>> -> memref<1x32xf32, #tpu.memory_space<vmem>>
    %dma_start3A_1361 = arith.constant 0 : i32
    %dma_start3A_1362 = tpu.memref_slice %arg2[%get3A_1357, %dma_start3A_1361] : memref<1000000x32xf32, #tpu.memory_space<hbm>> -> memref<1x32xf32, #tpu.memory_space<hbm>>
    %dma_start3A_1363 = arith.constant 104 : i32
    %dma_start3A_1364 = arith.constant 0 : i32
    %dma_start3A_1365 = tpu.memref_slice %arg7[%dma_start3A_1363, %dma_start3A_1364] : memref<512x32xf32, #tpu.memory_space<vmem>> -> memref<1x32xf32, #tpu.memory_space<vmem>>
    %dma_start3A_1366 = arith.constant 0 : i32
    %dma_start3A_1367 = tpu.memref_slice %arg2[%get3A_1357, %dma_start3A_1366] : memref<1000000x32xf32, #tpu.memory_space<hbm>> -> memref<1x32xf32, #tpu.memory_space<hbm>>
    tpu.enqueue_dma source(%dma_start3A_1367 : memref<1x32xf32, #tpu.memory_space<hbm>>) target(%dma_start3A_1365 : memref<1x32xf32, #tpu.memory_space<vmem>>) target_semaphore(%arg8 : memref<!tpu.dma_semaphore, #tpu.memory_space<semaphore_mem>>)
    %get3A_1368 = arith.constant 105 : i32
    %get3A_1369 = arith.index_cast %get3A_1368 : i32 to index
    %get3A_1370 = memref.load %arg6[%get3A_1369] : memref<512xi32, #tpu.memory_space<smem>>
    %dma_start3A_1371 = arith.constant 105 : i32
    %dma_start3A_1372 = arith.constant 0 : i32
    %dma_start3A_1373 = tpu.memref_slice %arg7[%dma_start3A_1371, %dma_start3A_1372] : memref<512x32xf32, #tpu.memory_space<vmem>> -> memref<1x32xf32, #tpu.memory_space<vmem>>
    %dma_start3A_1374 = arith.constant 0 : i32
    %dma_start3A_1375 = tpu.memref_slice %arg2[%get3A_1370, %dma_start3A_1374] : memref<1000000x32xf32, #tpu.memory_space<hbm>> -> memref<1x32xf32, #tpu.memory_space<hbm>>
    %dma_start3A_1376 = arith.constant 105 : i32
    %dma_start3A_1377 = arith.constant 0 : i32
    %dma_start3A_1378 = tpu.memref_slice %arg7[%dma_start3A_1376, %dma_start3A_1377] : memref<512x32xf32, #tpu.memory_space<vmem>> -> memref<1x32xf32, #tpu.memory_space<vmem>>
    %dma_start3A_1379 = arith.constant 0 : i32
    %dma_start3A_1380 = tpu.memref_slice %arg2[%get3A_1370, %dma_start3A_1379] : memref<1000000x32xf32, #tpu.memory_space<hbm>> -> memref<1x32xf32, #tpu.memory_space<hbm>>
    tpu.enqueue_dma source(%dma_start3A_1380 : memref<1x32xf32, #tpu.memory_space<hbm>>) target(%dma_start3A_1378 : memref<1x32xf32, #tpu.memory_space<vmem>>) target_semaphore(%arg8 : memref<!tpu.dma_semaphore, #tpu.memory_space<semaphore_mem>>)
    %get3A_1381 = arith.constant 106 : i32
    %get3A_1382 = arith.index_cast %get3A_1381 : i32 to index
    %get3A_1383 = memref.load %arg6[%get3A_1382] : memref<512xi32, #tpu.memory_space<smem>>
    %dma_start3A_1384 = arith.constant 106 : i32
    %dma_start3A_1385 = arith.constant 0 : i32
    %dma_start3A_1386 = tpu.memref_slice %arg7[%dma_start3A_1384, %dma_start3A_1385] : memref<512x32xf32, #tpu.memory_space<vmem>> -> memref<1x32xf32, #tpu.memory_space<vmem>>
    %dma_start3A_1387 = arith.constant 0 : i32
    %dma_start3A_1388 = tpu.memref_slice %arg2[%get3A_1383, %dma_start3A_1387] : memref<1000000x32xf32, #tpu.memory_space<hbm>> -> memref<1x32xf32, #tpu.memory_space<hbm>>
    %dma_start3A_1389 = arith.constant 106 : i32
    %dma_start3A_1390 = arith.constant 0 : i32
    %dma_start3A_1391 = tpu.memref_slice %arg7[%dma_start3A_1389, %dma_start3A_1390] : memref<512x32xf32, #tpu.memory_space<vmem>> -> memref<1x32xf32, #tpu.memory_space<vmem>>
    %dma_start3A_1392 = arith.constant 0 : i32
    %dma_start3A_1393 = tpu.memref_slice %arg2[%get3A_1383, %dma_start3A_1392] : memref<1000000x32xf32, #tpu.memory_space<hbm>> -> memref<1x32xf32, #tpu.memory_space<hbm>>
    tpu.enqueue_dma source(%dma_start3A_1393 : memref<1x32xf32, #tpu.memory_space<hbm>>) target(%dma_start3A_1391 : memref<1x32xf32, #tpu.memory_space<vmem>>) target_semaphore(%arg8 : memref<!tpu.dma_semaphore, #tpu.memory_space<semaphore_mem>>)
    %get3A_1394 = arith.constant 107 : i32
    %get3A_1395 = arith.index_cast %get3A_1394 : i32 to index
    %get3A_1396 = memref.load %arg6[%get3A_1395] : memref<512xi32, #tpu.memory_space<smem>>
    %dma_start3A_1397 = arith.constant 107 : i32
    %dma_start3A_1398 = arith.constant 0 : i32
    %dma_start3A_1399 = tpu.memref_slice %arg7[%dma_start3A_1397, %dma_start3A_1398] : memref<512x32xf32, #tpu.memory_space<vmem>> -> memref<1x32xf32, #tpu.memory_space<vmem>>
    %dma_start3A_1400 = arith.constant 0 : i32
    %dma_start3A_1401 = tpu.memref_slice %arg2[%get3A_1396, %dma_start3A_1400] : memref<1000000x32xf32, #tpu.memory_space<hbm>> -> memref<1x32xf32, #tpu.memory_space<hbm>>
    %dma_start3A_1402 = arith.constant 107 : i32
    %dma_start3A_1403 = arith.constant 0 : i32
    %dma_start3A_1404 = tpu.memref_slice %arg7[%dma_start3A_1402, %dma_start3A_1403] : memref<512x32xf32, #tpu.memory_space<vmem>> -> memref<1x32xf32, #tpu.memory_space<vmem>>
    %dma_start3A_1405 = arith.constant 0 : i32
    %dma_start3A_1406 = tpu.memref_slice %arg2[%get3A_1396, %dma_start3A_1405] : memref<1000000x32xf32, #tpu.memory_space<hbm>> -> memref<1x32xf32, #tpu.memory_space<hbm>>
    tpu.enqueue_dma source(%dma_start3A_1406 : memref<1x32xf32, #tpu.memory_space<hbm>>) target(%dma_start3A_1404 : memref<1x32xf32, #tpu.memory_space<vmem>>) target_semaphore(%arg8 : memref<!tpu.dma_semaphore, #tpu.memory_space<semaphore_mem>>)
    %get3A_1407 = arith.constant 108 : i32
    %get3A_1408 = arith.index_cast %get3A_1407 : i32 to index
    %get3A_1409 = memref.load %arg6[%get3A_1408] : memref<512xi32, #tpu.memory_space<smem>>
    %dma_start3A_1410 = arith.constant 108 : i32
    %dma_start3A_1411 = arith.constant 0 : i32
    %dma_start3A_1412 = tpu.memref_slice %arg7[%dma_start3A_1410, %dma_start3A_1411] : memref<512x32xf32, #tpu.memory_space<vmem>> -> memref<1x32xf32, #tpu.memory_space<vmem>>
    %dma_start3A_1413 = arith.constant 0 : i32
    %dma_start3A_1414 = tpu.memref_slice %arg2[%get3A_1409, %dma_start3A_1413] : memref<1000000x32xf32, #tpu.memory_space<hbm>> -> memref<1x32xf32, #tpu.memory_space<hbm>>
    %dma_start3A_1415 = arith.constant 108 : i32
    %dma_start3A_1416 = arith.constant 0 : i32
    %dma_start3A_1417 = tpu.memref_slice %arg7[%dma_start3A_1415, %dma_start3A_1416] : memref<512x32xf32, #tpu.memory_space<vmem>> -> memref<1x32xf32, #tpu.memory_space<vmem>>
    %dma_start3A_1418 = arith.constant 0 : i32
    %dma_start3A_1419 = tpu.memref_slice %arg2[%get3A_1409, %dma_start3A_1418] : memref<1000000x32xf32, #tpu.memory_space<hbm>> -> memref<1x32xf32, #tpu.memory_space<hbm>>
    tpu.enqueue_dma source(%dma_start3A_1419 : memref<1x32xf32, #tpu.memory_space<hbm>>) target(%dma_start3A_1417 : memref<1x32xf32, #tpu.memory_space<vmem>>) target_semaphore(%arg8 : memref<!tpu.dma_semaphore, #tpu.memory_space<semaphore_mem>>)
    %get3A_1420 = arith.constant 109 : i32
    %get3A_1421 = arith.index_cast %get3A_1420 : i32 to index
    %get3A_1422 = memref.load %arg6[%get3A_1421] : memref<512xi32, #tpu.memory_space<smem>>
    %dma_start3A_1423 = arith.constant 109 : i32
    %dma_start3A_1424 = arith.constant 0 : i32
    %dma_start3A_1425 = tpu.memref_slice %arg7[%dma_start3A_1423, %dma_start3A_1424] : memref<512x32xf32, #tpu.memory_space<vmem>> -> memref<1x32xf32, #tpu.memory_space<vmem>>
    %dma_start3A_1426 = arith.constant 0 : i32
    %dma_start3A_1427 = tpu.memref_slice %arg2[%get3A_1422, %dma_start3A_1426] : memref<1000000x32xf32, #tpu.memory_space<hbm>> -> memref<1x32xf32, #tpu.memory_space<hbm>>
    %dma_start3A_1428 = arith.constant 109 : i32
    %dma_start3A_1429 = arith.constant 0 : i32
    %dma_start3A_1430 = tpu.memref_slice %arg7[%dma_start3A_1428, %dma_start3A_1429] : memref<512x32xf32, #tpu.memory_space<vmem>> -> memref<1x32xf32, #tpu.memory_space<vmem>>
    %dma_start3A_1431 = arith.constant 0 : i32
    %dma_start3A_1432 = tpu.memref_slice %arg2[%get3A_1422, %dma_start3A_1431] : memref<1000000x32xf32, #tpu.memory_space<hbm>> -> memref<1x32xf32, #tpu.memory_space<hbm>>
    tpu.enqueue_dma source(%dma_start3A_1432 : memref<1x32xf32, #tpu.memory_space<hbm>>) target(%dma_start3A_1430 : memref<1x32xf32, #tpu.memory_space<vmem>>) target_semaphore(%arg8 : memref<!tpu.dma_semaphore, #tpu.memory_space<semaphore_mem>>)
    %get3A_1433 = arith.constant 110 : i32
    %get3A_1434 = arith.index_cast %get3A_1433 : i32 to index
    %get3A_1435 = memref.load %arg6[%get3A_1434] : memref<512xi32, #tpu.memory_space<smem>>
    %dma_start3A_1436 = arith.constant 110 : i32
    %dma_start3A_1437 = arith.constant 0 : i32
    %dma_start3A_1438 = tpu.memref_slice %arg7[%dma_start3A_1436, %dma_start3A_1437] : memref<512x32xf32, #tpu.memory_space<vmem>> -> memref<1x32xf32, #tpu.memory_space<vmem>>
    %dma_start3A_1439 = arith.constant 0 : i32
    %dma_start3A_1440 = tpu.memref_slice %arg2[%get3A_1435, %dma_start3A_1439] : memref<1000000x32xf32, #tpu.memory_space<hbm>> -> memref<1x32xf32, #tpu.memory_space<hbm>>
    %dma_start3A_1441 = arith.constant 110 : i32
    %dma_start3A_1442 = arith.constant 0 : i32
    %dma_start3A_1443 = tpu.memref_slice %arg7[%dma_start3A_1441, %dma_start3A_1442] : memref<512x32xf32, #tpu.memory_space<vmem>> -> memref<1x32xf32, #tpu.memory_space<vmem>>
    %dma_start3A_1444 = arith.constant 0 : i32
    %dma_start3A_1445 = tpu.memref_slice %arg2[%get3A_1435, %dma_start3A_1444] : memref<1000000x32xf32, #tpu.memory_space<hbm>> -> memref<1x32xf32, #tpu.memory_space<hbm>>
    tpu.enqueue_dma source(%dma_start3A_1445 : memref<1x32xf32, #tpu.memory_space<hbm>>) target(%dma_start3A_1443 : memref<1x32xf32, #tpu.memory_space<vmem>>) target_semaphore(%arg8 : memref<!tpu.dma_semaphore, #tpu.memory_space<semaphore_mem>>)
    %get3A_1446 = arith.constant 111 : i32
    %get3A_1447 = arith.index_cast %get3A_1446 : i32 to index
    %get3A_1448 = memref.load %arg6[%get3A_1447] : memref<512xi32, #tpu.memory_space<smem>>
    %dma_start3A_1449 = arith.constant 111 : i32
    %dma_start3A_1450 = arith.constant 0 : i32
    %dma_start3A_1451 = tpu.memref_slice %arg7[%dma_start3A_1449, %dma_start3A_1450] : memref<512x32xf32, #tpu.memory_space<vmem>> -> memref<1x32xf32, #tpu.memory_space<vmem>>
    %dma_start3A_1452 = arith.constant 0 : i32
    %dma_start3A_1453 = tpu.memref_slice %arg2[%get3A_1448, %dma_start3A_1452] : memref<1000000x32xf32, #tpu.memory_space<hbm>> -> memref<1x32xf32, #tpu.memory_space<hbm>>
    %dma_start3A_1454 = arith.constant 111 : i32
    %dma_start3A_1455 = arith.constant 0 : i32
    %dma_start3A_1456 = tpu.memref_slice %arg7[%dma_start3A_1454, %dma_start3A_1455] : memref<512x32xf32, #tpu.memory_space<vmem>> -> memref<1x32xf32, #tpu.memory_space<vmem>>
    %dma_start3A_1457 = arith.constant 0 : i32
    %dma_start3A_1458 = tpu.memref_slice %arg2[%get3A_1448, %dma_start3A_1457] : memref<1000000x32xf32, #tpu.memory_space<hbm>> -> memref<1x32xf32, #tpu.memory_space<hbm>>
    tpu.enqueue_dma source(%dma_start3A_1458 : memref<1x32xf32, #tpu.memory_space<hbm>>) target(%dma_start3A_1456 : memref<1x32xf32, #tpu.memory_space<vmem>>) target_semaphore(%arg8 : memref<!tpu.dma_semaphore, #tpu.memory_space<semaphore_mem>>)
    %get3A_1459 = arith.constant 112 : i32
    %get3A_1460 = arith.index_cast %get3A_1459 : i32 to index
    %get3A_1461 = memref.load %arg6[%get3A_1460] : memref<512xi32, #tpu.memory_space<smem>>
    %dma_start3A_1462 = arith.constant 112 : i32
    %dma_start3A_1463 = arith.constant 0 : i32
    %dma_start3A_1464 = tpu.memref_slice %arg7[%dma_start3A_1462, %dma_start3A_1463] : memref<512x32xf32, #tpu.memory_space<vmem>> -> memref<1x32xf32, #tpu.memory_space<vmem>>
    %dma_start3A_1465 = arith.constant 0 : i32
    %dma_start3A_1466 = tpu.memref_slice %arg2[%get3A_1461, %dma_start3A_1465] : memref<1000000x32xf32, #tpu.memory_space<hbm>> -> memref<1x32xf32, #tpu.memory_space<hbm>>
    %dma_start3A_1467 = arith.constant 112 : i32
    %dma_start3A_1468 = arith.constant 0 : i32
    %dma_start3A_1469 = tpu.memref_slice %arg7[%dma_start3A_1467, %dma_start3A_1468] : memref<512x32xf32, #tpu.memory_space<vmem>> -> memref<1x32xf32, #tpu.memory_space<vmem>>
    %dma_start3A_1470 = arith.constant 0 : i32
    %dma_start3A_1471 = tpu.memref_slice %arg2[%get3A_1461, %dma_start3A_1470] : memref<1000000x32xf32, #tpu.memory_space<hbm>> -> memref<1x32xf32, #tpu.memory_space<hbm>>
    tpu.enqueue_dma source(%dma_start3A_1471 : memref<1x32xf32, #tpu.memory_space<hbm>>) target(%dma_start3A_1469 : memref<1x32xf32, #tpu.memory_space<vmem>>) target_semaphore(%arg8 : memref<!tpu.dma_semaphore, #tpu.memory_space<semaphore_mem>>)
    %get3A_1472 = arith.constant 113 : i32
    %get3A_1473 = arith.index_cast %get3A_1472 : i32 to index
    %get3A_1474 = memref.load %arg6[%get3A_1473] : memref<512xi32, #tpu.memory_space<smem>>
    %dma_start3A_1475 = arith.constant 113 : i32
    %dma_start3A_1476 = arith.constant 0 : i32
    %dma_start3A_1477 = tpu.memref_slice %arg7[%dma_start3A_1475, %dma_start3A_1476] : memref<512x32xf32, #tpu.memory_space<vmem>> -> memref<1x32xf32, #tpu.memory_space<vmem>>
    %dma_start3A_1478 = arith.constant 0 : i32
    %dma_start3A_1479 = tpu.memref_slice %arg2[%get3A_1474, %dma_start3A_1478] : memref<1000000x32xf32, #tpu.memory_space<hbm>> -> memref<1x32xf32, #tpu.memory_space<hbm>>
    %dma_start3A_1480 = arith.constant 113 : i32
    %dma_start3A_1481 = arith.constant 0 : i32
    %dma_start3A_1482 = tpu.memref_slice %arg7[%dma_start3A_1480, %dma_start3A_1481] : memref<512x32xf32, #tpu.memory_space<vmem>> -> memref<1x32xf32, #tpu.memory_space<vmem>>
    %dma_start3A_1483 = arith.constant 0 : i32
    %dma_start3A_1484 = tpu.memref_slice %arg2[%get3A_1474, %dma_start3A_1483] : memref<1000000x32xf32, #tpu.memory_space<hbm>> -> memref<1x32xf32, #tpu.memory_space<hbm>>
    tpu.enqueue_dma source(%dma_start3A_1484 : memref<1x32xf32, #tpu.memory_space<hbm>>) target(%dma_start3A_1482 : memref<1x32xf32, #tpu.memory_space<vmem>>) target_semaphore(%arg8 : memref<!tpu.dma_semaphore, #tpu.memory_space<semaphore_mem>>)
    %get3A_1485 = arith.constant 114 : i32
    %get3A_1486 = arith.index_cast %get3A_1485 : i32 to index
    %get3A_1487 = memref.load %arg6[%get3A_1486] : memref<512xi32, #tpu.memory_space<smem>>
    %dma_start3A_1488 = arith.constant 114 : i32
    %dma_start3A_1489 = arith.constant 0 : i32
    %dma_start3A_1490 = tpu.memref_slice %arg7[%dma_start3A_1488, %dma_start3A_1489] : memref<512x32xf32, #tpu.memory_space<vmem>> -> memref<1x32xf32, #tpu.memory_space<vmem>>
    %dma_start3A_1491 = arith.constant 0 : i32
    %dma_start3A_1492 = tpu.memref_slice %arg2[%get3A_1487, %dma_start3A_1491] : memref<1000000x32xf32, #tpu.memory_space<hbm>> -> memref<1x32xf32, #tpu.memory_space<hbm>>
    %dma_start3A_1493 = arith.constant 114 : i32
    %dma_start3A_1494 = arith.constant 0 : i32
    %dma_start3A_1495 = tpu.memref_slice %arg7[%dma_start3A_1493, %dma_start3A_1494] : memref<512x32xf32, #tpu.memory_space<vmem>> -> memref<1x32xf32, #tpu.memory_space<vmem>>
    %dma_start3A_1496 = arith.constant 0 : i32
    %dma_start3A_1497 = tpu.memref_slice %arg2[%get3A_1487, %dma_start3A_1496] : memref<1000000x32xf32, #tpu.memory_space<hbm>> -> memref<1x32xf32, #tpu.memory_space<hbm>>
    tpu.enqueue_dma source(%dma_start3A_1497 : memref<1x32xf32, #tpu.memory_space<hbm>>) target(%dma_start3A_1495 : memref<1x32xf32, #tpu.memory_space<vmem>>) target_semaphore(%arg8 : memref<!tpu.dma_semaphore, #tpu.memory_space<semaphore_mem>>)
    %get3A_1498 = arith.constant 115 : i32
    %get3A_1499 = arith.index_cast %get3A_1498 : i32 to index
    %get3A_1500 = memref.load %arg6[%get3A_1499] : memref<512xi32, #tpu.memory_space<smem>>
    %dma_start3A_1501 = arith.constant 115 : i32
    %dma_start3A_1502 = arith.constant 0 : i32
    %dma_start3A_1503 = tpu.memref_slice %arg7[%dma_start3A_1501, %dma_start3A_1502] : memref<512x32xf32, #tpu.memory_space<vmem>> -> memref<1x32xf32, #tpu.memory_space<vmem>>
    %dma_start3A_1504 = arith.constant 0 : i32
    %dma_start3A_1505 = tpu.memref_slice %arg2[%get3A_1500, %dma_start3A_1504] : memref<1000000x32xf32, #tpu.memory_space<hbm>> -> memref<1x32xf32, #tpu.memory_space<hbm>>
    %dma_start3A_1506 = arith.constant 115 : i32
    %dma_start3A_1507 = arith.constant 0 : i32
    %dma_start3A_1508 = tpu.memref_slice %arg7[%dma_start3A_1506, %dma_start3A_1507] : memref<512x32xf32, #tpu.memory_space<vmem>> -> memref<1x32xf32, #tpu.memory_space<vmem>>
    %dma_start3A_1509 = arith.constant 0 : i32
    %dma_start3A_1510 = tpu.memref_slice %arg2[%get3A_1500, %dma_start3A_1509] : memref<1000000x32xf32, #tpu.memory_space<hbm>> -> memref<1x32xf32, #tpu.memory_space<hbm>>
    tpu.enqueue_dma source(%dma_start3A_1510 : memref<1x32xf32, #tpu.memory_space<hbm>>) target(%dma_start3A_1508 : memref<1x32xf32, #tpu.memory_space<vmem>>) target_semaphore(%arg8 : memref<!tpu.dma_semaphore, #tpu.memory_space<semaphore_mem>>)
    %get3A_1511 = arith.constant 116 : i32
    %get3A_1512 = arith.index_cast %get3A_1511 : i32 to index
    %get3A_1513 = memref.load %arg6[%get3A_1512] : memref<512xi32, #tpu.memory_space<smem>>
    %dma_start3A_1514 = arith.constant 116 : i32
    %dma_start3A_1515 = arith.constant 0 : i32
    %dma_start3A_1516 = tpu.memref_slice %arg7[%dma_start3A_1514, %dma_start3A_1515] : memref<512x32xf32, #tpu.memory_space<vmem>> -> memref<1x32xf32, #tpu.memory_space<vmem>>
    %dma_start3A_1517 = arith.constant 0 : i32
    %dma_start3A_1518 = tpu.memref_slice %arg2[%get3A_1513, %dma_start3A_1517] : memref<1000000x32xf32, #tpu.memory_space<hbm>> -> memref<1x32xf32, #tpu.memory_space<hbm>>
    %dma_start3A_1519 = arith.constant 116 : i32
    %dma_start3A_1520 = arith.constant 0 : i32
    %dma_start3A_1521 = tpu.memref_slice %arg7[%dma_start3A_1519, %dma_start3A_1520] : memref<512x32xf32, #tpu.memory_space<vmem>> -> memref<1x32xf32, #tpu.memory_space<vmem>>
    %dma_start3A_1522 = arith.constant 0 : i32
    %dma_start3A_1523 = tpu.memref_slice %arg2[%get3A_1513, %dma_start3A_1522] : memref<1000000x32xf32, #tpu.memory_space<hbm>> -> memref<1x32xf32, #tpu.memory_space<hbm>>
    tpu.enqueue_dma source(%dma_start3A_1523 : memref<1x32xf32, #tpu.memory_space<hbm>>) target(%dma_start3A_1521 : memref<1x32xf32, #tpu.memory_space<vmem>>) target_semaphore(%arg8 : memref<!tpu.dma_semaphore, #tpu.memory_space<semaphore_mem>>)
    %get3A_1524 = arith.constant 117 : i32
    %get3A_1525 = arith.index_cast %get3A_1524 : i32 to index
    %get3A_1526 = memref.load %arg6[%get3A_1525] : memref<512xi32, #tpu.memory_space<smem>>
    %dma_start3A_1527 = arith.constant 117 : i32
    %dma_start3A_1528 = arith.constant 0 : i32
    %dma_start3A_1529 = tpu.memref_slice %arg7[%dma_start3A_1527, %dma_start3A_1528] : memref<512x32xf32, #tpu.memory_space<vmem>> -> memref<1x32xf32, #tpu.memory_space<vmem>>
    %dma_start3A_1530 = arith.constant 0 : i32
    %dma_start3A_1531 = tpu.memref_slice %arg2[%get3A_1526, %dma_start3A_1530] : memref<1000000x32xf32, #tpu.memory_space<hbm>> -> memref<1x32xf32, #tpu.memory_space<hbm>>
    %dma_start3A_1532 = arith.constant 117 : i32
    %dma_start3A_1533 = arith.constant 0 : i32
    %dma_start3A_1534 = tpu.memref_slice %arg7[%dma_start3A_1532, %dma_start3A_1533] : memref<512x32xf32, #tpu.memory_space<vmem>> -> memref<1x32xf32, #tpu.memory_space<vmem>>
    %dma_start3A_1535 = arith.constant 0 : i32
    %dma_start3A_1536 = tpu.memref_slice %arg2[%get3A_1526, %dma_start3A_1535] : memref<1000000x32xf32, #tpu.memory_space<hbm>> -> memref<1x32xf32, #tpu.memory_space<hbm>>
    tpu.enqueue_dma source(%dma_start3A_1536 : memref<1x32xf32, #tpu.memory_space<hbm>>) target(%dma_start3A_1534 : memref<1x32xf32, #tpu.memory_space<vmem>>) target_semaphore(%arg8 : memref<!tpu.dma_semaphore, #tpu.memory_space<semaphore_mem>>)
    %get3A_1537 = arith.constant 118 : i32
    %get3A_1538 = arith.index_cast %get3A_1537 : i32 to index
    %get3A_1539 = memref.load %arg6[%get3A_1538] : memref<512xi32, #tpu.memory_space<smem>>
    %dma_start3A_1540 = arith.constant 118 : i32
    %dma_start3A_1541 = arith.constant 0 : i32
    %dma_start3A_1542 = tpu.memref_slice %arg7[%dma_start3A_1540, %dma_start3A_1541] : memref<512x32xf32, #tpu.memory_space<vmem>> -> memref<1x32xf32, #tpu.memory_space<vmem>>
    %dma_start3A_1543 = arith.constant 0 : i32
    %dma_start3A_1544 = tpu.memref_slice %arg2[%get3A_1539, %dma_start3A_1543] : memref<1000000x32xf32, #tpu.memory_space<hbm>> -> memref<1x32xf32, #tpu.memory_space<hbm>>
    %dma_start3A_1545 = arith.constant 118 : i32
    %dma_start3A_1546 = arith.constant 0 : i32
    %dma_start3A_1547 = tpu.memref_slice %arg7[%dma_start3A_1545, %dma_start3A_1546] : memref<512x32xf32, #tpu.memory_space<vmem>> -> memref<1x32xf32, #tpu.memory_space<vmem>>
    %dma_start3A_1548 = arith.constant 0 : i32
    %dma_start3A_1549 = tpu.memref_slice %arg2[%get3A_1539, %dma_start3A_1548] : memref<1000000x32xf32, #tpu.memory_space<hbm>> -> memref<1x32xf32, #tpu.memory_space<hbm>>
    tpu.enqueue_dma source(%dma_start3A_1549 : memref<1x32xf32, #tpu.memory_space<hbm>>) target(%dma_start3A_1547 : memref<1x32xf32, #tpu.memory_space<vmem>>) target_semaphore(%arg8 : memref<!tpu.dma_semaphore, #tpu.memory_space<semaphore_mem>>)
    %get3A_1550 = arith.constant 119 : i32
    %get3A_1551 = arith.index_cast %get3A_1550 : i32 to index
    %get3A_1552 = memref.load %arg6[%get3A_1551] : memref<512xi32, #tpu.memory_space<smem>>
    %dma_start3A_1553 = arith.constant 119 : i32
    %dma_start3A_1554 = arith.constant 0 : i32
    %dma_start3A_1555 = tpu.memref_slice %arg7[%dma_start3A_1553, %dma_start3A_1554] : memref<512x32xf32, #tpu.memory_space<vmem>> -> memref<1x32xf32, #tpu.memory_space<vmem>>
    %dma_start3A_1556 = arith.constant 0 : i32
    %dma_start3A_1557 = tpu.memref_slice %arg2[%get3A_1552, %dma_start3A_1556] : memref<1000000x32xf32, #tpu.memory_space<hbm>> -> memref<1x32xf32, #tpu.memory_space<hbm>>
    %dma_start3A_1558 = arith.constant 119 : i32
    %dma_start3A_1559 = arith.constant 0 : i32
    %dma_start3A_1560 = tpu.memref_slice %arg7[%dma_start3A_1558, %dma_start3A_1559] : memref<512x32xf32, #tpu.memory_space<vmem>> -> memref<1x32xf32, #tpu.memory_space<vmem>>
    %dma_start3A_1561 = arith.constant 0 : i32
    %dma_start3A_1562 = tpu.memref_slice %arg2[%get3A_1552, %dma_start3A_1561] : memref<1000000x32xf32, #tpu.memory_space<hbm>> -> memref<1x32xf32, #tpu.memory_space<hbm>>
    tpu.enqueue_dma source(%dma_start3A_1562 : memref<1x32xf32, #tpu.memory_space<hbm>>) target(%dma_start3A_1560 : memref<1x32xf32, #tpu.memory_space<vmem>>) target_semaphore(%arg8 : memref<!tpu.dma_semaphore, #tpu.memory_space<semaphore_mem>>)
    %get3A_1563 = arith.constant 120 : i32
    %get3A_1564 = arith.index_cast %get3A_1563 : i32 to index
    %get3A_1565 = memref.load %arg6[%get3A_1564] : memref<512xi32, #tpu.memory_space<smem>>
    %dma_start3A_1566 = arith.constant 120 : i32
    %dma_start3A_1567 = arith.constant 0 : i32
    %dma_start3A_1568 = tpu.memref_slice %arg7[%dma_start3A_1566, %dma_start3A_1567] : memref<512x32xf32, #tpu.memory_space<vmem>> -> memref<1x32xf32, #tpu.memory_space<vmem>>
    %dma_start3A_1569 = arith.constant 0 : i32
    %dma_start3A_1570 = tpu.memref_slice %arg2[%get3A_1565, %dma_start3A_1569] : memref<1000000x32xf32, #tpu.memory_space<hbm>> -> memref<1x32xf32, #tpu.memory_space<hbm>>
    %dma_start3A_1571 = arith.constant 120 : i32
    %dma_start3A_1572 = arith.constant 0 : i32
    %dma_start3A_1573 = tpu.memref_slice %arg7[%dma_start3A_1571, %dma_start3A_1572] : memref<512x32xf32, #tpu.memory_space<vmem>> -> memref<1x32xf32, #tpu.memory_space<vmem>>
    %dma_start3A_1574 = arith.constant 0 : i32
    %dma_start3A_1575 = tpu.memref_slice %arg2[%get3A_1565, %dma_start3A_1574] : memref<1000000x32xf32, #tpu.memory_space<hbm>> -> memref<1x32xf32, #tpu.memory_space<hbm>>
    tpu.enqueue_dma source(%dma_start3A_1575 : memref<1x32xf32, #tpu.memory_space<hbm>>) target(%dma_start3A_1573 : memref<1x32xf32, #tpu.memory_space<vmem>>) target_semaphore(%arg8 : memref<!tpu.dma_semaphore, #tpu.memory_space<semaphore_mem>>)
    %get3A_1576 = arith.constant 121 : i32
    %get3A_1577 = arith.index_cast %get3A_1576 : i32 to index
    %get3A_1578 = memref.load %arg6[%get3A_1577] : memref<512xi32, #tpu.memory_space<smem>>
    %dma_start3A_1579 = arith.constant 121 : i32
    %dma_start3A_1580 = arith.constant 0 : i32
    %dma_start3A_1581 = tpu.memref_slice %arg7[%dma_start3A_1579, %dma_start3A_1580] : memref<512x32xf32, #tpu.memory_space<vmem>> -> memref<1x32xf32, #tpu.memory_space<vmem>>
    %dma_start3A_1582 = arith.constant 0 : i32
    %dma_start3A_1583 = tpu.memref_slice %arg2[%get3A_1578, %dma_start3A_1582] : memref<1000000x32xf32, #tpu.memory_space<hbm>> -> memref<1x32xf32, #tpu.memory_space<hbm>>
    %dma_start3A_1584 = arith.constant 121 : i32
    %dma_start3A_1585 = arith.constant 0 : i32
    %dma_start3A_1586 = tpu.memref_slice %arg7[%dma_start3A_1584, %dma_start3A_1585] : memref<512x32xf32, #tpu.memory_space<vmem>> -> memref<1x32xf32, #tpu.memory_space<vmem>>
    %dma_start3A_1587 = arith.constant 0 : i32
    %dma_start3A_1588 = tpu.memref_slice %arg2[%get3A_1578, %dma_start3A_1587] : memref<1000000x32xf32, #tpu.memory_space<hbm>> -> memref<1x32xf32, #tpu.memory_space<hbm>>
    tpu.enqueue_dma source(%dma_start3A_1588 : memref<1x32xf32, #tpu.memory_space<hbm>>) target(%dma_start3A_1586 : memref<1x32xf32, #tpu.memory_space<vmem>>) target_semaphore(%arg8 : memref<!tpu.dma_semaphore, #tpu.memory_space<semaphore_mem>>)
    %get3A_1589 = arith.constant 122 : i32
    %get3A_1590 = arith.index_cast %get3A_1589 : i32 to index
    %get3A_1591 = memref.load %arg6[%get3A_1590] : memref<512xi32, #tpu.memory_space<smem>>
    %dma_start3A_1592 = arith.constant 122 : i32
    %dma_start3A_1593 = arith.constant 0 : i32
    %dma_start3A_1594 = tpu.memref_slice %arg7[%dma_start3A_1592, %dma_start3A_1593] : memref<512x32xf32, #tpu.memory_space<vmem>> -> memref<1x32xf32, #tpu.memory_space<vmem>>
    %dma_start3A_1595 = arith.constant 0 : i32
    %dma_start3A_1596 = tpu.memref_slice %arg2[%get3A_1591, %dma_start3A_1595] : memref<1000000x32xf32, #tpu.memory_space<hbm>> -> memref<1x32xf32, #tpu.memory_space<hbm>>
    %dma_start3A_1597 = arith.constant 122 : i32
    %dma_start3A_1598 = arith.constant 0 : i32
    %dma_start3A_1599 = tpu.memref_slice %arg7[%dma_start3A_1597, %dma_start3A_1598] : memref<512x32xf32, #tpu.memory_space<vmem>> -> memref<1x32xf32, #tpu.memory_space<vmem>>
    %dma_start3A_1600 = arith.constant 0 : i32
    %dma_start3A_1601 = tpu.memref_slice %arg2[%get3A_1591, %dma_start3A_1600] : memref<1000000x32xf32, #tpu.memory_space<hbm>> -> memref<1x32xf32, #tpu.memory_space<hbm>>
    tpu.enqueue_dma source(%dma_start3A_1601 : memref<1x32xf32, #tpu.memory_space<hbm>>) target(%dma_start3A_1599 : memref<1x32xf32, #tpu.memory_space<vmem>>) target_semaphore(%arg8 : memref<!tpu.dma_semaphore, #tpu.memory_space<semaphore_mem>>)
    %get3A_1602 = arith.constant 123 : i32
    %get3A_1603 = arith.index_cast %get3A_1602 : i32 to index
    %get3A_1604 = memref.load %arg6[%get3A_1603] : memref<512xi32, #tpu.memory_space<smem>>
    %dma_start3A_1605 = arith.constant 123 : i32
    %dma_start3A_1606 = arith.constant 0 : i32
    %dma_start3A_1607 = tpu.memref_slice %arg7[%dma_start3A_1605, %dma_start3A_1606] : memref<512x32xf32, #tpu.memory_space<vmem>> -> memref<1x32xf32, #tpu.memory_space<vmem>>
    %dma_start3A_1608 = arith.constant 0 : i32
    %dma_start3A_1609 = tpu.memref_slice %arg2[%get3A_1604, %dma_start3A_1608] : memref<1000000x32xf32, #tpu.memory_space<hbm>> -> memref<1x32xf32, #tpu.memory_space<hbm>>
    %dma_start3A_1610 = arith.constant 123 : i32
    %dma_start3A_1611 = arith.constant 0 : i32
    %dma_start3A_1612 = tpu.memref_slice %arg7[%dma_start3A_1610, %dma_start3A_1611] : memref<512x32xf32, #tpu.memory_space<vmem>> -> memref<1x32xf32, #tpu.memory_space<vmem>>
    %dma_start3A_1613 = arith.constant 0 : i32
    %dma_start3A_1614 = tpu.memref_slice %arg2[%get3A_1604, %dma_start3A_1613] : memref<1000000x32xf32, #tpu.memory_space<hbm>> -> memref<1x32xf32, #tpu.memory_space<hbm>>
    tpu.enqueue_dma source(%dma_start3A_1614 : memref<1x32xf32, #tpu.memory_space<hbm>>) target(%dma_start3A_1612 : memref<1x32xf32, #tpu.memory_space<vmem>>) target_semaphore(%arg8 : memref<!tpu.dma_semaphore, #tpu.memory_space<semaphore_mem>>)
    %get3A_1615 = arith.constant 124 : i32
    %get3A_1616 = arith.index_cast %get3A_1615 : i32 to index
    %get3A_1617 = memref.load %arg6[%get3A_1616] : memref<512xi32, #tpu.memory_space<smem>>
    %dma_start3A_1618 = arith.constant 124 : i32
    %dma_start3A_1619 = arith.constant 0 : i32
    %dma_start3A_1620 = tpu.memref_slice %arg7[%dma_start3A_1618, %dma_start3A_1619] : memref<512x32xf32, #tpu.memory_space<vmem>> -> memref<1x32xf32, #tpu.memory_space<vmem>>
    %dma_start3A_1621 = arith.constant 0 : i32
    %dma_start3A_1622 = tpu.memref_slice %arg2[%get3A_1617, %dma_start3A_1621] : memref<1000000x32xf32, #tpu.memory_space<hbm>> -> memref<1x32xf32, #tpu.memory_space<hbm>>
    %dma_start3A_1623 = arith.constant 124 : i32
    %dma_start3A_1624 = arith.constant 0 : i32
    %dma_start3A_1625 = tpu.memref_slice %arg7[%dma_start3A_1623, %dma_start3A_1624] : memref<512x32xf32, #tpu.memory_space<vmem>> -> memref<1x32xf32, #tpu.memory_space<vmem>>
    %dma_start3A_1626 = arith.constant 0 : i32
    %dma_start3A_1627 = tpu.memref_slice %arg2[%get3A_1617, %dma_start3A_1626] : memref<1000000x32xf32, #tpu.memory_space<hbm>> -> memref<1x32xf32, #tpu.memory_space<hbm>>
    tpu.enqueue_dma source(%dma_start3A_1627 : memref<1x32xf32, #tpu.memory_space<hbm>>) target(%dma_start3A_1625 : memref<1x32xf32, #tpu.memory_space<vmem>>) target_semaphore(%arg8 : memref<!tpu.dma_semaphore, #tpu.memory_space<semaphore_mem>>)
    %get3A_1628 = arith.constant 125 : i32
    %get3A_1629 = arith.index_cast %get3A_1628 : i32 to index
    %get3A_1630 = memref.load %arg6[%get3A_1629] : memref<512xi32, #tpu.memory_space<smem>>
    %dma_start3A_1631 = arith.constant 125 : i32
    %dma_start3A_1632 = arith.constant 0 : i32
    %dma_start3A_1633 = tpu.memref_slice %arg7[%dma_start3A_1631, %dma_start3A_1632] : memref<512x32xf32, #tpu.memory_space<vmem>> -> memref<1x32xf32, #tpu.memory_space<vmem>>
    %dma_start3A_1634 = arith.constant 0 : i32
    %dma_start3A_1635 = tpu.memref_slice %arg2[%get3A_1630, %dma_start3A_1634] : memref<1000000x32xf32, #tpu.memory_space<hbm>> -> memref<1x32xf32, #tpu.memory_space<hbm>>
    %dma_start3A_1636 = arith.constant 125 : i32
    %dma_start3A_1637 = arith.constant 0 : i32
    %dma_start3A_1638 = tpu.memref_slice %arg7[%dma_start3A_1636, %dma_start3A_1637] : memref<512x32xf32, #tpu.memory_space<vmem>> -> memref<1x32xf32, #tpu.memory_space<vmem>>
    %dma_start3A_1639 = arith.constant 0 : i32
    %dma_start3A_1640 = tpu.memref_slice %arg2[%get3A_1630, %dma_start3A_1639] : memref<1000000x32xf32, #tpu.memory_space<hbm>> -> memref<1x32xf32, #tpu.memory_space<hbm>>
    tpu.enqueue_dma source(%dma_start3A_1640 : memref<1x32xf32, #tpu.memory_space<hbm>>) target(%dma_start3A_1638 : memref<1x32xf32, #tpu.memory_space<vmem>>) target_semaphore(%arg8 : memref<!tpu.dma_semaphore, #tpu.memory_space<semaphore_mem>>)
    %get3A_1641 = arith.constant 126 : i32
    %get3A_1642 = arith.index_cast %get3A_1641 : i32 to index
    %get3A_1643 = memref.load %arg6[%get3A_1642] : memref<512xi32, #tpu.memory_space<smem>>
    %dma_start3A_1644 = arith.constant 126 : i32
    %dma_start3A_1645 = arith.constant 0 : i32
    %dma_start3A_1646 = tpu.memref_slice %arg7[%dma_start3A_1644, %dma_start3A_1645] : memref<512x32xf32, #tpu.memory_space<vmem>> -> memref<1x32xf32, #tpu.memory_space<vmem>>
    %dma_start3A_1647 = arith.constant 0 : i32
    %dma_start3A_1648 = tpu.memref_slice %arg2[%get3A_1643, %dma_start3A_1647] : memref<1000000x32xf32, #tpu.memory_space<hbm>> -> memref<1x32xf32, #tpu.memory_space<hbm>>
    %dma_start3A_1649 = arith.constant 126 : i32
    %dma_start3A_1650 = arith.constant 0 : i32
    %dma_start3A_1651 = tpu.memref_slice %arg7[%dma_start3A_1649, %dma_start3A_1650] : memref<512x32xf32, #tpu.memory_space<vmem>> -> memref<1x32xf32, #tpu.memory_space<vmem>>
    %dma_start3A_1652 = arith.constant 0 : i32
    %dma_start3A_1653 = tpu.memref_slice %arg2[%get3A_1643, %dma_start3A_1652] : memref<1000000x32xf32, #tpu.memory_space<hbm>> -> memref<1x32xf32, #tpu.memory_space<hbm>>
    tpu.enqueue_dma source(%dma_start3A_1653 : memref<1x32xf32, #tpu.memory_space<hbm>>) target(%dma_start3A_1651 : memref<1x32xf32, #tpu.memory_space<vmem>>) target_semaphore(%arg8 : memref<!tpu.dma_semaphore, #tpu.memory_space<semaphore_mem>>)
    %get3A_1654 = arith.constant 127 : i32
    %get3A_1655 = arith.index_cast %get3A_1654 : i32 to index
    %get3A_1656 = memref.load %arg6[%get3A_1655] : memref<512xi32, #tpu.memory_space<smem>>
    %dma_start3A_1657 = arith.constant 127 : i32
    %dma_start3A_1658 = arith.constant 0 : i32
    %dma_start3A_1659 = tpu.memref_slice %arg7[%dma_start3A_1657, %dma_start3A_1658] : memref<512x32xf32, #tpu.memory_space<vmem>> -> memref<1x32xf32, #tpu.memory_space<vmem>>
    %dma_start3A_1660 = arith.constant 0 : i32
    %dma_start3A_1661 = tpu.memref_slice %arg2[%get3A_1656, %dma_start3A_1660] : memref<1000000x32xf32, #tpu.memory_space<hbm>> -> memref<1x32xf32, #tpu.memory_space<hbm>>
    %dma_start3A_1662 = arith.constant 127 : i32
    %dma_start3A_1663 = arith.constant 0 : i32
    %dma_start3A_1664 = tpu.memref_slice %arg7[%dma_start3A_1662, %dma_start3A_1663] : memref<512x32xf32, #tpu.memory_space<vmem>> -> memref<1x32xf32, #tpu.memory_space<vmem>>
    %dma_start3A_1665 = arith.constant 0 : i32
    %dma_start3A_1666 = tpu.memref_slice %arg2[%get3A_1656, %dma_start3A_1665] : memref<1000000x32xf32, #tpu.memory_space<hbm>> -> memref<1x32xf32, #tpu.memory_space<hbm>>
    tpu.enqueue_dma source(%dma_start3A_1666 : memref<1x32xf32, #tpu.memory_space<hbm>>) target(%dma_start3A_1664 : memref<1x32xf32, #tpu.memory_space<vmem>>) target_semaphore(%arg8 : memref<!tpu.dma_semaphore, #tpu.memory_space<semaphore_mem>>)
    %scan3A = arith.constant 0 : i32
    %scan3A_1667 = arith.constant 0 : i32
    %scan3A_1668 = arith.constant 24 : i32
    %scan3A_1669 = arith.addi %scan3A_1667, %scan3A_1668 : i32
    %scan3A_1670 = arith.constant 1 : i32
    scf.for %scan3A_1767 = %scan3A_1667 to %scan3A_1669 step %scan3A_1670  : i32 {
      %add3A_1768 = arith.constant 8 : i32
      %add3A_1769 = arith.addi %scan3A_1767, %add3A_1768 : i32
      %mul3A_1770 = arith.constant 16 : i32
      %mul3A_1771 = arith.muli %add3A_1769, %mul3A_1770 : i32
      %add3A_1772 = arith.constant 0 : i32
      %add3A_1773 = arith.addi %mul3A_1771, %add3A_1772 : i32
      %get3A_1774 = arith.index_cast %add3A_1773 : i32 to index
      %get3A_1775 = memref.load %arg6[%get3A_1774] : memref<512xi32, #tpu.memory_space<smem>>
      %add3A_1776 = arith.constant 0 : i32
      %add3A_1777 = arith.addi %mul3A_1771, %add3A_1776 : i32
      %dma_start3A_1778 = arith.constant 0 : i32
      %dma_start3A_1779 = tpu.memref_slice %arg7[%add3A_1777, %dma_start3A_1778] : memref<512x32xf32, #tpu.memory_space<vmem>> -> memref<1x32xf32, #tpu.memory_space<vmem>>
      %dma_start3A_1780 = arith.constant 0 : i32
      %dma_start3A_1781 = tpu.memref_slice %arg2[%get3A_1775, %dma_start3A_1780] : memref<1000000x32xf32, #tpu.memory_space<hbm>> -> memref<1x32xf32, #tpu.memory_space<hbm>>
      %dma_start3A_1782 = arith.constant 0 : i32
      %dma_start3A_1783 = tpu.memref_slice %arg7[%add3A_1777, %dma_start3A_1782] : memref<512x32xf32, #tpu.memory_space<vmem>> -> memref<1x32xf32, #tpu.memory_space<vmem>>
      %dma_start3A_1784 = arith.constant 0 : i32
      %dma_start3A_1785 = tpu.memref_slice %arg2[%get3A_1775, %dma_start3A_1784] : memref<1000000x32xf32, #tpu.memory_space<hbm>> -> memref<1x32xf32, #tpu.memory_space<hbm>>
      tpu.enqueue_dma source(%dma_start3A_1785 : memref<1x32xf32, #tpu.memory_space<hbm>>) target(%dma_start3A_1783 : memref<1x32xf32, #tpu.memory_space<vmem>>) target_semaphore(%arg8 : memref<!tpu.dma_semaphore, #tpu.memory_space<semaphore_mem>>)
      %add3A_1786 = arith.constant 1 : i32
      %add3A_1787 = arith.addi %mul3A_1771, %add3A_1786 : i32
      %get3A_1788 = arith.index_cast %add3A_1787 : i32 to index
      %get3A_1789 = memref.load %arg6[%get3A_1788] : memref<512xi32, #tpu.memory_space<smem>>
      %add3A_1790 = arith.constant 1 : i32
      %add3A_1791 = arith.addi %mul3A_1771, %add3A_1790 : i32
      %dma_start3A_1792 = arith.constant 0 : i32
      %dma_start3A_1793 = tpu.memref_slice %arg7[%add3A_1791, %dma_start3A_1792] : memref<512x32xf32, #tpu.memory_space<vmem>> -> memref<1x32xf32, #tpu.memory_space<vmem>>
      %dma_start3A_1794 = arith.constant 0 : i32
      %dma_start3A_1795 = tpu.memref_slice %arg2[%get3A_1789, %dma_start3A_1794] : memref<1000000x32xf32, #tpu.memory_space<hbm>> -> memref<1x32xf32, #tpu.memory_space<hbm>>
      %dma_start3A_1796 = arith.constant 0 : i32
      %dma_start3A_1797 = tpu.memref_slice %arg7[%add3A_1791, %dma_start3A_1796] : memref<512x32xf32, #tpu.memory_space<vmem>> -> memref<1x32xf32, #tpu.memory_space<vmem>>
      %dma_start3A_1798 = arith.constant 0 : i32
      %dma_start3A_1799 = tpu.memref_slice %arg2[%get3A_1789, %dma_start3A_1798] : memref<1000000x32xf32, #tpu.memory_space<hbm>> -> memref<1x32xf32, #tpu.memory_space<hbm>>
      tpu.enqueue_dma source(%dma_start3A_1799 : memref<1x32xf32, #tpu.memory_space<hbm>>) target(%dma_start3A_1797 : memref<1x32xf32, #tpu.memory_space<vmem>>) target_semaphore(%arg8 : memref<!tpu.dma_semaphore, #tpu.memory_space<semaphore_mem>>)
      %add3A_1800 = arith.constant 2 : i32
      %add3A_1801 = arith.addi %mul3A_1771, %add3A_1800 : i32
      %get3A_1802 = arith.index_cast %add3A_1801 : i32 to index
      %get3A_1803 = memref.load %arg6[%get3A_1802] : memref<512xi32, #tpu.memory_space<smem>>
      %add3A_1804 = arith.constant 2 : i32
      %add3A_1805 = arith.addi %mul3A_1771, %add3A_1804 : i32
      %dma_start3A_1806 = arith.constant 0 : i32
      %dma_start3A_1807 = tpu.memref_slice %arg7[%add3A_1805, %dma_start3A_1806] : memref<512x32xf32, #tpu.memory_space<vmem>> -> memref<1x32xf32, #tpu.memory_space<vmem>>
      %dma_start3A_1808 = arith.constant 0 : i32
      %dma_start3A_1809 = tpu.memref_slice %arg2[%get3A_1803, %dma_start3A_1808] : memref<1000000x32xf32, #tpu.memory_space<hbm>> -> memref<1x32xf32, #tpu.memory_space<hbm>>
      %dma_start3A_1810 = arith.constant 0 : i32
      %dma_start3A_1811 = tpu.memref_slice %arg7[%add3A_1805, %dma_start3A_1810] : memref<512x32xf32, #tpu.memory_space<vmem>> -> memref<1x32xf32, #tpu.memory_space<vmem>>
      %dma_start3A_1812 = arith.constant 0 : i32
      %dma_start3A_1813 = tpu.memref_slice %arg2[%get3A_1803, %dma_start3A_1812] : memref<1000000x32xf32, #tpu.memory_space<hbm>> -> memref<1x32xf32, #tpu.memory_space<hbm>>
      tpu.enqueue_dma source(%dma_start3A_1813 : memref<1x32xf32, #tpu.memory_space<hbm>>) target(%dma_start3A_1811 : memref<1x32xf32, #tpu.memory_space<vmem>>) target_semaphore(%arg8 : memref<!tpu.dma_semaphore, #tpu.memory_space<semaphore_mem>>)
      %add3A_1814 = arith.constant 3 : i32
      %add3A_1815 = arith.addi %mul3A_1771, %add3A_1814 : i32
      %get3A_1816 = arith.index_cast %add3A_1815 : i32 to index
      %get3A_1817 = memref.load %arg6[%get3A_1816] : memref<512xi32, #tpu.memory_space<smem>>
      %add3A_1818 = arith.constant 3 : i32
      %add3A_1819 = arith.addi %mul3A_1771, %add3A_1818 : i32
      %dma_start3A_1820 = arith.constant 0 : i32
      %dma_start3A_1821 = tpu.memref_slice %arg7[%add3A_1819, %dma_start3A_1820] : memref<512x32xf32, #tpu.memory_space<vmem>> -> memref<1x32xf32, #tpu.memory_space<vmem>>
      %dma_start3A_1822 = arith.constant 0 : i32
      %dma_start3A_1823 = tpu.memref_slice %arg2[%get3A_1817, %dma_start3A_1822] : memref<1000000x32xf32, #tpu.memory_space<hbm>> -> memref<1x32xf32, #tpu.memory_space<hbm>>
      %dma_start3A_1824 = arith.constant 0 : i32
      %dma_start3A_1825 = tpu.memref_slice %arg7[%add3A_1819, %dma_start3A_1824] : memref<512x32xf32, #tpu.memory_space<vmem>> -> memref<1x32xf32, #tpu.memory_space<vmem>>
      %dma_start3A_1826 = arith.constant 0 : i32
      %dma_start3A_1827 = tpu.memref_slice %arg2[%get3A_1817, %dma_start3A_1826] : memref<1000000x32xf32, #tpu.memory_space<hbm>> -> memref<1x32xf32, #tpu.memory_space<hbm>>
      tpu.enqueue_dma source(%dma_start3A_1827 : memref<1x32xf32, #tpu.memory_space<hbm>>) target(%dma_start3A_1825 : memref<1x32xf32, #tpu.memory_space<vmem>>) target_semaphore(%arg8 : memref<!tpu.dma_semaphore, #tpu.memory_space<semaphore_mem>>)
      %add3A_1828 = arith.constant 4 : i32
      %add3A_1829 = arith.addi %mul3A_1771, %add3A_1828 : i32
      %get3A_1830 = arith.index_cast %add3A_1829 : i32 to index
      %get3A_1831 = memref.load %arg6[%get3A_1830] : memref<512xi32, #tpu.memory_space<smem>>
      %add3A_1832 = arith.constant 4 : i32
      %add3A_1833 = arith.addi %mul3A_1771, %add3A_1832 : i32
      %dma_start3A_1834 = arith.constant 0 : i32
      %dma_start3A_1835 = tpu.memref_slice %arg7[%add3A_1833, %dma_start3A_1834] : memref<512x32xf32, #tpu.memory_space<vmem>> -> memref<1x32xf32, #tpu.memory_space<vmem>>
      %dma_start3A_1836 = arith.constant 0 : i32
      %dma_start3A_1837 = tpu.memref_slice %arg2[%get3A_1831, %dma_start3A_1836] : memref<1000000x32xf32, #tpu.memory_space<hbm>> -> memref<1x32xf32, #tpu.memory_space<hbm>>
      %dma_start3A_1838 = arith.constant 0 : i32
      %dma_start3A_1839 = tpu.memref_slice %arg7[%add3A_1833, %dma_start3A_1838] : memref<512x32xf32, #tpu.memory_space<vmem>> -> memref<1x32xf32, #tpu.memory_space<vmem>>
      %dma_start3A_1840 = arith.constant 0 : i32
      %dma_start3A_1841 = tpu.memref_slice %arg2[%get3A_1831, %dma_start3A_1840] : memref<1000000x32xf32, #tpu.memory_space<hbm>> -> memref<1x32xf32, #tpu.memory_space<hbm>>
      tpu.enqueue_dma source(%dma_start3A_1841 : memref<1x32xf32, #tpu.memory_space<hbm>>) target(%dma_start3A_1839 : memref<1x32xf32, #tpu.memory_space<vmem>>) target_semaphore(%arg8 : memref<!tpu.dma_semaphore, #tpu.memory_space<semaphore_mem>>)
      %add3A_1842 = arith.constant 5 : i32
      %add3A_1843 = arith.addi %mul3A_1771, %add3A_1842 : i32
      %get3A_1844 = arith.index_cast %add3A_1843 : i32 to index
      %get3A_1845 = memref.load %arg6[%get3A_1844] : memref<512xi32, #tpu.memory_space<smem>>
      %add3A_1846 = arith.constant 5 : i32
      %add3A_1847 = arith.addi %mul3A_1771, %add3A_1846 : i32
      %dma_start3A_1848 = arith.constant 0 : i32
      %dma_start3A_1849 = tpu.memref_slice %arg7[%add3A_1847, %dma_start3A_1848] : memref<512x32xf32, #tpu.memory_space<vmem>> -> memref<1x32xf32, #tpu.memory_space<vmem>>
      %dma_start3A_1850 = arith.constant 0 : i32
      %dma_start3A_1851 = tpu.memref_slice %arg2[%get3A_1845, %dma_start3A_1850] : memref<1000000x32xf32, #tpu.memory_space<hbm>> -> memref<1x32xf32, #tpu.memory_space<hbm>>
      %dma_start3A_1852 = arith.constant 0 : i32
      %dma_start3A_1853 = tpu.memref_slice %arg7[%add3A_1847, %dma_start3A_1852] : memref<512x32xf32, #tpu.memory_space<vmem>> -> memref<1x32xf32, #tpu.memory_space<vmem>>
      %dma_start3A_1854 = arith.constant 0 : i32
      %dma_start3A_1855 = tpu.memref_slice %arg2[%get3A_1845, %dma_start3A_1854] : memref<1000000x32xf32, #tpu.memory_space<hbm>> -> memref<1x32xf32, #tpu.memory_space<hbm>>
      tpu.enqueue_dma source(%dma_start3A_1855 : memref<1x32xf32, #tpu.memory_space<hbm>>) target(%dma_start3A_1853 : memref<1x32xf32, #tpu.memory_space<vmem>>) target_semaphore(%arg8 : memref<!tpu.dma_semaphore, #tpu.memory_space<semaphore_mem>>)
      %add3A_1856 = arith.constant 6 : i32
      %add3A_1857 = arith.addi %mul3A_1771, %add3A_1856 : i32
      %get3A_1858 = arith.index_cast %add3A_1857 : i32 to index
      %get3A_1859 = memref.load %arg6[%get3A_1858] : memref<512xi32, #tpu.memory_space<smem>>
      %add3A_1860 = arith.constant 6 : i32
      %add3A_1861 = arith.addi %mul3A_1771, %add3A_1860 : i32
      %dma_start3A_1862 = arith.constant 0 : i32
      %dma_start3A_1863 = tpu.memref_slice %arg7[%add3A_1861, %dma_start3A_1862] : memref<512x32xf32, #tpu.memory_space<vmem>> -> memref<1x32xf32, #tpu.memory_space<vmem>>
      %dma_start3A_1864 = arith.constant 0 : i32
      %dma_start3A_1865 = tpu.memref_slice %arg2[%get3A_1859, %dma_start3A_1864] : memref<1000000x32xf32, #tpu.memory_space<hbm>> -> memref<1x32xf32, #tpu.memory_space<hbm>>
      %dma_start3A_1866 = arith.constant 0 : i32
      %dma_start3A_1867 = tpu.memref_slice %arg7[%add3A_1861, %dma_start3A_1866] : memref<512x32xf32, #tpu.memory_space<vmem>> -> memref<1x32xf32, #tpu.memory_space<vmem>>
      %dma_start3A_1868 = arith.constant 0 : i32
      %dma_start3A_1869 = tpu.memref_slice %arg2[%get3A_1859, %dma_start3A_1868] : memref<1000000x32xf32, #tpu.memory_space<hbm>> -> memref<1x32xf32, #tpu.memory_space<hbm>>
      tpu.enqueue_dma source(%dma_start3A_1869 : memref<1x32xf32, #tpu.memory_space<hbm>>) target(%dma_start3A_1867 : memref<1x32xf32, #tpu.memory_space<vmem>>) target_semaphore(%arg8 : memref<!tpu.dma_semaphore, #tpu.memory_space<semaphore_mem>>)
      %add3A_1870 = arith.constant 7 : i32
      %add3A_1871 = arith.addi %mul3A_1771, %add3A_1870 : i32
      %get3A_1872 = arith.index_cast %add3A_1871 : i32 to index
      %get3A_1873 = memref.load %arg6[%get3A_1872] : memref<512xi32, #tpu.memory_space<smem>>
      %add3A_1874 = arith.constant 7 : i32
      %add3A_1875 = arith.addi %mul3A_1771, %add3A_1874 : i32
      %dma_start3A_1876 = arith.constant 0 : i32
      %dma_start3A_1877 = tpu.memref_slice %arg7[%add3A_1875, %dma_start3A_1876] : memref<512x32xf32, #tpu.memory_space<vmem>> -> memref<1x32xf32, #tpu.memory_space<vmem>>
      %dma_start3A_1878 = arith.constant 0 : i32
      %dma_start3A_1879 = tpu.memref_slice %arg2[%get3A_1873, %dma_start3A_1878] : memref<1000000x32xf32, #tpu.memory_space<hbm>> -> memref<1x32xf32, #tpu.memory_space<hbm>>
      %dma_start3A_1880 = arith.constant 0 : i32
      %dma_start3A_1881 = tpu.memref_slice %arg7[%add3A_1875, %dma_start3A_1880] : memref<512x32xf32, #tpu.memory_space<vmem>> -> memref<1x32xf32, #tpu.memory_space<vmem>>
      %dma_start3A_1882 = arith.constant 0 : i32
      %dma_start3A_1883 = tpu.memref_slice %arg2[%get3A_1873, %dma_start3A_1882] : memref<1000000x32xf32, #tpu.memory_space<hbm>> -> memref<1x32xf32, #tpu.memory_space<hbm>>
      tpu.enqueue_dma source(%dma_start3A_1883 : memref<1x32xf32, #tpu.memory_space<hbm>>) target(%dma_start3A_1881 : memref<1x32xf32, #tpu.memory_space<vmem>>) target_semaphore(%arg8 : memref<!tpu.dma_semaphore, #tpu.memory_space<semaphore_mem>>)
      %add3A_1884 = arith.constant 8 : i32
      %add3A_1885 = arith.addi %mul3A_1771, %add3A_1884 : i32
      %get3A_1886 = arith.index_cast %add3A_1885 : i32 to index
      %get3A_1887 = memref.load %arg6[%get3A_1886] : memref<512xi32, #tpu.memory_space<smem>>
      %add3A_1888 = arith.constant 8 : i32
      %add3A_1889 = arith.addi %mul3A_1771, %add3A_1888 : i32
      %dma_start3A_1890 = arith.constant 0 : i32
      %dma_start3A_1891 = tpu.memref_slice %arg7[%add3A_1889, %dma_start3A_1890] : memref<512x32xf32, #tpu.memory_space<vmem>> -> memref<1x32xf32, #tpu.memory_space<vmem>>
      %dma_start3A_1892 = arith.constant 0 : i32
      %dma_start3A_1893 = tpu.memref_slice %arg2[%get3A_1887, %dma_start3A_1892] : memref<1000000x32xf32, #tpu.memory_space<hbm>> -> memref<1x32xf32, #tpu.memory_space<hbm>>
      %dma_start3A_1894 = arith.constant 0 : i32
      %dma_start3A_1895 = tpu.memref_slice %arg7[%add3A_1889, %dma_start3A_1894] : memref<512x32xf32, #tpu.memory_space<vmem>> -> memref<1x32xf32, #tpu.memory_space<vmem>>
      %dma_start3A_1896 = arith.constant 0 : i32
      %dma_start3A_1897 = tpu.memref_slice %arg2[%get3A_1887, %dma_start3A_1896] : memref<1000000x32xf32, #tpu.memory_space<hbm>> -> memref<1x32xf32, #tpu.memory_space<hbm>>
      tpu.enqueue_dma source(%dma_start3A_1897 : memref<1x32xf32, #tpu.memory_space<hbm>>) target(%dma_start3A_1895 : memref<1x32xf32, #tpu.memory_space<vmem>>) target_semaphore(%arg8 : memref<!tpu.dma_semaphore, #tpu.memory_space<semaphore_mem>>)
      %add3A_1898 = arith.constant 9 : i32
      %add3A_1899 = arith.addi %mul3A_1771, %add3A_1898 : i32
      %get3A_1900 = arith.index_cast %add3A_1899 : i32 to index
      %get3A_1901 = memref.load %arg6[%get3A_1900] : memref<512xi32, #tpu.memory_space<smem>>
      %add3A_1902 = arith.constant 9 : i32
      %add3A_1903 = arith.addi %mul3A_1771, %add3A_1902 : i32
      %dma_start3A_1904 = arith.constant 0 : i32
      %dma_start3A_1905 = tpu.memref_slice %arg7[%add3A_1903, %dma_start3A_1904] : memref<512x32xf32, #tpu.memory_space<vmem>> -> memref<1x32xf32, #tpu.memory_space<vmem>>
      %dma_start3A_1906 = arith.constant 0 : i32
      %dma_start3A_1907 = tpu.memref_slice %arg2[%get3A_1901, %dma_start3A_1906] : memref<1000000x32xf32, #tpu.memory_space<hbm>> -> memref<1x32xf32, #tpu.memory_space<hbm>>
      %dma_start3A_1908 = arith.constant 0 : i32
      %dma_start3A_1909 = tpu.memref_slice %arg7[%add3A_1903, %dma_start3A_1908] : memref<512x32xf32, #tpu.memory_space<vmem>> -> memref<1x32xf32, #tpu.memory_space<vmem>>
      %dma_start3A_1910 = arith.constant 0 : i32
      %dma_start3A_1911 = tpu.memref_slice %arg2[%get3A_1901, %dma_start3A_1910] : memref<1000000x32xf32, #tpu.memory_space<hbm>> -> memref<1x32xf32, #tpu.memory_space<hbm>>
      tpu.enqueue_dma source(%dma_start3A_1911 : memref<1x32xf32, #tpu.memory_space<hbm>>) target(%dma_start3A_1909 : memref<1x32xf32, #tpu.memory_space<vmem>>) target_semaphore(%arg8 : memref<!tpu.dma_semaphore, #tpu.memory_space<semaphore_mem>>)
      %add3A_1912 = arith.constant 10 : i32
      %add3A_1913 = arith.addi %mul3A_1771, %add3A_1912 : i32
      %get3A_1914 = arith.index_cast %add3A_1913 : i32 to index
      %get3A_1915 = memref.load %arg6[%get3A_1914] : memref<512xi32, #tpu.memory_space<smem>>
      %add3A_1916 = arith.constant 10 : i32
      %add3A_1917 = arith.addi %mul3A_1771, %add3A_1916 : i32
      %dma_start3A_1918 = arith.constant 0 : i32
      %dma_start3A_1919 = tpu.memref_slice %arg7[%add3A_1917, %dma_start3A_1918] : memref<512x32xf32, #tpu.memory_space<vmem>> -> memref<1x32xf32, #tpu.memory_space<vmem>>
      %dma_start3A_1920 = arith.constant 0 : i32
      %dma_start3A_1921 = tpu.memref_slice %arg2[%get3A_1915, %dma_start3A_1920] : memref<1000000x32xf32, #tpu.memory_space<hbm>> -> memref<1x32xf32, #tpu.memory_space<hbm>>
      %dma_start3A_1922 = arith.constant 0 : i32
      %dma_start3A_1923 = tpu.memref_slice %arg7[%add3A_1917, %dma_start3A_1922] : memref<512x32xf32, #tpu.memory_space<vmem>> -> memref<1x32xf32, #tpu.memory_space<vmem>>
      %dma_start3A_1924 = arith.constant 0 : i32
      %dma_start3A_1925 = tpu.memref_slice %arg2[%get3A_1915, %dma_start3A_1924] : memref<1000000x32xf32, #tpu.memory_space<hbm>> -> memref<1x32xf32, #tpu.memory_space<hbm>>
      tpu.enqueue_dma source(%dma_start3A_1925 : memref<1x32xf32, #tpu.memory_space<hbm>>) target(%dma_start3A_1923 : memref<1x32xf32, #tpu.memory_space<vmem>>) target_semaphore(%arg8 : memref<!tpu.dma_semaphore, #tpu.memory_space<semaphore_mem>>)
      %add3A_1926 = arith.constant 11 : i32
      %add3A_1927 = arith.addi %mul3A_1771, %add3A_1926 : i32
      %get3A_1928 = arith.index_cast %add3A_1927 : i32 to index
      %get3A_1929 = memref.load %arg6[%get3A_1928] : memref<512xi32, #tpu.memory_space<smem>>
      %add3A_1930 = arith.constant 11 : i32
      %add3A_1931 = arith.addi %mul3A_1771, %add3A_1930 : i32
      %dma_start3A_1932 = arith.constant 0 : i32
      %dma_start3A_1933 = tpu.memref_slice %arg7[%add3A_1931, %dma_start3A_1932] : memref<512x32xf32, #tpu.memory_space<vmem>> -> memref<1x32xf32, #tpu.memory_space<vmem>>
      %dma_start3A_1934 = arith.constant 0 : i32
      %dma_start3A_1935 = tpu.memref_slice %arg2[%get3A_1929, %dma_start3A_1934] : memref<1000000x32xf32, #tpu.memory_space<hbm>> -> memref<1x32xf32, #tpu.memory_space<hbm>>
      %dma_start3A_1936 = arith.constant 0 : i32
      %dma_start3A_1937 = tpu.memref_slice %arg7[%add3A_1931, %dma_start3A_1936] : memref<512x32xf32, #tpu.memory_space<vmem>> -> memref<1x32xf32, #tpu.memory_space<vmem>>
      %dma_start3A_1938 = arith.constant 0 : i32
      %dma_start3A_1939 = tpu.memref_slice %arg2[%get3A_1929, %dma_start3A_1938] : memref<1000000x32xf32, #tpu.memory_space<hbm>> -> memref<1x32xf32, #tpu.memory_space<hbm>>
      tpu.enqueue_dma source(%dma_start3A_1939 : memref<1x32xf32, #tpu.memory_space<hbm>>) target(%dma_start3A_1937 : memref<1x32xf32, #tpu.memory_space<vmem>>) target_semaphore(%arg8 : memref<!tpu.dma_semaphore, #tpu.memory_space<semaphore_mem>>)
      %add3A_1940 = arith.constant 12 : i32
      %add3A_1941 = arith.addi %mul3A_1771, %add3A_1940 : i32
      %get3A_1942 = arith.index_cast %add3A_1941 : i32 to index
      %get3A_1943 = memref.load %arg6[%get3A_1942] : memref<512xi32, #tpu.memory_space<smem>>
      %add3A_1944 = arith.constant 12 : i32
      %add3A_1945 = arith.addi %mul3A_1771, %add3A_1944 : i32
      %dma_start3A_1946 = arith.constant 0 : i32
      %dma_start3A_1947 = tpu.memref_slice %arg7[%add3A_1945, %dma_start3A_1946] : memref<512x32xf32, #tpu.memory_space<vmem>> -> memref<1x32xf32, #tpu.memory_space<vmem>>
      %dma_start3A_1948 = arith.constant 0 : i32
      %dma_start3A_1949 = tpu.memref_slice %arg2[%get3A_1943, %dma_start3A_1948] : memref<1000000x32xf32, #tpu.memory_space<hbm>> -> memref<1x32xf32, #tpu.memory_space<hbm>>
      %dma_start3A_1950 = arith.constant 0 : i32
      %dma_start3A_1951 = tpu.memref_slice %arg7[%add3A_1945, %dma_start3A_1950] : memref<512x32xf32, #tpu.memory_space<vmem>> -> memref<1x32xf32, #tpu.memory_space<vmem>>
      %dma_start3A_1952 = arith.constant 0 : i32
      %dma_start3A_1953 = tpu.memref_slice %arg2[%get3A_1943, %dma_start3A_1952] : memref<1000000x32xf32, #tpu.memory_space<hbm>> -> memref<1x32xf32, #tpu.memory_space<hbm>>
      tpu.enqueue_dma source(%dma_start3A_1953 : memref<1x32xf32, #tpu.memory_space<hbm>>) target(%dma_start3A_1951 : memref<1x32xf32, #tpu.memory_space<vmem>>) target_semaphore(%arg8 : memref<!tpu.dma_semaphore, #tpu.memory_space<semaphore_mem>>)
      %add3A_1954 = arith.constant 13 : i32
      %add3A_1955 = arith.addi %mul3A_1771, %add3A_1954 : i32
      %get3A_1956 = arith.index_cast %add3A_1955 : i32 to index
      %get3A_1957 = memref.load %arg6[%get3A_1956] : memref<512xi32, #tpu.memory_space<smem>>
      %add3A_1958 = arith.constant 13 : i32
      %add3A_1959 = arith.addi %mul3A_1771, %add3A_1958 : i32
      %dma_start3A_1960 = arith.constant 0 : i32
      %dma_start3A_1961 = tpu.memref_slice %arg7[%add3A_1959, %dma_start3A_1960] : memref<512x32xf32, #tpu.memory_space<vmem>> -> memref<1x32xf32, #tpu.memory_space<vmem>>
      %dma_start3A_1962 = arith.constant 0 : i32
      %dma_start3A_1963 = tpu.memref_slice %arg2[%get3A_1957, %dma_start3A_1962] : memref<1000000x32xf32, #tpu.memory_space<hbm>> -> memref<1x32xf32, #tpu.memory_space<hbm>>
      %dma_start3A_1964 = arith.constant 0 : i32
      %dma_start3A_1965 = tpu.memref_slice %arg7[%add3A_1959, %dma_start3A_1964] : memref<512x32xf32, #tpu.memory_space<vmem>> -> memref<1x32xf32, #tpu.memory_space<vmem>>
      %dma_start3A_1966 = arith.constant 0 : i32
      %dma_start3A_1967 = tpu.memref_slice %arg2[%get3A_1957, %dma_start3A_1966] : memref<1000000x32xf32, #tpu.memory_space<hbm>> -> memref<1x32xf32, #tpu.memory_space<hbm>>
      tpu.enqueue_dma source(%dma_start3A_1967 : memref<1x32xf32, #tpu.memory_space<hbm>>) target(%dma_start3A_1965 : memref<1x32xf32, #tpu.memory_space<vmem>>) target_semaphore(%arg8 : memref<!tpu.dma_semaphore, #tpu.memory_space<semaphore_mem>>)
      %add3A_1968 = arith.constant 14 : i32
      %add3A_1969 = arith.addi %mul3A_1771, %add3A_1968 : i32
      %get3A_1970 = arith.index_cast %add3A_1969 : i32 to index
      %get3A_1971 = memref.load %arg6[%get3A_1970] : memref<512xi32, #tpu.memory_space<smem>>
      %add3A_1972 = arith.constant 14 : i32
      %add3A_1973 = arith.addi %mul3A_1771, %add3A_1972 : i32
      %dma_start3A_1974 = arith.constant 0 : i32
      %dma_start3A_1975 = tpu.memref_slice %arg7[%add3A_1973, %dma_start3A_1974] : memref<512x32xf32, #tpu.memory_space<vmem>> -> memref<1x32xf32, #tpu.memory_space<vmem>>
      %dma_start3A_1976 = arith.constant 0 : i32
      %dma_start3A_1977 = tpu.memref_slice %arg2[%get3A_1971, %dma_start3A_1976] : memref<1000000x32xf32, #tpu.memory_space<hbm>> -> memref<1x32xf32, #tpu.memory_space<hbm>>
      %dma_start3A_1978 = arith.constant 0 : i32
      %dma_start3A_1979 = tpu.memref_slice %arg7[%add3A_1973, %dma_start3A_1978] : memref<512x32xf32, #tpu.memory_space<vmem>> -> memref<1x32xf32, #tpu.memory_space<vmem>>
      %dma_start3A_1980 = arith.constant 0 : i32
      %dma_start3A_1981 = tpu.memref_slice %arg2[%get3A_1971, %dma_start3A_1980] : memref<1000000x32xf32, #tpu.memory_space<hbm>> -> memref<1x32xf32, #tpu.memory_space<hbm>>
      tpu.enqueue_dma source(%dma_start3A_1981 : memref<1x32xf32, #tpu.memory_space<hbm>>) target(%dma_start3A_1979 : memref<1x32xf32, #tpu.memory_space<vmem>>) target_semaphore(%arg8 : memref<!tpu.dma_semaphore, #tpu.memory_space<semaphore_mem>>)
      %add3A_1982 = arith.constant 15 : i32
      %add3A_1983 = arith.addi %mul3A_1771, %add3A_1982 : i32
      %get3A_1984 = arith.index_cast %add3A_1983 : i32 to index
      %get3A_1985 = memref.load %arg6[%get3A_1984] : memref<512xi32, #tpu.memory_space<smem>>
      %add3A_1986 = arith.constant 15 : i32
      %add3A_1987 = arith.addi %mul3A_1771, %add3A_1986 : i32
      %dma_start3A_1988 = arith.constant 0 : i32
      %dma_start3A_1989 = tpu.memref_slice %arg7[%add3A_1987, %dma_start3A_1988] : memref<512x32xf32, #tpu.memory_space<vmem>> -> memref<1x32xf32, #tpu.memory_space<vmem>>
      %dma_start3A_1990 = arith.constant 0 : i32
      %dma_start3A_1991 = tpu.memref_slice %arg2[%get3A_1985, %dma_start3A_1990] : memref<1000000x32xf32, #tpu.memory_space<hbm>> -> memref<1x32xf32, #tpu.memory_space<hbm>>
      %dma_start3A_1992 = arith.constant 0 : i32
      %dma_start3A_1993 = tpu.memref_slice %arg7[%add3A_1987, %dma_start3A_1992] : memref<512x32xf32, #tpu.memory_space<vmem>> -> memref<1x32xf32, #tpu.memory_space<vmem>>
      %dma_start3A_1994 = arith.constant 0 : i32
      %dma_start3A_1995 = tpu.memref_slice %arg2[%get3A_1985, %dma_start3A_1994] : memref<1000000x32xf32, #tpu.memory_space<hbm>> -> memref<1x32xf32, #tpu.memory_space<hbm>>
      tpu.enqueue_dma source(%dma_start3A_1995 : memref<1x32xf32, #tpu.memory_space<hbm>>) target(%dma_start3A_1993 : memref<1x32xf32, #tpu.memory_space<vmem>>) target_semaphore(%arg8 : memref<!tpu.dma_semaphore, #tpu.memory_space<semaphore_mem>>)
      %mul3A_1996 = arith.constant 16 : i32
      %mul3A_1997 = arith.muli %scan3A_1767, %mul3A_1996 : i32
      %dma_wait3A_1998 = arith.constant 0 : i32
      %dma_wait3A_1999 = tpu.memref_slice %arg7[%mul3A_1997, %dma_wait3A_1998] : memref<512x32xf32, #tpu.memory_space<vmem>> -> memref<16x32xf32, #tpu.memory_space<vmem>>
      %dma_wait3A_2000 = arith.constant 0 : i32
      %dma_wait3A_2001 = arith.constant 0 : i32
      %dma_wait3A_2002 = tpu.memref_slice %arg2[%dma_wait3A_2000, %dma_wait3A_2001] : memref<1000000x32xf32, #tpu.memory_space<hbm>> -> memref<16x32xf32, #tpu.memory_space<hbm>>
      %dma_wait3A_2003 = arith.constant 0 : i32
      %dma_wait3A_2004 = tpu.memref_slice %arg7[%mul3A_1997, %dma_wait3A_2003] : memref<512x32xf32, #tpu.memory_space<vmem>> -> memref<16x32xf32, #tpu.memory_space<vmem>>
      %dma_wait3A_2005 = arith.constant 0 : i32
      %dma_wait3A_2006 = arith.constant 0 : i32
      %dma_wait3A_2007 = tpu.memref_slice %arg2[%dma_wait3A_2005, %dma_wait3A_2006] : memref<1000000x32xf32, #tpu.memory_space<hbm>> -> memref<16x32xf32, #tpu.memory_space<hbm>>
      tpu.wait_dma2 semaphore(%arg8 : memref<!tpu.dma_semaphore, #tpu.memory_space<semaphore_mem>>) src(%dma_wait3A_2007 : memref<16x32xf32, #tpu.memory_space<hbm>>) dst(%dma_wait3A_2004 : memref<16x32xf32, #tpu.memory_space<vmem>>)
    }
    %scan3A_1671 = arith.constant 24 : i32
    %dma_wait3A = arith.constant 384 : i32
    %dma_wait3A_1672 = arith.constant 0 : i32
    %dma_wait3A_1673 = tpu.memref_slice %arg7[%dma_wait3A, %dma_wait3A_1672] : memref<512x32xf32, #tpu.memory_space<vmem>> -> memref<16x32xf32, #tpu.memory_space<vmem>>
    %dma_wait3A_1674 = arith.constant 0 : i32
    %dma_wait3A_1675 = arith.constant 0 : i32
    %dma_wait3A_1676 = tpu.memref_slice %arg2[%dma_wait3A_1674, %dma_wait3A_1675] : memref<1000000x32xf32, #tpu.memory_space<hbm>> -> memref<16x32xf32, #tpu.memory_space<hbm>>
    %dma_wait3A_1677 = arith.constant 384 : i32
    %dma_wait3A_1678 = arith.constant 0 : i32
    %dma_wait3A_1679 = tpu.memref_slice %arg7[%dma_wait3A_1677, %dma_wait3A_1678] : memref<512x32xf32, #tpu.memory_space<vmem>> -> memref<16x32xf32, #tpu.memory_space<vmem>>
    %dma_wait3A_1680 = arith.constant 0 : i32
    %dma_wait3A_1681 = arith.constant 0 : i32
    %dma_wait3A_1682 = tpu.memref_slice %arg2[%dma_wait3A_1680, %dma_wait3A_1681] : memref<1000000x32xf32, #tpu.memory_space<hbm>> -> memref<16x32xf32, #tpu.memory_space<hbm>>
    tpu.wait_dma2 semaphore(%arg8 : memref<!tpu.dma_semaphore, #tpu.memory_space<semaphore_mem>>) src(%dma_wait3A_1682 : memref<16x32xf32, #tpu.memory_space<hbm>>) dst(%dma_wait3A_1679 : memref<16x32xf32, #tpu.memory_space<vmem>>)
    %dma_wait3A_1683 = arith.constant 400 : i32
    %dma_wait3A_1684 = arith.constant 0 : i32
    %dma_wait3A_1685 = tpu.memref_slice %arg7[%dma_wait3A_1683, %dma_wait3A_1684] : memref<512x32xf32, #tpu.memory_space<vmem>> -> memref<16x32xf32, #tpu.memory_space<vmem>>
    %dma_wait3A_1686 = arith.constant 0 : i32
    %dma_wait3A_1687 = arith.constant 0 : i32
    %dma_wait3A_1688 = tpu.memref_slice %arg2[%dma_wait3A_1686, %dma_wait3A_1687] : memref<1000000x32xf32, #tpu.memory_space<hbm>> -> memref<16x32xf32, #tpu.memory_space<hbm>>
    %dma_wait3A_1689 = arith.constant 400 : i32
    %dma_wait3A_1690 = arith.constant 0 : i32
    %dma_wait3A_1691 = tpu.memref_slice %arg7[%dma_wait3A_1689, %dma_wait3A_1690] : memref<512x32xf32, #tpu.memory_space<vmem>> -> memref<16x32xf32, #tpu.memory_space<vmem>>
    %dma_wait3A_1692 = arith.constant 0 : i32
    %dma_wait3A_1693 = arith.constant 0 : i32
    %dma_wait3A_1694 = tpu.memref_slice %arg2[%dma_wait3A_1692, %dma_wait3A_1693] : memref<1000000x32xf32, #tpu.memory_space<hbm>> -> memref<16x32xf32, #tpu.memory_space<hbm>>
    tpu.wait_dma2 semaphore(%arg8 : memref<!tpu.dma_semaphore, #tpu.memory_space<semaphore_mem>>) src(%dma_wait3A_1694 : memref<16x32xf32, #tpu.memory_space<hbm>>) dst(%dma_wait3A_1691 : memref<16x32xf32, #tpu.memory_space<vmem>>)
    %dma_wait3A_1695 = arith.constant 416 : i32
    %dma_wait3A_1696 = arith.constant 0 : i32
    %dma_wait3A_1697 = tpu.memref_slice %arg7[%dma_wait3A_1695, %dma_wait3A_1696] : memref<512x32xf32, #tpu.memory_space<vmem>> -> memref<16x32xf32, #tpu.memory_space<vmem>>
    %dma_wait3A_1698 = arith.constant 0 : i32
    %dma_wait3A_1699 = arith.constant 0 : i32
    %dma_wait3A_1700 = tpu.memref_slice %arg2[%dma_wait3A_1698, %dma_wait3A_1699] : memref<1000000x32xf32, #tpu.memory_space<hbm>> -> memref<16x32xf32, #tpu.memory_space<hbm>>
    %dma_wait3A_1701 = arith.constant 416 : i32
    %dma_wait3A_1702 = arith.constant 0 : i32
    %dma_wait3A_1703 = tpu.memref_slice %arg7[%dma_wait3A_1701, %dma_wait3A_1702] : memref<512x32xf32, #tpu.memory_space<vmem>> -> memref<16x32xf32, #tpu.memory_space<vmem>>
    %dma_wait3A_1704 = arith.constant 0 : i32
    %dma_wait3A_1705 = arith.constant 0 : i32
    %dma_wait3A_1706 = tpu.memref_slice %arg2[%dma_wait3A_1704, %dma_wait3A_1705] : memref<1000000x32xf32, #tpu.memory_space<hbm>> -> memref<16x32xf32, #tpu.memory_space<hbm>>
    tpu.wait_dma2 semaphore(%arg8 : memref<!tpu.dma_semaphore, #tpu.memory_space<semaphore_mem>>) src(%dma_wait3A_1706 : memref<16x32xf32, #tpu.memory_space<hbm>>) dst(%dma_wait3A_1703 : memref<16x32xf32, #tpu.memory_space<vmem>>)
    %dma_wait3A_1707 = arith.constant 432 : i32
    %dma_wait3A_1708 = arith.constant 0 : i32
    %dma_wait3A_1709 = tpu.memref_slice %arg7[%dma_wait3A_1707, %dma_wait3A_1708] : memref<512x32xf32, #tpu.memory_space<vmem>> -> memref<16x32xf32, #tpu.memory_space<vmem>>
    %dma_wait3A_1710 = arith.constant 0 : i32
    %dma_wait3A_1711 = arith.constant 0 : i32
    %dma_wait3A_1712 = tpu.memref_slice %arg2[%dma_wait3A_1710, %dma_wait3A_1711] : memref<1000000x32xf32, #tpu.memory_space<hbm>> -> memref<16x32xf32, #tpu.memory_space<hbm>>
    %dma_wait3A_1713 = arith.constant 432 : i32
    %dma_wait3A_1714 = arith.constant 0 : i32
    %dma_wait3A_1715 = tpu.memref_slice %arg7[%dma_wait3A_1713, %dma_wait3A_1714] : memref<512x32xf32, #tpu.memory_space<vmem>> -> memref<16x32xf32, #tpu.memory_space<vmem>>
    %dma_wait3A_1716 = arith.constant 0 : i32
    %dma_wait3A_1717 = arith.constant 0 : i32
    %dma_wait3A_1718 = tpu.memref_slice %arg2[%dma_wait3A_1716, %dma_wait3A_1717] : memref<1000000x32xf32, #tpu.memory_space<hbm>> -> memref<16x32xf32, #tpu.memory_space<hbm>>
    tpu.wait_dma2 semaphore(%arg8 : memref<!tpu.dma_semaphore, #tpu.memory_space<semaphore_mem>>) src(%dma_wait3A_1718 : memref<16x32xf32, #tpu.memory_space<hbm>>) dst(%dma_wait3A_1715 : memref<16x32xf32, #tpu.memory_space<vmem>>)
    %dma_wait3A_1719 = arith.constant 448 : i32
    %dma_wait3A_1720 = arith.constant 0 : i32
    %dma_wait3A_1721 = tpu.memref_slice %arg7[%dma_wait3A_1719, %dma_wait3A_1720] : memref<512x32xf32, #tpu.memory_space<vmem>> -> memref<16x32xf32, #tpu.memory_space<vmem>>
    %dma_wait3A_1722 = arith.constant 0 : i32
    %dma_wait3A_1723 = arith.constant 0 : i32
    %dma_wait3A_1724 = tpu.memref_slice %arg2[%dma_wait3A_1722, %dma_wait3A_1723] : memref<1000000x32xf32, #tpu.memory_space<hbm>> -> memref<16x32xf32, #tpu.memory_space<hbm>>
    %dma_wait3A_1725 = arith.constant 448 : i32
    %dma_wait3A_1726 = arith.constant 0 : i32
    %dma_wait3A_1727 = tpu.memref_slice %arg7[%dma_wait3A_1725, %dma_wait3A_1726] : memref<512x32xf32, #tpu.memory_space<vmem>> -> memref<16x32xf32, #tpu.memory_space<vmem>>
    %dma_wait3A_1728 = arith.constant 0 : i32
    %dma_wait3A_1729 = arith.constant 0 : i32
    %dma_wait3A_1730 = tpu.memref_slice %arg2[%dma_wait3A_1728, %dma_wait3A_1729] : memref<1000000x32xf32, #tpu.memory_space<hbm>> -> memref<16x32xf32, #tpu.memory_space<hbm>>
    tpu.wait_dma2 semaphore(%arg8 : memref<!tpu.dma_semaphore, #tpu.memory_space<semaphore_mem>>) src(%dma_wait3A_1730 : memref<16x32xf32, #tpu.memory_space<hbm>>) dst(%dma_wait3A_1727 : memref<16x32xf32, #tpu.memory_space<vmem>>)
    %dma_wait3A_1731 = arith.constant 464 : i32
    %dma_wait3A_1732 = arith.constant 0 : i32
    %dma_wait3A_1733 = tpu.memref_slice %arg7[%dma_wait3A_1731, %dma_wait3A_1732] : memref<512x32xf32, #tpu.memory_space<vmem>> -> memref<16x32xf32, #tpu.memory_space<vmem>>
    %dma_wait3A_1734 = arith.constant 0 : i32
    %dma_wait3A_1735 = arith.constant 0 : i32
    %dma_wait3A_1736 = tpu.memref_slice %arg2[%dma_wait3A_1734, %dma_wait3A_1735] : memref<1000000x32xf32, #tpu.memory_space<hbm>> -> memref<16x32xf32, #tpu.memory_space<hbm>>
    %dma_wait3A_1737 = arith.constant 464 : i32
    %dma_wait3A_1738 = arith.constant 0 : i32
    %dma_wait3A_1739 = tpu.memref_slice %arg7[%dma_wait3A_1737, %dma_wait3A_1738] : memref<512x32xf32, #tpu.memory_space<vmem>> -> memref<16x32xf32, #tpu.memory_space<vmem>>
    %dma_wait3A_1740 = arith.constant 0 : i32
    %dma_wait3A_1741 = arith.constant 0 : i32
    %dma_wait3A_1742 = tpu.memref_slice %arg2[%dma_wait3A_1740, %dma_wait3A_1741] : memref<1000000x32xf32, #tpu.memory_space<hbm>> -> memref<16x32xf32, #tpu.memory_space<hbm>>
    tpu.wait_dma2 semaphore(%arg8 : memref<!tpu.dma_semaphore, #tpu.memory_space<semaphore_mem>>) src(%dma_wait3A_1742 : memref<16x32xf32, #tpu.memory_space<hbm>>) dst(%dma_wait3A_1739 : memref<16x32xf32, #tpu.memory_space<vmem>>)
    %dma_wait3A_1743 = arith.constant 480 : i32
    %dma_wait3A_1744 = arith.constant 0 : i32
    %dma_wait3A_1745 = tpu.memref_slice %arg7[%dma_wait3A_1743, %dma_wait3A_1744] : memref<512x32xf32, #tpu.memory_space<vmem>> -> memref<16x32xf32, #tpu.memory_space<vmem>>
    %dma_wait3A_1746 = arith.constant 0 : i32
    %dma_wait3A_1747 = arith.constant 0 : i32
    %dma_wait3A_1748 = tpu.memref_slice %arg2[%dma_wait3A_1746, %dma_wait3A_1747] : memref<1000000x32xf32, #tpu.memory_space<hbm>> -> memref<16x32xf32, #tpu.memory_space<hbm>>
    %dma_wait3A_1749 = arith.constant 480 : i32
    %dma_wait3A_1750 = arith.constant 0 : i32
    %dma_wait3A_1751 = tpu.memref_slice %arg7[%dma_wait3A_1749, %dma_wait3A_1750] : memref<512x32xf32, #tpu.memory_space<vmem>> -> memref<16x32xf32, #tpu.memory_space<vmem>>
    %dma_wait3A_1752 = arith.constant 0 : i32
    %dma_wait3A_1753 = arith.constant 0 : i32
    %dma_wait3A_1754 = tpu.memref_slice %arg2[%dma_wait3A_1752, %dma_wait3A_1753] : memref<1000000x32xf32, #tpu.memory_space<hbm>> -> memref<16x32xf32, #tpu.memory_space<hbm>>
    tpu.wait_dma2 semaphore(%arg8 : memref<!tpu.dma_semaphore, #tpu.memory_space<semaphore_mem>>) src(%dma_wait3A_1754 : memref<16x32xf32, #tpu.memory_space<hbm>>) dst(%dma_wait3A_1751 : memref<16x32xf32, #tpu.memory_space<vmem>>)
    %dma_wait3A_1755 = arith.constant 496 : i32
    %dma_wait3A_1756 = arith.constant 0 : i32
    %dma_wait3A_1757 = tpu.memref_slice %arg7[%dma_wait3A_1755, %dma_wait3A_1756] : memref<512x32xf32, #tpu.memory_space<vmem>> -> memref<16x32xf32, #tpu.memory_space<vmem>>
    %dma_wait3A_1758 = arith.constant 0 : i32
    %dma_wait3A_1759 = arith.constant 0 : i32
    %dma_wait3A_1760 = tpu.memref_slice %arg2[%dma_wait3A_1758, %dma_wait3A_1759] : memref<1000000x32xf32, #tpu.memory_space<hbm>> -> memref<16x32xf32, #tpu.memory_space<hbm>>
    %dma_wait3A_1761 = arith.constant 496 : i32
    %dma_wait3A_1762 = arith.constant 0 : i32
    %dma_wait3A_1763 = tpu.memref_slice %arg7[%dma_wait3A_1761, %dma_wait3A_1762] : memref<512x32xf32, #tpu.memory_space<vmem>> -> memref<16x32xf32, #tpu.memory_space<vmem>>
    %dma_wait3A_1764 = arith.constant 0 : i32
    %dma_wait3A_1765 = arith.constant 0 : i32
    %dma_wait3A_1766 = tpu.memref_slice %arg2[%dma_wait3A_1764, %dma_wait3A_1765] : memref<1000000x32xf32, #tpu.memory_space<hbm>> -> memref<16x32xf32, #tpu.memory_space<hbm>>
    tpu.wait_dma2 semaphore(%arg8 : memref<!tpu.dma_semaphore, #tpu.memory_space<semaphore_mem>>) src(%dma_wait3A_1766 : memref<16x32xf32, #tpu.memory_space<hbm>>) dst(%dma_wait3A_1763 : memref<16x32xf32, #tpu.memory_space<vmem>>)
    "tpu.region"() ({
      %run_scoped3A = tpu.sem_alloc : memref<!tpu.dma_semaphore, #tpu.memory_space<semaphore_mem>>
      %dma_start3A_1767 = arith.constant 0 : i32
      %dma_start3A_1768 = tpu.memref_slice %arg4[%mul3A_2, %dma_start3A_1767] : memref<16384x32xf32, #tpu.memory_space<hbm>> -> memref<512x32xf32, #tpu.memory_space<hbm>>
      %dma_start3A_1769 = arith.constant 0 : i32
      %dma_start3A_1770 = tpu.memref_slice %arg4[%mul3A_2, %dma_start3A_1769] : memref<16384x32xf32, #tpu.memory_space<hbm>> -> memref<512x32xf32, #tpu.memory_space<hbm>>
      tpu.enqueue_dma source(%arg7 : memref<512x32xf32, #tpu.memory_space<vmem>>) target(%dma_start3A_1770 : memref<512x32xf32, #tpu.memory_space<hbm>>) target_semaphore(%run_scoped3A : memref<!tpu.dma_semaphore, #tpu.memory_space<semaphore_mem>>)
      %dma_wait3A_1771 = arith.constant 0 : i32
      %dma_wait3A_1772 = tpu.memref_slice %arg4[%mul3A_2, %dma_wait3A_1771] : memref<16384x32xf32, #tpu.memory_space<hbm>> -> memref<512x32xf32, #tpu.memory_space<hbm>>
      %dma_wait3A_1773 = arith.constant 0 : i32
      %dma_wait3A_1774 = tpu.memref_slice %arg4[%mul3A_2, %dma_wait3A_1773] : memref<16384x32xf32, #tpu.memory_space<hbm>> -> memref<512x32xf32, #tpu.memory_space<hbm>>
      tpu.wait_dma2 semaphore(%run_scoped3A : memref<!tpu.dma_semaphore, #tpu.memory_space<semaphore_mem>>) src(%arg7 : memref<512x32xf32, #tpu.memory_space<vmem>>) dst(%dma_wait3A_1774 : memref<512x32xf32, #tpu.memory_space<hbm>>)
      tpu.yield
    }) : () -> ()
    return
  }
}

</mosaic_0001>

<sc_bundles>
// kernel: _sc_gather.3.cloned.1.call-start
scs
__scs_entry_jumppad:
0x0: {  	(pc) =	sbr.rel $0x88, $3  }
0x1: {  	(tag) =	ssettag $0x0;
	lr =	simm.s32 $0x1  }
0x2: {  	[smem:$0x3F9F] =	sst lr;
	_ =	strace $0xD0000000  }
0x3: {  	_ = 	snop  }
0x4: {  	_ = 	snop  }
0x5: {  	_ = 	snop  }
0x6: {  	_ = 	snop  }
0x7: {  	_ = 	snop  }
__scs_overlays_trampoline_lowered:
0x8: {  	[smem:$0x3FAE] =	sst s0  }
0x9: {  	[smem:$0x3FAF] =	sst s1  }
0xa: {  	[smem:$0x3FB0] =	sst s2  }
0xb: {  	[smem:$0x3FB1] =	sst s3  }
0xc: {  	[smem:$0x3FB2] =	sst s4  }
0xd: {  	[smem:$0x3FB3] =	sst s5  }
0xe: {  	[smem:$0x3FB4] =	sst s6  }
0xf: {  	[smem:$0x3FB5] =	sst s7  }
0x10: {  	[smem:$0x3FB6] =	sst s8  }
0x11: {  	[smem:$0x3FB7] =	sst s9;
	s0 =	simm.s32 @!p0 $0x0  }
0x12: {  	s1 =	sld [smem:$0x3F9D];
	s0 =	simm.s32 @p0 $0x1  }
0x13: {  	[smem:$0x3FB8] =	sst s0;
	s0 =	simm.s32 @!p1 $0x0  }
0x14: {  	s2 =	sld [smem:$0x3F9C];
	s0 =	simm.s32 @p1 $0x1  }
0x15: {  	[smem:$0x3FB9] =	sst s0;
	s0 =	simm.s32 @!p2 $0x0  }
0x16: {  	s3 =	sld [smem:$0x3FDB];
	s0 =	simm.s32 @p2 $0x1  }
0x17: {  	s4 =	simm.s32 $0x1BF5;
	[smem:$0x3FBB] =	sst s0  }
0x18: {  	s0 =	sld [smem:$0x3F9E];
	_ =	swait.ge [sflag:s4], $0x0  }
0x19: {  	s7 =	sld [smem:$0x3F9F]  }
0x1a: {  	s8 =	sadd.s32 $0xFFFFE003, lr  }
0x1b: {  	s9 =	sadd.s32 $0xFFFFFEF7, lr;
	s5 =	simm.s32 $0xFFFFFFFF;
	p2 =	slt.u32 s8, $0xFFFFF086  }
0x1c: {  	p1 =	slt.u32 s9, $0xF7A;
	s5 =	simm.s32 @!p2 $0x0  }
0x1d: {  	s5 =	simm.s32 @p1 $0x1;
	p0 =	seq.s32 s7, s2  }
0x1e: {  	s7 =	smul.u32 @!p0 $0xF7A, s2;
	p2 =	seq.s32 @!p0 s5, $0x0  }
0x1f: {  	s9 =	smul.u32 $0xF7A, s1;
	s8 =	simm.s32 @!p0 $0x1BF5;
	p2 =	por !p2, p0  }
0x20: {  	[sflag:s8] =	ssyncset.s32 @!p0 $0xFFFFF086;
	s6 =	sadd.s32 @!p0 s3, s7;
	s7 =	simm.s32 @!p0 $0x108  }
0x21: {  	s3 =	sadd.s32 s3, s9;
	s6 =	sadd.s32 @!p0 $0x88, s6;
	s7 =	simm.s32 @p2 $0x1082  }
0x22: {  	[simem:s7], [sflag:s8] =	dma.local @!p0 [hbm:s6], $0xF7A  }
0x23: {  	s9 =	sor.u32 $0xD0000000, s2;
	s6 =	simm.s32 $0x108;
	_ =	swait.ge @!p0 [sflag:s8], $0x0  }
0x24: {  	s3 =	sadd.s32 $0x88, s3;
	s6 =	simm.s32 @!p1 $0x1082;
	[sflag:s4] =	ssyncset.s32 $0xFFFFF086  }
0x25: {  	[simem:s6], [sflag:s4] =	dma.local [hbm:s3], $0xF7A  }
0x26: {  	[smem:$0x3F9F] =	sst s1;
	(tag) =	ssettag s2;
	_ =	strace s9  }
0x27: {  	s1 =	sld [smem:$0x3FAF]  }
0x28: {  	s2 =	sld [smem:$0x3FB0]  }
0x29: {  	s4 =	sld [smem:$0x3FB2]  }
0x2a: {  	p0 =	seq.s32 s5, $0x0;
	s5 =	sld [smem:$0x3FB3]  }
0x2b: {  	s6 =	sld [smem:$0x3FB4]  }
0x2c: {  	s7 =	sld [smem:$0x3FB5]  }
0x2d: {  	s3 =	simm.s32 $0x108;
	s8 =	sld [smem:$0x3FB6]  }
0x2e: {  	s3 =	simm.s32 @!p0 $0x1082;
	s9 =	sld [smem:$0x3FB7]  }
0x2f: {  	lr =	sadd.s32 s0, s3;
	s0 =	sld [smem:$0x3FAE]  }
0x30: {  	s3 =	sld [smem:$0x3FB1]  }
0x31: {  	[smem:$0x3FBA] =	sst s10  }
0x32: {  	s10 =	sld [smem:$0x3FB8];
	_ =	sdelay $0x3  }
0x33: {  	p0 =	seq.s32 s10, $0x1;
	s10 =	sld [smem:$0x3FBA];
	_ =	sdelay $0x3  }
0x34: {  	[smem:$0x3FBA] =	sst s10  }
0x35: {  	s10 =	sld [smem:$0x3FB9];
	_ =	sdelay $0x3  }
0x36: {  	p1 =	seq.s32 s10, $0x1;
	s10 =	sld [smem:$0x3FBA];
	_ =	sdelay $0x3  }
0x37: {  	[smem:$0x3FBA] =	sst s10  }
0x38: {  	s10 =	sld [smem:$0x3FBB]  }
0x39: {  	_ = 	snop;
	(pc) =	sbr.ind lr, $3  }
0x3a: {  	_ = 	snop  }
0x3b: {  	_ = 	snop  }
0x3c: {  	p2 =	seq.s32 s10, $0x1;
	s10 =	sld [smem:$0x3FBA]  }
0x3d: {  	_ =	shalt  }
0x3e: {  	_ =	shalt  }
0x3f: {  	_ =	shalt  }
0x40: {  	_ =	shalt  }
0x41: {  	_ =	shalt  }
0x42: {  	_ =	shalt  }
0x43: {  	_ =	shalt  }
0x44: {  	_ =	shalt  }
0x45: {  	_ =	shalt  }
0x46: {  	_ =	shalt  }
0x47: {  	_ =	shalt  }
0x48: {  	_ =	shalt  }
0x49: {  	_ =	shalt  }
0x4a: {  	_ =	shalt  }
0x4b: {  	_ =	shalt  }
0x4c: {  	_ =	shalt  }
0x4d: {  	_ =	shalt  }
0x4e: {  	_ =	shalt  }
0x4f: {  	_ =	shalt  }
0x50: {  	_ =	shalt  }
0x51: {  	_ =	shalt  }
0x52: {  	_ =	shalt  }
0x53: {  	_ =	shalt  }
0x54: {  	_ =	shalt  }
0x55: {  	_ =	shalt  }
0x56: {  	_ =	shalt  }
0x57: {  	_ =	shalt  }
0x58: {  	_ =	shalt  }
0x59: {  	_ =	shalt  }
0x5a: {  	_ =	shalt  }
0x5b: {  	_ =	shalt  }
0x5c: {  	_ =	shalt  }
0x5d: {  	_ =	shalt  }
0x5e: {  	_ =	shalt  }
0x5f: {  	_ =	shalt  }
0x60: {  	_ =	shalt  }
0x61: {  	_ =	shalt  }
0x62: {  	_ =	shalt  }
0x63: {  	_ =	shalt  }
0x64: {  	_ =	shalt  }
0x65: {  	_ =	shalt  }
0x66: {  	_ =	shalt  }
0x67: {  	_ =	shalt  }
0x68: {  	_ =	shalt  }
0x69: {  	_ =	shalt  }
0x6a: {  	_ =	shalt  }
0x6b: {  	_ =	shalt  }
0x6c: {  	_ =	shalt  }
0x6d: {  	_ =	shalt  }
0x6e: {  	_ =	shalt  }
0x6f: {  	_ =	shalt  }
0x70: {  	_ =	shalt  }
0x71: {  	_ =	shalt  }
0x72: {  	_ =	shalt  }
0x73: {  	_ =	shalt  }
0x74: {  	_ =	shalt  }
0x75: {  	_ =	shalt  }
0x76: {  	_ =	shalt  }
0x77: {  	_ =	shalt  }
0x78: {  	_ =	shalt  }
0x79: {  	_ =	shalt  }
0x7a: {  	_ =	shalt  }
0x7b: {  	_ =	shalt  }
0x7c: {  	_ =	shalt  }
0x7d: {  	_ =	shalt  }
0x7e: {  	_ =	shalt  }
0x7f: {  	_ =	shalt  }
0x80: {  	_ =	shalt  }
0x81: {  	_ =	shalt  }
0x82: {  	_ =	shalt  }
0x83: {  	_ =	shalt  }
0x84: {  	_ =	shalt  }
0x85: {  	_ =	shalt  }
0x86: {  	_ =	shalt  }
0x87: {  	_ =	shalt  }
.Lfunc_end0:
.L_simem_size_0:
called_computation_lowered:
.L_overlay_start_0:
0x88: {  	s2 =	sld [smem:$0x3FD9]  }
0x89: {  	s3 =	sld [smem:$0x3FFE];
	_ =	sdelay $0x1  }
0x8a: {  	s1 =	srdreg.scid  }
0x8b: {  	s0 =	sand.u32 $0x1, s1  }
0x8c: {  	s17 =	sshll.u32 s0, $0xA;
	s2 =	sadd.s32 s3, s2  }
0x8d: {  	s2 =	sadd.s32 s2, s17  }
0x8e: {  	[smem:$0x3FC6] =	sst s2  }
0x8f: {  	_ = 	snop  }
0x90: {  	s2 =	sld [smem:$0x3FC8];
	(tm) =	ssettm $0x1  }
0x91: {  	s18 =	sld [smem:$0x3FFB];
	_ =	sdelay $0x3  }
0x92: {  	_ =	strace s18  }
0x93: {  	s3 =	sld [smem:$0x3FFC];
	_ =	sdelay $0x3  }
0x94: {  	_ =	strace s3  }
0x95: {  	s3 =	sld [smem:$0x3FFD];
	_ =	sdelay $0x3  }
0x96: {  	_ =	strace s3  }
0x97: {  	_ =	strace $0x8FFFFFFF  }
0x98: {  	s19 =	sld [smem:$0x3FDB];
	_ =	sdelay $0x1  }
0x99: {  	s4 =	simm.s32 $_scs_section_size  }
0x9a: {  	s5 =	simm.s32 $_size__tile_overlayer_lowered;
	s6 =	simm.s32 $_tile_overlayer_lowered  }
0x9b: {  	s22 =	simm.s32 $0x1BFF;
	s21 =	sshll.u32 s6, $0x1;
	s3 =	sadd.s32 s4, s19  }
0x9c: {  	s7 =	simm.s32 $0x0;
	s20 =	sshll.u32 s5, $0x1;
	s5 =	sadd.s32 s21, s3  }
0x9d: {  	[timem:s7], [sflag:s22] =	dma.local [hbm:s5], s20  }
0x9e: {  	_ =	swait.ge [sflag:s22], s20  }
0x9f: {  	s4 =	ssub.s32 $0x0, s20;
	[sflag:s22] =	ssyncset.done $0x0  }
0xa0: {  	[sflag:s22] =	ssyncadd.s32 s4;
	_ =	sdelay $0x1  }
0xa1: {  	s23 =	simm.s32 $0x1B8B  }
0xa2: {  	_ =	swait.ge [sflag:s23], $0x1  }
0xa3: {  	[sflag:s23] =	ssyncset.done $0x0  }
0xa4: {  	s25 =	simm.s32 $0x1B8E;
	s24 =	sld [smem:$0x3FFE];
	[sflag:s23] =	ssyncadd.s32 $0xFFFFFFFF  }
0xa5: {  	s26 =	simm.s32 $execute0_lowered;
	[smem:$0x3FD2] =	sst s25  }
0xa6: {  	s5 =	sshll.u32 s26, $0x1;
	_ =	strace $0x80000046;
	[dreg:$0x1] =	wrdreg $0xFFFFFFFF  }
0xa7: {  	s28 =	simm.s32 $_size_execute0_lowered;
	s3 =	sadd.s32 s3, s5;
	[dreg:$0x0] =	wrdreg $0x0  }
0xa8: {  	s5 =	sshll.u32 s28, $0x1;
	[dreg:$0x2] =	wrdreg s3  }
0xa9: {  	[dreg:$0x3] =	wrdreg s5  }
0xaa: {  	[dreg:$0x4] =	wrdreg $0xC0  }
0xab: {  	_ =	task [dreg:s7], $0x5FFFF  }
0xac: {  	[dreg:$0x1] =	wrdreg $0xFFFFFFFF  }
0xad: {  	[dreg:$0x0] =	wrdreg $0x60  }
0xae: {  	[dreg:$0x2] =	wrdreg s24  }
0xaf: {  	[dreg:$0x3] =	wrdreg s2  }
0xb0: {  	[dreg:$0x4] =	wrdreg $0x9  }
0xb1: {  	_ =	task.clear_ibuf [dreg:s7], $0x5FFFF;
	_ =	strace $0x90000046  }
0xb2: {  	s29 =	simm.s32 $0x9;
	_ =	strace $0x80000048  }
0xb3: {  	_ =	swait.ge [sflag:s29], $0x1  }
0xb4: {  	[sflag:s29] =	ssyncadd.s32 $0xFFFFFFFF  }
0xb5: {  	_ =	strace $0x90000048  }
0xb6: {  	_ =	sfence  }
0xb7: {  	s30 =	sld [smem:$0x0];
	_ =	sdelay $0x2  }
0xb8: {  	s31 =	sshll.u32 s1, $0xD;
	s1 =	sshrl.u32 s1, $0x2  }
0xb9: {  	s3 =	sand.u32 $0x4000, s31;
	s1 =	sadd.s32 s1, s30  }
0xba: {  	s0 =	sor.u32 s3, s0;
	s1 =	sshll.u32 s1, $0x11  }
0xbb: {  	s0 =	sor.u32 s1, s0  }
0xbc: {  	s0 =	sadd.s32 $0x8F2B, s0  }
0xbd: {  	[sflag:s0] =	ssyncadd.remote.s32 $0x1  }
0xbe: {  	_ =	sfence.sel $0xFFFF  }
0xbf: {  	[dreg:$0x0] =	wrdreg $0xFFFFFFFF;
	(pc) =	sbr.abs _section_cstart, $3  }
0xc0: {  	[dreg:$0x1] =	wrdreg $0xFFFFFFFF  }
0xc1: {  	_ =	task.clear_ibuf [dreg:s7], $0x2FFFF;
	_ =	strace $0x9FFFFFFF  }
0xc2: {  	(tm) =	ssettm $0x7FFFFFFF  }
0xc3: {  	_ =	shalt  }
tec
execute0_lowered:
.L_overlay_start_1:
0x0: {  	(tag) =	ssettag $0x1  }
0x1: {  	s0 =	rddreg [dreg:$0x0]  }
0x2: {  	s1 =	rddreg [dreg:$0x1]  }
0x3: {  	s3 =	srdreg.scid;
	s2 =	simm.s32 $0x0;
	s5 =	stileid.u32  }
0x4: {  	s7 =	simm.s32 $0x2;
	s8 =	simm.s32 $0x200;
	s15 =	simm.s32 $0x4180  }
0x5: {  	vm0 =	vmmov $0x1;
	s16 =	simm.s32 $0x1;
	s17 =	simm.s32 $0x0;
	s4 =	sand.u32 $0x1, s3  }
0x6: {  	vm1 =	vcmask $0x308;
	vm2 =	vcmask $0x70C;
	vm3 =	vcmask $0xB10;
	[smem:$0x7FF] =	sst s2;
	s29 =	sshll.u32 s5, $0xA;
	s30 =	sshll.u32 s4, $0x9  }
0x7: {  	vm4 =	vcmask $0xF14;
	vm5 =	vcmask $0x1318;
	vm6 =	vcmask $0x171C;
	s3 =	sadd.s32 $0x400, s0;
	s4 =	ssub.s32 $0x2, s4;
	s5 =	sor.u32 s30, s29  }
0x8: {  	vm7 =	vcmask $0x1B20;
	vm8 =	vcmask $0x1F24;
	vm9 =	vcmask $0x2328;
	_ =	strace $0x80000047;
	s31 =	sshrl.u32 s4, $0x1;
	s6 =	sshll.u32 s5, $0x4  }
0x9: {  	vm10 =	vcmask $0x272C;
	vm11 =	vcmask $0x2B30;
	vm12 =	vcmask $0x2F34;
	s5 =	sshrl.u32 s5, $0x3;
	s0 =	sadd.s32 s6, s0;
	s6 =	ssub.s32 s4, s31  }
0xa: {  	vm13 =	vcmask $0x3338;
	vm14 =	vcmask $0x373C;
	vm15 =	vmmov $0x7fff;
	s4 =	sadd.s32 s1, s5;
	s5 =	sadd.s32 $0xF42800, s0;
	s6 =	smax.u32 s6, $0x1  }
.LBB2_1:
0xb: {  	[tilespmem:s2], [sflag:$0x2] =	stream.linear.gather [hbm4b:s4+s2], $0x200, $0x38;
	[tilespmem:$0x10200] =	vst v63  }
0xc: {  	_ =	swait.ge [sflag:s7], $0x200  }
0xd: {  	[sflag:s7] =	ssyncset.done $0x0  }
0xe: {  	s18 =	simm.s32 $0x0;
	[sflag:s7] =	ssyncadd.s32 $0xFFFFFE00  }
0xf: {  	v1 =	vld [tilespmem:s18+$0x0];
	_ =	sdelay $0x4  }
0x10: {  	v0 =	vnsel vm0, $0x0, v1  }
0x11: {  	v2 =	vsel vm1, $0x0, v1;
	(xrf0) =	vadd.scan.msk.s32 $0xffff, v0  }
0x12: {  	v0 =	vsel vm2, $0x0, v1;
	(xrf0) =	vadd.scan.msk.s32 $0xffff, v2  }
0x13: {  	v2 =	vsel vm3, $0x0, v1;
	(xrf0) =	vadd.scan.msk.s32 $0xffff, v0  }
0x14: {  	v0 =	vsel vm4, $0x0, v1;
	(xrf0) =	vadd.scan.msk.s32 $0xffff, v2  }
0x15: {  	v2 =	vsel vm5, $0x0, v1;
	(xrf0) =	vadd.scan.msk.s32 $0xffff, v0  }
0x16: {  	v0 =	vsel vm6, $0x0, v1;
	(xrf0) =	vadd.scan.msk.s32 $0xffff, v2  }
0x17: {  	v2 =	vsel vm7, $0x0, v1;
	v3, _, _ =	vpop (xrf0);
	(xrf0) =	vadd.scan.msk.s32 $0xffff, v0  }
0x18: {  	v0 =	vsel vm8, $0x0, v1;
	(v2sf) =	vpush v3, $0xF;
	v3, _, _ =	vpop (xrf0);
	(xrf0) =	vadd.scan.msk.s32 $0xffff, v2  }
0x19: {  	v2 =	vsel vm9, $0x0, v1;
	(v2sf) =	vpush v3, $0xF;
	v3, _, _ =	vpop (xrf0);
	(xrf0) =	vadd.scan.msk.s32 $0xffff, v0  }
0x1a: {  	s19 =	simm.s32 $0x10;
	v0 =	vsel vm10, $0x0, v1;
	(v2sf) =	vpush v3, $0xF;
	v3, _, _ =	vpop (xrf0);
	(xrf0) =	vadd.scan.msk.s32 $0xffff, v2  }
0x1b: {  	v2 =	vsel vm11, $0x0, v1;
	(v2sf) =	vpush v3, $0xF;
	v3, _, _ =	vpop (xrf0);
	(xrf0) =	vadd.scan.msk.s32 $0xffff, v0;
	v0 =	vld [tilespmem:s19+$0x0]  }
0x1c: {  	v4 =	vsel vm12, $0x0, v1;
	(v2sf) =	vpush v3, $0xF;
	v3, _, _ =	vpop (xrf0);
	(xrf0) =	vadd.scan.msk.s32 $0xffff, v2;
	v2 =	vsel vm13, $0x0, v1  }
0x1d: {  	(v2sf) =	vpush v3, $0xF;
	v3, _, _ =	vpop (xrf0);
	(xrf0) =	vadd.scan.msk.s32 $0xffff, v4  }
0x1e: {  	v63 =	vsel vm14, $0x0, v1;
	(v2sf) =	vpush v3, $0xF;
	v3, _, _ =	vpop (xrf0);
	(xrf0) =	vadd.scan.msk.s32 $0xffff, v2  }
0x1f: {  	v1 =	vsel vm15, $0x0, v1;
	(v2sf) =	vpush v3, $0xF;
	v2, _, _ =	vpop (xrf0);
	(xrf0) =	vadd.scan.msk.s32 $0xffff, v63  }
0x20: {  	(v2sf) =	vpush v2, $0xF;
	v2, _, _ =	vpop (xrf0);
	(xrf0) =	vadd.scan.msk.s32 $0xffff, v1;
	v1 =	vnsel vm0, $0x0, v0;
	_ =	sdelay $0x1  }
0x21: {  	v3 =	vsel vm1, $0x0, v0;
	(v2sf) =	vpush v2, $0xF;
	v2, _, _ =	vpop (xrf0);
	(xrf0) =	vadd.scan.msk.s32 $0xffff, v1  }
0x22: {  	(v2sf) =	vpush v2, $0xF;
	v2 =	vsel vm2, $0x0, v0;
	v1, _, _ =	vpop (xrf0);
	(xrf0) =	vadd.scan.msk.s32 $0xffff, v3  }
0x23: {  	v3 =	vsel vm3, $0x0, v0;
	(v2sf) =	vpush v1, $0xF;
	v1, _, _ =	vpop (xrf0);
	(xrf0) =	vadd.scan.msk.s32 $0xffff, v2  }
0x24: {  	v2 =	vsel vm4, $0x0, v0;
	(v2sf) =	vpush v1, $0xF;
	v1, _, _ =	vpop (xrf0);
	(xrf0) =	vadd.scan.msk.s32 $0xffff, v3;
	v3 =	vsel vm5, $0x0, v0  }
0x25: {  	(v2sf) =	vpush v1, $0xF;
	v1, _, _ =	vpop (xrf0);
	(xrf0) =	vadd.scan.msk.s32 $0xffff, v2;
	v2 =	vsel vm6, $0x0, v0  }
0x26: {  	(v2sf) =	vpush v1, $0xF;
	v1, _, _ =	vpop (xrf0);
	(xrf0) =	vadd.scan.msk.s32 $0xffff, v3;
	s0 =	spop (v2sf)  }
0x27: {  	(v2sf) =	vpush v1, $0xF;
	v1 =	vsel vm7, $0x0, v0;
	v3, _, _ =	vpop (xrf0);
	(xrf0) =	vadd.scan.msk.s32 $0xffff, v2;
	[smem:s18] =	sst s0;
	s31 =	spop (v2sf)  }
0x28: {  	(v2sf) =	vpush v3, $0xF;
	v2, _, _ =	vpop (xrf0);
	(xrf0) =	vadd.scan.msk.s32 $0xffff, v1;
	[smem:$0x1] =	sst s31  }
0x29: {  	v1 =	vsel vm8, $0x0, v0;
	s0 =	spop (v2sf)  }
0x2a: {  	(v2sf) =	vpush v2, $0xF;
	v2, _, _ =	vpop (xrf0);
	(xrf0) =	vadd.scan.msk.s32 $0xffff, v1;
	[smem:$0x2] =	sst s0  }
0x2b: {  	s20 =	simm.s32 $0x80;
	v1 =	vsel vm9, $0x0, v0;
	s21 =	spop (v2sf)  }
.LBB2_2:
0x2c: {  	p0 =	sne.s32 s20, $0x7C0;
	v3 =	vsel vm10, $0x0, v0;
	(v2sf) =	vpush v2, $0xF;
	v2, _, _ =	vpop (xrf0);
	(xrf0) =	vadd.scan.msk.s32 $0xffff, v1;
	[smem:s18+$0x3] =	sst s21;
	s0 =	spop (v2sf)  }
0x2d: {  	s21 =	sshra.s32 s20, $0x2;
	v1 =	vsel vm11, $0x0, v0;
	(v2sf) =	vpush v2, $0xF;
	v2, _, _ =	vpop (xrf0);
	(xrf0) =	vadd.scan.msk.s32 $0xffff, v3;
	[smem:s18+$0x4] =	sst s0;
	s0 =	spop (v2sf)  }
0x2e: {  	v4 =	vsel vm12, $0x0, v0;
	v3 =	vld [tilespmem:s21+$0x0];
	(v2sf) =	vpush v2, $0xF;
	v2, _, _ =	vpop (xrf0);
	(xrf0) =	vadd.scan.msk.s32 $0xffff, v1;
	[smem:s18+$0x5] =	sst s0;
	s0 =	spop (v2sf)  }
0x2f: {  	v5 =	vsel vm13, $0x0, v0;
	(v2sf) =	vpush v2, $0xF;
	v2, _, _ =	vpop (xrf0);
	(xrf0) =	vadd.scan.msk.s32 $0xffff, v4;
	[smem:s18+$0x6] =	sst s0;
	s0 =	spop (v2sf)  }
0x30: {  	v4 =	vsel vm14, $0x0, v0;
	(v2sf) =	vpush v2, $0xF;
	v2, _, _ =	vpop (xrf0);
	(xrf0) =	vadd.scan.msk.s32 $0xffff, v5;
	[smem:s18+$0x7] =	sst s0;
	s0 =	spop (v2sf)  }
0x31: {  	v5 =	vsel vm15, $0x0, v0;
	(v2sf) =	vpush v2, $0xF;
	v1, _, _ =	vpop (xrf0);
	(xrf0) =	vadd.scan.msk.s32 $0xffff, v4;
	[smem:s18+$0x8] =	sst s0;
	s0 =	spop (v2sf)  }
0x32: {  	(v2sf) =	vpush v1, $0xF;
	v1, _, _ =	vpop (xrf0);
	(xrf0) =	vadd.scan.msk.s32 $0xffff, v5;
	[smem:s18+$0x9] =	sst s0;
	s0 =	spop (v2sf)  }
0x33: {  	v2 =	vnsel vm0, $0x0, v3;
	(v2sf) =	vpush v1, $0xF;
	v1, _, _ =	vpop (xrf0);
	[smem:s18+$0xA] =	sst s0;
	s0 =	spop (v2sf);
	v0 =	vmov v3  }
0x34: {  	v3 =	vsel vm1, $0x0, v0;
	(xrf0) =	vadd.scan.msk.s32 $0xffff, v2;
	(v2sf) =	vpush v1, $0xF;
	v1, _, _ =	vpop (xrf0);
	[smem:s18+$0xB] =	sst s0;
	s0 =	spop (v2sf)  }
0x35: {  	v2 =	vsel vm2, $0x0, v0;
	(xrf0) =	vadd.scan.msk.s32 $0xffff, v3;
	(v2sf) =	vpush v1, $0xF;
	v1, _, _ =	vpop (xrf0);
	[smem:s18+$0xC] =	sst s0;
	s0 =	spop (v2sf)  }
0x36: {  	v3 =	vsel vm3, $0x0, v0;
	(xrf0) =	vadd.scan.msk.s32 $0xffff, v2;
	(v2sf) =	vpush v1, $0xF;
	v1, _, _ =	vpop (xrf0);
	[smem:s18+$0xD] =	sst s0;
	s0 =	spop (v2sf)  }
0x37: {  	v2 =	vsel vm4, $0x0, v0;
	(xrf0) =	vadd.scan.msk.s32 $0xffff, v3;
	(v2sf) =	vpush v1, $0xF;
	v1, _, _ =	vpop (xrf0);
	[smem:s18+$0xE] =	sst s0;
	s0 =	spop (v2sf)  }
.Ltmp0:
0x38: {  	v4 =	vsel vm5, $0x0, v0;
	(xrf0) =	vadd.scan.msk.s32 $0xffff, v2;
	(v2sf) =	vpush v1, $0xF;
	v1, _, _ =	vpop (xrf0);
	[smem:s18+$0xF] =	sst s0;
	s18 =	smov.u32 s19;
	(pc) =	sbr.rel @p0 .LBB2_2-.Ltmp0, $4  }
0x39: {  	v5 =	vsel vm6, $0x0, v0;
	s19 =	smov.u32 s21;
	(xrf0) =	vadd.scan.msk.s32 $0xffff, v4;
	s0 =	spop (v2sf);
	(v2sf) =	vpush v1, $0xF  }
0x3a: {  	v1 =	vsel vm7, $0x0, v0;
	v3, _, _ =	vpop (xrf0);
	(xrf0) =	vadd.scan.msk.s32 $0xffff, v5;
	[smem:s18] =	sst s0;
	s0 =	spop (v2sf)  }
0x3b: {  	v4 =	vsel vm8, $0x0, v0;
	(v2sf) =	vpush v3, $0xF;
	v2, _, _ =	vpop (xrf0);
	(xrf0) =	vadd.scan.msk.s32 $0xffff, v1;
	[smem:s18+$0x1] =	sst s0;
	s0 =	spop (v2sf)  }
0x3c: {  	s20 =	sadd.s32 $0x40, s20;
	v1 =	vsel vm9, $0x0, v0;
	(v2sf) =	vpush v2, $0xF;
	v2, _, _ =	vpop (xrf0);
	(xrf0) =	vadd.scan.msk.s32 $0xffff, v4;
	[smem:s18+$0x2] =	sst s0;
	s21 =	spop (v2sf)  }
0x3d: {  	v3 =	vsel vm10, $0x0, v0;
	(v2sf) =	vpush v2, $0xF;
	v46, _, _ =	vpop (xrf0);
	(xrf0) =	vadd.scan.msk.s32 $0xffff, v1  }
0x3e: {  	[smem:s18+$0x3] =	sst s21;
	s0 =	spop (v2sf);
	v47 =	vsel vm11, $0x0, v0;
	(v2sf) =	vpush v46, $0xF;
	v48, _, _ =	vpop (xrf0);
	(xrf0) =	vadd.scan.msk.s32 $0xffff, v3  }
0x3f: {  	v49 =	vsel vm12, $0x0, v0;
	[smem:s18+$0x4] =	sst s0;
	s1 =	spop (v2sf);
	(v2sf) =	vpush v48, $0xF;
	v50, _, _ =	vpop (xrf0);
	(xrf0) =	vadd.scan.msk.s32 $0xffff, v47  }
0x40: {  	v51 =	vsel vm13, $0x0, v0;
	[smem:s18+$0x5] =	sst s1;
	s9 =	spop (v2sf);
	(v2sf) =	vpush v50, $0xF;
	v52, _, _ =	vpop (xrf0);
	(xrf0) =	vadd.scan.msk.s32 $0xffff, v49  }
0x41: {  	v53 =	vsel vm14, $0x0, v0;
	[smem:s18+$0x6] =	sst s9;
	s10 =	spop (v2sf);
	(v2sf) =	vpush v52, $0xF;
	v54, _, _ =	vpop (xrf0);
	(xrf0) =	vadd.scan.msk.s32 $0xffff, v51  }
0x42: {  	v55 =	vsel vm15, $0x0, v0;
	[smem:s18+$0x7] =	sst s10;
	s11 =	spop (v2sf);
	(v2sf) =	vpush v54, $0xF;
	v56, _, _ =	vpop (xrf0);
	(xrf0) =	vadd.scan.msk.s32 $0xffff, v53  }
0x43: {  	[smem:s18+$0x8] =	sst s11;
	s12 =	spop (v2sf);
	(v2sf) =	vpush v56, $0xF;
	v57, _, _ =	vpop (xrf0);
	(xrf0) =	vadd.scan.msk.s32 $0xffff, v55  }
0x44: {  	[smem:s18+$0x9] =	sst s12;
	s13 =	spop (v2sf);
	(v2sf) =	vpush v57, $0xF;
	v58, _, _ =	vpop (xrf0)  }
0x45: {  	[smem:s18+$0xA] =	sst s13;
	s14 =	spop (v2sf);
	(v2sf) =	vpush v58, $0xF;
	v59, _, _ =	vpop (xrf0)  }
0x46: {  	[smem:s18+$0xB] =	sst s14;
	s20 =	spop (v2sf);
	(v2sf) =	vpush v59, $0xF;
	v60, _, _ =	vpop (xrf0)  }
0x47: {  	[smem:s18+$0xC] =	sst s20;
	s21 =	spop (v2sf);
	(v2sf) =	vpush v60, $0xF;
	v61, _, _ =	vpop (xrf0)  }
0x48: {  	[smem:s18+$0xD] =	sst s21;
	s22 =	spop (v2sf);
	(v2sf) =	vpush v61, $0xF;
	v62, _, _ =	vpop (xrf0)  }
0x49: {  	[smem:s18+$0xE] =	sst s22;
	s23 =	spop (v2sf);
	(v2sf) =	vpush v62, $0xF;
	v63, _, _ =	vpop (xrf0)  }
0x4a: {  	[smem:s18+$0xF] =	sst s23;
	s24 =	spop (v2sf);
	(v2sf) =	vpush v63, $0xF  }
0x4b: {  	[smem:s19] =	sst s24;
	s25 =	spop (v2sf)  }
0x4c: {  	[smem:s19+$0x1] =	sst s25;
	s26 =	spop (v2sf)  }
0x4d: {  	[smem:s19+$0x2] =	sst s26;
	s1 =	spop (v2sf)  }
0x4e: {  	[smem:s19+$0x3] =	sst s1;
	s9 =	spop (v2sf)  }
0x4f: {  	[smem:s19+$0x4] =	sst s9;
	s10 =	spop (v2sf)  }
0x50: {  	[smem:s19+$0x5] =	sst s10;
	s11 =	spop (v2sf)  }
0x51: {  	[smem:s19+$0x6] =	sst s11;
	s12 =	spop (v2sf)  }
0x52: {  	[smem:s19+$0x7] =	sst s12;
	s13 =	spop (v2sf)  }
0x53: {  	[smem:s19+$0x8] =	sst s13;
	s14 =	spop (v2sf)  }
0x54: {  	[smem:s19+$0x9] =	sst s14;
	s18 =	spop (v2sf)  }
0x55: {  	[smem:s19+$0xA] =	sst s18;
	s20 =	spop (v2sf)  }
0x56: {  	[smem:s19+$0xB] =	sst s20;
	s21 =	spop (v2sf)  }
0x57: {  	[smem:s19+$0xC] =	sst s21;
	s22 =	spop (v2sf)  }
0x58: {  	[smem:s19+$0xD] =	sst s22;
	s23 =	spop (v2sf)  }
0x59: {  	[smem:s19+$0xE] =	sst s23;
	s24 =	spop (v2sf)  }
0x5a: {  	[smem:s19+$0xF] =	sst s24  }
0x5b: {  	s0 =	sld [smem:$0x0];
	_ =	sdelay $0x1  }
0x5c: {  	s1 =	sld [smem:$0x1]  }
0x5d: {  	s0 =	sshll.u32 s0, $0x4  }
0x5e: {  	s0 =	sand.u32 $0x1FFFFFF0, s0  }
0x5f: {  	s18 =	simm.s32 $0x0;
	s25 =	sshll.u32 s1, $0x4;
	s0 =	sadd.s32 s3, s0  }
0x60: {  	[tilespmem:s8], [sflag:$0x1] =	stream.linear.gather [hbm4b:s0+s18], $0x80, $0x38;
	[tilespmem:$0x10200] =	vst v63  }
0x61: {  	s26 =	sld [smem:$0x2];
	s0 =	sand.u32 $0x1FFFFFF0, s25  }
0x62: {  	s9 =	simm.s32 $0x280;
	s10 =	sld [smem:$0x3];
	s0 =	sadd.s32 s3, s0  }
0x63: {  	[tilespmem:s9], [sflag:$0x1] =	stream.linear.gather [hbm4b:s0+s18], $0x80, $0x38;
	[tilespmem:$0x10200] =	vst v63  }
0x64: {  	s9 =	sshll.u32 s26, $0x4  }
0x65: {  	s11 =	simm.s32 $0x300;
	s0 =	sand.u32 $0x1FFFFFF0, s9  }
0x66: {  	s13 =	sld [smem:$0x4];
	s12 =	sshll.u32 s10, $0x4;
	s0 =	sadd.s32 s3, s0  }
0x67: {  	[tilespmem:s11], [sflag:$0x1] =	stream.linear.gather [hbm4b:s0+s18], $0x80, $0x38;
	[tilespmem:$0x10200] =	vst v63  }
0x68: {  	s14 =	simm.s32 $0x380;
	s0 =	sand.u32 $0x1FFFFFF0, s12  }
0x69: {  	s20 =	sld [smem:$0x5];
	s19 =	sshll.u32 s13, $0x4;
	s0 =	sadd.s32 s3, s0  }
0x6a: {  	[tilespmem:s14], [sflag:$0x1] =	stream.linear.gather [hbm4b:s0+s18], $0x80, $0x38;
	[tilespmem:$0x10200] =	vst v63  }
0x6b: {  	s21 =	simm.s32 $0x400;
	s0 =	sand.u32 $0x1FFFFFF0, s19  }
0x6c: {  	s23 =	sld [smem:$0x6];
	s22 =	sshll.u32 s20, $0x4;
	s0 =	sadd.s32 s3, s0  }
0x6d: {  	[tilespmem:s21], [sflag:$0x1] =	stream.linear.gather [hbm4b:s0+s18], $0x80, $0x38;
	[tilespmem:$0x10200] =	vst v63  }
0x6e: {  	s24 =	simm.s32 $0x480;
	s0 =	sand.u32 $0x1FFFFFF0, s22  }
0x6f: {  	s25 =	sshll.u32 s23, $0x4;
	s26 =	sld [smem:$0x7];
	s0 =	sadd.s32 s3, s0  }
0x70: {  	[tilespmem:s24], [sflag:$0x1] =	stream.linear.gather [hbm4b:s0+s18], $0x80, $0x38;
	[tilespmem:$0x10200] =	vst v63  }
0x71: {  	s10 =	simm.s32 $0x500;
	s0 =	sand.u32 $0x1FFFFFF0, s25  }
0x72: {  	s11 =	sshll.u32 s26, $0x4;
	s12 =	sld [smem:$0x8];
	s0 =	sadd.s32 s3, s0  }
0x73: {  	[tilespmem:s10], [sflag:$0x1] =	stream.linear.gather [hbm4b:s0+s18], $0x80, $0x38;
	[tilespmem:$0x10200] =	vst v63  }
0x74: {  	s13 =	simm.s32 $0x580;
	s0 =	sand.u32 $0x1FFFFFF0, s11  }
0x75: {  	s19 =	sld [smem:$0x9];
	s14 =	sshll.u32 s12, $0x4;
	s0 =	sadd.s32 s3, s0  }
0x76: {  	[tilespmem:s13], [sflag:$0x1] =	stream.linear.gather [hbm4b:s0+s18], $0x80, $0x38;
	[tilespmem:$0x10200] =	vst v63  }
0x77: {  	s20 =	simm.s32 $0x600;
	s0 =	sand.u32 $0x1FFFFFF0, s14  }
0x78: {  	s22 =	sld [smem:$0xA];
	s21 =	sshll.u32 s19, $0x4;
	s0 =	sadd.s32 s3, s0  }
0x79: {  	[tilespmem:s20], [sflag:$0x1] =	stream.linear.gather [hbm4b:s0+s18], $0x80, $0x38;
	[tilespmem:$0x10200] =	vst v63  }
0x7a: {  	s23 =	simm.s32 $0x680;
	s0 =	sand.u32 $0x1FFFFFF0, s21  }
0x7b: {  	s25 =	sld [smem:$0xB];
	s24 =	sshll.u32 s22, $0x4;
	s0 =	sadd.s32 s3, s0  }
0x7c: {  	[tilespmem:s23], [sflag:$0x1] =	stream.linear.gather [hbm4b:s0+s18], $0x80, $0x38;
	[tilespmem:$0x10200] =	vst v63  }
0x7d: {  	s26 =	simm.s32 $0x700;
	s0 =	sand.u32 $0x1FFFFFF0, s24  }
0x7e: {  	s10 =	sld [smem:$0xC];
	s9 =	sshll.u32 s25, $0x4;
	s0 =	sadd.s32 s3, s0  }
0x7f: {  	[tilespmem:s26], [sflag:$0x1] =	stream.linear.gather [hbm4b:s0+s18], $0x80, $0x38;
	[tilespmem:$0x10200] =	vst v63  }
0x80: {  	s11 =	simm.s32 $0x780;
	s0 =	sand.u32 $0x1FFFFFF0, s9  }
0x81: {  	s13 =	sld [smem:$0xD];
	s12 =	sshll.u32 s10, $0x4;
	s0 =	sadd.s32 s3, s0  }
0x82: {  	[tilespmem:s11], [sflag:$0x1] =	stream.linear.gather [hbm4b:s0+s18], $0x80, $0x38;
	[tilespmem:$0x10200] =	vst v63  }
0x83: {  	s14 =	simm.s32 $0x800;
	s0 =	sand.u32 $0x1FFFFFF0, s12  }
0x84: {  	s20 =	sld [smem:$0xE];
	s19 =	sshll.u32 s13, $0x4;
	s0 =	sadd.s32 s3, s0  }
0x85: {  	[tilespmem:s14], [sflag:$0x1] =	stream.linear.gather [hbm4b:s0+s18], $0x80, $0x38;
	[tilespmem:$0x10200] =	vst v63  }
0x86: {  	s21 =	simm.s32 $0x880;
	s0 =	sand.u32 $0x1FFFFFF0, s19  }
0x87: {  	s23 =	sld [smem:$0xF];
	s22 =	sshll.u32 s20, $0x4;
	s0 =	sadd.s32 s3, s0  }
0x88: {  	[tilespmem:s21], [sflag:$0x1] =	stream.linear.gather [hbm4b:s0+s18], $0x80, $0x38;
	[tilespmem:$0x10200] =	vst v63  }
0x89: {  	s24 =	simm.s32 $0x900;
	s0 =	sand.u32 $0x1FFFFFF0, s22  }
0x8a: {  	s26 =	sld [smem:$0x10];
	s25 =	sshll.u32 s23, $0x4;
	s0 =	sadd.s32 s3, s0  }
0x8b: {  	[tilespmem:s24], [sflag:$0x1] =	stream.linear.gather [hbm4b:s0+s18], $0x80, $0x38;
	[tilespmem:$0x10200] =	vst v63  }
0x8c: {  	s10 =	simm.s32 $0x980;
	s0 =	sand.u32 $0x1FFFFFF0, s25  }
0x8d: {  	s12 =	sld [smem:$0x11];
	s11 =	sshll.u32 s26, $0x4;
	s0 =	sadd.s32 s3, s0  }
0x8e: {  	[tilespmem:s10], [sflag:$0x1] =	stream.linear.gather [hbm4b:s0+s18], $0x80, $0x38;
	[tilespmem:$0x10200] =	vst v63  }
0x8f: {  	s13 =	simm.s32 $0xA00;
	s0 =	sand.u32 $0x1FFFFFF0, s11  }
0x90: {  	s19 =	sld [smem:$0x12];
	s14 =	sshll.u32 s12, $0x4;
	s0 =	sadd.s32 s3, s0  }
0x91: {  	[tilespmem:s13], [sflag:$0x1] =	stream.linear.gather [hbm4b:s0+s18], $0x80, $0x38;
	[tilespmem:$0x10200] =	vst v63  }
0x92: {  	s20 =	simm.s32 $0xA80;
	s0 =	sand.u32 $0x1FFFFFF0, s14  }
0x93: {  	s22 =	sld [smem:$0x13];
	s21 =	sshll.u32 s19, $0x4;
	s0 =	sadd.s32 s3, s0  }
0x94: {  	[tilespmem:s20], [sflag:$0x1] =	stream.linear.gather [hbm4b:s0+s18], $0x80, $0x38;
	[tilespmem:$0x10200] =	vst v63  }
0x95: {  	s23 =	simm.s32 $0xB00;
	s0 =	sand.u32 $0x1FFFFFF0, s21  }
0x96: {  	s25 =	sld [smem:$0x14];
	s24 =	sshll.u32 s22, $0x4;
	s0 =	sadd.s32 s3, s0  }
0x97: {  	[tilespmem:s23], [sflag:$0x1] =	stream.linear.gather [hbm4b:s0+s18], $0x80, $0x38;
	[tilespmem:$0x10200] =	vst v63  }
0x98: {  	s26 =	simm.s32 $0xB80;
	s0 =	sand.u32 $0x1FFFFFF0, s24  }
0x99: {  	s10 =	sld [smem:$0x15];
	s9 =	sshll.u32 s25, $0x4;
	s0 =	sadd.s32 s3, s0  }
0x9a: {  	[tilespmem:s26], [sflag:$0x1] =	stream.linear.gather [hbm4b:s0+s18], $0x80, $0x38;
	[tilespmem:$0x10200] =	vst v63  }
0x9b: {  	s11 =	simm.s32 $0xC00;
	s0 =	sand.u32 $0x1FFFFFF0, s9  }
0x9c: {  	s13 =	sld [smem:$0x16];
	s12 =	sshll.u32 s10, $0x4;
	s0 =	sadd.s32 s3, s0  }
0x9d: {  	[tilespmem:s11], [sflag:$0x1] =	stream.linear.gather [hbm4b:s0+s18], $0x80, $0x38;
	[tilespmem:$0x10200] =	vst v63  }
0x9e: {  	s14 =	simm.s32 $0xC80;
	s0 =	sand.u32 $0x1FFFFFF0, s12  }
0x9f: {  	s20 =	sld [smem:$0x17];
	s19 =	sshll.u32 s13, $0x4;
	s0 =	sadd.s32 s3, s0  }
0xa0: {  	[tilespmem:s14], [sflag:$0x1] =	stream.linear.gather [hbm4b:s0+s18], $0x80, $0x38;
	[tilespmem:$0x10200] =	vst v63  }
0xa1: {  	s21 =	simm.s32 $0xD00;
	s0 =	sand.u32 $0x1FFFFFF0, s19  }
0xa2: {  	s23 =	sld [smem:$0x18];
	s22 =	sshll.u32 s20, $0x4;
	s0 =	sadd.s32 s3, s0  }
0xa3: {  	[tilespmem:s21], [sflag:$0x1] =	stream.linear.gather [hbm4b:s0+s18], $0x80, $0x38;
	[tilespmem:$0x10200] =	vst v63  }
0xa4: {  	s24 =	simm.s32 $0xD80;
	s0 =	sand.u32 $0x1FFFFFF0, s22  }
0xa5: {  	s26 =	sld [smem:$0x19];
	s25 =	sshll.u32 s23, $0x4;
	s0 =	sadd.s32 s3, s0  }
0xa6: {  	[tilespmem:s24], [sflag:$0x1] =	stream.linear.gather [hbm4b:s0+s18], $0x80, $0x38;
	[tilespmem:$0x10200] =	vst v63  }
0xa7: {  	s10 =	simm.s32 $0xE00;
	s0 =	sand.u32 $0x1FFFFFF0, s25  }
0xa8: {  	s12 =	sld [smem:$0x1A];
	s11 =	sshll.u32 s26, $0x4;
	s0 =	sadd.s32 s3, s0  }
0xa9: {  	[tilespmem:s10], [sflag:$0x1] =	stream.linear.gather [hbm4b:s0+s18], $0x80, $0x38;
	[tilespmem:$0x10200] =	vst v63  }
0xaa: {  	s13 =	simm.s32 $0xE80;
	s0 =	sand.u32 $0x1FFFFFF0, s11  }
0xab: {  	s19 =	sld [smem:$0x1B];
	s14 =	sshll.u32 s12, $0x4;
	s0 =	sadd.s32 s3, s0  }
0xac: {  	[tilespmem:s13], [sflag:$0x1] =	stream.linear.gather [hbm4b:s0+s18], $0x80, $0x38;
	[tilespmem:$0x10200] =	vst v63  }
0xad: {  	s20 =	simm.s32 $0xF00;
	s0 =	sand.u32 $0x1FFFFFF0, s14  }
0xae: {  	s22 =	sld [smem:$0x1C];
	s21 =	sshll.u32 s19, $0x4;
	s0 =	sadd.s32 s3, s0  }
0xaf: {  	[tilespmem:s20], [sflag:$0x1] =	stream.linear.gather [hbm4b:s0+s18], $0x80, $0x38;
	[tilespmem:$0x10200] =	vst v63  }
0xb0: {  	s23 =	simm.s32 $0xF80;
	s0 =	sand.u32 $0x1FFFFFF0, s21  }
0xb1: {  	s25 =	sld [smem:$0x1D];
	s24 =	sshll.u32 s22, $0x4;
	s0 =	sadd.s32 s3, s0  }
0xb2: {  	[tilespmem:s23], [sflag:$0x1] =	stream.linear.gather [hbm4b:s0+s18], $0x80, $0x38;
	[tilespmem:$0x10200] =	vst v63  }
0xb3: {  	s26 =	simm.s32 $0x1000;
	s0 =	sand.u32 $0x1FFFFFF0, s24  }
0xb4: {  	s10 =	sld [smem:$0x1E];
	s9 =	sshll.u32 s25, $0x4;
	s0 =	sadd.s32 s3, s0  }
0xb5: {  	[tilespmem:s26], [sflag:$0x1] =	stream.linear.gather [hbm4b:s0+s18], $0x80, $0x38;
	[tilespmem:$0x10200] =	vst v63  }
0xb6: {  	s11 =	simm.s32 $0x1080;
	s0 =	sand.u32 $0x1FFFFFF0, s9  }
0xb7: {  	s13 =	sld [smem:$0x1F];
	s12 =	sshll.u32 s10, $0x4;
	s0 =	sadd.s32 s3, s0  }
0xb8: {  	[tilespmem:s11], [sflag:$0x1] =	stream.linear.gather [hbm4b:s0+s18], $0x80, $0x38;
	[tilespmem:$0x10200] =	vst v63  }
0xb9: {  	s14 =	simm.s32 $0x1100;
	s0 =	sand.u32 $0x1FFFFFF0, s12  }
0xba: {  	s20 =	sld [smem:$0x20];
	s19 =	sshll.u32 s13, $0x4;
	s0 =	sadd.s32 s3, s0  }
0xbb: {  	[tilespmem:s14], [sflag:$0x1] =	stream.linear.gather [hbm4b:s0+s18], $0x80, $0x38;
	[tilespmem:$0x10200] =	vst v63  }
0xbc: {  	s21 =	simm.s32 $0x1180;
	s0 =	sand.u32 $0x1FFFFFF0, s19  }
0xbd: {  	s23 =	sld [smem:$0x21];
	s22 =	sshll.u32 s20, $0x4;
	s0 =	sadd.s32 s3, s0  }
0xbe: {  	[tilespmem:s21], [sflag:$0x1] =	stream.linear.gather [hbm4b:s0+s18], $0x80, $0x38;
	[tilespmem:$0x10200] =	vst v63  }
0xbf: {  	s24 =	simm.s32 $0x1200;
	s0 =	sand.u32 $0x1FFFFFF0, s22  }
0xc0: {  	s26 =	sld [smem:$0x22];
	s25 =	sshll.u32 s23, $0x4;
	s0 =	sadd.s32 s3, s0  }
0xc1: {  	[tilespmem:s24], [sflag:$0x1] =	stream.linear.gather [hbm4b:s0+s18], $0x80, $0x38;
	[tilespmem:$0x10200] =	vst v63  }
0xc2: {  	s10 =	simm.s32 $0x1280;
	s0 =	sand.u32 $0x1FFFFFF0, s25  }
0xc3: {  	s12 =	sld [smem:$0x23];
	s11 =	sshll.u32 s26, $0x4;
	s0 =	sadd.s32 s3, s0  }
0xc4: {  	[tilespmem:s10], [sflag:$0x1] =	stream.linear.gather [hbm4b:s0+s18], $0x80, $0x38;
	[tilespmem:$0x10200] =	vst v63  }
0xc5: {  	s13 =	simm.s32 $0x1300;
	s0 =	sand.u32 $0x1FFFFFF0, s11  }
0xc6: {  	s19 =	sld [smem:$0x24];
	s14 =	sshll.u32 s12, $0x4;
	s0 =	sadd.s32 s3, s0  }
0xc7: {  	[tilespmem:s13], [sflag:$0x1] =	stream.linear.gather [hbm4b:s0+s18], $0x80, $0x38;
	[tilespmem:$0x10200] =	vst v63  }
0xc8: {  	s20 =	simm.s32 $0x1380;
	s0 =	sand.u32 $0x1FFFFFF0, s14  }
0xc9: {  	s22 =	sld [smem:$0x25];
	s21 =	sshll.u32 s19, $0x4;
	s0 =	sadd.s32 s3, s0  }
0xca: {  	[tilespmem:s20], [sflag:$0x1] =	stream.linear.gather [hbm4b:s0+s18], $0x80, $0x38;
	[tilespmem:$0x10200] =	vst v63  }
0xcb: {  	s23 =	simm.s32 $0x1400;
	s0 =	sand.u32 $0x1FFFFFF0, s21  }
0xcc: {  	s25 =	sld [smem:$0x26];
	s24 =	sshll.u32 s22, $0x4;
	s0 =	sadd.s32 s3, s0  }
0xcd: {  	[tilespmem:s23], [sflag:$0x1] =	stream.linear.gather [hbm4b:s0+s18], $0x80, $0x38;
	[tilespmem:$0x10200] =	vst v63  }
0xce: {  	s26 =	simm.s32 $0x1480;
	s0 =	sand.u32 $0x1FFFFFF0, s24  }
0xcf: {  	s10 =	sld [smem:$0x27];
	s9 =	sshll.u32 s25, $0x4;
	s0 =	sadd.s32 s3, s0  }
0xd0: {  	[tilespmem:s26], [sflag:$0x1] =	stream.linear.gather [hbm4b:s0+s18], $0x80, $0x38;
	[tilespmem:$0x10200] =	vst v63  }
0xd1: {  	s11 =	simm.s32 $0x1500;
	s0 =	sand.u32 $0x1FFFFFF0, s9  }
0xd2: {  	s13 =	sld [smem:$0x28];
	s12 =	sshll.u32 s10, $0x4;
	s0 =	sadd.s32 s3, s0  }
0xd3: {  	[tilespmem:s11], [sflag:$0x1] =	stream.linear.gather [hbm4b:s0+s18], $0x80, $0x38;
	[tilespmem:$0x10200] =	vst v63  }
0xd4: {  	s14 =	simm.s32 $0x1580;
	s0 =	sand.u32 $0x1FFFFFF0, s12  }
0xd5: {  	s20 =	sld [smem:$0x29];
	s19 =	sshll.u32 s13, $0x4;
	s0 =	sadd.s32 s3, s0  }
0xd6: {  	[tilespmem:s14], [sflag:$0x1] =	stream.linear.gather [hbm4b:s0+s18], $0x80, $0x38;
	[tilespmem:$0x10200] =	vst v63  }
0xd7: {  	s21 =	simm.s32 $0x1600;
	s0 =	sand.u32 $0x1FFFFFF0, s19  }
0xd8: {  	s23 =	sld [smem:$0x2A];
	s22 =	sshll.u32 s20, $0x4;
	s0 =	sadd.s32 s3, s0  }
0xd9: {  	[tilespmem:s21], [sflag:$0x1] =	stream.linear.gather [hbm4b:s0+s18], $0x80, $0x38;
	[tilespmem:$0x10200] =	vst v63  }
0xda: {  	s24 =	simm.s32 $0x1680;
	s0 =	sand.u32 $0x1FFFFFF0, s22  }
0xdb: {  	s26 =	sld [smem:$0x2B];
	s25 =	sshll.u32 s23, $0x4;
	s0 =	sadd.s32 s3, s0  }
0xdc: {  	[tilespmem:s24], [sflag:$0x1] =	stream.linear.gather [hbm4b:s0+s18], $0x80, $0x38;
	[tilespmem:$0x10200] =	vst v63  }
0xdd: {  	s10 =	simm.s32 $0x1700;
	s0 =	sand.u32 $0x1FFFFFF0, s25  }
0xde: {  	s12 =	sld [smem:$0x2C];
	s11 =	sshll.u32 s26, $0x4;
	s0 =	sadd.s32 s3, s0  }
0xdf: {  	[tilespmem:s10], [sflag:$0x1] =	stream.linear.gather [hbm4b:s0+s18], $0x80, $0x38;
	[tilespmem:$0x10200] =	vst v63  }
0xe0: {  	s13 =	simm.s32 $0x1780;
	s0 =	sand.u32 $0x1FFFFFF0, s11  }
0xe1: {  	s19 =	sld [smem:$0x2D];
	s14 =	sshll.u32 s12, $0x4;
	s0 =	sadd.s32 s3, s0  }
0xe2: {  	[tilespmem:s13], [sflag:$0x1] =	stream.linear.gather [hbm4b:s0+s18], $0x80, $0x38;
	[tilespmem:$0x10200] =	vst v63  }
0xe3: {  	s20 =	simm.s32 $0x1800;
	s0 =	sand.u32 $0x1FFFFFF0, s14  }
0xe4: {  	s22 =	sld [smem:$0x2E];
	s21 =	sshll.u32 s19, $0x4;
	s0 =	sadd.s32 s3, s0  }
0xe5: {  	[tilespmem:s20], [sflag:$0x1] =	stream.linear.gather [hbm4b:s0+s18], $0x80, $0x38;
	[tilespmem:$0x10200] =	vst v63  }
0xe6: {  	s23 =	simm.s32 $0x1880;
	s0 =	sand.u32 $0x1FFFFFF0, s21  }
0xe7: {  	s25 =	sld [smem:$0x2F];
	s24 =	sshll.u32 s22, $0x4;
	s0 =	sadd.s32 s3, s0  }
0xe8: {  	[tilespmem:s23], [sflag:$0x1] =	stream.linear.gather [hbm4b:s0+s18], $0x80, $0x38;
	[tilespmem:$0x10200] =	vst v63  }
0xe9: {  	s26 =	simm.s32 $0x1900;
	s0 =	sand.u32 $0x1FFFFFF0, s24  }
0xea: {  	s10 =	sld [smem:$0x30];
	s9 =	sshll.u32 s25, $0x4;
	s0 =	sadd.s32 s3, s0  }
0xeb: {  	[tilespmem:s26], [sflag:$0x1] =	stream.linear.gather [hbm4b:s0+s18], $0x80, $0x38;
	[tilespmem:$0x10200] =	vst v63  }
0xec: {  	s11 =	simm.s32 $0x1980;
	s0 =	sand.u32 $0x1FFFFFF0, s9  }
0xed: {  	s13 =	sld [smem:$0x31];
	s12 =	sshll.u32 s10, $0x4;
	s0 =	sadd.s32 s3, s0  }
0xee: {  	[tilespmem:s11], [sflag:$0x1] =	stream.linear.gather [hbm4b:s0+s18], $0x80, $0x38;
	[tilespmem:$0x10200] =	vst v63  }
0xef: {  	s14 =	simm.s32 $0x1A00;
	s0 =	sand.u32 $0x1FFFFFF0, s12  }
0xf0: {  	s20 =	sld [smem:$0x32];
	s19 =	sshll.u32 s13, $0x4;
	s0 =	sadd.s32 s3, s0  }
0xf1: {  	[tilespmem:s14], [sflag:$0x1] =	stream.linear.gather [hbm4b:s0+s18], $0x80, $0x38;
	[tilespmem:$0x10200] =	vst v63  }
0xf2: {  	s21 =	simm.s32 $0x1A80;
	s0 =	sand.u32 $0x1FFFFFF0, s19  }
0xf3: {  	s23 =	sld [smem:$0x33];
	s22 =	sshll.u32 s20, $0x4;
	s0 =	sadd.s32 s3, s0  }
0xf4: {  	[tilespmem:s21], [sflag:$0x1] =	stream.linear.gather [hbm4b:s0+s18], $0x80, $0x38;
	[tilespmem:$0x10200] =	vst v63  }
0xf5: {  	s24 =	simm.s32 $0x1B00;
	s0 =	sand.u32 $0x1FFFFFF0, s22  }
0xf6: {  	s26 =	sld [smem:$0x34];
	s25 =	sshll.u32 s23, $0x4;
	s0 =	sadd.s32 s3, s0  }
0xf7: {  	[tilespmem:s24], [sflag:$0x1] =	stream.linear.gather [hbm4b:s0+s18], $0x80, $0x38;
	[tilespmem:$0x10200] =	vst v63  }
0xf8: {  	s10 =	simm.s32 $0x1B80;
	s0 =	sand.u32 $0x1FFFFFF0, s25  }
0xf9: {  	s12 =	sld [smem:$0x35];
	s11 =	sshll.u32 s26, $0x4;
	s0 =	sadd.s32 s3, s0  }
0xfa: {  	[tilespmem:s10], [sflag:$0x1] =	stream.linear.gather [hbm4b:s0+s18], $0x80, $0x38;
	[tilespmem:$0x10200] =	vst v63  }
0xfb: {  	s13 =	simm.s32 $0x1C00;
	s0 =	sand.u32 $0x1FFFFFF0, s11  }
0xfc: {  	s19 =	sld [smem:$0x36];
	s14 =	sshll.u32 s12, $0x4;
	s0 =	sadd.s32 s3, s0  }
0xfd: {  	[tilespmem:s13], [sflag:$0x1] =	stream.linear.gather [hbm4b:s0+s18], $0x80, $0x38;
	[tilespmem:$0x10200] =	vst v63  }
0xfe: {  	s20 =	simm.s32 $0x1C80;
	s0 =	sand.u32 $0x1FFFFFF0, s14  }
0xff: {  	s22 =	sld [smem:$0x37];
	s21 =	sshll.u32 s19, $0x4;
	s0 =	sadd.s32 s3, s0  }
0x100: {  	[tilespmem:s20], [sflag:$0x1] =	stream.linear.gather [hbm4b:s0+s18], $0x80, $0x38;
	[tilespmem:$0x10200] =	vst v63  }
0x101: {  	s23 =	simm.s32 $0x1D00;
	s0 =	sand.u32 $0x1FFFFFF0, s21  }
0x102: {  	s25 =	sld [smem:$0x38];
	s24 =	sshll.u32 s22, $0x4;
	s0 =	sadd.s32 s3, s0  }
0x103: {  	[tilespmem:s23], [sflag:$0x1] =	stream.linear.gather [hbm4b:s0+s18], $0x80, $0x38;
	[tilespmem:$0x10200] =	vst v63  }
0x104: {  	s26 =	simm.s32 $0x1D80;
	s0 =	sand.u32 $0x1FFFFFF0, s24  }
0x105: {  	s10 =	sld [smem:$0x39];
	s9 =	sshll.u32 s25, $0x4;
	s0 =	sadd.s32 s3, s0  }
0x106: {  	[tilespmem:s26], [sflag:$0x1] =	stream.linear.gather [hbm4b:s0+s18], $0x80, $0x38;
	[tilespmem:$0x10200] =	vst v63  }
0x107: {  	s11 =	simm.s32 $0x1E00;
	s0 =	sand.u32 $0x1FFFFFF0, s9  }
0x108: {  	s13 =	sld [smem:$0x3A];
	s12 =	sshll.u32 s10, $0x4;
	s0 =	sadd.s32 s3, s0  }
0x109: {  	[tilespmem:s11], [sflag:$0x1] =	stream.linear.gather [hbm4b:s0+s18], $0x80, $0x38;
	[tilespmem:$0x10200] =	vst v63  }
0x10a: {  	s14 =	simm.s32 $0x1E80;
	s0 =	sand.u32 $0x1FFFFFF0, s12  }
0x10b: {  	s20 =	sld [smem:$0x3B];
	s19 =	sshll.u32 s13, $0x4;
	s0 =	sadd.s32 s3, s0  }
0x10c: {  	[tilespmem:s14], [sflag:$0x1] =	stream.linear.gather [hbm4b:s0+s18], $0x80, $0x38;
	[tilespmem:$0x10200] =	vst v63  }
0x10d: {  	s21 =	simm.s32 $0x1F00;
	s0 =	sand.u32 $0x1FFFFFF0, s19  }
0x10e: {  	s23 =	sld [smem:$0x3C];
	s22 =	sshll.u32 s20, $0x4;
	s0 =	sadd.s32 s3, s0  }
0x10f: {  	[tilespmem:s21], [sflag:$0x1] =	stream.linear.gather [hbm4b:s0+s18], $0x80, $0x38;
	[tilespmem:$0x10200] =	vst v63  }
0x110: {  	s24 =	simm.s32 $0x1F80;
	s0 =	sand.u32 $0x1FFFFFF0, s22  }
0x111: {  	s26 =	sld [smem:$0x3D];
	s25 =	sshll.u32 s23, $0x4;
	s0 =	sadd.s32 s3, s0  }
0x112: {  	[tilespmem:s24], [sflag:$0x1] =	stream.linear.gather [hbm4b:s0+s18], $0x80, $0x38;
	[tilespmem:$0x10200] =	vst v63  }
0x113: {  	s10 =	simm.s32 $0x2000;
	s0 =	sand.u32 $0x1FFFFFF0, s25  }
0x114: {  	s12 =	sld [smem:$0x3E];
	s11 =	sshll.u32 s26, $0x4;
	s0 =	sadd.s32 s3, s0  }
0x115: {  	[tilespmem:s10], [sflag:$0x1] =	stream.linear.gather [hbm4b:s0+s18], $0x80, $0x38;
	[tilespmem:$0x10200] =	vst v63  }
0x116: {  	s13 =	simm.s32 $0x2080;
	s0 =	sand.u32 $0x1FFFFFF0, s11  }
0x117: {  	s19 =	sld [smem:$0x3F];
	s14 =	sshll.u32 s12, $0x4;
	s0 =	sadd.s32 s3, s0  }
0x118: {  	[tilespmem:s13], [sflag:$0x1] =	stream.linear.gather [hbm4b:s0+s18], $0x80, $0x38;
	[tilespmem:$0x10200] =	vst v63  }
0x119: {  	s20 =	simm.s32 $0x2100;
	s0 =	sand.u32 $0x1FFFFFF0, s14  }
0x11a: {  	s22 =	sld [smem:$0x40];
	s21 =	sshll.u32 s19, $0x4;
	s0 =	sadd.s32 s3, s0  }
0x11b: {  	[tilespmem:s20], [sflag:$0x1] =	stream.linear.gather [hbm4b:s0+s18], $0x80, $0x38;
	[tilespmem:$0x10200] =	vst v63  }
0x11c: {  	s23 =	simm.s32 $0x2180;
	s0 =	sand.u32 $0x1FFFFFF0, s21  }
0x11d: {  	s25 =	sld [smem:$0x41];
	s24 =	sshll.u32 s22, $0x4;
	s0 =	sadd.s32 s3, s0  }
0x11e: {  	[tilespmem:s23], [sflag:$0x1] =	stream.linear.gather [hbm4b:s0+s18], $0x80, $0x38;
	[tilespmem:$0x10200] =	vst v63  }
0x11f: {  	s26 =	simm.s32 $0x2200;
	s0 =	sand.u32 $0x1FFFFFF0, s24  }
0x120: {  	s10 =	sld [smem:$0x42];
	s9 =	sshll.u32 s25, $0x4;
	s0 =	sadd.s32 s3, s0  }
0x121: {  	[tilespmem:s26], [sflag:$0x1] =	stream.linear.gather [hbm4b:s0+s18], $0x80, $0x38;
	[tilespmem:$0x10200] =	vst v63  }
0x122: {  	s11 =	simm.s32 $0x2280;
	s0 =	sand.u32 $0x1FFFFFF0, s9  }
0x123: {  	s13 =	sld [smem:$0x43];
	s12 =	sshll.u32 s10, $0x4;
	s0 =	sadd.s32 s3, s0  }
0x124: {  	[tilespmem:s11], [sflag:$0x1] =	stream.linear.gather [hbm4b:s0+s18], $0x80, $0x38;
	[tilespmem:$0x10200] =	vst v63  }
0x125: {  	s14 =	simm.s32 $0x2300;
	s0 =	sand.u32 $0x1FFFFFF0, s12  }
0x126: {  	s20 =	sld [smem:$0x44];
	s19 =	sshll.u32 s13, $0x4;
	s0 =	sadd.s32 s3, s0  }
0x127: {  	[tilespmem:s14], [sflag:$0x1] =	stream.linear.gather [hbm4b:s0+s18], $0x80, $0x38;
	[tilespmem:$0x10200] =	vst v63  }
0x128: {  	s21 =	simm.s32 $0x2380;
	s0 =	sand.u32 $0x1FFFFFF0, s19  }
0x129: {  	s23 =	sld [smem:$0x45];
	s22 =	sshll.u32 s20, $0x4;
	s0 =	sadd.s32 s3, s0  }
0x12a: {  	[tilespmem:s21], [sflag:$0x1] =	stream.linear.gather [hbm4b:s0+s18], $0x80, $0x38;
	[tilespmem:$0x10200] =	vst v63  }
0x12b: {  	s24 =	simm.s32 $0x2400;
	s0 =	sand.u32 $0x1FFFFFF0, s22  }
0x12c: {  	s26 =	sld [smem:$0x46];
	s25 =	sshll.u32 s23, $0x4;
	s0 =	sadd.s32 s3, s0  }
0x12d: {  	[tilespmem:s24], [sflag:$0x1] =	stream.linear.gather [hbm4b:s0+s18], $0x80, $0x38;
	[tilespmem:$0x10200] =	vst v63  }
0x12e: {  	s10 =	simm.s32 $0x2480;
	s0 =	sand.u32 $0x1FFFFFF0, s25  }
0x12f: {  	s12 =	sld [smem:$0x47];
	s11 =	sshll.u32 s26, $0x4;
	s0 =	sadd.s32 s3, s0  }
0x130: {  	[tilespmem:s10], [sflag:$0x1] =	stream.linear.gather [hbm4b:s0+s18], $0x80, $0x38;
	[tilespmem:$0x10200] =	vst v63  }
0x131: {  	s13 =	simm.s32 $0x2500;
	s0 =	sand.u32 $0x1FFFFFF0, s11  }
0x132: {  	s19 =	sld [smem:$0x48];
	s14 =	sshll.u32 s12, $0x4;
	s0 =	sadd.s32 s3, s0  }
0x133: {  	[tilespmem:s13], [sflag:$0x1] =	stream.linear.gather [hbm4b:s0+s18], $0x80, $0x38;
	[tilespmem:$0x10200] =	vst v63  }
0x134: {  	s20 =	simm.s32 $0x2580;
	s0 =	sand.u32 $0x1FFFFFF0, s14  }
0x135: {  	s22 =	sld [smem:$0x49];
	s21 =	sshll.u32 s19, $0x4;
	s0 =	sadd.s32 s3, s0  }
0x136: {  	[tilespmem:s20], [sflag:$0x1] =	stream.linear.gather [hbm4b:s0+s18], $0x80, $0x38;
	[tilespmem:$0x10200] =	vst v63  }
0x137: {  	s23 =	simm.s32 $0x2600;
	s0 =	sand.u32 $0x1FFFFFF0, s21  }
0x138: {  	s25 =	sld [smem:$0x4A];
	s24 =	sshll.u32 s22, $0x4;
	s0 =	sadd.s32 s3, s0  }
0x139: {  	[tilespmem:s23], [sflag:$0x1] =	stream.linear.gather [hbm4b:s0+s18], $0x80, $0x38;
	[tilespmem:$0x10200] =	vst v63  }
0x13a: {  	s26 =	simm.s32 $0x2680;
	s0 =	sand.u32 $0x1FFFFFF0, s24  }
0x13b: {  	s10 =	sld [smem:$0x4B];
	s9 =	sshll.u32 s25, $0x4;
	s0 =	sadd.s32 s3, s0  }
0x13c: {  	[tilespmem:s26], [sflag:$0x1] =	stream.linear.gather [hbm4b:s0+s18], $0x80, $0x38;
	[tilespmem:$0x10200] =	vst v63  }
0x13d: {  	s11 =	simm.s32 $0x2700;
	s0 =	sand.u32 $0x1FFFFFF0, s9  }
0x13e: {  	s13 =	sld [smem:$0x4C];
	s12 =	sshll.u32 s10, $0x4;
	s0 =	sadd.s32 s3, s0  }
0x13f: {  	[tilespmem:s11], [sflag:$0x1] =	stream.linear.gather [hbm4b:s0+s18], $0x80, $0x38;
	[tilespmem:$0x10200] =	vst v63  }
0x140: {  	s14 =	simm.s32 $0x2780;
	s0 =	sand.u32 $0x1FFFFFF0, s12  }
0x141: {  	s20 =	sld [smem:$0x4D];
	s19 =	sshll.u32 s13, $0x4;
	s0 =	sadd.s32 s3, s0  }
0x142: {  	[tilespmem:s14], [sflag:$0x1] =	stream.linear.gather [hbm4b:s0+s18], $0x80, $0x38;
	[tilespmem:$0x10200] =	vst v63  }
0x143: {  	s21 =	simm.s32 $0x2800;
	s0 =	sand.u32 $0x1FFFFFF0, s19  }
0x144: {  	s23 =	sld [smem:$0x4E];
	s22 =	sshll.u32 s20, $0x4;
	s0 =	sadd.s32 s3, s0  }
0x145: {  	[tilespmem:s21], [sflag:$0x1] =	stream.linear.gather [hbm4b:s0+s18], $0x80, $0x38;
	[tilespmem:$0x10200] =	vst v63  }
0x146: {  	s24 =	simm.s32 $0x2880;
	s0 =	sand.u32 $0x1FFFFFF0, s22  }
0x147: {  	s26 =	sld [smem:$0x4F];
	s25 =	sshll.u32 s23, $0x4;
	s0 =	sadd.s32 s3, s0  }
0x148: {  	[tilespmem:s24], [sflag:$0x1] =	stream.linear.gather [hbm4b:s0+s18], $0x80, $0x38;
	[tilespmem:$0x10200] =	vst v63  }
0x149: {  	s10 =	simm.s32 $0x2900;
	s0 =	sand.u32 $0x1FFFFFF0, s25  }
0x14a: {  	s12 =	sld [smem:$0x50];
	s11 =	sshll.u32 s26, $0x4;
	s0 =	sadd.s32 s3, s0  }
0x14b: {  	[tilespmem:s10], [sflag:$0x1] =	stream.linear.gather [hbm4b:s0+s18], $0x80, $0x38;
	[tilespmem:$0x10200] =	vst v63  }
0x14c: {  	s13 =	simm.s32 $0x2980;
	s0 =	sand.u32 $0x1FFFFFF0, s11  }
0x14d: {  	s19 =	sld [smem:$0x51];
	s14 =	sshll.u32 s12, $0x4;
	s0 =	sadd.s32 s3, s0  }
0x14e: {  	[tilespmem:s13], [sflag:$0x1] =	stream.linear.gather [hbm4b:s0+s18], $0x80, $0x38;
	[tilespmem:$0x10200] =	vst v63  }
0x14f: {  	s20 =	simm.s32 $0x2A00;
	s0 =	sand.u32 $0x1FFFFFF0, s14  }
0x150: {  	s22 =	sld [smem:$0x52];
	s21 =	sshll.u32 s19, $0x4;
	s0 =	sadd.s32 s3, s0  }
0x151: {  	[tilespmem:s20], [sflag:$0x1] =	stream.linear.gather [hbm4b:s0+s18], $0x80, $0x38;
	[tilespmem:$0x10200] =	vst v63  }
0x152: {  	s23 =	simm.s32 $0x2A80;
	s0 =	sand.u32 $0x1FFFFFF0, s21  }
0x153: {  	s25 =	sld [smem:$0x53];
	s24 =	sshll.u32 s22, $0x4;
	s0 =	sadd.s32 s3, s0  }
0x154: {  	[tilespmem:s23], [sflag:$0x1] =	stream.linear.gather [hbm4b:s0+s18], $0x80, $0x38;
	[tilespmem:$0x10200] =	vst v63  }
0x155: {  	s26 =	simm.s32 $0x2B00;
	s0 =	sand.u32 $0x1FFFFFF0, s24  }
0x156: {  	s10 =	sld [smem:$0x54];
	s9 =	sshll.u32 s25, $0x4;
	s0 =	sadd.s32 s3, s0  }
0x157: {  	[tilespmem:s26], [sflag:$0x1] =	stream.linear.gather [hbm4b:s0+s18], $0x80, $0x38;
	[tilespmem:$0x10200] =	vst v63  }
0x158: {  	s11 =	simm.s32 $0x2B80;
	s0 =	sand.u32 $0x1FFFFFF0, s9  }
0x159: {  	s13 =	sld [smem:$0x55];
	s12 =	sshll.u32 s10, $0x4;
	s0 =	sadd.s32 s3, s0  }
0x15a: {  	[tilespmem:s11], [sflag:$0x1] =	stream.linear.gather [hbm4b:s0+s18], $0x80, $0x38;
	[tilespmem:$0x10200] =	vst v63  }
0x15b: {  	s14 =	simm.s32 $0x2C00;
	s0 =	sand.u32 $0x1FFFFFF0, s12  }
0x15c: {  	s20 =	sld [smem:$0x56];
	s19 =	sshll.u32 s13, $0x4;
	s0 =	sadd.s32 s3, s0  }
0x15d: {  	[tilespmem:s14], [sflag:$0x1] =	stream.linear.gather [hbm4b:s0+s18], $0x80, $0x38;
	[tilespmem:$0x10200] =	vst v63  }
0x15e: {  	s21 =	simm.s32 $0x2C80;
	s0 =	sand.u32 $0x1FFFFFF0, s19  }
0x15f: {  	s23 =	sld [smem:$0x57];
	s22 =	sshll.u32 s20, $0x4;
	s0 =	sadd.s32 s3, s0  }
0x160: {  	[tilespmem:s21], [sflag:$0x1] =	stream.linear.gather [hbm4b:s0+s18], $0x80, $0x38;
	[tilespmem:$0x10200] =	vst v63  }
0x161: {  	s24 =	simm.s32 $0x2D00;
	s0 =	sand.u32 $0x1FFFFFF0, s22  }
0x162: {  	s26 =	sld [smem:$0x58];
	s25 =	sshll.u32 s23, $0x4;
	s0 =	sadd.s32 s3, s0  }
0x163: {  	[tilespmem:s24], [sflag:$0x1] =	stream.linear.gather [hbm4b:s0+s18], $0x80, $0x38;
	[tilespmem:$0x10200] =	vst v63  }
0x164: {  	s10 =	simm.s32 $0x2D80;
	s0 =	sand.u32 $0x1FFFFFF0, s25  }
0x165: {  	s12 =	sld [smem:$0x59];
	s11 =	sshll.u32 s26, $0x4;
	s0 =	sadd.s32 s3, s0  }
0x166: {  	[tilespmem:s10], [sflag:$0x1] =	stream.linear.gather [hbm4b:s0+s18], $0x80, $0x38;
	[tilespmem:$0x10200] =	vst v63  }
0x167: {  	s13 =	simm.s32 $0x2E00;
	s0 =	sand.u32 $0x1FFFFFF0, s11  }
0x168: {  	s19 =	sld [smem:$0x5A];
	s14 =	sshll.u32 s12, $0x4;
	s0 =	sadd.s32 s3, s0  }
0x169: {  	[tilespmem:s13], [sflag:$0x1] =	stream.linear.gather [hbm4b:s0+s18], $0x80, $0x38;
	[tilespmem:$0x10200] =	vst v63  }
0x16a: {  	s20 =	simm.s32 $0x2E80;
	s0 =	sand.u32 $0x1FFFFFF0, s14  }
0x16b: {  	s22 =	sld [smem:$0x5B];
	s21 =	sshll.u32 s19, $0x4;
	s0 =	sadd.s32 s3, s0  }
0x16c: {  	[tilespmem:s20], [sflag:$0x1] =	stream.linear.gather [hbm4b:s0+s18], $0x80, $0x38;
	[tilespmem:$0x10200] =	vst v63  }
0x16d: {  	s23 =	simm.s32 $0x2F00;
	s0 =	sand.u32 $0x1FFFFFF0, s21  }
0x16e: {  	s25 =	sld [smem:$0x5C];
	s24 =	sshll.u32 s22, $0x4;
	s0 =	sadd.s32 s3, s0  }
0x16f: {  	[tilespmem:s23], [sflag:$0x1] =	stream.linear.gather [hbm4b:s0+s18], $0x80, $0x38;
	[tilespmem:$0x10200] =	vst v63  }
0x170: {  	s26 =	simm.s32 $0x2F80;
	s0 =	sand.u32 $0x1FFFFFF0, s24  }
0x171: {  	s10 =	sld [smem:$0x5D];
	s9 =	sshll.u32 s25, $0x4;
	s0 =	sadd.s32 s3, s0  }
0x172: {  	[tilespmem:s26], [sflag:$0x1] =	stream.linear.gather [hbm4b:s0+s18], $0x80, $0x38;
	[tilespmem:$0x10200] =	vst v63  }
0x173: {  	s11 =	simm.s32 $0x3000;
	s0 =	sand.u32 $0x1FFFFFF0, s9  }
0x174: {  	s13 =	sld [smem:$0x5E];
	s12 =	sshll.u32 s10, $0x4;
	s0 =	sadd.s32 s3, s0  }
0x175: {  	[tilespmem:s11], [sflag:$0x1] =	stream.linear.gather [hbm4b:s0+s18], $0x80, $0x38;
	[tilespmem:$0x10200] =	vst v63  }
0x176: {  	s14 =	simm.s32 $0x3080;
	s0 =	sand.u32 $0x1FFFFFF0, s12  }
0x177: {  	s20 =	sld [smem:$0x5F];
	s19 =	sshll.u32 s13, $0x4;
	s0 =	sadd.s32 s3, s0  }
0x178: {  	[tilespmem:s14], [sflag:$0x1] =	stream.linear.gather [hbm4b:s0+s18], $0x80, $0x38;
	[tilespmem:$0x10200] =	vst v63  }
0x179: {  	s21 =	simm.s32 $0x3100;
	s0 =	sand.u32 $0x1FFFFFF0, s19  }
0x17a: {  	s23 =	sld [smem:$0x60];
	s22 =	sshll.u32 s20, $0x4;
	s0 =	sadd.s32 s3, s0  }
0x17b: {  	[tilespmem:s21], [sflag:$0x1] =	stream.linear.gather [hbm4b:s0+s18], $0x80, $0x38;
	[tilespmem:$0x10200] =	vst v63  }
0x17c: {  	s24 =	simm.s32 $0x3180;
	s0 =	sand.u32 $0x1FFFFFF0, s22  }
0x17d: {  	s26 =	sld [smem:$0x61];
	s25 =	sshll.u32 s23, $0x4;
	s0 =	sadd.s32 s3, s0  }
0x17e: {  	[tilespmem:s24], [sflag:$0x1] =	stream.linear.gather [hbm4b:s0+s18], $0x80, $0x38;
	[tilespmem:$0x10200] =	vst v63  }
0x17f: {  	s10 =	simm.s32 $0x3200;
	s0 =	sand.u32 $0x1FFFFFF0, s25  }
0x180: {  	s12 =	sld [smem:$0x62];
	s11 =	sshll.u32 s26, $0x4;
	s0 =	sadd.s32 s3, s0  }
0x181: {  	[tilespmem:s10], [sflag:$0x1] =	stream.linear.gather [hbm4b:s0+s18], $0x80, $0x38;
	[tilespmem:$0x10200] =	vst v63  }
0x182: {  	s13 =	simm.s32 $0x3280;
	s0 =	sand.u32 $0x1FFFFFF0, s11  }
0x183: {  	s19 =	sld [smem:$0x63];
	s14 =	sshll.u32 s12, $0x4;
	s0 =	sadd.s32 s3, s0  }
0x184: {  	[tilespmem:s13], [sflag:$0x1] =	stream.linear.gather [hbm4b:s0+s18], $0x80, $0x38;
	[tilespmem:$0x10200] =	vst v63  }
0x185: {  	s20 =	simm.s32 $0x3300;
	s0 =	sand.u32 $0x1FFFFFF0, s14  }
0x186: {  	s22 =	sld [smem:$0x64];
	s21 =	sshll.u32 s19, $0x4;
	s0 =	sadd.s32 s3, s0  }
0x187: {  	[tilespmem:s20], [sflag:$0x1] =	stream.linear.gather [hbm4b:s0+s18], $0x80, $0x38;
	[tilespmem:$0x10200] =	vst v63  }
0x188: {  	s23 =	simm.s32 $0x3380;
	s0 =	sand.u32 $0x1FFFFFF0, s21  }
0x189: {  	s25 =	sld [smem:$0x65];
	s24 =	sshll.u32 s22, $0x4;
	s0 =	sadd.s32 s3, s0  }
0x18a: {  	[tilespmem:s23], [sflag:$0x1] =	stream.linear.gather [hbm4b:s0+s18], $0x80, $0x38;
	[tilespmem:$0x10200] =	vst v63  }
0x18b: {  	s26 =	simm.s32 $0x3400;
	s0 =	sand.u32 $0x1FFFFFF0, s24  }
0x18c: {  	s10 =	sld [smem:$0x66];
	s9 =	sshll.u32 s25, $0x4;
	s0 =	sadd.s32 s3, s0  }
0x18d: {  	[tilespmem:s26], [sflag:$0x1] =	stream.linear.gather [hbm4b:s0+s18], $0x80, $0x38;
	[tilespmem:$0x10200] =	vst v63  }
0x18e: {  	s11 =	simm.s32 $0x3480;
	s0 =	sand.u32 $0x1FFFFFF0, s9  }
0x18f: {  	s13 =	sld [smem:$0x67];
	s12 =	sshll.u32 s10, $0x4;
	s0 =	sadd.s32 s3, s0  }
0x190: {  	[tilespmem:s11], [sflag:$0x1] =	stream.linear.gather [hbm4b:s0+s18], $0x80, $0x38;
	[tilespmem:$0x10200] =	vst v63  }
0x191: {  	s14 =	simm.s32 $0x3500;
	s0 =	sand.u32 $0x1FFFFFF0, s12  }
0x192: {  	s20 =	sld [smem:$0x68];
	s19 =	sshll.u32 s13, $0x4;
	s0 =	sadd.s32 s3, s0  }
0x193: {  	[tilespmem:s14], [sflag:$0x1] =	stream.linear.gather [hbm4b:s0+s18], $0x80, $0x38;
	[tilespmem:$0x10200] =	vst v63  }
0x194: {  	s21 =	simm.s32 $0x3580;
	s0 =	sand.u32 $0x1FFFFFF0, s19  }
0x195: {  	s23 =	sld [smem:$0x69];
	s22 =	sshll.u32 s20, $0x4;
	s0 =	sadd.s32 s3, s0  }
0x196: {  	[tilespmem:s21], [sflag:$0x1] =	stream.linear.gather [hbm4b:s0+s18], $0x80, $0x38;
	[tilespmem:$0x10200] =	vst v63  }
0x197: {  	s24 =	simm.s32 $0x3600;
	s0 =	sand.u32 $0x1FFFFFF0, s22  }
0x198: {  	s26 =	sld [smem:$0x6A];
	s25 =	sshll.u32 s23, $0x4;
	s0 =	sadd.s32 s3, s0  }
0x199: {  	[tilespmem:s24], [sflag:$0x1] =	stream.linear.gather [hbm4b:s0+s18], $0x80, $0x38;
	[tilespmem:$0x10200] =	vst v63  }
0x19a: {  	s10 =	simm.s32 $0x3680;
	s0 =	sand.u32 $0x1FFFFFF0, s25  }
0x19b: {  	s12 =	sld [smem:$0x6B];
	s11 =	sshll.u32 s26, $0x4;
	s0 =	sadd.s32 s3, s0  }
0x19c: {  	[tilespmem:s10], [sflag:$0x1] =	stream.linear.gather [hbm4b:s0+s18], $0x80, $0x38;
	[tilespmem:$0x10200] =	vst v63  }
0x19d: {  	s13 =	simm.s32 $0x3700;
	s0 =	sand.u32 $0x1FFFFFF0, s11  }
0x19e: {  	s19 =	sld [smem:$0x6C];
	s14 =	sshll.u32 s12, $0x4;
	s0 =	sadd.s32 s3, s0  }
0x19f: {  	[tilespmem:s13], [sflag:$0x1] =	stream.linear.gather [hbm4b:s0+s18], $0x80, $0x38;
	[tilespmem:$0x10200] =	vst v63  }
0x1a0: {  	s20 =	simm.s32 $0x3780;
	s0 =	sand.u32 $0x1FFFFFF0, s14  }
0x1a1: {  	s22 =	sld [smem:$0x6D];
	s21 =	sshll.u32 s19, $0x4;
	s0 =	sadd.s32 s3, s0  }
0x1a2: {  	[tilespmem:s20], [sflag:$0x1] =	stream.linear.gather [hbm4b:s0+s18], $0x80, $0x38;
	[tilespmem:$0x10200] =	vst v63  }
0x1a3: {  	s23 =	simm.s32 $0x3800;
	s0 =	sand.u32 $0x1FFFFFF0, s21  }
0x1a4: {  	s25 =	sld [smem:$0x6E];
	s24 =	sshll.u32 s22, $0x4;
	s0 =	sadd.s32 s3, s0  }
0x1a5: {  	[tilespmem:s23], [sflag:$0x1] =	stream.linear.gather [hbm4b:s0+s18], $0x80, $0x38;
	[tilespmem:$0x10200] =	vst v63  }
0x1a6: {  	s26 =	simm.s32 $0x3880;
	s0 =	sand.u32 $0x1FFFFFF0, s24  }
0x1a7: {  	s10 =	sld [smem:$0x6F];
	s9 =	sshll.u32 s25, $0x4;
	s0 =	sadd.s32 s3, s0  }
0x1a8: {  	[tilespmem:s26], [sflag:$0x1] =	stream.linear.gather [hbm4b:s0+s18], $0x80, $0x38;
	[tilespmem:$0x10200] =	vst v63  }
0x1a9: {  	s11 =	simm.s32 $0x3900;
	s0 =	sand.u32 $0x1FFFFFF0, s9  }
0x1aa: {  	s13 =	sld [smem:$0x70];
	s12 =	sshll.u32 s10, $0x4;
	s0 =	sadd.s32 s3, s0  }
0x1ab: {  	[tilespmem:s11], [sflag:$0x1] =	stream.linear.gather [hbm4b:s0+s18], $0x80, $0x38;
	[tilespmem:$0x10200] =	vst v63  }
0x1ac: {  	s14 =	simm.s32 $0x3980;
	s0 =	sand.u32 $0x1FFFFFF0, s12  }
0x1ad: {  	s20 =	sld [smem:$0x71];
	s19 =	sshll.u32 s13, $0x4;
	s0 =	sadd.s32 s3, s0  }
0x1ae: {  	[tilespmem:s14], [sflag:$0x1] =	stream.linear.gather [hbm4b:s0+s18], $0x80, $0x38;
	[tilespmem:$0x10200] =	vst v63  }
0x1af: {  	s21 =	simm.s32 $0x3A00;
	s0 =	sand.u32 $0x1FFFFFF0, s19  }
0x1b0: {  	s23 =	sld [smem:$0x72];
	s22 =	sshll.u32 s20, $0x4;
	s0 =	sadd.s32 s3, s0  }
0x1b1: {  	[tilespmem:s21], [sflag:$0x1] =	stream.linear.gather [hbm4b:s0+s18], $0x80, $0x38;
	[tilespmem:$0x10200] =	vst v63  }
0x1b2: {  	s24 =	simm.s32 $0x3A80;
	s0 =	sand.u32 $0x1FFFFFF0, s22  }
0x1b3: {  	s26 =	sld [smem:$0x73];
	s25 =	sshll.u32 s23, $0x4;
	s0 =	sadd.s32 s3, s0  }
0x1b4: {  	[tilespmem:s24], [sflag:$0x1] =	stream.linear.gather [hbm4b:s0+s18], $0x80, $0x38;
	[tilespmem:$0x10200] =	vst v63  }
0x1b5: {  	s10 =	simm.s32 $0x3B00;
	s0 =	sand.u32 $0x1FFFFFF0, s25  }
0x1b6: {  	s12 =	sld [smem:$0x74];
	s11 =	sshll.u32 s26, $0x4;
	s0 =	sadd.s32 s3, s0  }
0x1b7: {  	[tilespmem:s10], [sflag:$0x1] =	stream.linear.gather [hbm4b:s0+s18], $0x80, $0x38;
	[tilespmem:$0x10200] =	vst v63  }
0x1b8: {  	s13 =	simm.s32 $0x3B80;
	s0 =	sand.u32 $0x1FFFFFF0, s11  }
0x1b9: {  	s19 =	sld [smem:$0x75];
	s14 =	sshll.u32 s12, $0x4;
	s0 =	sadd.s32 s3, s0  }
0x1ba: {  	[tilespmem:s13], [sflag:$0x1] =	stream.linear.gather [hbm4b:s0+s18], $0x80, $0x38;
	[tilespmem:$0x10200] =	vst v63  }
0x1bb: {  	s20 =	simm.s32 $0x3C00;
	s0 =	sand.u32 $0x1FFFFFF0, s14  }
0x1bc: {  	s22 =	sld [smem:$0x76];
	s21 =	sshll.u32 s19, $0x4;
	s0 =	sadd.s32 s3, s0  }
0x1bd: {  	[tilespmem:s20], [sflag:$0x1] =	stream.linear.gather [hbm4b:s0+s18], $0x80, $0x38;
	[tilespmem:$0x10200] =	vst v63  }
0x1be: {  	s23 =	simm.s32 $0x3C80;
	s0 =	sand.u32 $0x1FFFFFF0, s21  }
0x1bf: {  	s25 =	sld [smem:$0x77];
	s24 =	sshll.u32 s22, $0x4;
	s0 =	sadd.s32 s3, s0  }
0x1c0: {  	[tilespmem:s23], [sflag:$0x1] =	stream.linear.gather [hbm4b:s0+s18], $0x80, $0x38;
	[tilespmem:$0x10200] =	vst v63  }
0x1c1: {  	s26 =	simm.s32 $0x3D00;
	s0 =	sand.u32 $0x1FFFFFF0, s24  }
0x1c2: {  	s10 =	sld [smem:$0x78];
	s9 =	sshll.u32 s25, $0x4;
	s0 =	sadd.s32 s3, s0  }
0x1c3: {  	[tilespmem:s26], [sflag:$0x1] =	stream.linear.gather [hbm4b:s0+s18], $0x80, $0x38;
	[tilespmem:$0x10200] =	vst v63  }
0x1c4: {  	s11 =	simm.s32 $0x3D80;
	s0 =	sand.u32 $0x1FFFFFF0, s9  }
0x1c5: {  	s13 =	sld [smem:$0x79];
	s12 =	sshll.u32 s10, $0x4;
	s0 =	sadd.s32 s3, s0  }
0x1c6: {  	[tilespmem:s11], [sflag:$0x1] =	stream.linear.gather [hbm4b:s0+s18], $0x80, $0x38;
	[tilespmem:$0x10200] =	vst v63  }
0x1c7: {  	s14 =	simm.s32 $0x3E00;
	s0 =	sand.u32 $0x1FFFFFF0, s12  }
0x1c8: {  	s20 =	sld [smem:$0x7A];
	s19 =	sshll.u32 s13, $0x4;
	s0 =	sadd.s32 s3, s0  }
0x1c9: {  	[tilespmem:s14], [sflag:$0x1] =	stream.linear.gather [hbm4b:s0+s18], $0x80, $0x38;
	[tilespmem:$0x10200] =	vst v63  }
0x1ca: {  	s21 =	simm.s32 $0x3E80;
	s0 =	sand.u32 $0x1FFFFFF0, s19  }
0x1cb: {  	s23 =	sld [smem:$0x7B];
	s22 =	sshll.u32 s20, $0x4;
	s0 =	sadd.s32 s3, s0  }
0x1cc: {  	[tilespmem:s21], [sflag:$0x1] =	stream.linear.gather [hbm4b:s0+s18], $0x80, $0x38;
	[tilespmem:$0x10200] =	vst v63  }
0x1cd: {  	s24 =	simm.s32 $0x3F00;
	s0 =	sand.u32 $0x1FFFFFF0, s22  }
0x1ce: {  	s26 =	sld [smem:$0x7C];
	s25 =	sshll.u32 s23, $0x4;
	s0 =	sadd.s32 s3, s0  }
0x1cf: {  	[tilespmem:s24], [sflag:$0x1] =	stream.linear.gather [hbm4b:s0+s18], $0x80, $0x38;
	[tilespmem:$0x10200] =	vst v63  }
0x1d0: {  	s10 =	simm.s32 $0x3F80;
	s0 =	sand.u32 $0x1FFFFFF0, s25  }
0x1d1: {  	s12 =	sld [smem:$0x7D];
	s11 =	sshll.u32 s26, $0x4;
	s0 =	sadd.s32 s3, s0  }
0x1d2: {  	[tilespmem:s10], [sflag:$0x1] =	stream.linear.gather [hbm4b:s0+s18], $0x80, $0x38;
	[tilespmem:$0x10200] =	vst v63  }
0x1d3: {  	s13 =	simm.s32 $0x4000;
	s0 =	sand.u32 $0x1FFFFFF0, s11  }
0x1d4: {  	s19 =	sld [smem:$0x7E];
	s14 =	sshll.u32 s12, $0x4;
	s0 =	sadd.s32 s3, s0  }
0x1d5: {  	[tilespmem:s13], [sflag:$0x1] =	stream.linear.gather [hbm4b:s0+s18], $0x80, $0x38;
	[tilespmem:$0x10200] =	vst v63  }
0x1d6: {  	s20 =	simm.s32 $0x4080;
	s0 =	sand.u32 $0x1FFFFFF0, s14  }
0x1d7: {  	s22 =	sld [smem:$0x7F];
	s21 =	sshll.u32 s19, $0x4;
	s0 =	sadd.s32 s3, s0  }
0x1d8: {  	[tilespmem:s20], [sflag:$0x1] =	stream.linear.gather [hbm4b:s0+s18], $0x80, $0x38;
	[tilespmem:$0x10200] =	vst v63  }
0x1d9: {  	s0 =	sand.u32 $0x1FFFFFF0, s21  }
0x1da: {  	s23 =	simm.s32 $0x4100;
	s24 =	sshll.u32 s22, $0x4;
	s0 =	sadd.s32 s3, s0  }
0x1db: {  	[tilespmem:s23], [sflag:$0x1] =	stream.linear.gather [hbm4b:s0+s18], $0x80, $0x38;
	[tilespmem:$0x10200] =	vst v63  }
0x1dc: {  	s0 =	sand.u32 $0x1FFFFFF0, s24  }
0x1dd: {  	s26 =	simm.s32 $0x0;
	s25 =	simm.s32 $0x80;
	s0 =	sadd.s32 s3, s0  }
0x1de: {  	[tilespmem:s15], [sflag:$0x1] =	stream.linear.gather [hbm4b:s0+s18], $0x80, $0x38;
	[tilespmem:$0x10200] =	vst v63  }
0x1df: {  	s1 =	sand.u32 $0x70, s26;
	s0 =	sand.u32 $0x380, s25  }
0x1e0: {  	s19 =	simm.s32 $0x8F;
	s0 =	sor.u32 s1, s0;
	s9 =	sld [smem:$0x81]  }
0x1e1: {  	s22 =	simm.s32 $0x4200;
	s10 =	simm.s32 $0x4280;
	s0 =	sld [smem:s0+$0x0]  }
0x1e2: {  	s20 =	simm.s32 $0x2000;
	s21 =	simm.s32 $0x90;
	s23 =	simm.s32 $0x4300  }
0x1e3: {  	s18 =	simm.s32 $0x0;
	s25 =	simm.s32 $0x4380;
	s26 =	sld [smem:$0x84]  }
0x1e4: {  	s29 =	sld [smem:$0x8A];
	s1 =	sshll.u32 s9, $0x4;
	s0 =	sshll.u32 s0, $0x4  }
0x1e5: {  	s24 =	sld [smem:$0x82];
	s1 =	sand.u32 $0x1FFFFFF0, s1;
	s0 =	sand.u32 $0x1FFFFFF0, s0  }
0x1e6: {  	s28 =	sld [smem:$0x83];
	s1 =	sadd.s32 s3, s1;
	s14 =	sshll.u32 s26, $0x4  }
0x1e7: {  	s26 =	simm.s32 $0x4500;
	s0 =	sadd.s32 s3, s0;
	s29 =	sshll.u32 s29, $0x4  }
0x1e8: {  	[tilespmem:s22], [sflag:$0x1] =	stream.linear.gather [hbm4b:s0+s2], $0x80, $0x38;
	[tilespmem:$0x10200] =	vst v63  }
0x1e9: {  	s30 =	sshll.u32 s24, $0x4;
	s22 =	simm.s32 $0x9F;
	s31 =	sld [smem:$0x88]  }
0x1ea: {  	s24 =	simm.s32 $0x4580;
	s12 =	sand.u32 $0x1FFFFFF0, s30;
	s11 =	sld [smem:$0x87]  }
0x1eb: {  	[tilespmem:s10], [sflag:$0x1] =	stream.linear.gather [hbm4b:s1+s2], $0x80, $0x38;
	[tilespmem:$0x10200] =	vst v63  }
0x1ec: {  	s13 =	sshll.u32 s28, $0x4;
	s0 =	sadd.s32 s3, s12;
	s10 =	sld [smem:$0x85]  }
0x1ed: {  	[tilespmem:s23], [sflag:$0x1] =	stream.linear.gather [hbm4b:s0+s2], $0x80, $0x38;
	[tilespmem:$0x10200] =	vst v63  }
0x1ee: {  	s30 =	simm.s32 $0x4480;
	s1 =	sand.u32 $0x1FFFFFF0, s13;
	s23 =	simm.s32 $0x4600  }
0x1ef: {  	s0 =	sand.u32 $0x1FFFFFF0, s14;
	s1 =	sadd.s32 s3, s1;
	s28 =	sld [smem:$0x86]  }
0x1f0: {  	[tilespmem:s25], [sflag:$0x1] =	stream.linear.gather [hbm4b:s1+s2], $0x80, $0x38;
	[tilespmem:$0x10200] =	vst v63  }
0x1f1: {  	s25 =	simm.s32 $0x4400;
	s0 =	sadd.s32 s3, s0;
	s31 =	sshll.u32 s31, $0x4  }
0x1f2: {  	[tilespmem:s25], [sflag:$0x1] =	stream.linear.gather [hbm4b:s0+s2], $0x80, $0x38;
	[tilespmem:$0x10200] =	vst v63  }
0x1f3: {  	s25 =	simm.s32 $0x4680;
	s1 =	sshll.u32 s10, $0x4;
	s0 =	sshll.u32 s11, $0x4  }
.LBB2_4:
0x1f4: {  	s1 =	sand.u32 $0x1FFFFFF0, s1  }
0x1f5: {  	s9 =	sshll.u32 s28, $0x4;
	s0 =	sand.u32 $0x1FFFFFF0, s0;
	s28 =	smov.u32 s20  }
0x1f6: {  	s1 =	sadd.s32 s3, s1;
	s9 =	sand.u32 $0x1FFFFFF0, s9;
	s10 =	sld [smem:s19+$0xFFFFFFFA]  }
0x1f7: {  	s31 =	sand.u32 $0x1FFFFFF0, s31;
	s0 =	sadd.s32 s3, s0;
	s11 =	sld [smem:s19+$0xFFFFFFFE]  }
0x1f8: {  	[tilespmem:s30], [sflag:$0x1] =	stream.linear.gather [hbm4b:s1+s2], $0x80, $0x38;
	[tilespmem:$0x10200] =	vst v63  }
0x1f9: {  	s1 =	sadd.s32 s3, s9;
	s9 =	sshll.u32 s10, $0x4;
	s10 =	sld [smem:s19+$0xFFFFFFFD]  }
0x1fa: {  	[tilespmem:s26], [sflag:$0x1] =	stream.linear.gather [hbm4b:s1+s2], $0x80, $0x38;
	[tilespmem:$0x10200] =	vst v63  }
0x1fb: {  	s1 =	sadd.s32 s3, s31;
	s9 =	sand.u32 $0x1FFFFFF0, s9;
	s26 =	sld [smem:s19+$0xFFFFFFFC]  }
0x1fc: {  	[tilespmem:s24], [sflag:$0x1] =	stream.linear.gather [hbm4b:s0+s2], $0x80, $0x38;
	[tilespmem:$0x10200] =	vst v63  }
0x1fd: {  	s11 =	sshll.u32 s11, $0x4;
	s0 =	sand.u32 $0x1FFFFFF0, s29;
	s10 =	sshll.u32 s10, $0x4  }
0x1fe: {  	[tilespmem:s23], [sflag:$0x1] =	stream.linear.gather [hbm4b:s1+s2], $0x80, $0x38;
	[tilespmem:$0x10200] =	vst v63  }
0x1ff: {  	s10 =	sand.u32 $0x1FFFFFF0, s10;
	s1 =	sadd.s32 s3, s9;
	s9 =	sshll.u32 s26, $0x4  }
0x200: {  	[tilespmem:s25], [sflag:$0x1] =	stream.linear.gather [hbm4b:s1+s2], $0x80, $0x38;
	[tilespmem:$0x10200] =	vst v63  }
0x201: {  	s0 =	sadd.s32 s3, s0;
	s9 =	sand.u32 $0x1FFFFFF0, s9;
	s1 =	sadd.s32 $0x4700, s18  }
0x202: {  	[tilespmem:s1], [sflag:$0x1] =	stream.linear.gather [hbm4b:s0+s2], $0x80, $0x38;
	[tilespmem:$0x10200] =	vst v63  }
0x203: {  	p0 =	sne.s32 s20, $0x2E000;
	s0 =	sadd.s32 $0x4780, s18;
	s1 =	sand.u32 $0x1FFFFFF0, s11  }
0x204: {  	s9 =	sadd.s32 s3, s9;
	s1 =	sadd.s32 s3, s1;
	s11 =	sld [smem:s19+$0xFFFFFFFF]  }
0x205: {  	[tilespmem:s0], [sflag:$0x1] =	stream.linear.gather [hbm4b:s9+s2], $0x80, $0x38;
	[tilespmem:$0x10200] =	vst v63  }
0x206: {  	s20 =	sadd.s32 $0x2000, s20;
	s0 =	sadd.s32 $0x4800, s18;
	s9 =	sadd.s32 s3, s10  }
0x207: {  	[tilespmem:s0], [sflag:$0x1] =	stream.linear.gather [hbm4b:s9+s2], $0x80, $0x38;
	[tilespmem:$0x10200] =	vst v63  }
0x208: {  	s0 =	sadd.s32 $0x4880, s18;
	s9 =	sshll.u32 s11, $0x4;
	s10 =	sld [smem:s19+$0x0]  }
0x209: {  	[tilespmem:s0], [sflag:$0x1] =	stream.linear.gather [hbm4b:s1+s2], $0x80, $0x38;
	[tilespmem:$0x10200] =	vst v63  }
0x20a: {  	s9 =	sand.u32 $0x1FFFFFF0, s9;
	s0 =	sadd.s32 $0xFFFFFF80, s21;
	s1 =	sand.u32 $0x380, s21  }
0x20b: {  	s9 =	sadd.s32 s3, s9;
	s0 =	sand.u32 $0x70, s0;
	s10 =	sshll.u32 s10, $0x4  }
0x20c: {  	s0 =	sor.u32 s0, s1;
	s1 =	sadd.s32 $0x4900, s18;
	s10 =	sand.u32 $0x1FFFFFF0, s10  }
0x20d: {  	[tilespmem:s1], [sflag:$0x1] =	stream.linear.gather [hbm4b:s9+s2], $0x80, $0x38;
	[tilespmem:$0x10200] =	vst v63  }
0x20e: {  	s19 =	smov.u32 s22;
	s1 =	sadd.s32 $0x4980, s18;
	s9 =	sadd.s32 s3, s10  }
0x20f: {  	[tilespmem:s1], [sflag:$0x1] =	stream.linear.gather [hbm4b:s9+s2], $0x80, $0x38;
	[tilespmem:$0x10200] =	vst v63  }
0x210: {  	s18 =	sshra.s32 s28, $0x2;
	_ =	swait.ge [sflag:s16], $0x800  }
0x211: {  	s1 =	sadd.s32 $0x4380, s18;
	[sflag:s16] =	ssyncset.done $0x0  }
0x212: {  	s9 =	sadd.s32 $0x4300, s18;
	[sflag:s16] =	ssyncadd.s32 $0xFFFFF800  }
0x213: {  	s22 =	sadd.s32 $0x10, s22;
	s21 =	sadd.s32 $0x10, s21;
	s10 =	sld [smem:s19+$0xFFFFFFF2]  }
0x214: {  	s24 =	sadd.s32 $0x4580, s18;
	s23 =	sadd.s32 $0x4600, s18;
	s0 =	sld [smem:s0+$0x0]  }
0x215: {  	s12 =	sadd.s32 $0x4400, s18;
	s26 =	sadd.s32 $0x4500, s18;
	s11 =	sld [smem:s19+$0xFFFFFFF5]  }
0x216: {  	s28 =	sadd.s32 $0x4280, s18;
	s25 =	sadd.s32 $0x4680, s18;
	s29 =	sld [smem:s19+$0xFFFFFFFB]  }
0x217: {  	s30 =	sadd.s32 $0x4200, s18;
	s0 =	sshll.u32 s0, $0x4;
	s31 =	sld [smem:s19+$0xFFFFFFF3]  }
0x218: {  	s10 =	sshll.u32 s10, $0x4;
	s0 =	sand.u32 $0x1FFFFFF0, s0;
	s11 =	sshll.u32 s11, $0x4  }
0x219: {  	s10 =	sand.u32 $0x1FFFFFF0, s10;
	s0 =	sadd.s32 s3, s0;
	s13 =	sld [smem:s19+$0xFFFFFFF4]  }
0x21a: {  	[tilespmem:s30], [sflag:$0x1] =	stream.linear.gather [hbm4b:s0+s2], $0x80, $0x38;
	[tilespmem:$0x10200] =	vst v63  }
0x21b: {  	s11 =	sand.u32 $0x1FFFFFF0, s11;
	s0 =	sadd.s32 s3, s10;
	s10 =	sshll.u32 s31, $0x4  }
0x21c: {  	s30 =	sadd.s32 $0x4480, s18;
	s13 =	sshll.u32 s13, $0x4;
	s31 =	sld [smem:s19+$0xFFFFFFF9]  }
0x21d: {  	s10 =	sand.u32 $0x1FFFFFF0, s10;
	s13 =	sand.u32 $0x1FFFFFF0, s13;
	s14 =	sld [smem:s19+$0xFFFFFFF8]  }
0x21e: {  	[tilespmem:s28], [sflag:$0x1] =	stream.linear.gather [hbm4b:s0+s2], $0x80, $0x38;
	[tilespmem:$0x10200] =	vst v63  }
0x21f: {  	s0 =	sadd.s32 s3, s10;
	s10 =	sadd.s32 s3, s13;
	s13 =	sld [smem:s19+$0xFFFFFFF6]  }
0x220: {  	[tilespmem:s9], [sflag:$0x1] =	stream.linear.gather [hbm4b:s0+s2], $0x80, $0x38;
	[tilespmem:$0x10200] =	vst v63  }
.Ltmp1:
0x221: {  	_ = 	snop;
	(pc) =	sbr.rel @p0 .LBB2_4-.Ltmp1, $4  }
0x222: {  	s29 =	sshll.u32 s29, $0x4;
	s31 =	sshll.u32 s31, $0x4;
	s28 =	sld [smem:s19+$0xFFFFFFF7]  }
0x223: {  	[tilespmem:s1], [sflag:$0x1] =	stream.linear.gather [hbm4b:s10+s2], $0x80, $0x38;
	[tilespmem:$0x10200] =	vst v63  }
0x224: {  	s9 =	sadd.s32 s3, s11;
	s0 =	sshll.u32 s14, $0x4;
	s1 =	sshll.u32 s13, $0x4  }
0x225: {  	[tilespmem:s12], [sflag:$0x1] =	stream.linear.gather [hbm4b:s9+s2], $0x80, $0x38;
	[tilespmem:$0x10200] =	vst v63  }
0x226: {  	s10 =	sld [smem:s19+$0xFFFFFFFA]  }
0x227: {  	s1 =	sand.u32 $0x1FFFFFF0, s1;
	s11 =	sld [smem:s19+$0xFFFFFFFE]  }
0x228: {  	s9 =	sshll.u32 s28, $0x4;
	s0 =	sand.u32 $0x1FFFFFF0, s0;
	s12 =	sld [smem:s19+$0xFFFFFFFD]  }
0x229: {  	s28 =	sand.u32 $0x1FFFFFF0, s31;
	s31 =	sld [smem:s19+$0xFFFFFFFC];
	s13 =	sand.u32 $0x1FFFFFF0, s29  }
0x22a: {  	s20 =	sadd.s32 $0x4700, s18;
	s1 =	sadd.s32 s3, s1;
	s9 =	sand.u32 $0x1FFFFFF0, s9  }
0x22b: {  	[tilespmem:s30], [sflag:$0x1] =	stream.linear.gather [hbm4b:s1+s2], $0x80, $0x38;
	[tilespmem:$0x10200] =	vst v63  }
0x22c: {  	s22 =	sadd.s32 $0x4780, s18;
	s0 =	sadd.s32 s3, s0;
	s9 =	sadd.s32 s3, s9  }
0x22d: {  	[tilespmem:s26], [sflag:$0x1] =	stream.linear.gather [hbm4b:s9+s2], $0x80, $0x38;
	[tilespmem:$0x10200] =	vst v63  }
0x22e: {  	s1 =	sadd.s32 s3, s28;
	s28 =	sadd.s32 $0x4880, s18;
	s30 =	sshll.u32 s10, $0x4  }
0x22f: {  	[tilespmem:s24], [sflag:$0x1] =	stream.linear.gather [hbm4b:s0+s2], $0x80, $0x38;
	[tilespmem:$0x10200] =	vst v63  }
0x230: {  	s12 =	sshll.u32 s12, $0x4;
	s10 =	sshll.u32 s31, $0x4;
	s9 =	sand.u32 $0x1FFFFFF0, s30  }
0x231: {  	[tilespmem:s23], [sflag:$0x1] =	stream.linear.gather [hbm4b:s1+s2], $0x80, $0x38;
	[tilespmem:$0x10200] =	vst v63  }
0x232: {  	s14 =	sshll.u32 s11, $0x4;
	s10 =	sand.u32 $0x1FFFFFF0, s10;
	s0 =	sadd.s32 s3, s9  }
0x233: {  	[tilespmem:s25], [sflag:$0x1] =	stream.linear.gather [hbm4b:s0+s2], $0x80, $0x38;
	[tilespmem:$0x10200] =	vst v63  }
0x234: {  	s21 =	sand.u32 $0x1FFFFFF0, s12;
	s9 =	sadd.s32 s3, s13;
	s23 =	sld [smem:s19+$0xFFFFFFFF]  }
0x235: {  	[tilespmem:s20], [sflag:$0x1] =	stream.linear.gather [hbm4b:s9+s2], $0x80, $0x38;
	[tilespmem:$0x10200] =	vst v63  }
0x236: {  	s26 =	sld [smem:s19+$0x0];
	s10 =	sadd.s32 s3, s10;
	s24 =	sadd.s32 $0x4800, s18  }
0x237: {  	[tilespmem:s22], [sflag:$0x1] =	stream.linear.gather [hbm4b:s10+s2], $0x80, $0x38;
	[tilespmem:$0x10200] =	vst v63  }
0x238: {  	s0 =	sadd.s32 s3, s21;
	s25 =	sand.u32 $0x1FFFFFF0, s14;
	s9 =	sshll.u32 s23, $0x4  }
0x239: {  	[tilespmem:s24], [sflag:$0x1] =	stream.linear.gather [hbm4b:s0+s2], $0x80, $0x38;
	[tilespmem:$0x10200] =	vst v63  }
0x23a: {  	s1 =	sshll.u32 s26, $0x4;
	s29 =	sand.u32 $0x1FFFFFF0, s9;
	s0 =	sadd.s32 s3, s25  }
0x23b: {  	[tilespmem:s28], [sflag:$0x1] =	stream.linear.gather [hbm4b:s0+s2], $0x80, $0x38;
	[tilespmem:$0x10200] =	vst v63  }
0x23c: {  	s30 =	sadd.s32 $0x4900, s18;
	s1 =	sand.u32 $0x1FFFFFF0, s1;
	s0 =	sadd.s32 s3, s29  }
0x23d: {  	[tilespmem:s30], [sflag:$0x1] =	stream.linear.gather [hbm4b:s0+s2], $0x80, $0x38;
	[tilespmem:$0x10200] =	vst v63  }
0x23e: {  	s31 =	sadd.s32 $0x4980, s18;
	s1 =	sadd.s32 s3, s1  }
0x23f: {  	[tilespmem:s31], [sflag:$0x1] =	stream.linear.gather [hbm4b:s1+s2], $0x80, $0x38;
	[tilespmem:$0x10200] =	vst v63  }
0x240: {  	_ =	swait.ge [sflag:s16], $0x800  }
0x241: {  	[sflag:s16] =	ssyncset.done $0x0  }
0x242: {  	[sflag:s16] =	ssyncadd.s32 $0xFFFFF800  }
0x243: {  	_ =	swait.ge [sflag:s16], $0x800  }
0x244: {  	[sflag:s16] =	ssyncset.done $0x0  }
0x245: {  	[sflag:s16] =	ssyncadd.s32 $0xFFFFF800  }
0x246: {  	_ =	swait.ge [sflag:s16], $0x800  }
0x247: {  	[sflag:s16] =	ssyncset.done $0x0  }
0x248: {  	[sflag:s16] =	ssyncadd.s32 $0xFFFFF800  }
0x249: {  	_ =	swait.ge [sflag:s16], $0x800  }
0x24a: {  	[sflag:s16] =	ssyncset.done $0x0  }
0x24b: {  	[sflag:s16] =	ssyncadd.s32 $0xFFFFF800  }
0x24c: {  	_ =	swait.ge [sflag:s16], $0x800  }
0x24d: {  	[sflag:s16] =	ssyncset.done $0x0  }
0x24e: {  	[sflag:s16] =	ssyncadd.s32 $0xFFFFF800  }
0x24f: {  	_ =	swait.ge [sflag:s16], $0x800  }
0x250: {  	[sflag:s16] =	ssyncset.done $0x0  }
0x251: {  	[sflag:s16] =	ssyncadd.s32 $0xFFFFF800  }
0x252: {  	_ =	swait.ge [sflag:s16], $0x800  }
0x253: {  	[sflag:s16] =	ssyncset.done $0x0  }
0x254: {  	[sflag:s16] =	ssyncadd.s32 $0xFFFFF800  }
0x255: {  	_ =	swait.ge [sflag:s16], $0x800  }
0x256: {  	[sflag:s16] =	ssyncset.done $0x0  }
0x257: {  	[sflag:s16] =	ssyncadd.s32 $0xFFFFF800  }
0x258: {  	s17 =	sadd.s32 $0x1, s17;
	_ =	swait.ge [sflag:s16], $0x800  }
0x259: {  	p0 =	sne.s32 s17, s6;
	[sflag:s16] =	ssyncset.done $0x0  }
.Ltmp2:
0x25a: {  	[sflag:s16] =	ssyncadd.s32 $0xFFFFF800;
	(pc) =	sbr.rel @p0 .LBB2_1-.Ltmp2, $4  }
0x25b: {  	[hbm4b:s5+s2] =	stream.linear.scatter [tilespmem:s8], [sflag:$0x2], $0x10000, $0x38;
	[tilespmem:$0x10200] =	vst v63  }
0x25c: {  	_ =	swait.ge [sflag:s7], $0x10000  }
0x25d: {  	[sflag:s7] =	ssyncset.done $0x0  }
0x25e: {  	[sflag:s7] =	ssyncadd.s32 $0xFFFF0000  }
0x25f: {  	_ =	sfence.sel $0x180000  }
0x260: {  	[bflag:$0x0] =	sbarrier.arrive $0xFFFF  }
0x261: {  	_ =	strace $0x90000047  }
0x262: {  	s0 =	stileid.u32;
	[bflag:$0x2] =	sbarrier.arrive $0xFFFF  }
0x263: {  	p0 =	sne.s32 s0, $0x0;
	s0 =	rddreg [dreg:$0x2]  }
0x264: {  	s0 =	sadd.s32 @!p0 $0x100000, s0  }
0x265: {  	[sflag:s0] =	ssyncadd.tile.s32 @!p0 $0x1;
	_ =	shalt  }
.Lfunc_end2:
_tile_overlayer_lowered:
.L_overlay_start_2:
0x266: {  	(tag) =	ssettag $0x2  }
0x267: {  	s0 =	rddreg [dreg:$0x0];
	s2 =	stileid.u32  }
0x268: {  	s1 =	rddreg [dreg:$0x1];
	p0 =	sne.s32 s2, $0x0  }
0x269: {  	s3 =	rddreg [dreg:$0x2];
	[bflag:$0x3] =	sbarrier.arrive $0xFFFF;
	s2 =	simm.s32 @!p0 $0x1C02  }
0x26a: {  	[timem:s3], [sflag:s2] =	dma.local @!p0 [hbm:s0], s1  }
0x26b: {  	s0 =	simm.s32 @!p0 $0x2  }
0x26c: {  	_ =	swait.ge @!p0 [sflag:s0], s1  }
0x26d: {  	s1 =	ssub.s32 @!p0 $0x0, s1;
	[sflag:s0] =	ssyncset.done @!p0 $0x0  }
0x26e: {  	[sflag:s0] =	ssyncadd.s32 @!p0 s1  }
0x26f: {  	[bflag:$0x3] =	sbarrier.arrive $0xFFFF  }
0x270: {  	_ =	shalt  }

</sc_bundles>
